<compile_context>
chip_gen: v7x
topology: tpu7x:2x2x1
jax: 0.10.2.dev20260603
libtpu: 0.0.44.dev20260713+nightly
codegen_flags: <defaults>
</compile_context>

<pallas_src>
import functools

import jax
import jax.numpy as jnp
from jax import lax
from jax.experimental import pallas as pl
from jax.experimental.pallas import tpu as pltpu
from jax.experimental.pallas import tpu_sc as plsc

NUM_LAYER = 3
EMB = 128
HALF = EMB // 2
D_EDGE = 16
N_NODES = 10000
N_EDGES = 320000

NT = 16
EPT = N_EDGES // NT
CHUNK = 100
N_CHUNKS = EPT // CHUNK
NH = N_CHUNKS // 2
NPAD = 10112
RPT = NPAD // 16
ZSEG = [(0, 100), (100, 100), (200, 100), (300, 100), (400, 100), (500, 100), (600, 32)]
CHS = 200
NHS = EPT // CHS // 2
SUBH = HALF // 16


def _edge_mlp_body(relu, ea_ref, w_ref, b_ref, out_ref):
    acc = jnp.dot(ea_ref[...].astype(jnp.bfloat16),
                  w_ref[...].astype(jnp.bfloat16),
                  preferred_element_type=jnp.float32) + b_ref[...]
    if relu:
        acc = jnp.maximum(acc, 0.0)
    out_ref[...] = acc


def _edge_mlp(edge_attr, w, bias2d, relu):
    be = 8000
    return pl.pallas_call(
        functools.partial(_edge_mlp_body, relu),
        grid=(N_EDGES // be,),
        in_specs=[
            pl.BlockSpec((be, D_EDGE), lambda i: (i, 0)),
            pl.BlockSpec((D_EDGE, EMB), lambda i: (0, 0)),
            pl.BlockSpec((1, EMB), lambda i: (0, 0)),
        ],
        out_specs=pl.BlockSpec((be, EMB), lambda i: (i, 0)),
        out_shape=jax.ShapeDtypeStruct((N_EDGES, EMB), jnp.float32),
    )(edge_attr, w, bias2d)


def _node_body(relu, h_ref, a0_ref, a1_ref, w1_ref, b1_ref, g1_ref, be1_ref,
               w2_ref, b2_ref, g2_ref, be2_ref, eps_ref, out_ref):
    a = jnp.concatenate([a0_ref[...], a1_ref[...]], axis=1)
    z = (1.0 + eps_ref[0]) * h_ref[...] + a
    u = jnp.dot(z.astype(jnp.bfloat16), w1_ref[...].astype(jnp.bfloat16),
                preferred_element_type=jnp.float32) + b1_ref[...]
    m = jnp.mean(u, axis=0, keepdims=True)
    v = jnp.mean(u * u, axis=0, keepdims=True) - m * m
    u = (u - m) * lax.rsqrt(v + 1e-5) * g1_ref[...] + be1_ref[...]
    u = jnp.maximum(u, 0.0)
    w = jnp.dot(u.astype(jnp.bfloat16), w2_ref[...].astype(jnp.bfloat16),
                preferred_element_type=jnp.float32) + b2_ref[...]
    m2 = jnp.mean(w, axis=0, keepdims=True)
    v2 = jnp.mean(w * w, axis=0, keepdims=True) - m2 * m2
    w = (w - m2) * lax.rsqrt(v2 + 1e-5) * g2_ref[...] + be2_ref[...]
    if relu:
        w = jnp.maximum(w, 0.0)
    out_ref[...] = w


def _node_stage(h, a0, a1, w1, b1, g1, be1, w2, b2, g2, be2, eps, relu):
    return pl.pallas_call(
        functools.partial(_node_body, relu),
        in_specs=[pl.BlockSpec(memory_space=pltpu.VMEM)] * 11
        + [pl.BlockSpec(memory_space=pltpu.SMEM)],
        out_specs=pl.BlockSpec(memory_space=pltpu.VMEM),
        out_shape=jax.ShapeDtypeStruct((N_NODES, EMB), jnp.float32),
    )(h, a0, a1, w1, b1.reshape(1, -1), g1.reshape(1, -1), be1.reshape(1, -1),
      w2, b2.reshape(1, -1), g2.reshape(1, -1), be2.reshape(1, -1),
      eps.reshape(1))


def _zero_accum(s, zbuf_v, aggr_sh, sem):
    def zrow(i, carry):
        zv = jnp.zeros((16,), jnp.float32)
        for j in range(SUBH):
            zbuf_v[i, pl.ds(16 * j, 16)] = zv
        return carry

    lax.fori_loop(0, CHUNK if CHUNK <= 100 else 100, zrow, 0)
    for off, n in ZSEG:
        pltpu.async_copy(zbuf_v.at[pl.ds(0, n)],
                         aggr_sh.at[pl.ds(s * RPT + off, n)], sem)
    for off, n in ZSEG:
        pltpu.make_async_copy(zbuf_v.at[pl.ds(0, n)],
                              aggr_sh.at[pl.ds(s * RPT + off, n)], sem).wait()


def _copy_out(c, s, aggr_sh, out_hbm, sem):
    for off, n in ZSEG:
        o = s * RPT + off
        pltpu.async_copy(aggr_sh.at[pl.ds(o, n)],
                         out_hbm.at[c, pl.ds(o, n)], sem)
    for off, n in ZSEG:
        o = s * RPT + off
        pltpu.make_async_copy(aggr_sh.at[pl.ds(o, n)],
                              out_hbm.at[c, pl.ds(o, n)], sem).wait()


def _sc_scatter_body(msg_hbm, dst3_hbm, out_hbm, didx_v, buf_a, buf_b,
                     aggr_sh, in_sa, in_sb, sc_sa, sc_sb):
    c = lax.axis_index("c")
    s = lax.axis_index("s")
    _zero_accum(s, buf_a, aggr_sh, in_sa)
    pltpu.sync_copy(dst3_hbm.at[s], didx_v)
    plsc.subcore_barrier()

    def e_src(it):
        return msg_hbm.at[pl.ds(s * EPT + it * CHS, CHS), pl.ds(c * HALF, HALF)]

    pltpu.async_copy(e_src(0), buf_a, in_sa)
    pltpu.async_copy(e_src(1), buf_b, in_sb)

    def pair(i, carry):
        ita = 2 * i
        itb = 2 * i + 1
        pltpu.make_async_copy(e_src(ita), buf_a, in_sa).wait()
        pltpu.async_copy(buf_a, aggr_sh.at[didx_v.at[ita]], sc_sa, add=True)
        pltpu.make_async_copy(e_src(itb), buf_b, in_sb).wait()
        pltpu.async_copy(buf_b, aggr_sh.at[didx_v.at[itb]], sc_sb, add=True)
        pltpu.make_async_copy(buf_a, aggr_sh.at[didx_v.at[ita]], sc_sa).wait()

        @pl.when(i < NHS - 1)
        def _():
            pltpu.async_copy(e_src(ita + 2), buf_a, in_sa)

        pltpu.make_async_copy(buf_b, aggr_sh.at[didx_v.at[itb]], sc_sb).wait()

        @pl.when(i < NHS - 1)
        def _():
            pltpu.async_copy(e_src(itb + 2), buf_b, in_sb)

        return carry

    lax.fori_loop(0, NHS, pair, 0)
    plsc.subcore_barrier()
    _copy_out(c, s, aggr_sh, out_hbm, in_sa)


def _sc_scatter(msg2, dst3):
    mesh = plsc.VectorSubcoreMesh(core_axis_name="c", subcore_axis_name="s")
    f = functools.partial(
        pl.kernel,
        mesh=mesh,
        compiler_params=pltpu.CompilerParams(use_tc_tiling_on_sc=False),
        out_type=jax.ShapeDtypeStruct((2, NPAD, HALF), jnp.float32),
        scratch_types=[
            pltpu.VMEM((EPT // CHS, CHS), jnp.int32),
            pltpu.VMEM((CHS, HALF), jnp.float32),
            pltpu.VMEM((CHS, HALF), jnp.float32),
            pltpu.VMEM_SHARED((NPAD, HALF), jnp.float32),
            pltpu.SemaphoreType.DMA,
            pltpu.SemaphoreType.DMA,
            pltpu.SemaphoreType.DMA,
            pltpu.SemaphoreType.DMA,
        ],
    )(_sc_scatter_body)
    return f(msg2, dst3)


def _sc_gather_scatter_body(h_hbm, e_hbm, src3_hbm, dst3_hbm, out_hbm,
                            sidx_v, didx_v, buf_a, grow_a, buf_b, grow_b,
                            aggr_sh, in_sa, in_sb, sc_sa, sc_sb):
    c = lax.axis_index("c")
    s = lax.axis_index("s")
    _zero_accum(s, buf_a, aggr_sh, in_sa)
    pltpu.sync_copy(src3_hbm.at[s], sidx_v)
    pltpu.sync_copy(dst3_hbm.at[s], didx_v)
    plsc.subcore_barrier()

    def e_src(it):
        return e_hbm.at[pl.ds(s * EPT + it * CHUNK, CHUNK), pl.ds(c * HALF, HALF)]

    def g_src(it):
        return h_hbm.at[c].at[sidx_v.at[it]]

    def issue_in(it, bufx, growx, semx):
        pltpu.async_copy(g_src(it), growx, semx)
        pltpu.async_copy(e_src(it), bufx, semx)

    def wait_in(it, bufx, growx, semx):
        pltpu.make_async_copy(g_src(it), growx, semx).wait()
        pltpu.make_async_copy(e_src(it), bufx, semx).wait()

    def compute(bufx, growx):
        def row8(r, cy):
            for u in range(5):
                i = r * 5 + u
                for j in range(SUBH):
                    sl = pl.ds(16 * j, 16)
                    bufx[i, sl] = jnp.maximum(bufx[i, sl] + growx[i, sl], 0.0)
            return cy

        lax.fori_loop(0, CHUNK // 5, row8, 0)

    issue_in(0, buf_a, grow_a, in_sa)
    issue_in(1, buf_b, grow_b, in_sb)

    def pair(i, carry):
        ita = 2 * i
        itb = 2 * i + 1
        wait_in(ita, buf_a, grow_a, in_sa)
        compute(buf_a, grow_a)
        pltpu.async_copy(buf_a, aggr_sh.at[didx_v.at[ita]], sc_sa, add=True)
        wait_in(itb, buf_b, grow_b, in_sb)
        compute(buf_b, grow_b)
        pltpu.make_async_copy(buf_a, aggr_sh.at[didx_v.at[ita]], sc_sa).wait()

        @pl.when(i < NH - 1)
        def _():
            issue_in(ita + 2, buf_a, grow_a, in_sa)

        pltpu.async_copy(buf_b, aggr_sh.at[didx_v.at[itb]], sc_sb, add=True)
        pltpu.make_async_copy(buf_b, aggr_sh.at[didx_v.at[itb]], sc_sb).wait()

        @pl.when(i < NH - 1)
        def _():
            issue_in(itb + 2, buf_b, grow_b, in_sb)

        return carry

    lax.fori_loop(0, NH, pair, 0)
    plsc.subcore_barrier()
    _copy_out(c, s, aggr_sh, out_hbm, in_sa)


def _sc_gather_scatter(h2, e2, src3, dst3):
    mesh = plsc.VectorSubcoreMesh(core_axis_name="c", subcore_axis_name="s")
    f = functools.partial(
        pl.kernel,
        mesh=mesh,
        compiler_params=pltpu.CompilerParams(use_tc_tiling_on_sc=False),
        out_type=jax.ShapeDtypeStruct((2, NPAD, HALF), jnp.float32),
        scratch_types=[
            pltpu.VMEM((N_CHUNKS, CHUNK), jnp.int32),
            pltpu.VMEM((N_CHUNKS, CHUNK), jnp.int32),
            pltpu.VMEM((CHUNK, HALF), jnp.float32),
            pltpu.VMEM((CHUNK, HALF), jnp.float32),
            pltpu.VMEM((CHUNK, HALF), jnp.float32),
            pltpu.VMEM((CHUNK, HALF), jnp.float32),
            pltpu.VMEM_SHARED((NPAD, HALF), jnp.float32),
            pltpu.SemaphoreType.DMA,
            pltpu.SemaphoreType.DMA,
            pltpu.SemaphoreType.DMA,
            pltpu.SemaphoreType.DMA,
        ],
    )(_sc_gather_scatter_body)
    return f(h2, e2, src3, dst3)


def kernel(x, edge_index, edge_attr, batch, emb_table, W_edge, b_edge,
           W1, b1, bn1_g, bn1_b, W2, b2, eps_gin, bn_g, bn_b):
    src3 = edge_index[0].reshape(NT, N_CHUNKS, CHUNK)
    dst3 = edge_index[1].reshape(NT, N_CHUNKS, CHUNK)
    dst3s = edge_index[1].reshape(NT, EPT // CHS, CHS)
    h0_row = emb_table[0]
    h = jnp.broadcast_to(emb_table[0:1, :], (N_NODES, EMB))

    bias0 = (b_edge[0] + h0_row).reshape(1, EMB)
    e_all = [_edge_mlp(edge_attr, W_edge[0], bias0, relu=True),
             _edge_mlp(edge_attr, W_edge[1], b_edge[1].reshape(1, EMB), relu=False),
             _edge_mlp(edge_attr, W_edge[2], b_edge[2].reshape(1, EMB), relu=False)]

    for l in range(NUM_LAYER):
        if l == 0:
            ag = _sc_scatter(e_all[0], dst3s)
        else:
            h2 = jnp.stack([h[:, :HALF], h[:, HALF:]])
            ag = _sc_gather_scatter(h2, e_all[l], src3, dst3)
        h = _node_stage(h, ag[0, :N_NODES], ag[1, :N_NODES], W1[l], b1[l],
                        bn1_g[l], bn1_b[l], W2[l], b2[l], bn_g[l], bn_b[l],
                        eps_gin[l], relu=(l < NUM_LAYER - 1))
    return h

# --- scband reference (transcript-rebuilt; emitter-appended) ---
"""Pipeline reference for scband-gnn-node-72567767433267 (READ-ONLY COPY).

The authoritative reference and input builder live on the scoring server;
editing this copy changes nothing except your own understanding.
"""

import jax, jax.numpy as jnp
import numpy as np

NUM_LAYER = 3
EMB = 128
D_EDGE = 16
N_NODES = 10000
N_EDGES = 320000


def _bn(x, g, b):
    m = jnp.mean(x, axis=0)
    v = jnp.var(x, axis=0)
    return (x - m) / jnp.sqrt(v + 1e-5) * g + b


def setup_inputs(seed: int = 0) -> dict:
    key = jax.random.key(seed)
    ks = jax.random.split(key, 8)
    x = jnp.zeros((N_NODES,), dtype=jnp.int32)  # ppa: single atom type -> Embedding(1, emb)
    edge_index = jax.random.randint(ks[0], (2, N_EDGES), 0, N_NODES, dtype=jnp.int32)
    edge_attr = jax.random.normal(ks[1], (N_EDGES, D_EDGE), dtype=jnp.float32)
    batch = jnp.sort(jax.random.randint(ks[2], (N_NODES,), 0, 128, dtype=jnp.int32))
    emb_table = jax.random.normal(ks[3], (1, EMB), dtype=jnp.float32)
    W_edge = jax.random.normal(ks[4], (NUM_LAYER, D_EDGE, EMB), dtype=jnp.float32) * 0.1
    b_edge = jnp.zeros((NUM_LAYER, EMB), dtype=jnp.float32)
    W1 = jax.random.normal(ks[5], (NUM_LAYER, EMB, 2 * EMB), dtype=jnp.float32) * 0.1
    b1 = jnp.zeros((NUM_LAYER, 2 * EMB), dtype=jnp.float32)
    bn1_g = jnp.ones((NUM_LAYER, 2 * EMB), dtype=jnp.float32)
    bn1_b = jnp.zeros((NUM_LAYER, 2 * EMB), dtype=jnp.float32)
    W2 = jax.random.normal(ks[6], (NUM_LAYER, 2 * EMB, EMB), dtype=jnp.float32) * 0.1
    b2 = jnp.zeros((NUM_LAYER, EMB), dtype=jnp.float32)
    eps_gin = jnp.zeros((NUM_LAYER,), dtype=jnp.float32)
    bn_g = jnp.ones((NUM_LAYER, EMB), dtype=jnp.float32)
    bn_b = jnp.zeros((NUM_LAYER, EMB), dtype=jnp.float32)
    return {"x": x, "edge_index": edge_index, "edge_attr": edge_attr, "batch": batch,
            "emb_table": emb_table, "W_edge": W_edge, "b_edge": b_edge,
            "W1": W1, "b1": b1, "bn1_g": bn1_g, "bn1_b": bn1_b,
            "W2": W2, "b2": b2, "eps_gin": eps_gin, "bn_g": bn_g, "bn_b": bn_b}


def reference(x, edge_index, edge_attr, batch, emb_table, W_edge, b_edge,
              W1, b1, bn1_g, bn1_b, W2, b2, eps_gin, bn_g, bn_b):
    # node encoder: Embedding(1, emb) gather (ppa task)
    h = jnp.take(emb_table, x, axis=0)
    src = edge_index[0]
    dst = edge_index[1]
    for l in range(NUM_LAYER):
        # GINConv (OGB-ppa style): edge encoder + relu message + sum aggregation + 2-layer MLP
        e = edge_attr @ W_edge[l] + b_edge[l]
        msg = jax.nn.relu(jnp.take(h, src, axis=0) + e)
        aggr = jax.ops.segment_sum(msg, dst, num_segments=N_NODES)
        z = (1.0 + eps_gin[l]) * h + aggr
        z = z @ W1[l] + b1[l]
        z = _bn(z, bn1_g[l], bn1_b[l])
        z = jax.nn.relu(z)
        z = z @ W2[l] + b2[l]
        # outer BatchNorm1d per layer
        z = _bn(z, bn_g[l], bn_b[l])
        if l < NUM_LAYER - 1:
            z = jax.nn.relu(z)
        # dropout treated as identity (eval / deterministic)
        h = z
    return h  # JK == 'last'

if __name__ == "__main__":
    import jax
    _d = setup_inputs()
    print(jax.jit(kernel)(*tuple(_d.values())))

</pallas_src>

<mosaic_0001>
#map = affine_map<(d0, d1) -> (0, 0, 0)>
#map1 = affine_map<(d0, d1) -> (0, 0)>
module attributes {stable_mosaic.version = 14 : i64} {
  func.func @_sc_gather_scatter_body(%arg0: i32, %arg1: i32, %arg2: memref<2x10000x64xf32, #tpu.memory_space<hbm>>, %arg3: memref<320000x128xf32, #tpu.memory_space<hbm>>, %arg4: memref<16x200x100xi32, #tpu.memory_space<hbm>>, %arg5: memref<16x200x100xi32, #tpu.memory_space<hbm>>, %arg6: memref<2x10112x64xf32, #tpu.memory_space<hbm>>, %arg7: memref<200x100xi32, #tpu.memory_space<vmem>>, %arg8: memref<200x100xi32, #tpu.memory_space<vmem>>, %arg9: memref<100x64xf32, #tpu.memory_space<vmem>>, %arg10: memref<100x64xf32, #tpu.memory_space<vmem>>, %arg11: memref<100x64xf32, #tpu.memory_space<vmem>>, %arg12: memref<100x64xf32, #tpu.memory_space<vmem>>, %arg13: memref<10112x64xf32, #tpu.memory_space<vmem_shared>>, %arg14: memref<!tpu.dma_semaphore, #tpu.memory_space<semaphore_mem>>, %arg15: memref<!tpu.dma_semaphore, #tpu.memory_space<semaphore_mem>>, %arg16: memref<!tpu.dma_semaphore, #tpu.memory_space<semaphore_mem>>, %arg17: memref<!tpu.dma_semaphore, #tpu.memory_space<semaphore_mem>>) attributes {dimension_semantics = [#tpu.dimension_semantics<core_parallel>, #tpu.dimension_semantics<subcore_parallel>], iteration_bounds = array<i64: 2, 16>, scalar_prefetch = 0 : i64, scratch_operands = 11 : i64, tpu.core_type = #tpu.core_type<sc_vector_subcore>, window_params = [{transform_indices = #map}, {transform_indices = #map1}, {transform_indices = #map}, {transform_indices = #map}, {transform_indices = #map}]} {
    %scan3A = arith.constant 0 : i32
    %scan3A_0 = arith.constant 0 : i32
    %scan3A_1 = arith.constant 100 : i32
    %scan3A_2 = arith.addi %scan3A_0, %scan3A_1 : i32
    %scan3A_3 = arith.constant 1 : i32
    scf.for %scan3A_368 = %scan3A_0 to %scan3A_2 step %scan3A_3  : i32 {
      %broadcast_in_dim3A = arith.constant 0.000000e+00 : f32
      %broadcast_in_dim3A_369 = vector.broadcast %broadcast_in_dim3A : f32 to vector<16xf32>
      %swap3A = arith.index_cast %scan3A_368 : i32 to index
      %swap3A_370 = arith.constant 0 : index
      %swap3A_371 = tpu.vector_load %arg9[%swap3A, %swap3A_370] {strides = array<i32>} : memref<100x64xf32, #tpu.memory_space<vmem>>, vector<1x16xf32>,
      %swap3A_372 = vector.shape_cast %swap3A_371 : vector<1x16xf32> to vector<16xf32>
      %swap3A_373 = vector.shape_cast %broadcast_in_dim3A_369 : vector<16xf32> to vector<1x16xf32>
      tpu.vector_store %arg9[%swap3A, %swap3A_370], %swap3A_373 {strides = array<i32>} : memref<100x64xf32, #tpu.memory_space<vmem>>, vector<1x16xf32>,
      %swap3A_374 = arith.index_cast %scan3A_368 : i32 to index
      %swap3A_375 = arith.constant 16 : index
      %swap3A_376 = tpu.vector_load %arg9[%swap3A_374, %swap3A_375] {strides = array<i32>} : memref<100x64xf32, #tpu.memory_space<vmem>>, vector<1x16xf32>,
      %swap3A_377 = vector.shape_cast %swap3A_376 : vector<1x16xf32> to vector<16xf32>
      %swap3A_378 = vector.shape_cast %broadcast_in_dim3A_369 : vector<16xf32> to vector<1x16xf32>
      tpu.vector_store %arg9[%swap3A_374, %swap3A_375], %swap3A_378 {strides = array<i32>} : memref<100x64xf32, #tpu.memory_space<vmem>>, vector<1x16xf32>,
      %swap3A_379 = arith.index_cast %scan3A_368 : i32 to index
      %swap3A_380 = arith.constant 32 : index
      %swap3A_381 = tpu.vector_load %arg9[%swap3A_379, %swap3A_380] {strides = array<i32>} : memref<100x64xf32, #tpu.memory_space<vmem>>, vector<1x16xf32>,
      %swap3A_382 = vector.shape_cast %swap3A_381 : vector<1x16xf32> to vector<16xf32>
      %swap3A_383 = vector.shape_cast %broadcast_in_dim3A_369 : vector<16xf32> to vector<1x16xf32>
      tpu.vector_store %arg9[%swap3A_379, %swap3A_380], %swap3A_383 {strides = array<i32>} : memref<100x64xf32, #tpu.memory_space<vmem>>, vector<1x16xf32>,
      %swap3A_384 = arith.index_cast %scan3A_368 : i32 to index
      %swap3A_385 = arith.constant 48 : index
      %swap3A_386 = tpu.vector_load %arg9[%swap3A_384, %swap3A_385] {strides = array<i32>} : memref<100x64xf32, #tpu.memory_space<vmem>>, vector<1x16xf32>,
      %swap3A_387 = vector.shape_cast %swap3A_386 : vector<1x16xf32> to vector<16xf32>
      %swap3A_388 = vector.shape_cast %broadcast_in_dim3A_369 : vector<16xf32> to vector<1x16xf32>
      tpu.vector_store %arg9[%swap3A_384, %swap3A_385], %swap3A_388 {strides = array<i32>} : memref<100x64xf32, #tpu.memory_space<vmem>>, vector<1x16xf32>,
    }
    %scan3A_4 = arith.constant 100 : i32
    %mul3A = arith.constant 632 : i32
    %mul3A_5 = arith.muli %arg1, %mul3A : i32
    %add3A = arith.constant 0 : i32
    %add3A_6 = arith.addi %mul3A_5, %add3A : i32
    %dma_start3A = arith.constant 0 : i32
    %dma_start3A_7 = arith.constant 0 : i32
    %dma_start3A_8 = tpu.memref_slice %arg9[%dma_start3A, %dma_start3A_7] : memref<100x64xf32, #tpu.memory_space<vmem>> -> memref<100x64xf32, #tpu.memory_space<vmem>>
    %dma_start3A_9 = arith.constant 0 : i32
    %dma_start3A_10 = tpu.memref_slice %arg13[%add3A_6, %dma_start3A_9] : memref<10112x64xf32, #tpu.memory_space<vmem_shared>> -> memref<100x64xf32, #tpu.memory_space<vmem_shared>>
    %dma_start3A_11 = arith.constant 0 : i32
    %dma_start3A_12 = tpu.memref_slice %arg13[%add3A_6, %dma_start3A_11] : memref<10112x64xf32, #tpu.memory_space<vmem_shared>> -> memref<100x64xf32, #tpu.memory_space<vmem_shared>>
    %dma_start3A_13 = arith.constant 0 : i32
    %dma_start3A_14 = arith.constant 0 : i32
    %dma_start3A_15 = tpu.memref_slice %arg9[%dma_start3A_13, %dma_start3A_14] : memref<100x64xf32, #tpu.memory_space<vmem>> -> memref<100x64xf32, #tpu.memory_space<vmem>>
    tpu.enqueue_dma source(%dma_start3A_15 : memref<100x64xf32, #tpu.memory_space<vmem>>) target(%dma_start3A_12 : memref<100x64xf32, #tpu.memory_space<vmem_shared>>) target_semaphore(%arg14 : memref<!tpu.dma_semaphore, #tpu.memory_space<semaphore_mem>>)
    %mul3A_16 = arith.constant 632 : i32
    %mul3A_17 = arith.muli %arg1, %mul3A_16 : i32
    %add3A_18 = arith.constant 100 : i32
    %add3A_19 = arith.addi %mul3A_17, %add3A_18 : i32
    %dma_start3A_20 = arith.constant 0 : i32
    %dma_start3A_21 = arith.constant 0 : i32
    %dma_start3A_22 = tpu.memref_slice %arg9[%dma_start3A_20, %dma_start3A_21] : memref<100x64xf32, #tpu.memory_space<vmem>> -> memref<100x64xf32, #tpu.memory_space<vmem>>
    %dma_start3A_23 = arith.constant 0 : i32
    %dma_start3A_24 = tpu.memref_slice %arg13[%add3A_19, %dma_start3A_23] : memref<10112x64xf32, #tpu.memory_space<vmem_shared>> -> memref<100x64xf32, #tpu.memory_space<vmem_shared>>
    %dma_start3A_25 = arith.constant 0 : i32
    %dma_start3A_26 = tpu.memref_slice %arg13[%add3A_19, %dma_start3A_25] : memref<10112x64xf32, #tpu.memory_space<vmem_shared>> -> memref<100x64xf32, #tpu.memory_space<vmem_shared>>
    %dma_start3A_27 = arith.constant 0 : i32
    %dma_start3A_28 = arith.constant 0 : i32
    %dma_start3A_29 = tpu.memref_slice %arg9[%dma_start3A_27, %dma_start3A_28] : memref<100x64xf32, #tpu.memory_space<vmem>> -> memref<100x64xf32, #tpu.memory_space<vmem>>
    tpu.enqueue_dma source(%dma_start3A_29 : memref<100x64xf32, #tpu.memory_space<vmem>>) target(%dma_start3A_26 : memref<100x64xf32, #tpu.memory_space<vmem_shared>>) target_semaphore(%arg14 : memref<!tpu.dma_semaphore, #tpu.memory_space<semaphore_mem>>)
    %mul3A_30 = arith.constant 632 : i32
    %mul3A_31 = arith.muli %arg1, %mul3A_30 : i32
    %add3A_32 = arith.constant 200 : i32
    %add3A_33 = arith.addi %mul3A_31, %add3A_32 : i32
    %dma_start3A_34 = arith.constant 0 : i32
    %dma_start3A_35 = arith.constant 0 : i32
    %dma_start3A_36 = tpu.memref_slice %arg9[%dma_start3A_34, %dma_start3A_35] : memref<100x64xf32, #tpu.memory_space<vmem>> -> memref<100x64xf32, #tpu.memory_space<vmem>>
    %dma_start3A_37 = arith.constant 0 : i32
    %dma_start3A_38 = tpu.memref_slice %arg13[%add3A_33, %dma_start3A_37] : memref<10112x64xf32, #tpu.memory_space<vmem_shared>> -> memref<100x64xf32, #tpu.memory_space<vmem_shared>>
    %dma_start3A_39 = arith.constant 0 : i32
    %dma_start3A_40 = tpu.memref_slice %arg13[%add3A_33, %dma_start3A_39] : memref<10112x64xf32, #tpu.memory_space<vmem_shared>> -> memref<100x64xf32, #tpu.memory_space<vmem_shared>>
    %dma_start3A_41 = arith.constant 0 : i32
    %dma_start3A_42 = arith.constant 0 : i32
    %dma_start3A_43 = tpu.memref_slice %arg9[%dma_start3A_41, %dma_start3A_42] : memref<100x64xf32, #tpu.memory_space<vmem>> -> memref<100x64xf32, #tpu.memory_space<vmem>>
    tpu.enqueue_dma source(%dma_start3A_43 : memref<100x64xf32, #tpu.memory_space<vmem>>) target(%dma_start3A_40 : memref<100x64xf32, #tpu.memory_space<vmem_shared>>) target_semaphore(%arg14 : memref<!tpu.dma_semaphore, #tpu.memory_space<semaphore_mem>>)
    %mul3A_44 = arith.constant 632 : i32
    %mul3A_45 = arith.muli %arg1, %mul3A_44 : i32
    %add3A_46 = arith.constant 300 : i32
    %add3A_47 = arith.addi %mul3A_45, %add3A_46 : i32
    %dma_start3A_48 = arith.constant 0 : i32
    %dma_start3A_49 = arith.constant 0 : i32
    %dma_start3A_50 = tpu.memref_slice %arg9[%dma_start3A_48, %dma_start3A_49] : memref<100x64xf32, #tpu.memory_space<vmem>> -> memref<100x64xf32, #tpu.memory_space<vmem>>
    %dma_start3A_51 = arith.constant 0 : i32
    %dma_start3A_52 = tpu.memref_slice %arg13[%add3A_47, %dma_start3A_51] : memref<10112x64xf32, #tpu.memory_space<vmem_shared>> -> memref<100x64xf32, #tpu.memory_space<vmem_shared>>
    %dma_start3A_53 = arith.constant 0 : i32
    %dma_start3A_54 = tpu.memref_slice %arg13[%add3A_47, %dma_start3A_53] : memref<10112x64xf32, #tpu.memory_space<vmem_shared>> -> memref<100x64xf32, #tpu.memory_space<vmem_shared>>
    %dma_start3A_55 = arith.constant 0 : i32
    %dma_start3A_56 = arith.constant 0 : i32
    %dma_start3A_57 = tpu.memref_slice %arg9[%dma_start3A_55, %dma_start3A_56] : memref<100x64xf32, #tpu.memory_space<vmem>> -> memref<100x64xf32, #tpu.memory_space<vmem>>
    tpu.enqueue_dma source(%dma_start3A_57 : memref<100x64xf32, #tpu.memory_space<vmem>>) target(%dma_start3A_54 : memref<100x64xf32, #tpu.memory_space<vmem_shared>>) target_semaphore(%arg14 : memref<!tpu.dma_semaphore, #tpu.memory_space<semaphore_mem>>)
    %mul3A_58 = arith.constant 632 : i32
    %mul3A_59 = arith.muli %arg1, %mul3A_58 : i32
    %add3A_60 = arith.constant 400 : i32
    %add3A_61 = arith.addi %mul3A_59, %add3A_60 : i32
    %dma_start3A_62 = arith.constant 0 : i32
    %dma_start3A_63 = arith.constant 0 : i32
    %dma_start3A_64 = tpu.memref_slice %arg9[%dma_start3A_62, %dma_start3A_63] : memref<100x64xf32, #tpu.memory_space<vmem>> -> memref<100x64xf32, #tpu.memory_space<vmem>>
    %dma_start3A_65 = arith.constant 0 : i32
    %dma_start3A_66 = tpu.memref_slice %arg13[%add3A_61, %dma_start3A_65] : memref<10112x64xf32, #tpu.memory_space<vmem_shared>> -> memref<100x64xf32, #tpu.memory_space<vmem_shared>>
    %dma_start3A_67 = arith.constant 0 : i32
    %dma_start3A_68 = tpu.memref_slice %arg13[%add3A_61, %dma_start3A_67] : memref<10112x64xf32, #tpu.memory_space<vmem_shared>> -> memref<100x64xf32, #tpu.memory_space<vmem_shared>>
    %dma_start3A_69 = arith.constant 0 : i32
    %dma_start3A_70 = arith.constant 0 : i32
    %dma_start3A_71 = tpu.memref_slice %arg9[%dma_start3A_69, %dma_start3A_70] : memref<100x64xf32, #tpu.memory_space<vmem>> -> memref<100x64xf32, #tpu.memory_space<vmem>>
    tpu.enqueue_dma source(%dma_start3A_71 : memref<100x64xf32, #tpu.memory_space<vmem>>) target(%dma_start3A_68 : memref<100x64xf32, #tpu.memory_space<vmem_shared>>) target_semaphore(%arg14 : memref<!tpu.dma_semaphore, #tpu.memory_space<semaphore_mem>>)
    %mul3A_72 = arith.constant 632 : i32
    %mul3A_73 = arith.muli %arg1, %mul3A_72 : i32
    %add3A_74 = arith.constant 500 : i32
    %add3A_75 = arith.addi %mul3A_73, %add3A_74 : i32
    %dma_start3A_76 = arith.constant 0 : i32
    %dma_start3A_77 = arith.constant 0 : i32
    %dma_start3A_78 = tpu.memref_slice %arg9[%dma_start3A_76, %dma_start3A_77] : memref<100x64xf32, #tpu.memory_space<vmem>> -> memref<100x64xf32, #tpu.memory_space<vmem>>
    %dma_start3A_79 = arith.constant 0 : i32
    %dma_start3A_80 = tpu.memref_slice %arg13[%add3A_75, %dma_start3A_79] : memref<10112x64xf32, #tpu.memory_space<vmem_shared>> -> memref<100x64xf32, #tpu.memory_space<vmem_shared>>
    %dma_start3A_81 = arith.constant 0 : i32
    %dma_start3A_82 = tpu.memref_slice %arg13[%add3A_75, %dma_start3A_81] : memref<10112x64xf32, #tpu.memory_space<vmem_shared>> -> memref<100x64xf32, #tpu.memory_space<vmem_shared>>
    %dma_start3A_83 = arith.constant 0 : i32
    %dma_start3A_84 = arith.constant 0 : i32
    %dma_start3A_85 = tpu.memref_slice %arg9[%dma_start3A_83, %dma_start3A_84] : memref<100x64xf32, #tpu.memory_space<vmem>> -> memref<100x64xf32, #tpu.memory_space<vmem>>
    tpu.enqueue_dma source(%dma_start3A_85 : memref<100x64xf32, #tpu.memory_space<vmem>>) target(%dma_start3A_82 : memref<100x64xf32, #tpu.memory_space<vmem_shared>>) target_semaphore(%arg14 : memref<!tpu.dma_semaphore, #tpu.memory_space<semaphore_mem>>)
    %mul3A_86 = arith.constant 632 : i32
    %mul3A_87 = arith.muli %arg1, %mul3A_86 : i32
    %add3A_88 = arith.constant 600 : i32
    %add3A_89 = arith.addi %mul3A_87, %add3A_88 : i32
    %dma_start3A_90 = arith.constant 0 : i32
    %dma_start3A_91 = arith.constant 0 : i32
    %dma_start3A_92 = tpu.memref_slice %arg9[%dma_start3A_90, %dma_start3A_91] : memref<100x64xf32, #tpu.memory_space<vmem>> -> memref<32x64xf32, #tpu.memory_space<vmem>>
    %dma_start3A_93 = arith.constant 0 : i32
    %dma_start3A_94 = tpu.memref_slice %arg13[%add3A_89, %dma_start3A_93] : memref<10112x64xf32, #tpu.memory_space<vmem_shared>> -> memref<32x64xf32, #tpu.memory_space<vmem_shared>>
    %dma_start3A_95 = arith.constant 0 : i32
    %dma_start3A_96 = tpu.memref_slice %arg13[%add3A_89, %dma_start3A_95] : memref<10112x64xf32, #tpu.memory_space<vmem_shared>> -> memref<32x64xf32, #tpu.memory_space<vmem_shared>>
    %dma_start3A_97 = arith.constant 0 : i32
    %dma_start3A_98 = arith.constant 0 : i32
    %dma_start3A_99 = tpu.memref_slice %arg9[%dma_start3A_97, %dma_start3A_98] : memref<100x64xf32, #tpu.memory_space<vmem>> -> memref<32x64xf32, #tpu.memory_space<vmem>>
    tpu.enqueue_dma source(%dma_start3A_99 : memref<32x64xf32, #tpu.memory_space<vmem>>) target(%dma_start3A_96 : memref<32x64xf32, #tpu.memory_space<vmem_shared>>) target_semaphore(%arg14 : memref<!tpu.dma_semaphore, #tpu.memory_space<semaphore_mem>>)
    %mul3A_100 = arith.constant 632 : i32
    %mul3A_101 = arith.muli %arg1, %mul3A_100 : i32
    %add3A_102 = arith.constant 0 : i32
    %add3A_103 = arith.addi %mul3A_101, %add3A_102 : i32
    %dma_wait3A = arith.constant 0 : i32
    %dma_wait3A_104 = arith.constant 0 : i32
    %dma_wait3A_105 = tpu.memref_slice %arg9[%dma_wait3A, %dma_wait3A_104] : memref<100x64xf32, #tpu.memory_space<vmem>> -> memref<100x64xf32, #tpu.memory_space<vmem>>
    %dma_wait3A_106 = arith.constant 0 : i32
    %dma_wait3A_107 = tpu.memref_slice %arg13[%add3A_103, %dma_wait3A_106] : memref<10112x64xf32, #tpu.memory_space<vmem_shared>> -> memref<100x64xf32, #tpu.memory_space<vmem_shared>>
    %dma_wait3A_108 = arith.constant 0 : i32
    %dma_wait3A_109 = tpu.memref_slice %arg13[%add3A_103, %dma_wait3A_108] : memref<10112x64xf32, #tpu.memory_space<vmem_shared>> -> memref<100x64xf32, #tpu.memory_space<vmem_shared>>
    %dma_wait3A_110 = arith.constant 0 : i32
    %dma_wait3A_111 = arith.constant 0 : i32
    %dma_wait3A_112 = tpu.memref_slice %arg9[%dma_wait3A_110, %dma_wait3A_111] : memref<100x64xf32, #tpu.memory_space<vmem>> -> memref<100x64xf32, #tpu.memory_space<vmem>>
    tpu.wait_dma2 semaphore(%arg14 : memref<!tpu.dma_semaphore, #tpu.memory_space<semaphore_mem>>) src(%dma_wait3A_112 : memref<100x64xf32, #tpu.memory_space<vmem>>) dst(%dma_wait3A_109 : memref<100x64xf32, #tpu.memory_space<vmem_shared>>)
    %mul3A_113 = arith.constant 632 : i32
    %mul3A_114 = arith.muli %arg1, %mul3A_113 : i32
    %add3A_115 = arith.constant 100 : i32
    %add3A_116 = arith.addi %mul3A_114, %add3A_115 : i32
    %dma_wait3A_117 = arith.constant 0 : i32
    %dma_wait3A_118 = arith.constant 0 : i32
    %dma_wait3A_119 = tpu.memref_slice %arg9[%dma_wait3A_117, %dma_wait3A_118] : memref<100x64xf32, #tpu.memory_space<vmem>> -> memref<100x64xf32, #tpu.memory_space<vmem>>
    %dma_wait3A_120 = arith.constant 0 : i32
    %dma_wait3A_121 = tpu.memref_slice %arg13[%add3A_116, %dma_wait3A_120] : memref<10112x64xf32, #tpu.memory_space<vmem_shared>> -> memref<100x64xf32, #tpu.memory_space<vmem_shared>>
    %dma_wait3A_122 = arith.constant 0 : i32
    %dma_wait3A_123 = tpu.memref_slice %arg13[%add3A_116, %dma_wait3A_122] : memref<10112x64xf32, #tpu.memory_space<vmem_shared>> -> memref<100x64xf32, #tpu.memory_space<vmem_shared>>
    %dma_wait3A_124 = arith.constant 0 : i32
    %dma_wait3A_125 = arith.constant 0 : i32
    %dma_wait3A_126 = tpu.memref_slice %arg9[%dma_wait3A_124, %dma_wait3A_125] : memref<100x64xf32, #tpu.memory_space<vmem>> -> memref<100x64xf32, #tpu.memory_space<vmem>>
    tpu.wait_dma2 semaphore(%arg14 : memref<!tpu.dma_semaphore, #tpu.memory_space<semaphore_mem>>) src(%dma_wait3A_126 : memref<100x64xf32, #tpu.memory_space<vmem>>) dst(%dma_wait3A_123 : memref<100x64xf32, #tpu.memory_space<vmem_shared>>)
    %mul3A_127 = arith.constant 632 : i32
    %mul3A_128 = arith.muli %arg1, %mul3A_127 : i32
    %add3A_129 = arith.constant 200 : i32
    %add3A_130 = arith.addi %mul3A_128, %add3A_129 : i32
    %dma_wait3A_131 = arith.constant 0 : i32
    %dma_wait3A_132 = arith.constant 0 : i32
    %dma_wait3A_133 = tpu.memref_slice %arg9[%dma_wait3A_131, %dma_wait3A_132] : memref<100x64xf32, #tpu.memory_space<vmem>> -> memref<100x64xf32, #tpu.memory_space<vmem>>
    %dma_wait3A_134 = arith.constant 0 : i32
    %dma_wait3A_135 = tpu.memref_slice %arg13[%add3A_130, %dma_wait3A_134] : memref<10112x64xf32, #tpu.memory_space<vmem_shared>> -> memref<100x64xf32, #tpu.memory_space<vmem_shared>>
    %dma_wait3A_136 = arith.constant 0 : i32
    %dma_wait3A_137 = tpu.memref_slice %arg13[%add3A_130, %dma_wait3A_136] : memref<10112x64xf32, #tpu.memory_space<vmem_shared>> -> memref<100x64xf32, #tpu.memory_space<vmem_shared>>
    %dma_wait3A_138 = arith.constant 0 : i32
    %dma_wait3A_139 = arith.constant 0 : i32
    %dma_wait3A_140 = tpu.memref_slice %arg9[%dma_wait3A_138, %dma_wait3A_139] : memref<100x64xf32, #tpu.memory_space<vmem>> -> memref<100x64xf32, #tpu.memory_space<vmem>>
    tpu.wait_dma2 semaphore(%arg14 : memref<!tpu.dma_semaphore, #tpu.memory_space<semaphore_mem>>) src(%dma_wait3A_140 : memref<100x64xf32, #tpu.memory_space<vmem>>) dst(%dma_wait3A_137 : memref<100x64xf32, #tpu.memory_space<vmem_shared>>)
    %mul3A_141 = arith.constant 632 : i32
    %mul3A_142 = arith.muli %arg1, %mul3A_141 : i32
    %add3A_143 = arith.constant 300 : i32
    %add3A_144 = arith.addi %mul3A_142, %add3A_143 : i32
    %dma_wait3A_145 = arith.constant 0 : i32
    %dma_wait3A_146 = arith.constant 0 : i32
    %dma_wait3A_147 = tpu.memref_slice %arg9[%dma_wait3A_145, %dma_wait3A_146] : memref<100x64xf32, #tpu.memory_space<vmem>> -> memref<100x64xf32, #tpu.memory_space<vmem>>
    %dma_wait3A_148 = arith.constant 0 : i32
    %dma_wait3A_149 = tpu.memref_slice %arg13[%add3A_144, %dma_wait3A_148] : memref<10112x64xf32, #tpu.memory_space<vmem_shared>> -> memref<100x64xf32, #tpu.memory_space<vmem_shared>>
    %dma_wait3A_150 = arith.constant 0 : i32
    %dma_wait3A_151 = tpu.memref_slice %arg13[%add3A_144, %dma_wait3A_150] : memref<10112x64xf32, #tpu.memory_space<vmem_shared>> -> memref<100x64xf32, #tpu.memory_space<vmem_shared>>
    %dma_wait3A_152 = arith.constant 0 : i32
    %dma_wait3A_153 = arith.constant 0 : i32
    %dma_wait3A_154 = tpu.memref_slice %arg9[%dma_wait3A_152, %dma_wait3A_153] : memref<100x64xf32, #tpu.memory_space<vmem>> -> memref<100x64xf32, #tpu.memory_space<vmem>>
    tpu.wait_dma2 semaphore(%arg14 : memref<!tpu.dma_semaphore, #tpu.memory_space<semaphore_mem>>) src(%dma_wait3A_154 : memref<100x64xf32, #tpu.memory_space<vmem>>) dst(%dma_wait3A_151 : memref<100x64xf32, #tpu.memory_space<vmem_shared>>)
    %mul3A_155 = arith.constant 632 : i32
    %mul3A_156 = arith.muli %arg1, %mul3A_155 : i32
    %add3A_157 = arith.constant 400 : i32
    %add3A_158 = arith.addi %mul3A_156, %add3A_157 : i32
    %dma_wait3A_159 = arith.constant 0 : i32
    %dma_wait3A_160 = arith.constant 0 : i32
    %dma_wait3A_161 = tpu.memref_slice %arg9[%dma_wait3A_159, %dma_wait3A_160] : memref<100x64xf32, #tpu.memory_space<vmem>> -> memref<100x64xf32, #tpu.memory_space<vmem>>
    %dma_wait3A_162 = arith.constant 0 : i32
    %dma_wait3A_163 = tpu.memref_slice %arg13[%add3A_158, %dma_wait3A_162] : memref<10112x64xf32, #tpu.memory_space<vmem_shared>> -> memref<100x64xf32, #tpu.memory_space<vmem_shared>>
    %dma_wait3A_164 = arith.constant 0 : i32
    %dma_wait3A_165 = tpu.memref_slice %arg13[%add3A_158, %dma_wait3A_164] : memref<10112x64xf32, #tpu.memory_space<vmem_shared>> -> memref<100x64xf32, #tpu.memory_space<vmem_shared>>
    %dma_wait3A_166 = arith.constant 0 : i32
    %dma_wait3A_167 = arith.constant 0 : i32
    %dma_wait3A_168 = tpu.memref_slice %arg9[%dma_wait3A_166, %dma_wait3A_167] : memref<100x64xf32, #tpu.memory_space<vmem>> -> memref<100x64xf32, #tpu.memory_space<vmem>>
    tpu.wait_dma2 semaphore(%arg14 : memref<!tpu.dma_semaphore, #tpu.memory_space<semaphore_mem>>) src(%dma_wait3A_168 : memref<100x64xf32, #tpu.memory_space<vmem>>) dst(%dma_wait3A_165 : memref<100x64xf32, #tpu.memory_space<vmem_shared>>)
    %mul3A_169 = arith.constant 632 : i32
    %mul3A_170 = arith.muli %arg1, %mul3A_169 : i32
    %add3A_171 = arith.constant 500 : i32
    %add3A_172 = arith.addi %mul3A_170, %add3A_171 : i32
    %dma_wait3A_173 = arith.constant 0 : i32
    %dma_wait3A_174 = arith.constant 0 : i32
    %dma_wait3A_175 = tpu.memref_slice %arg9[%dma_wait3A_173, %dma_wait3A_174] : memref<100x64xf32, #tpu.memory_space<vmem>> -> memref<100x64xf32, #tpu.memory_space<vmem>>
    %dma_wait3A_176 = arith.constant 0 : i32
    %dma_wait3A_177 = tpu.memref_slice %arg13[%add3A_172, %dma_wait3A_176] : memref<10112x64xf32, #tpu.memory_space<vmem_shared>> -> memref<100x64xf32, #tpu.memory_space<vmem_shared>>
    %dma_wait3A_178 = arith.constant 0 : i32
    %dma_wait3A_179 = tpu.memref_slice %arg13[%add3A_172, %dma_wait3A_178] : memref<10112x64xf32, #tpu.memory_space<vmem_shared>> -> memref<100x64xf32, #tpu.memory_space<vmem_shared>>
    %dma_wait3A_180 = arith.constant 0 : i32
    %dma_wait3A_181 = arith.constant 0 : i32
    %dma_wait3A_182 = tpu.memref_slice %arg9[%dma_wait3A_180, %dma_wait3A_181] : memref<100x64xf32, #tpu.memory_space<vmem>> -> memref<100x64xf32, #tpu.memory_space<vmem>>
    tpu.wait_dma2 semaphore(%arg14 : memref<!tpu.dma_semaphore, #tpu.memory_space<semaphore_mem>>) src(%dma_wait3A_182 : memref<100x64xf32, #tpu.memory_space<vmem>>) dst(%dma_wait3A_179 : memref<100x64xf32, #tpu.memory_space<vmem_shared>>)
    %mul3A_183 = arith.constant 632 : i32
    %mul3A_184 = arith.muli %arg1, %mul3A_183 : i32
    %add3A_185 = arith.constant 600 : i32
    %add3A_186 = arith.addi %mul3A_184, %add3A_185 : i32
    %dma_wait3A_187 = arith.constant 0 : i32
    %dma_wait3A_188 = arith.constant 0 : i32
    %dma_wait3A_189 = tpu.memref_slice %arg9[%dma_wait3A_187, %dma_wait3A_188] : memref<100x64xf32, #tpu.memory_space<vmem>> -> memref<32x64xf32, #tpu.memory_space<vmem>>
    %dma_wait3A_190 = arith.constant 0 : i32
    %dma_wait3A_191 = tpu.memref_slice %arg13[%add3A_186, %dma_wait3A_190] : memref<10112x64xf32, #tpu.memory_space<vmem_shared>> -> memref<32x64xf32, #tpu.memory_space<vmem_shared>>
    %dma_wait3A_192 = arith.constant 0 : i32
    %dma_wait3A_193 = tpu.memref_slice %arg13[%add3A_186, %dma_wait3A_192] : memref<10112x64xf32, #tpu.memory_space<vmem_shared>> -> memref<32x64xf32, #tpu.memory_space<vmem_shared>>
    %dma_wait3A_194 = arith.constant 0 : i32
    %dma_wait3A_195 = arith.constant 0 : i32
    %dma_wait3A_196 = tpu.memref_slice %arg9[%dma_wait3A_194, %dma_wait3A_195] : memref<100x64xf32, #tpu.memory_space<vmem>> -> memref<32x64xf32, #tpu.memory_space<vmem>>
    tpu.wait_dma2 semaphore(%arg14 : memref<!tpu.dma_semaphore, #tpu.memory_space<semaphore_mem>>) src(%dma_wait3A_196 : memref<32x64xf32, #tpu.memory_space<vmem>>) dst(%dma_wait3A_193 : memref<32x64xf32, #tpu.memory_space<vmem_shared>>)
    "tpu.region"() ({
      %run_scoped3A = tpu.sem_alloc : memref<!tpu.dma_semaphore, #tpu.memory_space<semaphore_mem>>
      %dma_start3A_368 = arith.constant 0 : i32
      %dma_start3A_369 = arith.constant 0 : i32
      %dma_start3A_370 = tpu.memref_slice %arg4[%arg1, %dma_start3A_368, %dma_start3A_369] : memref<16x200x100xi32, #tpu.memory_space<hbm>> -> memref<1x200x100xi32, #tpu.memory_space<hbm>>
      %dma_start3A_371 = tpu.memref_squeeze %dma_start3A_370 : memref<1x200x100xi32, #tpu.memory_space<hbm>> -> memref<200x100xi32, #tpu.memory_space<hbm>>
      %dma_start3A_372 = arith.constant 0 : i32
      %dma_start3A_373 = arith.constant 0 : i32
      %dma_start3A_374 = tpu.memref_slice %arg4[%arg1, %dma_start3A_372, %dma_start3A_373] : memref<16x200x100xi32, #tpu.memory_space<hbm>> -> memref<1x200x100xi32, #tpu.memory_space<hbm>>
      %dma_start3A_375 = tpu.memref_squeeze %dma_start3A_374 : memref<1x200x100xi32, #tpu.memory_space<hbm>> -> memref<200x100xi32, #tpu.memory_space<hbm>>
      tpu.enqueue_dma source(%dma_start3A_375 : memref<200x100xi32, #tpu.memory_space<hbm>>) target(%arg7 : memref<200x100xi32, #tpu.memory_space<vmem>>) target_semaphore(%run_scoped3A : memref<!tpu.dma_semaphore, #tpu.memory_space<semaphore_mem>>)
      %dma_wait3A_376 = arith.constant 0 : i32
      %dma_wait3A_377 = arith.constant 0 : i32
      %dma_wait3A_378 = tpu.memref_slice %arg4[%arg1, %dma_wait3A_376, %dma_wait3A_377] : memref<16x200x100xi32, #tpu.memory_space<hbm>> -> memref<1x200x100xi32, #tpu.memory_space<hbm>>
      %dma_wait3A_379 = tpu.memref_squeeze %dma_wait3A_378 : memref<1x200x100xi32, #tpu.memory_space<hbm>> -> memref<200x100xi32, #tpu.memory_space<hbm>>
      %dma_wait3A_380 = arith.constant 0 : i32
      %dma_wait3A_381 = arith.constant 0 : i32
      %dma_wait3A_382 = tpu.memref_slice %arg4[%arg1, %dma_wait3A_380, %dma_wait3A_381] : memref<16x200x100xi32, #tpu.memory_space<hbm>> -> memref<1x200x100xi32, #tpu.memory_space<hbm>>
      %dma_wait3A_383 = tpu.memref_squeeze %dma_wait3A_382 : memref<1x200x100xi32, #tpu.memory_space<hbm>> -> memref<200x100xi32, #tpu.memory_space<hbm>>
      tpu.wait_dma2 semaphore(%run_scoped3A : memref<!tpu.dma_semaphore, #tpu.memory_space<semaphore_mem>>) src(%dma_wait3A_383 : memref<200x100xi32, #tpu.memory_space<hbm>>) dst(%arg7 : memref<200x100xi32, #tpu.memory_space<vmem>>)
      tpu.yield
    }) : () -> ()
    "tpu.region"() ({
      %run_scoped3A = tpu.sem_alloc : memref<!tpu.dma_semaphore, #tpu.memory_space<semaphore_mem>>
      %dma_start3A_368 = arith.constant 0 : i32
      %dma_start3A_369 = arith.constant 0 : i32
      %dma_start3A_370 = tpu.memref_slice %arg5[%arg1, %dma_start3A_368, %dma_start3A_369] : memref<16x200x100xi32, #tpu.memory_space<hbm>> -> memref<1x200x100xi32, #tpu.memory_space<hbm>>
      %dma_start3A_371 = tpu.memref_squeeze %dma_start3A_370 : memref<1x200x100xi32, #tpu.memory_space<hbm>> -> memref<200x100xi32, #tpu.memory_space<hbm>>
      %dma_start3A_372 = arith.constant 0 : i32
      %dma_start3A_373 = arith.constant 0 : i32
      %dma_start3A_374 = tpu.memref_slice %arg5[%arg1, %dma_start3A_372, %dma_start3A_373] : memref<16x200x100xi32, #tpu.memory_space<hbm>> -> memref<1x200x100xi32, #tpu.memory_space<hbm>>
      %dma_start3A_375 = tpu.memref_squeeze %dma_start3A_374 : memref<1x200x100xi32, #tpu.memory_space<hbm>> -> memref<200x100xi32, #tpu.memory_space<hbm>>
      tpu.enqueue_dma source(%dma_start3A_375 : memref<200x100xi32, #tpu.memory_space<hbm>>) target(%arg8 : memref<200x100xi32, #tpu.memory_space<vmem>>) target_semaphore(%run_scoped3A : memref<!tpu.dma_semaphore, #tpu.memory_space<semaphore_mem>>)
      %dma_wait3A_376 = arith.constant 0 : i32
      %dma_wait3A_377 = arith.constant 0 : i32
      %dma_wait3A_378 = tpu.memref_slice %arg5[%arg1, %dma_wait3A_376, %dma_wait3A_377] : memref<16x200x100xi32, #tpu.memory_space<hbm>> -> memref<1x200x100xi32, #tpu.memory_space<hbm>>
      %dma_wait3A_379 = tpu.memref_squeeze %dma_wait3A_378 : memref<1x200x100xi32, #tpu.memory_space<hbm>> -> memref<200x100xi32, #tpu.memory_space<hbm>>
      %dma_wait3A_380 = arith.constant 0 : i32
      %dma_wait3A_381 = arith.constant 0 : i32
      %dma_wait3A_382 = tpu.memref_slice %arg5[%arg1, %dma_wait3A_380, %dma_wait3A_381] : memref<16x200x100xi32, #tpu.memory_space<hbm>> -> memref<1x200x100xi32, #tpu.memory_space<hbm>>
      %dma_wait3A_383 = tpu.memref_squeeze %dma_wait3A_382 : memref<1x200x100xi32, #tpu.memory_space<hbm>> -> memref<200x100xi32, #tpu.memory_space<hbm>>
      tpu.wait_dma2 semaphore(%run_scoped3A : memref<!tpu.dma_semaphore, #tpu.memory_space<semaphore_mem>>) src(%dma_wait3A_383 : memref<200x100xi32, #tpu.memory_space<hbm>>) dst(%arg8 : memref<200x100xi32, #tpu.memory_space<vmem>>)
      tpu.yield
    }) : () -> ()
    %barrier3A = arith.constant 0 : index
    tpu.barrier barrier_id(%barrier3A)
    %dma_start3A_197 = arith.constant 0 : i32
    %dma_start3A_198 = arith.constant 0 : i32
    %dma_start3A_199 = tpu.memref_slice %arg7[%dma_start3A_197, %dma_start3A_198] : memref<200x100xi32, #tpu.memory_space<vmem>> -> memref<1x100xi32, #tpu.memory_space<vmem>>
    %dma_start3A_200 = tpu.memref_squeeze %dma_start3A_199 : memref<1x100xi32, #tpu.memory_space<vmem>> -> memref<100xi32, #tpu.memory_space<vmem>>
    %dma_start3A_201 = arith.constant 0 : i32
    %dma_start3A_202 = arith.constant 0 : i32
    %dma_start3A_203 = tpu.memref_slice %arg2[%arg0, %dma_start3A_201, %dma_start3A_202] : memref<2x10000x64xf32, #tpu.memory_space<hbm>> -> memref<1x10000x64xf32, #tpu.memory_space<hbm>>
    %dma_start3A_204 = tpu.memref_squeeze %dma_start3A_203 : memref<1x10000x64xf32, #tpu.memory_space<hbm>> -> memref<10000x64xf32, #tpu.memory_space<hbm>>
    %dma_start3A_205 = arith.constant 0 : i32
    %dma_start3A_206 = arith.constant 0 : i32
    %dma_start3A_207 = tpu.memref_slice %dma_start3A_204[%dma_start3A_205, %dma_start3A_206] : memref<10000x64xf32, #tpu.memory_space<hbm>> -> memref<10000x64xf32, #tpu.memory_space<hbm>>
    tpu.enqueue_indirect_dma source(%dma_start3A_207 : memref<10000x64xf32, #tpu.memory_space<hbm>>) target(%arg10 : memref<100x64xf32, #tpu.memory_space<vmem>>) offsets(%dma_start3A_200 : memref<100xi32, #tpu.memory_space<vmem>>) semaphore(%arg14 : memref<!tpu.dma_semaphore, #tpu.memory_space<semaphore_mem>>)
    %mul3A_208 = arith.constant 20000 : i32
    %mul3A_209 = arith.muli %arg1, %mul3A_208 : i32
    %add3A_210 = arith.constant 0 : i32
    %add3A_211 = arith.addi %mul3A_209, %add3A_210 : i32
    %mul3A_212 = arith.constant 64 : i32
    %mul3A_213 = arith.muli %arg0, %mul3A_212 : i32
    %dma_start3A_214 = tpu.memref_slice %arg3[%add3A_211, %mul3A_213] : memref<320000x128xf32, #tpu.memory_space<hbm>> -> memref<100x64xf32, #tpu.memory_space<hbm>>
    %dma_start3A_215 = tpu.memref_slice %arg3[%add3A_211, %mul3A_213] : memref<320000x128xf32, #tpu.memory_space<hbm>> -> memref<100x64xf32, #tpu.memory_space<hbm>>
    tpu.enqueue_dma source(%dma_start3A_215 : memref<100x64xf32, #tpu.memory_space<hbm>>) target(%arg9 : memref<100x64xf32, #tpu.memory_space<vmem>>) target_semaphore(%arg14 : memref<!tpu.dma_semaphore, #tpu.memory_space<semaphore_mem>>)
    %dma_start3A_216 = arith.constant 1 : i32
    %dma_start3A_217 = arith.constant 0 : i32
    %dma_start3A_218 = tpu.memref_slice %arg7[%dma_start3A_216, %dma_start3A_217] : memref<200x100xi32, #tpu.memory_space<vmem>> -> memref<1x100xi32, #tpu.memory_space<vmem>>
    %dma_start3A_219 = tpu.memref_squeeze %dma_start3A_218 : memref<1x100xi32, #tpu.memory_space<vmem>> -> memref<100xi32, #tpu.memory_space<vmem>>
    %dma_start3A_220 = arith.constant 0 : i32
    %dma_start3A_221 = arith.constant 0 : i32
    %dma_start3A_222 = tpu.memref_slice %arg2[%arg0, %dma_start3A_220, %dma_start3A_221] : memref<2x10000x64xf32, #tpu.memory_space<hbm>> -> memref<1x10000x64xf32, #tpu.memory_space<hbm>>
    %dma_start3A_223 = tpu.memref_squeeze %dma_start3A_222 : memref<1x10000x64xf32, #tpu.memory_space<hbm>> -> memref<10000x64xf32, #tpu.memory_space<hbm>>
    %dma_start3A_224 = arith.constant 0 : i32
    %dma_start3A_225 = arith.constant 0 : i32
    %dma_start3A_226 = tpu.memref_slice %dma_start3A_223[%dma_start3A_224, %dma_start3A_225] : memref<10000x64xf32, #tpu.memory_space<hbm>> -> memref<10000x64xf32, #tpu.memory_space<hbm>>
    tpu.enqueue_indirect_dma source(%dma_start3A_226 : memref<10000x64xf32, #tpu.memory_space<hbm>>) target(%arg12 : memref<100x64xf32, #tpu.memory_space<vmem>>) offsets(%dma_start3A_219 : memref<100xi32, #tpu.memory_space<vmem>>) semaphore(%arg15 : memref<!tpu.dma_semaphore, #tpu.memory_space<semaphore_mem>>)
    %mul3A_227 = arith.constant 20000 : i32
    %mul3A_228 = arith.muli %arg1, %mul3A_227 : i32
    %add3A_229 = arith.constant 100 : i32
    %add3A_230 = arith.addi %mul3A_228, %add3A_229 : i32
    %mul3A_231 = arith.constant 64 : i32
    %mul3A_232 = arith.muli %arg0, %mul3A_231 : i32
    %dma_start3A_233 = tpu.memref_slice %arg3[%add3A_230, %mul3A_232] : memref<320000x128xf32, #tpu.memory_space<hbm>> -> memref<100x64xf32, #tpu.memory_space<hbm>>
    %dma_start3A_234 = tpu.memref_slice %arg3[%add3A_230, %mul3A_232] : memref<320000x128xf32, #tpu.memory_space<hbm>> -> memref<100x64xf32, #tpu.memory_space<hbm>>
    tpu.enqueue_dma source(%dma_start3A_234 : memref<100x64xf32, #tpu.memory_space<hbm>>) target(%arg11 : memref<100x64xf32, #tpu.memory_space<vmem>>) target_semaphore(%arg15 : memref<!tpu.dma_semaphore, #tpu.memory_space<semaphore_mem>>)
    %scan3A_235 = arith.constant 0 : i32
    %scan3A_236 = arith.constant 0 : i32
    %scan3A_237 = arith.constant 100 : i32
    %scan3A_238 = arith.addi %scan3A_236, %scan3A_237 : i32
    %scan3A_239 = arith.constant 1 : i32
    scf.for %scan3A_368 = %scan3A_236 to %scan3A_238 step %scan3A_239  : i32 {
      %mul3A_369 = arith.constant 2 : i32
      %mul3A_370 = arith.muli %mul3A_369, %scan3A_368 : i32
      %mul3A_371 = arith.constant 2 : i32
      %mul3A_372 = arith.muli %mul3A_371, %scan3A_368 : i32
      %add3A_373 = arith.constant 1 : i32
      %add3A_374 = arith.addi %mul3A_372, %add3A_373 : i32
      %dma_wait3A_375 = arith.constant 0 : i32
      %dma_wait3A_376 = tpu.memref_slice %arg7[%mul3A_370, %dma_wait3A_375] : memref<200x100xi32, #tpu.memory_space<vmem>> -> memref<1x100xi32, #tpu.memory_space<vmem>>
      %dma_wait3A_377 = tpu.memref_squeeze %dma_wait3A_376 : memref<1x100xi32, #tpu.memory_space<vmem>> -> memref<100xi32, #tpu.memory_space<vmem>>
      %dma_wait3A_378 = arith.constant 0 : i32
      %dma_wait3A_379 = arith.constant 0 : i32
      %dma_wait3A_380 = tpu.memref_slice %arg2[%arg0, %dma_wait3A_378, %dma_wait3A_379] : memref<2x10000x64xf32, #tpu.memory_space<hbm>> -> memref<1x10000x64xf32, #tpu.memory_space<hbm>>
      %dma_wait3A_381 = tpu.memref_squeeze %dma_wait3A_380 : memref<1x10000x64xf32, #tpu.memory_space<hbm>> -> memref<10000x64xf32, #tpu.memory_space<hbm>>
      %dma_wait3A_382 = arith.constant 0 : i32
      %dma_wait3A_383 = arith.constant 0 : i32
      %dma_wait3A_384 = tpu.memref_slice %dma_wait3A_381[%dma_wait3A_382, %dma_wait3A_383] : memref<10000x64xf32, #tpu.memory_space<hbm>> -> memref<10000x64xf32, #tpu.memory_space<hbm>>
      tpu.wait_indirect_dma semaphore(%arg14 : memref<!tpu.dma_semaphore, #tpu.memory_space<semaphore_mem>>) src(%dma_wait3A_384 : memref<10000x64xf32, #tpu.memory_space<hbm>>) dst(%arg10 : memref<100x64xf32, #tpu.memory_space<vmem>>)
      %mul3A_385 = arith.constant 20000 : i32
      %mul3A_386 = arith.muli %arg1, %mul3A_385 : i32
      %mul3A_387 = arith.constant 100 : i32
      %mul3A_388 = arith.muli %mul3A_370, %mul3A_387 : i32
      %add3A_389 = arith.addi %mul3A_386, %mul3A_388 : i32
      %mul3A_390 = arith.constant 64 : i32
      %mul3A_391 = arith.muli %arg0, %mul3A_390 : i32
      %dma_wait3A_392 = tpu.memref_slice %arg3[%add3A_389, %mul3A_391] : memref<320000x128xf32, #tpu.memory_space<hbm>> -> memref<100x64xf32, #tpu.memory_space<hbm>>
      %dma_wait3A_393 = tpu.memref_slice %arg3[%add3A_389, %mul3A_391] : memref<320000x128xf32, #tpu.memory_space<hbm>> -> memref<100x64xf32, #tpu.memory_space<hbm>>
      tpu.wait_dma2 semaphore(%arg14 : memref<!tpu.dma_semaphore, #tpu.memory_space<semaphore_mem>>) src(%dma_wait3A_393 : memref<100x64xf32, #tpu.memory_space<hbm>>) dst(%arg9 : memref<100x64xf32, #tpu.memory_space<vmem>>)
      %scan3A_394 = arith.constant 0 : i32
      %scan3A_395 = arith.constant 0 : i32
      %scan3A_396 = arith.constant 20 : i32
      %scan3A_397 = arith.addi %scan3A_395, %scan3A_396 : i32
      %scan3A_398 = arith.constant 1 : i32
      scf.for %scan3A_456 = %scan3A_395 to %scan3A_397 step %scan3A_398  : i32 {
        %mul3A_457 = arith.constant 5 : i32
        %mul3A_458 = arith.muli %scan3A_456, %mul3A_457 : i32
        %add3A_459 = arith.constant 0 : i32
        %add3A_460 = arith.addi %mul3A_458, %add3A_459 : i32
        %get3A = arith.index_cast %add3A_460 : i32 to index
        %get3A_461 = arith.constant 0 : index
        %get3A_462 = tpu.vector_load %arg9[%get3A, %get3A_461] {strides = array<i32>} : memref<100x64xf32, #tpu.memory_space<vmem>>, vector<1x16xf32>,
        %get3A_463 = vector.shape_cast %get3A_462 : vector<1x16xf32> to vector<16xf32>
        %get3A_464 = arith.index_cast %add3A_460 : i32 to index
        %get3A_465 = arith.constant 0 : index
        %get3A_466 = tpu.vector_load %arg10[%get3A_464, %get3A_465] {strides = array<i32>} : memref<100x64xf32, #tpu.memory_space<vmem>>, vector<1x16xf32>,
        %get3A_467 = vector.shape_cast %get3A_466 : vector<1x16xf32> to vector<16xf32>
        %add3A_468 = arith.addf %get3A_463, %get3A_467 : vector<16xf32>
        %max3A = arith.constant 0.000000e+00 : f32
        %max3A_469 = vector.broadcast %max3A : f32 to vector<16xf32>
        %max3A_470 = arith.maximumf %add3A_468, %max3A_469 : vector<16xf32>
        %swap3A = arith.index_cast %add3A_460 : i32 to index
        %swap3A_471 = arith.constant 0 : index
        %swap3A_472 = tpu.vector_load %arg9[%swap3A, %swap3A_471] {strides = array<i32>} : memref<100x64xf32, #tpu.memory_space<vmem>>, vector<1x16xf32>,
        %swap3A_473 = vector.shape_cast %swap3A_472 : vector<1x16xf32> to vector<16xf32>
        %swap3A_474 = vector.shape_cast %max3A_470 : vector<16xf32> to vector<1x16xf32>
        tpu.vector_store %arg9[%swap3A, %swap3A_471], %swap3A_474 {strides = array<i32>} : memref<100x64xf32, #tpu.memory_space<vmem>>, vector<1x16xf32>,
        %get3A_475 = arith.index_cast %add3A_460 : i32 to index
        %get3A_476 = arith.constant 16 : index
        %get3A_477 = tpu.vector_load %arg9[%get3A_475, %get3A_476] {strides = array<i32>} : memref<100x64xf32, #tpu.memory_space<vmem>>, vector<1x16xf32>,
        %get3A_478 = vector.shape_cast %get3A_477 : vector<1x16xf32> to vector<16xf32>
        %get3A_479 = arith.index_cast %add3A_460 : i32 to index
        %get3A_480 = arith.constant 16 : index
        %get3A_481 = tpu.vector_load %arg10[%get3A_479, %get3A_480] {strides = array<i32>} : memref<100x64xf32, #tpu.memory_space<vmem>>, vector<1x16xf32>,
        %get3A_482 = vector.shape_cast %get3A_481 : vector<1x16xf32> to vector<16xf32>
        %add3A_483 = arith.addf %get3A_478, %get3A_482 : vector<16xf32>
        %max3A_484 = arith.constant 0.000000e+00 : f32
        %max3A_485 = vector.broadcast %max3A_484 : f32 to vector<16xf32>
        %max3A_486 = arith.maximumf %add3A_483, %max3A_485 : vector<16xf32>
        %swap3A_487 = arith.index_cast %add3A_460 : i32 to index
        %swap3A_488 = arith.constant 16 : index
        %swap3A_489 = tpu.vector_load %arg9[%swap3A_487, %swap3A_488] {strides = array<i32>} : memref<100x64xf32, #tpu.memory_space<vmem>>, vector<1x16xf32>,
        %swap3A_490 = vector.shape_cast %swap3A_489 : vector<1x16xf32> to vector<16xf32>
        %swap3A_491 = vector.shape_cast %max3A_486 : vector<16xf32> to vector<1x16xf32>
        tpu.vector_store %arg9[%swap3A_487, %swap3A_488], %swap3A_491 {strides = array<i32>} : memref<100x64xf32, #tpu.memory_space<vmem>>, vector<1x16xf32>,
        %get3A_492 = arith.index_cast %add3A_460 : i32 to index
        %get3A_493 = arith.constant 32 : index
        %get3A_494 = tpu.vector_load %arg9[%get3A_492, %get3A_493] {strides = array<i32>} : memref<100x64xf32, #tpu.memory_space<vmem>>, vector<1x16xf32>,
        %get3A_495 = vector.shape_cast %get3A_494 : vector<1x16xf32> to vector<16xf32>
        %get3A_496 = arith.index_cast %add3A_460 : i32 to index
        %get3A_497 = arith.constant 32 : index
        %get3A_498 = tpu.vector_load %arg10[%get3A_496, %get3A_497] {strides = array<i32>} : memref<100x64xf32, #tpu.memory_space<vmem>>, vector<1x16xf32>,
        %get3A_499 = vector.shape_cast %get3A_498 : vector<1x16xf32> to vector<16xf32>
        %add3A_500 = arith.addf %get3A_495, %get3A_499 : vector<16xf32>
        %max3A_501 = arith.constant 0.000000e+00 : f32
        %max3A_502 = vector.broadcast %max3A_501 : f32 to vector<16xf32>
        %max3A_503 = arith.maximumf %add3A_500, %max3A_502 : vector<16xf32>
        %swap3A_504 = arith.index_cast %add3A_460 : i32 to index
        %swap3A_505 = arith.constant 32 : index
        %swap3A_506 = tpu.vector_load %arg9[%swap3A_504, %swap3A_505] {strides = array<i32>} : memref<100x64xf32, #tpu.memory_space<vmem>>, vector<1x16xf32>,
        %swap3A_507 = vector.shape_cast %swap3A_506 : vector<1x16xf32> to vector<16xf32>
        %swap3A_508 = vector.shape_cast %max3A_503 : vector<16xf32> to vector<1x16xf32>
        tpu.vector_store %arg9[%swap3A_504, %swap3A_505], %swap3A_508 {strides = array<i32>} : memref<100x64xf32, #tpu.memory_space<vmem>>, vector<1x16xf32>,
        %get3A_509 = arith.index_cast %add3A_460 : i32 to index
        %get3A_510 = arith.constant 48 : index
        %get3A_511 = tpu.vector_load %arg9[%get3A_509, %get3A_510] {strides = array<i32>} : memref<100x64xf32, #tpu.memory_space<vmem>>, vector<1x16xf32>,
        %get3A_512 = vector.shape_cast %get3A_511 : vector<1x16xf32> to vector<16xf32>
        %get3A_513 = arith.index_cast %add3A_460 : i32 to index
        %get3A_514 = arith.constant 48 : index
        %get3A_515 = tpu.vector_load %arg10[%get3A_513, %get3A_514] {strides = array<i32>} : memref<100x64xf32, #tpu.memory_space<vmem>>, vector<1x16xf32>,
        %get3A_516 = vector.shape_cast %get3A_515 : vector<1x16xf32> to vector<16xf32>
        %add3A_517 = arith.addf %get3A_512, %get3A_516 : vector<16xf32>
        %max3A_518 = arith.constant 0.000000e+00 : f32
        %max3A_519 = vector.broadcast %max3A_518 : f32 to vector<16xf32>
        %max3A_520 = arith.maximumf %add3A_517, %max3A_519 : vector<16xf32>
        %swap3A_521 = arith.index_cast %add3A_460 : i32 to index
        %swap3A_522 = arith.constant 48 : index
        %swap3A_523 = tpu.vector_load %arg9[%swap3A_521, %swap3A_522] {strides = array<i32>} : memref<100x64xf32, #tpu.memory_space<vmem>>, vector<1x16xf32>,
        %swap3A_524 = vector.shape_cast %swap3A_523 : vector<1x16xf32> to vector<16xf32>
        %swap3A_525 = vector.shape_cast %max3A_520 : vector<16xf32> to vector<1x16xf32>
        tpu.vector_store %arg9[%swap3A_521, %swap3A_522], %swap3A_525 {strides = array<i32>} : memref<100x64xf32, #tpu.memory_space<vmem>>, vector<1x16xf32>,
        %mul3A_526 = arith.constant 5 : i32
        %mul3A_527 = arith.muli %scan3A_456, %mul3A_526 : i32
        %add3A_528 = arith.constant 1 : i32
        %add3A_529 = arith.addi %mul3A_527, %add3A_528 : i32
        %get3A_530 = arith.index_cast %add3A_529 : i32 to index
        %get3A_531 = arith.constant 0 : index
        %get3A_532 = tpu.vector_load %arg9[%get3A_530, %get3A_531] {strides = array<i32>} : memref<100x64xf32, #tpu.memory_space<vmem>>, vector<1x16xf32>,
        %get3A_533 = vector.shape_cast %get3A_532 : vector<1x16xf32> to vector<16xf32>
        %get3A_534 = arith.index_cast %add3A_529 : i32 to index
        %get3A_535 = arith.constant 0 : index
        %get3A_536 = tpu.vector_load %arg10[%get3A_534, %get3A_535] {strides = array<i32>} : memref<100x64xf32, #tpu.memory_space<vmem>>, vector<1x16xf32>,
        %get3A_537 = vector.shape_cast %get3A_536 : vector<1x16xf32> to vector<16xf32>
        %add3A_538 = arith.addf %get3A_533, %get3A_537 : vector<16xf32>
        %max3A_539 = arith.constant 0.000000e+00 : f32
        %max3A_540 = vector.broadcast %max3A_539 : f32 to vector<16xf32>
        %max3A_541 = arith.maximumf %add3A_538, %max3A_540 : vector<16xf32>
        %swap3A_542 = arith.index_cast %add3A_529 : i32 to index
        %swap3A_543 = arith.constant 0 : index
        %swap3A_544 = tpu.vector_load %arg9[%swap3A_542, %swap3A_543] {strides = array<i32>} : memref<100x64xf32, #tpu.memory_space<vmem>>, vector<1x16xf32>,
        %swap3A_545 = vector.shape_cast %swap3A_544 : vector<1x16xf32> to vector<16xf32>
        %swap3A_546 = vector.shape_cast %max3A_541 : vector<16xf32> to vector<1x16xf32>
        tpu.vector_store %arg9[%swap3A_542, %swap3A_543], %swap3A_546 {strides = array<i32>} : memref<100x64xf32, #tpu.memory_space<vmem>>, vector<1x16xf32>,
        %get3A_547 = arith.index_cast %add3A_529 : i32 to index
        %get3A_548 = arith.constant 16 : index
        %get3A_549 = tpu.vector_load %arg9[%get3A_547, %get3A_548] {strides = array<i32>} : memref<100x64xf32, #tpu.memory_space<vmem>>, vector<1x16xf32>,
        %get3A_550 = vector.shape_cast %get3A_549 : vector<1x16xf32> to vector<16xf32>
        %get3A_551 = arith.index_cast %add3A_529 : i32 to index
        %get3A_552 = arith.constant 16 : index
        %get3A_553 = tpu.vector_load %arg10[%get3A_551, %get3A_552] {strides = array<i32>} : memref<100x64xf32, #tpu.memory_space<vmem>>, vector<1x16xf32>,
        %get3A_554 = vector.shape_cast %get3A_553 : vector<1x16xf32> to vector<16xf32>
        %add3A_555 = arith.addf %get3A_550, %get3A_554 : vector<16xf32>
        %max3A_556 = arith.constant 0.000000e+00 : f32
        %max3A_557 = vector.broadcast %max3A_556 : f32 to vector<16xf32>
        %max3A_558 = arith.maximumf %add3A_555, %max3A_557 : vector<16xf32>
        %swap3A_559 = arith.index_cast %add3A_529 : i32 to index
        %swap3A_560 = arith.constant 16 : index
        %swap3A_561 = tpu.vector_load %arg9[%swap3A_559, %swap3A_560] {strides = array<i32>} : memref<100x64xf32, #tpu.memory_space<vmem>>, vector<1x16xf32>,
        %swap3A_562 = vector.shape_cast %swap3A_561 : vector<1x16xf32> to vector<16xf32>
        %swap3A_563 = vector.shape_cast %max3A_558 : vector<16xf32> to vector<1x16xf32>
        tpu.vector_store %arg9[%swap3A_559, %swap3A_560], %swap3A_563 {strides = array<i32>} : memref<100x64xf32, #tpu.memory_space<vmem>>, vector<1x16xf32>,
        %get3A_564 = arith.index_cast %add3A_529 : i32 to index
        %get3A_565 = arith.constant 32 : index
        %get3A_566 = tpu.vector_load %arg9[%get3A_564, %get3A_565] {strides = array<i32>} : memref<100x64xf32, #tpu.memory_space<vmem>>, vector<1x16xf32>,
        %get3A_567 = vector.shape_cast %get3A_566 : vector<1x16xf32> to vector<16xf32>
        %get3A_568 = arith.index_cast %add3A_529 : i32 to index
        %get3A_569 = arith.constant 32 : index
        %get3A_570 = tpu.vector_load %arg10[%get3A_568, %get3A_569] {strides = array<i32>} : memref<100x64xf32, #tpu.memory_space<vmem>>, vector<1x16xf32>,
        %get3A_571 = vector.shape_cast %get3A_570 : vector<1x16xf32> to vector<16xf32>
        %add3A_572 = arith.addf %get3A_567, %get3A_571 : vector<16xf32>
        %max3A_573 = arith.constant 0.000000e+00 : f32
        %max3A_574 = vector.broadcast %max3A_573 : f32 to vector<16xf32>
        %max3A_575 = arith.maximumf %add3A_572, %max3A_574 : vector<16xf32>
        %swap3A_576 = arith.index_cast %add3A_529 : i32 to index
        %swap3A_577 = arith.constant 32 : index
        %swap3A_578 = tpu.vector_load %arg9[%swap3A_576, %swap3A_577] {strides = array<i32>} : memref<100x64xf32, #tpu.memory_space<vmem>>, vector<1x16xf32>,
        %swap3A_579 = vector.shape_cast %swap3A_578 : vector<1x16xf32> to vector<16xf32>
        %swap3A_580 = vector.shape_cast %max3A_575 : vector<16xf32> to vector<1x16xf32>
        tpu.vector_store %arg9[%swap3A_576, %swap3A_577], %swap3A_580 {strides = array<i32>} : memref<100x64xf32, #tpu.memory_space<vmem>>, vector<1x16xf32>,
        %get3A_581 = arith.index_cast %add3A_529 : i32 to index
        %get3A_582 = arith.constant 48 : index
        %get3A_583 = tpu.vector_load %arg9[%get3A_581, %get3A_582] {strides = array<i32>} : memref<100x64xf32, #tpu.memory_space<vmem>>, vector<1x16xf32>,
        %get3A_584 = vector.shape_cast %get3A_583 : vector<1x16xf32> to vector<16xf32>
        %get3A_585 = arith.index_cast %add3A_529 : i32 to index
        %get3A_586 = arith.constant 48 : index
        %get3A_587 = tpu.vector_load %arg10[%get3A_585, %get3A_586] {strides = array<i32>} : memref<100x64xf32, #tpu.memory_space<vmem>>, vector<1x16xf32>,
        %get3A_588 = vector.shape_cast %get3A_587 : vector<1x16xf32> to vector<16xf32>
        %add3A_589 = arith.addf %get3A_584, %get3A_588 : vector<16xf32>
        %max3A_590 = arith.constant 0.000000e+00 : f32
        %max3A_591 = vector.broadcast %max3A_590 : f32 to vector<16xf32>
        %max3A_592 = arith.maximumf %add3A_589, %max3A_591 : vector<16xf32>
        %swap3A_593 = arith.index_cast %add3A_529 : i32 to index
        %swap3A_594 = arith.constant 48 : index
        %swap3A_595 = tpu.vector_load %arg9[%swap3A_593, %swap3A_594] {strides = array<i32>} : memref<100x64xf32, #tpu.memory_space<vmem>>, vector<1x16xf32>,
        %swap3A_596 = vector.shape_cast %swap3A_595 : vector<1x16xf32> to vector<16xf32>
        %swap3A_597 = vector.shape_cast %max3A_592 : vector<16xf32> to vector<1x16xf32>
        tpu.vector_store %arg9[%swap3A_593, %swap3A_594], %swap3A_597 {strides = array<i32>} : memref<100x64xf32, #tpu.memory_space<vmem>>, vector<1x16xf32>,
        %mul3A_598 = arith.constant 5 : i32
        %mul3A_599 = arith.muli %scan3A_456, %mul3A_598 : i32
        %add3A_600 = arith.constant 2 : i32
        %add3A_601 = arith.addi %mul3A_599, %add3A_600 : i32
        %get3A_602 = arith.index_cast %add3A_601 : i32 to index
        %get3A_603 = arith.constant 0 : index
        %get3A_604 = tpu.vector_load %arg9[%get3A_602, %get3A_603] {strides = array<i32>} : memref<100x64xf32, #tpu.memory_space<vmem>>, vector<1x16xf32>,
        %get3A_605 = vector.shape_cast %get3A_604 : vector<1x16xf32> to vector<16xf32>
        %get3A_606 = arith.index_cast %add3A_601 : i32 to index
        %get3A_607 = arith.constant 0 : index
        %get3A_608 = tpu.vector_load %arg10[%get3A_606, %get3A_607] {strides = array<i32>} : memref<100x64xf32, #tpu.memory_space<vmem>>, vector<1x16xf32>,
        %get3A_609 = vector.shape_cast %get3A_608 : vector<1x16xf32> to vector<16xf32>
        %add3A_610 = arith.addf %get3A_605, %get3A_609 : vector<16xf32>
        %max3A_611 = arith.constant 0.000000e+00 : f32
        %max3A_612 = vector.broadcast %max3A_611 : f32 to vector<16xf32>
        %max3A_613 = arith.maximumf %add3A_610, %max3A_612 : vector<16xf32>
        %swap3A_614 = arith.index_cast %add3A_601 : i32 to index
        %swap3A_615 = arith.constant 0 : index
        %swap3A_616 = tpu.vector_load %arg9[%swap3A_614, %swap3A_615] {strides = array<i32>} : memref<100x64xf32, #tpu.memory_space<vmem>>, vector<1x16xf32>,
        %swap3A_617 = vector.shape_cast %swap3A_616 : vector<1x16xf32> to vector<16xf32>
        %swap3A_618 = vector.shape_cast %max3A_613 : vector<16xf32> to vector<1x16xf32>
        tpu.vector_store %arg9[%swap3A_614, %swap3A_615], %swap3A_618 {strides = array<i32>} : memref<100x64xf32, #tpu.memory_space<vmem>>, vector<1x16xf32>,
        %get3A_619 = arith.index_cast %add3A_601 : i32 to index
        %get3A_620 = arith.constant 16 : index
        %get3A_621 = tpu.vector_load %arg9[%get3A_619, %get3A_620] {strides = array<i32>} : memref<100x64xf32, #tpu.memory_space<vmem>>, vector<1x16xf32>,
        %get3A_622 = vector.shape_cast %get3A_621 : vector<1x16xf32> to vector<16xf32>
        %get3A_623 = arith.index_cast %add3A_601 : i32 to index
        %get3A_624 = arith.constant 16 : index
        %get3A_625 = tpu.vector_load %arg10[%get3A_623, %get3A_624] {strides = array<i32>} : memref<100x64xf32, #tpu.memory_space<vmem>>, vector<1x16xf32>,
        %get3A_626 = vector.shape_cast %get3A_625 : vector<1x16xf32> to vector<16xf32>
        %add3A_627 = arith.addf %get3A_622, %get3A_626 : vector<16xf32>
        %max3A_628 = arith.constant 0.000000e+00 : f32
        %max3A_629 = vector.broadcast %max3A_628 : f32 to vector<16xf32>
        %max3A_630 = arith.maximumf %add3A_627, %max3A_629 : vector<16xf32>
        %swap3A_631 = arith.index_cast %add3A_601 : i32 to index
        %swap3A_632 = arith.constant 16 : index
        %swap3A_633 = tpu.vector_load %arg9[%swap3A_631, %swap3A_632] {strides = array<i32>} : memref<100x64xf32, #tpu.memory_space<vmem>>, vector<1x16xf32>,
        %swap3A_634 = vector.shape_cast %swap3A_633 : vector<1x16xf32> to vector<16xf32>
        %swap3A_635 = vector.shape_cast %max3A_630 : vector<16xf32> to vector<1x16xf32>
        tpu.vector_store %arg9[%swap3A_631, %swap3A_632], %swap3A_635 {strides = array<i32>} : memref<100x64xf32, #tpu.memory_space<vmem>>, vector<1x16xf32>,
        %get3A_636 = arith.index_cast %add3A_601 : i32 to index
        %get3A_637 = arith.constant 32 : index
        %get3A_638 = tpu.vector_load %arg9[%get3A_636, %get3A_637] {strides = array<i32>} : memref<100x64xf32, #tpu.memory_space<vmem>>, vector<1x16xf32>,
        %get3A_639 = vector.shape_cast %get3A_638 : vector<1x16xf32> to vector<16xf32>
        %get3A_640 = arith.index_cast %add3A_601 : i32 to index
        %get3A_641 = arith.constant 32 : index
        %get3A_642 = tpu.vector_load %arg10[%get3A_640, %get3A_641] {strides = array<i32>} : memref<100x64xf32, #tpu.memory_space<vmem>>, vector<1x16xf32>,
        %get3A_643 = vector.shape_cast %get3A_642 : vector<1x16xf32> to vector<16xf32>
        %add3A_644 = arith.addf %get3A_639, %get3A_643 : vector<16xf32>
        %max3A_645 = arith.constant 0.000000e+00 : f32
        %max3A_646 = vector.broadcast %max3A_645 : f32 to vector<16xf32>
        %max3A_647 = arith.maximumf %add3A_644, %max3A_646 : vector<16xf32>
        %swap3A_648 = arith.index_cast %add3A_601 : i32 to index
        %swap3A_649 = arith.constant 32 : index
        %swap3A_650 = tpu.vector_load %arg9[%swap3A_648, %swap3A_649] {strides = array<i32>} : memref<100x64xf32, #tpu.memory_space<vmem>>, vector<1x16xf32>,
        %swap3A_651 = vector.shape_cast %swap3A_650 : vector<1x16xf32> to vector<16xf32>
        %swap3A_652 = vector.shape_cast %max3A_647 : vector<16xf32> to vector<1x16xf32>
        tpu.vector_store %arg9[%swap3A_648, %swap3A_649], %swap3A_652 {strides = array<i32>} : memref<100x64xf32, #tpu.memory_space<vmem>>, vector<1x16xf32>,
        %get3A_653 = arith.index_cast %add3A_601 : i32 to index
        %get3A_654 = arith.constant 48 : index
        %get3A_655 = tpu.vector_load %arg9[%get3A_653, %get3A_654] {strides = array<i32>} : memref<100x64xf32, #tpu.memory_space<vmem>>, vector<1x16xf32>,
        %get3A_656 = vector.shape_cast %get3A_655 : vector<1x16xf32> to vector<16xf32>
        %get3A_657 = arith.index_cast %add3A_601 : i32 to index
        %get3A_658 = arith.constant 48 : index
        %get3A_659 = tpu.vector_load %arg10[%get3A_657, %get3A_658] {strides = array<i32>} : memref<100x64xf32, #tpu.memory_space<vmem>>, vector<1x16xf32>,
        %get3A_660 = vector.shape_cast %get3A_659 : vector<1x16xf32> to vector<16xf32>
        %add3A_661 = arith.addf %get3A_656, %get3A_660 : vector<16xf32>
        %max3A_662 = arith.constant 0.000000e+00 : f32
        %max3A_663 = vector.broadcast %max3A_662 : f32 to vector<16xf32>
        %max3A_664 = arith.maximumf %add3A_661, %max3A_663 : vector<16xf32>
        %swap3A_665 = arith.index_cast %add3A_601 : i32 to index
        %swap3A_666 = arith.constant 48 : index
        %swap3A_667 = tpu.vector_load %arg9[%swap3A_665, %swap3A_666] {strides = array<i32>} : memref<100x64xf32, #tpu.memory_space<vmem>>, vector<1x16xf32>,
        %swap3A_668 = vector.shape_cast %swap3A_667 : vector<1x16xf32> to vector<16xf32>
        %swap3A_669 = vector.shape_cast %max3A_664 : vector<16xf32> to vector<1x16xf32>
        tpu.vector_store %arg9[%swap3A_665, %swap3A_666], %swap3A_669 {strides = array<i32>} : memref<100x64xf32, #tpu.memory_space<vmem>>, vector<1x16xf32>,
        %mul3A_670 = arith.constant 5 : i32
        %mul3A_671 = arith.muli %scan3A_456, %mul3A_670 : i32
        %add3A_672 = arith.constant 3 : i32
        %add3A_673 = arith.addi %mul3A_671, %add3A_672 : i32
        %get3A_674 = arith.index_cast %add3A_673 : i32 to index
        %get3A_675 = arith.constant 0 : index
        %get3A_676 = tpu.vector_load %arg9[%get3A_674, %get3A_675] {strides = array<i32>} : memref<100x64xf32, #tpu.memory_space<vmem>>, vector<1x16xf32>,
        %get3A_677 = vector.shape_cast %get3A_676 : vector<1x16xf32> to vector<16xf32>
        %get3A_678 = arith.index_cast %add3A_673 : i32 to index
        %get3A_679 = arith.constant 0 : index
        %get3A_680 = tpu.vector_load %arg10[%get3A_678, %get3A_679] {strides = array<i32>} : memref<100x64xf32, #tpu.memory_space<vmem>>, vector<1x16xf32>,
        %get3A_681 = vector.shape_cast %get3A_680 : vector<1x16xf32> to vector<16xf32>
        %add3A_682 = arith.addf %get3A_677, %get3A_681 : vector<16xf32>
        %max3A_683 = arith.constant 0.000000e+00 : f32
        %max3A_684 = vector.broadcast %max3A_683 : f32 to vector<16xf32>
        %max3A_685 = arith.maximumf %add3A_682, %max3A_684 : vector<16xf32>
        %swap3A_686 = arith.index_cast %add3A_673 : i32 to index
        %swap3A_687 = arith.constant 0 : index
        %swap3A_688 = tpu.vector_load %arg9[%swap3A_686, %swap3A_687] {strides = array<i32>} : memref<100x64xf32, #tpu.memory_space<vmem>>, vector<1x16xf32>,
        %swap3A_689 = vector.shape_cast %swap3A_688 : vector<1x16xf32> to vector<16xf32>
        %swap3A_690 = vector.shape_cast %max3A_685 : vector<16xf32> to vector<1x16xf32>
        tpu.vector_store %arg9[%swap3A_686, %swap3A_687], %swap3A_690 {strides = array<i32>} : memref<100x64xf32, #tpu.memory_space<vmem>>, vector<1x16xf32>,
        %get3A_691 = arith.index_cast %add3A_673 : i32 to index
        %get3A_692 = arith.constant 16 : index
        %get3A_693 = tpu.vector_load %arg9[%get3A_691, %get3A_692] {strides = array<i32>} : memref<100x64xf32, #tpu.memory_space<vmem>>, vector<1x16xf32>,
        %get3A_694 = vector.shape_cast %get3A_693 : vector<1x16xf32> to vector<16xf32>
        %get3A_695 = arith.index_cast %add3A_673 : i32 to index
        %get3A_696 = arith.constant 16 : index
        %get3A_697 = tpu.vector_load %arg10[%get3A_695, %get3A_696] {strides = array<i32>} : memref<100x64xf32, #tpu.memory_space<vmem>>, vector<1x16xf32>,
        %get3A_698 = vector.shape_cast %get3A_697 : vector<1x16xf32> to vector<16xf32>
        %add3A_699 = arith.addf %get3A_694, %get3A_698 : vector<16xf32>
        %max3A_700 = arith.constant 0.000000e+00 : f32
        %max3A_701 = vector.broadcast %max3A_700 : f32 to vector<16xf32>
        %max3A_702 = arith.maximumf %add3A_699, %max3A_701 : vector<16xf32>
        %swap3A_703 = arith.index_cast %add3A_673 : i32 to index
        %swap3A_704 = arith.constant 16 : index
        %swap3A_705 = tpu.vector_load %arg9[%swap3A_703, %swap3A_704] {strides = array<i32>} : memref<100x64xf32, #tpu.memory_space<vmem>>, vector<1x16xf32>,
        %swap3A_706 = vector.shape_cast %swap3A_705 : vector<1x16xf32> to vector<16xf32>
        %swap3A_707 = vector.shape_cast %max3A_702 : vector<16xf32> to vector<1x16xf32>
        tpu.vector_store %arg9[%swap3A_703, %swap3A_704], %swap3A_707 {strides = array<i32>} : memref<100x64xf32, #tpu.memory_space<vmem>>, vector<1x16xf32>,
        %get3A_708 = arith.index_cast %add3A_673 : i32 to index
        %get3A_709 = arith.constant 32 : index
        %get3A_710 = tpu.vector_load %arg9[%get3A_708, %get3A_709] {strides = array<i32>} : memref<100x64xf32, #tpu.memory_space<vmem>>, vector<1x16xf32>,
        %get3A_711 = vector.shape_cast %get3A_710 : vector<1x16xf32> to vector<16xf32>
        %get3A_712 = arith.index_cast %add3A_673 : i32 to index
        %get3A_713 = arith.constant 32 : index
        %get3A_714 = tpu.vector_load %arg10[%get3A_712, %get3A_713] {strides = array<i32>} : memref<100x64xf32, #tpu.memory_space<vmem>>, vector<1x16xf32>,
        %get3A_715 = vector.shape_cast %get3A_714 : vector<1x16xf32> to vector<16xf32>
        %add3A_716 = arith.addf %get3A_711, %get3A_715 : vector<16xf32>
        %max3A_717 = arith.constant 0.000000e+00 : f32
        %max3A_718 = vector.broadcast %max3A_717 : f32 to vector<16xf32>
        %max3A_719 = arith.maximumf %add3A_716, %max3A_718 : vector<16xf32>
        %swap3A_720 = arith.index_cast %add3A_673 : i32 to index
        %swap3A_721 = arith.constant 32 : index
        %swap3A_722 = tpu.vector_load %arg9[%swap3A_720, %swap3A_721] {strides = array<i32>} : memref<100x64xf32, #tpu.memory_space<vmem>>, vector<1x16xf32>,
        %swap3A_723 = vector.shape_cast %swap3A_722 : vector<1x16xf32> to vector<16xf32>
        %swap3A_724 = vector.shape_cast %max3A_719 : vector<16xf32> to vector<1x16xf32>
        tpu.vector_store %arg9[%swap3A_720, %swap3A_721], %swap3A_724 {strides = array<i32>} : memref<100x64xf32, #tpu.memory_space<vmem>>, vector<1x16xf32>,
        %get3A_725 = arith.index_cast %add3A_673 : i32 to index
        %get3A_726 = arith.constant 48 : index
        %get3A_727 = tpu.vector_load %arg9[%get3A_725, %get3A_726] {strides = array<i32>} : memref<100x64xf32, #tpu.memory_space<vmem>>, vector<1x16xf32>,
        %get3A_728 = vector.shape_cast %get3A_727 : vector<1x16xf32> to vector<16xf32>
        %get3A_729 = arith.index_cast %add3A_673 : i32 to index
        %get3A_730 = arith.constant 48 : index
        %get3A_731 = tpu.vector_load %arg10[%get3A_729, %get3A_730] {strides = array<i32>} : memref<100x64xf32, #tpu.memory_space<vmem>>, vector<1x16xf32>,
        %get3A_732 = vector.shape_cast %get3A_731 : vector<1x16xf32> to vector<16xf32>
        %add3A_733 = arith.addf %get3A_728, %get3A_732 : vector<16xf32>
        %max3A_734 = arith.constant 0.000000e+00 : f32
        %max3A_735 = vector.broadcast %max3A_734 : f32 to vector<16xf32>
        %max3A_736 = arith.maximumf %add3A_733, %max3A_735 : vector<16xf32>
        %swap3A_737 = arith.index_cast %add3A_673 : i32 to index
        %swap3A_738 = arith.constant 48 : index
        %swap3A_739 = tpu.vector_load %arg9[%swap3A_737, %swap3A_738] {strides = array<i32>} : memref<100x64xf32, #tpu.memory_space<vmem>>, vector<1x16xf32>,
        %swap3A_740 = vector.shape_cast %swap3A_739 : vector<1x16xf32> to vector<16xf32>
        %swap3A_741 = vector.shape_cast %max3A_736 : vector<16xf32> to vector<1x16xf32>
        tpu.vector_store %arg9[%swap3A_737, %swap3A_738], %swap3A_741 {strides = array<i32>} : memref<100x64xf32, #tpu.memory_space<vmem>>, vector<1x16xf32>,
        %mul3A_742 = arith.constant 5 : i32
        %mul3A_743 = arith.muli %scan3A_456, %mul3A_742 : i32
        %add3A_744 = arith.constant 4 : i32
        %add3A_745 = arith.addi %mul3A_743, %add3A_744 : i32
        %get3A_746 = arith.index_cast %add3A_745 : i32 to index
        %get3A_747 = arith.constant 0 : index
        %get3A_748 = tpu.vector_load %arg9[%get3A_746, %get3A_747] {strides = array<i32>} : memref<100x64xf32, #tpu.memory_space<vmem>>, vector<1x16xf32>,
        %get3A_749 = vector.shape_cast %get3A_748 : vector<1x16xf32> to vector<16xf32>
        %get3A_750 = arith.index_cast %add3A_745 : i32 to index
        %get3A_751 = arith.constant 0 : index
        %get3A_752 = tpu.vector_load %arg10[%get3A_750, %get3A_751] {strides = array<i32>} : memref<100x64xf32, #tpu.memory_space<vmem>>, vector<1x16xf32>,
        %get3A_753 = vector.shape_cast %get3A_752 : vector<1x16xf32> to vector<16xf32>
        %add3A_754 = arith.addf %get3A_749, %get3A_753 : vector<16xf32>
        %max3A_755 = arith.constant 0.000000e+00 : f32
        %max3A_756 = vector.broadcast %max3A_755 : f32 to vector<16xf32>
        %max3A_757 = arith.maximumf %add3A_754, %max3A_756 : vector<16xf32>
        %swap3A_758 = arith.index_cast %add3A_745 : i32 to index
        %swap3A_759 = arith.constant 0 : index
        %swap3A_760 = tpu.vector_load %arg9[%swap3A_758, %swap3A_759] {strides = array<i32>} : memref<100x64xf32, #tpu.memory_space<vmem>>, vector<1x16xf32>,
        %swap3A_761 = vector.shape_cast %swap3A_760 : vector<1x16xf32> to vector<16xf32>
        %swap3A_762 = vector.shape_cast %max3A_757 : vector<16xf32> to vector<1x16xf32>
        tpu.vector_store %arg9[%swap3A_758, %swap3A_759], %swap3A_762 {strides = array<i32>} : memref<100x64xf32, #tpu.memory_space<vmem>>, vector<1x16xf32>,
        %get3A_763 = arith.index_cast %add3A_745 : i32 to index
        %get3A_764 = arith.constant 16 : index
        %get3A_765 = tpu.vector_load %arg9[%get3A_763, %get3A_764] {strides = array<i32>} : memref<100x64xf32, #tpu.memory_space<vmem>>, vector<1x16xf32>,
        %get3A_766 = vector.shape_cast %get3A_765 : vector<1x16xf32> to vector<16xf32>
        %get3A_767 = arith.index_cast %add3A_745 : i32 to index
        %get3A_768 = arith.constant 16 : index
        %get3A_769 = tpu.vector_load %arg10[%get3A_767, %get3A_768] {strides = array<i32>} : memref<100x64xf32, #tpu.memory_space<vmem>>, vector<1x16xf32>,
        %get3A_770 = vector.shape_cast %get3A_769 : vector<1x16xf32> to vector<16xf32>
        %add3A_771 = arith.addf %get3A_766, %get3A_770 : vector<16xf32>
        %max3A_772 = arith.constant 0.000000e+00 : f32
        %max3A_773 = vector.broadcast %max3A_772 : f32 to vector<16xf32>
        %max3A_774 = arith.maximumf %add3A_771, %max3A_773 : vector<16xf32>
        %swap3A_775 = arith.index_cast %add3A_745 : i32 to index
        %swap3A_776 = arith.constant 16 : index
        %swap3A_777 = tpu.vector_load %arg9[%swap3A_775, %swap3A_776] {strides = array<i32>} : memref<100x64xf32, #tpu.memory_space<vmem>>, vector<1x16xf32>,
        %swap3A_778 = vector.shape_cast %swap3A_777 : vector<1x16xf32> to vector<16xf32>
        %swap3A_779 = vector.shape_cast %max3A_774 : vector<16xf32> to vector<1x16xf32>
        tpu.vector_store %arg9[%swap3A_775, %swap3A_776], %swap3A_779 {strides = array<i32>} : memref<100x64xf32, #tpu.memory_space<vmem>>, vector<1x16xf32>,
        %get3A_780 = arith.index_cast %add3A_745 : i32 to index
        %get3A_781 = arith.constant 32 : index
        %get3A_782 = tpu.vector_load %arg9[%get3A_780, %get3A_781] {strides = array<i32>} : memref<100x64xf32, #tpu.memory_space<vmem>>, vector<1x16xf32>,
        %get3A_783 = vector.shape_cast %get3A_782 : vector<1x16xf32> to vector<16xf32>
        %get3A_784 = arith.index_cast %add3A_745 : i32 to index
        %get3A_785 = arith.constant 32 : index
        %get3A_786 = tpu.vector_load %arg10[%get3A_784, %get3A_785] {strides = array<i32>} : memref<100x64xf32, #tpu.memory_space<vmem>>, vector<1x16xf32>,
        %get3A_787 = vector.shape_cast %get3A_786 : vector<1x16xf32> to vector<16xf32>
        %add3A_788 = arith.addf %get3A_783, %get3A_787 : vector<16xf32>
        %max3A_789 = arith.constant 0.000000e+00 : f32
        %max3A_790 = vector.broadcast %max3A_789 : f32 to vector<16xf32>
        %max3A_791 = arith.maximumf %add3A_788, %max3A_790 : vector<16xf32>
        %swap3A_792 = arith.index_cast %add3A_745 : i32 to index
        %swap3A_793 = arith.constant 32 : index
        %swap3A_794 = tpu.vector_load %arg9[%swap3A_792, %swap3A_793] {strides = array<i32>} : memref<100x64xf32, #tpu.memory_space<vmem>>, vector<1x16xf32>,
        %swap3A_795 = vector.shape_cast %swap3A_794 : vector<1x16xf32> to vector<16xf32>
        %swap3A_796 = vector.shape_cast %max3A_791 : vector<16xf32> to vector<1x16xf32>
        tpu.vector_store %arg9[%swap3A_792, %swap3A_793], %swap3A_796 {strides = array<i32>} : memref<100x64xf32, #tpu.memory_space<vmem>>, vector<1x16xf32>,
        %get3A_797 = arith.index_cast %add3A_745 : i32 to index
        %get3A_798 = arith.constant 48 : index
        %get3A_799 = tpu.vector_load %arg9[%get3A_797, %get3A_798] {strides = array<i32>} : memref<100x64xf32, #tpu.memory_space<vmem>>, vector<1x16xf32>,
        %get3A_800 = vector.shape_cast %get3A_799 : vector<1x16xf32> to vector<16xf32>
        %get3A_801 = arith.index_cast %add3A_745 : i32 to index
        %get3A_802 = arith.constant 48 : index
        %get3A_803 = tpu.vector_load %arg10[%get3A_801, %get3A_802] {strides = array<i32>} : memref<100x64xf32, #tpu.memory_space<vmem>>, vector<1x16xf32>,
        %get3A_804 = vector.shape_cast %get3A_803 : vector<1x16xf32> to vector<16xf32>
        %add3A_805 = arith.addf %get3A_800, %get3A_804 : vector<16xf32>
        %max3A_806 = arith.constant 0.000000e+00 : f32
        %max3A_807 = vector.broadcast %max3A_806 : f32 to vector<16xf32>
        %max3A_808 = arith.maximumf %add3A_805, %max3A_807 : vector<16xf32>
        %swap3A_809 = arith.index_cast %add3A_745 : i32 to index
        %swap3A_810 = arith.constant 48 : index
        %swap3A_811 = tpu.vector_load %arg9[%swap3A_809, %swap3A_810] {strides = array<i32>} : memref<100x64xf32, #tpu.memory_space<vmem>>, vector<1x16xf32>,
        %swap3A_812 = vector.shape_cast %swap3A_811 : vector<1x16xf32> to vector<16xf32>
        %swap3A_813 = vector.shape_cast %max3A_808 : vector<16xf32> to vector<1x16xf32>
        tpu.vector_store %arg9[%swap3A_809, %swap3A_810], %swap3A_813 {strides = array<i32>} : memref<100x64xf32, #tpu.memory_space<vmem>>, vector<1x16xf32>,
      }
      %scan3A_399 = arith.constant 20 : i32
      %dma_start3A_400 = arith.constant 0 : i32
      %dma_start3A_401 = tpu.memref_slice %arg8[%mul3A_370, %dma_start3A_400] : memref<200x100xi32, #tpu.memory_space<vmem>> -> memref<1x100xi32, #tpu.memory_space<vmem>>
      %dma_start3A_402 = tpu.memref_squeeze %dma_start3A_401 : memref<1x100xi32, #tpu.memory_space<vmem>> -> memref<100xi32, #tpu.memory_space<vmem>>
      %dma_start3A_403 = arith.constant 0 : i32
      %dma_start3A_404 = arith.constant 0 : i32
      %dma_start3A_405 = tpu.memref_slice %arg13[%dma_start3A_403, %dma_start3A_404] : memref<10112x64xf32, #tpu.memory_space<vmem_shared>> -> memref<10112x64xf32, #tpu.memory_space<vmem_shared>>
      tpu.enqueue_indirect_dma source(%arg9 : memref<100x64xf32, #tpu.memory_space<vmem>>) target(%dma_start3A_405 : memref<10112x64xf32, #tpu.memory_space<vmem_shared>>) offsets(%dma_start3A_402 : memref<100xi32, #tpu.memory_space<vmem>>) semaphore(%arg16 : memref<!tpu.dma_semaphore, #tpu.memory_space<semaphore_mem>>) {add = true}
      %dma_wait3A_406 = arith.constant 0 : i32
      %dma_wait3A_407 = tpu.memref_slice %arg7[%add3A_374, %dma_wait3A_406] : memref<200x100xi32, #tpu.memory_space<vmem>> -> memref<1x100xi32, #tpu.memory_space<vmem>>
      %dma_wait3A_408 = tpu.memref_squeeze %dma_wait3A_407 : memref<1x100xi32, #tpu.memory_space<vmem>> -> memref<100xi32, #tpu.memory_space<vmem>>
      %dma_wait3A_409 = arith.constant 0 : i32
      %dma_wait3A_410 = arith.constant 0 : i32
      %dma_wait3A_411 = tpu.memref_slice %arg2[%arg0, %dma_wait3A_409, %dma_wait3A_410] : memref<2x10000x64xf32, #tpu.memory_space<hbm>> -> memref<1x10000x64xf32, #tpu.memory_space<hbm>>
      %dma_wait3A_412 = tpu.memref_squeeze %dma_wait3A_411 : memref<1x10000x64xf32, #tpu.memory_space<hbm>> -> memref<10000x64xf32, #tpu.memory_space<hbm>>
      %dma_wait3A_413 = arith.constant 0 : i32
      %dma_wait3A_414 = arith.constant 0 : i32
      %dma_wait3A_415 = tpu.memref_slice %dma_wait3A_412[%dma_wait3A_413, %dma_wait3A_414] : memref<10000x64xf32, #tpu.memory_space<hbm>> -> memref<10000x64xf32, #tpu.memory_space<hbm>>
      tpu.wait_indirect_dma semaphore(%arg15 : memref<!tpu.dma_semaphore, #tpu.memory_space<semaphore_mem>>) src(%dma_wait3A_415 : memref<10000x64xf32, #tpu.memory_space<hbm>>) dst(%arg12 : memref<100x64xf32, #tpu.memory_space<vmem>>)
      %mul3A_416 = arith.constant 20000 : i32
      %mul3A_417 = arith.muli %arg1, %mul3A_416 : i32
      %mul3A_418 = arith.constant 100 : i32
      %mul3A_419 = arith.muli %add3A_374, %mul3A_418 : i32
      %add3A_420 = arith.addi %mul3A_417, %mul3A_419 : i32
      %mul3A_421 = arith.constant 64 : i32
      %mul3A_422 = arith.muli %arg0, %mul3A_421 : i32
      %dma_wait3A_423 = tpu.memref_slice %arg3[%add3A_420, %mul3A_422] : memref<320000x128xf32, #tpu.memory_space<hbm>> -> memref<100x64xf32, #tpu.memory_space<hbm>>
      %dma_wait3A_424 = tpu.memref_slice %arg3[%add3A_420, %mul3A_422] : memref<320000x128xf32, #tpu.memory_space<hbm>> -> memref<100x64xf32, #tpu.memory_space<hbm>>
      tpu.wait_dma2 semaphore(%arg15 : memref<!tpu.dma_semaphore, #tpu.memory_space<semaphore_mem>>) src(%dma_wait3A_424 : memref<100x64xf32, #tpu.memory_space<hbm>>) dst(%arg11 : memref<100x64xf32, #tpu.memory_space<vmem>>)
      %scan3A_425 = arith.constant 0 : i32
      %scan3A_426 = arith.constant 0 : i32
      %scan3A_427 = arith.constant 20 : i32
      %scan3A_428 = arith.addi %scan3A_426, %scan3A_427 : i32
      %scan3A_429 = arith.constant 1 : i32
      scf.for %scan3A_456 = %scan3A_426 to %scan3A_428 step %scan3A_429  : i32 {
        %mul3A_457 = arith.constant 5 : i32
        %mul3A_458 = arith.muli %scan3A_456, %mul3A_457 : i32
        %add3A_459 = arith.constant 0 : i32
        %add3A_460 = arith.addi %mul3A_458, %add3A_459 : i32
        %get3A = arith.index_cast %add3A_460 : i32 to index
        %get3A_461 = arith.constant 0 : index
        %get3A_462 = tpu.vector_load %arg11[%get3A, %get3A_461] {strides = array<i32>} : memref<100x64xf32, #tpu.memory_space<vmem>>, vector<1x16xf32>,
        %get3A_463 = vector.shape_cast %get3A_462 : vector<1x16xf32> to vector<16xf32>
        %get3A_464 = arith.index_cast %add3A_460 : i32 to index
        %get3A_465 = arith.constant 0 : index
        %get3A_466 = tpu.vector_load %arg12[%get3A_464, %get3A_465] {strides = array<i32>} : memref<100x64xf32, #tpu.memory_space<vmem>>, vector<1x16xf32>,
        %get3A_467 = vector.shape_cast %get3A_466 : vector<1x16xf32> to vector<16xf32>
        %add3A_468 = arith.addf %get3A_463, %get3A_467 : vector<16xf32>
        %max3A = arith.constant 0.000000e+00 : f32
        %max3A_469 = vector.broadcast %max3A : f32 to vector<16xf32>
        %max3A_470 = arith.maximumf %add3A_468, %max3A_469 : vector<16xf32>
        %swap3A = arith.index_cast %add3A_460 : i32 to index
        %swap3A_471 = arith.constant 0 : index
        %swap3A_472 = tpu.vector_load %arg11[%swap3A, %swap3A_471] {strides = array<i32>} : memref<100x64xf32, #tpu.memory_space<vmem>>, vector<1x16xf32>,
        %swap3A_473 = vector.shape_cast %swap3A_472 : vector<1x16xf32> to vector<16xf32>
        %swap3A_474 = vector.shape_cast %max3A_470 : vector<16xf32> to vector<1x16xf32>
        tpu.vector_store %arg11[%swap3A, %swap3A_471], %swap3A_474 {strides = array<i32>} : memref<100x64xf32, #tpu.memory_space<vmem>>, vector<1x16xf32>,
        %get3A_475 = arith.index_cast %add3A_460 : i32 to index
        %get3A_476 = arith.constant 16 : index
        %get3A_477 = tpu.vector_load %arg11[%get3A_475, %get3A_476] {strides = array<i32>} : memref<100x64xf32, #tpu.memory_space<vmem>>, vector<1x16xf32>,
        %get3A_478 = vector.shape_cast %get3A_477 : vector<1x16xf32> to vector<16xf32>
        %get3A_479 = arith.index_cast %add3A_460 : i32 to index
        %get3A_480 = arith.constant 16 : index
        %get3A_481 = tpu.vector_load %arg12[%get3A_479, %get3A_480] {strides = array<i32>} : memref<100x64xf32, #tpu.memory_space<vmem>>, vector<1x16xf32>,
        %get3A_482 = vector.shape_cast %get3A_481 : vector<1x16xf32> to vector<16xf32>
        %add3A_483 = arith.addf %get3A_478, %get3A_482 : vector<16xf32>
        %max3A_484 = arith.constant 0.000000e+00 : f32
        %max3A_485 = vector.broadcast %max3A_484 : f32 to vector<16xf32>
        %max3A_486 = arith.maximumf %add3A_483, %max3A_485 : vector<16xf32>
        %swap3A_487 = arith.index_cast %add3A_460 : i32 to index
        %swap3A_488 = arith.constant 16 : index
        %swap3A_489 = tpu.vector_load %arg11[%swap3A_487, %swap3A_488] {strides = array<i32>} : memref<100x64xf32, #tpu.memory_space<vmem>>, vector<1x16xf32>,
        %swap3A_490 = vector.shape_cast %swap3A_489 : vector<1x16xf32> to vector<16xf32>
        %swap3A_491 = vector.shape_cast %max3A_486 : vector<16xf32> to vector<1x16xf32>
        tpu.vector_store %arg11[%swap3A_487, %swap3A_488], %swap3A_491 {strides = array<i32>} : memref<100x64xf32, #tpu.memory_space<vmem>>, vector<1x16xf32>,
        %get3A_492 = arith.index_cast %add3A_460 : i32 to index
        %get3A_493 = arith.constant 32 : index
        %get3A_494 = tpu.vector_load %arg11[%get3A_492, %get3A_493] {strides = array<i32>} : memref<100x64xf32, #tpu.memory_space<vmem>>, vector<1x16xf32>,
        %get3A_495 = vector.shape_cast %get3A_494 : vector<1x16xf32> to vector<16xf32>
        %get3A_496 = arith.index_cast %add3A_460 : i32 to index
        %get3A_497 = arith.constant 32 : index
        %get3A_498 = tpu.vector_load %arg12[%get3A_496, %get3A_497] {strides = array<i32>} : memref<100x64xf32, #tpu.memory_space<vmem>>, vector<1x16xf32>,
        %get3A_499 = vector.shape_cast %get3A_498 : vector<1x16xf32> to vector<16xf32>
        %add3A_500 = arith.addf %get3A_495, %get3A_499 : vector<16xf32>
        %max3A_501 = arith.constant 0.000000e+00 : f32
        %max3A_502 = vector.broadcast %max3A_501 : f32 to vector<16xf32>
        %max3A_503 = arith.maximumf %add3A_500, %max3A_502 : vector<16xf32>
        %swap3A_504 = arith.index_cast %add3A_460 : i32 to index
        %swap3A_505 = arith.constant 32 : index
        %swap3A_506 = tpu.vector_load %arg11[%swap3A_504, %swap3A_505] {strides = array<i32>} : memref<100x64xf32, #tpu.memory_space<vmem>>, vector<1x16xf32>,
        %swap3A_507 = vector.shape_cast %swap3A_506 : vector<1x16xf32> to vector<16xf32>
        %swap3A_508 = vector.shape_cast %max3A_503 : vector<16xf32> to vector<1x16xf32>
        tpu.vector_store %arg11[%swap3A_504, %swap3A_505], %swap3A_508 {strides = array<i32>} : memref<100x64xf32, #tpu.memory_space<vmem>>, vector<1x16xf32>,
        %get3A_509 = arith.index_cast %add3A_460 : i32 to index
        %get3A_510 = arith.constant 48 : index
        %get3A_511 = tpu.vector_load %arg11[%get3A_509, %get3A_510] {strides = array<i32>} : memref<100x64xf32, #tpu.memory_space<vmem>>, vector<1x16xf32>,
        %get3A_512 = vector.shape_cast %get3A_511 : vector<1x16xf32> to vector<16xf32>
        %get3A_513 = arith.index_cast %add3A_460 : i32 to index
        %get3A_514 = arith.constant 48 : index
        %get3A_515 = tpu.vector_load %arg12[%get3A_513, %get3A_514] {strides = array<i32>} : memref<100x64xf32, #tpu.memory_space<vmem>>, vector<1x16xf32>,
        %get3A_516 = vector.shape_cast %get3A_515 : vector<1x16xf32> to vector<16xf32>
        %add3A_517 = arith.addf %get3A_512, %get3A_516 : vector<16xf32>
        %max3A_518 = arith.constant 0.000000e+00 : f32
        %max3A_519 = vector.broadcast %max3A_518 : f32 to vector<16xf32>
        %max3A_520 = arith.maximumf %add3A_517, %max3A_519 : vector<16xf32>
        %swap3A_521 = arith.index_cast %add3A_460 : i32 to index
        %swap3A_522 = arith.constant 48 : index
        %swap3A_523 = tpu.vector_load %arg11[%swap3A_521, %swap3A_522] {strides = array<i32>} : memref<100x64xf32, #tpu.memory_space<vmem>>, vector<1x16xf32>,
        %swap3A_524 = vector.shape_cast %swap3A_523 : vector<1x16xf32> to vector<16xf32>
        %swap3A_525 = vector.shape_cast %max3A_520 : vector<16xf32> to vector<1x16xf32>
        tpu.vector_store %arg11[%swap3A_521, %swap3A_522], %swap3A_525 {strides = array<i32>} : memref<100x64xf32, #tpu.memory_space<vmem>>, vector<1x16xf32>,
        %mul3A_526 = arith.constant 5 : i32
        %mul3A_527 = arith.muli %scan3A_456, %mul3A_526 : i32
        %add3A_528 = arith.constant 1 : i32
        %add3A_529 = arith.addi %mul3A_527, %add3A_528 : i32
        %get3A_530 = arith.index_cast %add3A_529 : i32 to index
        %get3A_531 = arith.constant 0 : index
        %get3A_532 = tpu.vector_load %arg11[%get3A_530, %get3A_531] {strides = array<i32>} : memref<100x64xf32, #tpu.memory_space<vmem>>, vector<1x16xf32>,
        %get3A_533 = vector.shape_cast %get3A_532 : vector<1x16xf32> to vector<16xf32>
        %get3A_534 = arith.index_cast %add3A_529 : i32 to index
        %get3A_535 = arith.constant 0 : index
        %get3A_536 = tpu.vector_load %arg12[%get3A_534, %get3A_535] {strides = array<i32>} : memref<100x64xf32, #tpu.memory_space<vmem>>, vector<1x16xf32>,
        %get3A_537 = vector.shape_cast %get3A_536 : vector<1x16xf32> to vector<16xf32>
        %add3A_538 = arith.addf %get3A_533, %get3A_537 : vector<16xf32>
        %max3A_539 = arith.constant 0.000000e+00 : f32
        %max3A_540 = vector.broadcast %max3A_539 : f32 to vector<16xf32>
        %max3A_541 = arith.maximumf %add3A_538, %max3A_540 : vector<16xf32>
        %swap3A_542 = arith.index_cast %add3A_529 : i32 to index
        %swap3A_543 = arith.constant 0 : index
        %swap3A_544 = tpu.vector_load %arg11[%swap3A_542, %swap3A_543] {strides = array<i32>} : memref<100x64xf32, #tpu.memory_space<vmem>>, vector<1x16xf32>,
        %swap3A_545 = vector.shape_cast %swap3A_544 : vector<1x16xf32> to vector<16xf32>
        %swap3A_546 = vector.shape_cast %max3A_541 : vector<16xf32> to vector<1x16xf32>
        tpu.vector_store %arg11[%swap3A_542, %swap3A_543], %swap3A_546 {strides = array<i32>} : memref<100x64xf32, #tpu.memory_space<vmem>>, vector<1x16xf32>,
        %get3A_547 = arith.index_cast %add3A_529 : i32 to index
        %get3A_548 = arith.constant 16 : index
        %get3A_549 = tpu.vector_load %arg11[%get3A_547, %get3A_548] {strides = array<i32>} : memref<100x64xf32, #tpu.memory_space<vmem>>, vector<1x16xf32>,
        %get3A_550 = vector.shape_cast %get3A_549 : vector<1x16xf32> to vector<16xf32>
        %get3A_551 = arith.index_cast %add3A_529 : i32 to index
        %get3A_552 = arith.constant 16 : index
        %get3A_553 = tpu.vector_load %arg12[%get3A_551, %get3A_552] {strides = array<i32>} : memref<100x64xf32, #tpu.memory_space<vmem>>, vector<1x16xf32>,
        %get3A_554 = vector.shape_cast %get3A_553 : vector<1x16xf32> to vector<16xf32>
        %add3A_555 = arith.addf %get3A_550, %get3A_554 : vector<16xf32>
        %max3A_556 = arith.constant 0.000000e+00 : f32
        %max3A_557 = vector.broadcast %max3A_556 : f32 to vector<16xf32>
        %max3A_558 = arith.maximumf %add3A_555, %max3A_557 : vector<16xf32>
        %swap3A_559 = arith.index_cast %add3A_529 : i32 to index
        %swap3A_560 = arith.constant 16 : index
        %swap3A_561 = tpu.vector_load %arg11[%swap3A_559, %swap3A_560] {strides = array<i32>} : memref<100x64xf32, #tpu.memory_space<vmem>>, vector<1x16xf32>,
        %swap3A_562 = vector.shape_cast %swap3A_561 : vector<1x16xf32> to vector<16xf32>
        %swap3A_563 = vector.shape_cast %max3A_558 : vector<16xf32> to vector<1x16xf32>
        tpu.vector_store %arg11[%swap3A_559, %swap3A_560], %swap3A_563 {strides = array<i32>} : memref<100x64xf32, #tpu.memory_space<vmem>>, vector<1x16xf32>,
        %get3A_564 = arith.index_cast %add3A_529 : i32 to index
        %get3A_565 = arith.constant 32 : index
        %get3A_566 = tpu.vector_load %arg11[%get3A_564, %get3A_565] {strides = array<i32>} : memref<100x64xf32, #tpu.memory_space<vmem>>, vector<1x16xf32>,
        %get3A_567 = vector.shape_cast %get3A_566 : vector<1x16xf32> to vector<16xf32>
        %get3A_568 = arith.index_cast %add3A_529 : i32 to index
        %get3A_569 = arith.constant 32 : index
        %get3A_570 = tpu.vector_load %arg12[%get3A_568, %get3A_569] {strides = array<i32>} : memref<100x64xf32, #tpu.memory_space<vmem>>, vector<1x16xf32>,
        %get3A_571 = vector.shape_cast %get3A_570 : vector<1x16xf32> to vector<16xf32>
        %add3A_572 = arith.addf %get3A_567, %get3A_571 : vector<16xf32>
        %max3A_573 = arith.constant 0.000000e+00 : f32
        %max3A_574 = vector.broadcast %max3A_573 : f32 to vector<16xf32>
        %max3A_575 = arith.maximumf %add3A_572, %max3A_574 : vector<16xf32>
        %swap3A_576 = arith.index_cast %add3A_529 : i32 to index
        %swap3A_577 = arith.constant 32 : index
        %swap3A_578 = tpu.vector_load %arg11[%swap3A_576, %swap3A_577] {strides = array<i32>} : memref<100x64xf32, #tpu.memory_space<vmem>>, vector<1x16xf32>,
        %swap3A_579 = vector.shape_cast %swap3A_578 : vector<1x16xf32> to vector<16xf32>
        %swap3A_580 = vector.shape_cast %max3A_575 : vector<16xf32> to vector<1x16xf32>
        tpu.vector_store %arg11[%swap3A_576, %swap3A_577], %swap3A_580 {strides = array<i32>} : memref<100x64xf32, #tpu.memory_space<vmem>>, vector<1x16xf32>,
        %get3A_581 = arith.index_cast %add3A_529 : i32 to index
        %get3A_582 = arith.constant 48 : index
        %get3A_583 = tpu.vector_load %arg11[%get3A_581, %get3A_582] {strides = array<i32>} : memref<100x64xf32, #tpu.memory_space<vmem>>, vector<1x16xf32>,
        %get3A_584 = vector.shape_cast %get3A_583 : vector<1x16xf32> to vector<16xf32>
        %get3A_585 = arith.index_cast %add3A_529 : i32 to index
        %get3A_586 = arith.constant 48 : index
        %get3A_587 = tpu.vector_load %arg12[%get3A_585, %get3A_586] {strides = array<i32>} : memref<100x64xf32, #tpu.memory_space<vmem>>, vector<1x16xf32>,
        %get3A_588 = vector.shape_cast %get3A_587 : vector<1x16xf32> to vector<16xf32>
        %add3A_589 = arith.addf %get3A_584, %get3A_588 : vector<16xf32>
        %max3A_590 = arith.constant 0.000000e+00 : f32
        %max3A_591 = vector.broadcast %max3A_590 : f32 to vector<16xf32>
        %max3A_592 = arith.maximumf %add3A_589, %max3A_591 : vector<16xf32>
        %swap3A_593 = arith.index_cast %add3A_529 : i32 to index
        %swap3A_594 = arith.constant 48 : index
        %swap3A_595 = tpu.vector_load %arg11[%swap3A_593, %swap3A_594] {strides = array<i32>} : memref<100x64xf32, #tpu.memory_space<vmem>>, vector<1x16xf32>,
        %swap3A_596 = vector.shape_cast %swap3A_595 : vector<1x16xf32> to vector<16xf32>
        %swap3A_597 = vector.shape_cast %max3A_592 : vector<16xf32> to vector<1x16xf32>
        tpu.vector_store %arg11[%swap3A_593, %swap3A_594], %swap3A_597 {strides = array<i32>} : memref<100x64xf32, #tpu.memory_space<vmem>>, vector<1x16xf32>,
        %mul3A_598 = arith.constant 5 : i32
        %mul3A_599 = arith.muli %scan3A_456, %mul3A_598 : i32
        %add3A_600 = arith.constant 2 : i32
        %add3A_601 = arith.addi %mul3A_599, %add3A_600 : i32
        %get3A_602 = arith.index_cast %add3A_601 : i32 to index
        %get3A_603 = arith.constant 0 : index
        %get3A_604 = tpu.vector_load %arg11[%get3A_602, %get3A_603] {strides = array<i32>} : memref<100x64xf32, #tpu.memory_space<vmem>>, vector<1x16xf32>,
        %get3A_605 = vector.shape_cast %get3A_604 : vector<1x16xf32> to vector<16xf32>
        %get3A_606 = arith.index_cast %add3A_601 : i32 to index
        %get3A_607 = arith.constant 0 : index
        %get3A_608 = tpu.vector_load %arg12[%get3A_606, %get3A_607] {strides = array<i32>} : memref<100x64xf32, #tpu.memory_space<vmem>>, vector<1x16xf32>,
        %get3A_609 = vector.shape_cast %get3A_608 : vector<1x16xf32> to vector<16xf32>
        %add3A_610 = arith.addf %get3A_605, %get3A_609 : vector<16xf32>
        %max3A_611 = arith.constant 0.000000e+00 : f32
        %max3A_612 = vector.broadcast %max3A_611 : f32 to vector<16xf32>
        %max3A_613 = arith.maximumf %add3A_610, %max3A_612 : vector<16xf32>
        %swap3A_614 = arith.index_cast %add3A_601 : i32 to index
        %swap3A_615 = arith.constant 0 : index
        %swap3A_616 = tpu.vector_load %arg11[%swap3A_614, %swap3A_615] {strides = array<i32>} : memref<100x64xf32, #tpu.memory_space<vmem>>, vector<1x16xf32>,
        %swap3A_617 = vector.shape_cast %swap3A_616 : vector<1x16xf32> to vector<16xf32>
        %swap3A_618 = vector.shape_cast %max3A_613 : vector<16xf32> to vector<1x16xf32>
        tpu.vector_store %arg11[%swap3A_614, %swap3A_615], %swap3A_618 {strides = array<i32>} : memref<100x64xf32, #tpu.memory_space<vmem>>, vector<1x16xf32>,
        %get3A_619 = arith.index_cast %add3A_601 : i32 to index
        %get3A_620 = arith.constant 16 : index
        %get3A_621 = tpu.vector_load %arg11[%get3A_619, %get3A_620] {strides = array<i32>} : memref<100x64xf32, #tpu.memory_space<vmem>>, vector<1x16xf32>,
        %get3A_622 = vector.shape_cast %get3A_621 : vector<1x16xf32> to vector<16xf32>
        %get3A_623 = arith.index_cast %add3A_601 : i32 to index
        %get3A_624 = arith.constant 16 : index
        %get3A_625 = tpu.vector_load %arg12[%get3A_623, %get3A_624] {strides = array<i32>} : memref<100x64xf32, #tpu.memory_space<vmem>>, vector<1x16xf32>,
        %get3A_626 = vector.shape_cast %get3A_625 : vector<1x16xf32> to vector<16xf32>
        %add3A_627 = arith.addf %get3A_622, %get3A_626 : vector<16xf32>
        %max3A_628 = arith.constant 0.000000e+00 : f32
        %max3A_629 = vector.broadcast %max3A_628 : f32 to vector<16xf32>
        %max3A_630 = arith.maximumf %add3A_627, %max3A_629 : vector<16xf32>
        %swap3A_631 = arith.index_cast %add3A_601 : i32 to index
        %swap3A_632 = arith.constant 16 : index
        %swap3A_633 = tpu.vector_load %arg11[%swap3A_631, %swap3A_632] {strides = array<i32>} : memref<100x64xf32, #tpu.memory_space<vmem>>, vector<1x16xf32>,
        %swap3A_634 = vector.shape_cast %swap3A_633 : vector<1x16xf32> to vector<16xf32>
        %swap3A_635 = vector.shape_cast %max3A_630 : vector<16xf32> to vector<1x16xf32>
        tpu.vector_store %arg11[%swap3A_631, %swap3A_632], %swap3A_635 {strides = array<i32>} : memref<100x64xf32, #tpu.memory_space<vmem>>, vector<1x16xf32>,
        %get3A_636 = arith.index_cast %add3A_601 : i32 to index
        %get3A_637 = arith.constant 32 : index
        %get3A_638 = tpu.vector_load %arg11[%get3A_636, %get3A_637] {strides = array<i32>} : memref<100x64xf32, #tpu.memory_space<vmem>>, vector<1x16xf32>,
        %get3A_639 = vector.shape_cast %get3A_638 : vector<1x16xf32> to vector<16xf32>
        %get3A_640 = arith.index_cast %add3A_601 : i32 to index
        %get3A_641 = arith.constant 32 : index
        %get3A_642 = tpu.vector_load %arg12[%get3A_640, %get3A_641] {strides = array<i32>} : memref<100x64xf32, #tpu.memory_space<vmem>>, vector<1x16xf32>,
        %get3A_643 = vector.shape_cast %get3A_642 : vector<1x16xf32> to vector<16xf32>
        %add3A_644 = arith.addf %get3A_639, %get3A_643 : vector<16xf32>
        %max3A_645 = arith.constant 0.000000e+00 : f32
        %max3A_646 = vector.broadcast %max3A_645 : f32 to vector<16xf32>
        %max3A_647 = arith.maximumf %add3A_644, %max3A_646 : vector<16xf32>
        %swap3A_648 = arith.index_cast %add3A_601 : i32 to index
        %swap3A_649 = arith.constant 32 : index
        %swap3A_650 = tpu.vector_load %arg11[%swap3A_648, %swap3A_649] {strides = array<i32>} : memref<100x64xf32, #tpu.memory_space<vmem>>, vector<1x16xf32>,
        %swap3A_651 = vector.shape_cast %swap3A_650 : vector<1x16xf32> to vector<16xf32>
        %swap3A_652 = vector.shape_cast %max3A_647 : vector<16xf32> to vector<1x16xf32>
        tpu.vector_store %arg11[%swap3A_648, %swap3A_649], %swap3A_652 {strides = array<i32>} : memref<100x64xf32, #tpu.memory_space<vmem>>, vector<1x16xf32>,
        %get3A_653 = arith.index_cast %add3A_601 : i32 to index
        %get3A_654 = arith.constant 48 : index
        %get3A_655 = tpu.vector_load %arg11[%get3A_653, %get3A_654] {strides = array<i32>} : memref<100x64xf32, #tpu.memory_space<vmem>>, vector<1x16xf32>,
        %get3A_656 = vector.shape_cast %get3A_655 : vector<1x16xf32> to vector<16xf32>
        %get3A_657 = arith.index_cast %add3A_601 : i32 to index
        %get3A_658 = arith.constant 48 : index
        %get3A_659 = tpu.vector_load %arg12[%get3A_657, %get3A_658] {strides = array<i32>} : memref<100x64xf32, #tpu.memory_space<vmem>>, vector<1x16xf32>,
        %get3A_660 = vector.shape_cast %get3A_659 : vector<1x16xf32> to vector<16xf32>
        %add3A_661 = arith.addf %get3A_656, %get3A_660 : vector<16xf32>
        %max3A_662 = arith.constant 0.000000e+00 : f32
        %max3A_663 = vector.broadcast %max3A_662 : f32 to vector<16xf32>
        %max3A_664 = arith.maximumf %add3A_661, %max3A_663 : vector<16xf32>
        %swap3A_665 = arith.index_cast %add3A_601 : i32 to index
        %swap3A_666 = arith.constant 48 : index
        %swap3A_667 = tpu.vector_load %arg11[%swap3A_665, %swap3A_666] {strides = array<i32>} : memref<100x64xf32, #tpu.memory_space<vmem>>, vector<1x16xf32>,
        %swap3A_668 = vector.shape_cast %swap3A_667 : vector<1x16xf32> to vector<16xf32>
        %swap3A_669 = vector.shape_cast %max3A_664 : vector<16xf32> to vector<1x16xf32>
        tpu.vector_store %arg11[%swap3A_665, %swap3A_666], %swap3A_669 {strides = array<i32>} : memref<100x64xf32, #tpu.memory_space<vmem>>, vector<1x16xf32>,
        %mul3A_670 = arith.constant 5 : i32
        %mul3A_671 = arith.muli %scan3A_456, %mul3A_670 : i32
        %add3A_672 = arith.constant 3 : i32
        %add3A_673 = arith.addi %mul3A_671, %add3A_672 : i32
        %get3A_674 = arith.index_cast %add3A_673 : i32 to index
        %get3A_675 = arith.constant 0 : index
        %get3A_676 = tpu.vector_load %arg11[%get3A_674, %get3A_675] {strides = array<i32>} : memref<100x64xf32, #tpu.memory_space<vmem>>, vector<1x16xf32>,
        %get3A_677 = vector.shape_cast %get3A_676 : vector<1x16xf32> to vector<16xf32>
        %get3A_678 = arith.index_cast %add3A_673 : i32 to index
        %get3A_679 = arith.constant 0 : index
        %get3A_680 = tpu.vector_load %arg12[%get3A_678, %get3A_679] {strides = array<i32>} : memref<100x64xf32, #tpu.memory_space<vmem>>, vector<1x16xf32>,
        %get3A_681 = vector.shape_cast %get3A_680 : vector<1x16xf32> to vector<16xf32>
        %add3A_682 = arith.addf %get3A_677, %get3A_681 : vector<16xf32>
        %max3A_683 = arith.constant 0.000000e+00 : f32
        %max3A_684 = vector.broadcast %max3A_683 : f32 to vector<16xf32>
        %max3A_685 = arith.maximumf %add3A_682, %max3A_684 : vector<16xf32>
        %swap3A_686 = arith.index_cast %add3A_673 : i32 to index
        %swap3A_687 = arith.constant 0 : index
        %swap3A_688 = tpu.vector_load %arg11[%swap3A_686, %swap3A_687] {strides = array<i32>} : memref<100x64xf32, #tpu.memory_space<vmem>>, vector<1x16xf32>,
        %swap3A_689 = vector.shape_cast %swap3A_688 : vector<1x16xf32> to vector<16xf32>
        %swap3A_690 = vector.shape_cast %max3A_685 : vector<16xf32> to vector<1x16xf32>
        tpu.vector_store %arg11[%swap3A_686, %swap3A_687], %swap3A_690 {strides = array<i32>} : memref<100x64xf32, #tpu.memory_space<vmem>>, vector<1x16xf32>,
        %get3A_691 = arith.index_cast %add3A_673 : i32 to index
        %get3A_692 = arith.constant 16 : index
        %get3A_693 = tpu.vector_load %arg11[%get3A_691, %get3A_692] {strides = array<i32>} : memref<100x64xf32, #tpu.memory_space<vmem>>, vector<1x16xf32>,
        %get3A_694 = vector.shape_cast %get3A_693 : vector<1x16xf32> to vector<16xf32>
        %get3A_695 = arith.index_cast %add3A_673 : i32 to index
        %get3A_696 = arith.constant 16 : index
        %get3A_697 = tpu.vector_load %arg12[%get3A_695, %get3A_696] {strides = array<i32>} : memref<100x64xf32, #tpu.memory_space<vmem>>, vector<1x16xf32>,
        %get3A_698 = vector.shape_cast %get3A_697 : vector<1x16xf32> to vector<16xf32>
        %add3A_699 = arith.addf %get3A_694, %get3A_698 : vector<16xf32>
        %max3A_700 = arith.constant 0.000000e+00 : f32
        %max3A_701 = vector.broadcast %max3A_700 : f32 to vector<16xf32>
        %max3A_702 = arith.maximumf %add3A_699, %max3A_701 : vector<16xf32>
        %swap3A_703 = arith.index_cast %add3A_673 : i32 to index
        %swap3A_704 = arith.constant 16 : index
        %swap3A_705 = tpu.vector_load %arg11[%swap3A_703, %swap3A_704] {strides = array<i32>} : memref<100x64xf32, #tpu.memory_space<vmem>>, vector<1x16xf32>,
        %swap3A_706 = vector.shape_cast %swap3A_705 : vector<1x16xf32> to vector<16xf32>
        %swap3A_707 = vector.shape_cast %max3A_702 : vector<16xf32> to vector<1x16xf32>
        tpu.vector_store %arg11[%swap3A_703, %swap3A_704], %swap3A_707 {strides = array<i32>} : memref<100x64xf32, #tpu.memory_space<vmem>>, vector<1x16xf32>,
        %get3A_708 = arith.index_cast %add3A_673 : i32 to index
        %get3A_709 = arith.constant 32 : index
        %get3A_710 = tpu.vector_load %arg11[%get3A_708, %get3A_709] {strides = array<i32>} : memref<100x64xf32, #tpu.memory_space<vmem>>, vector<1x16xf32>,
        %get3A_711 = vector.shape_cast %get3A_710 : vector<1x16xf32> to vector<16xf32>
        %get3A_712 = arith.index_cast %add3A_673 : i32 to index
        %get3A_713 = arith.constant 32 : index
        %get3A_714 = tpu.vector_load %arg12[%get3A_712, %get3A_713] {strides = array<i32>} : memref<100x64xf32, #tpu.memory_space<vmem>>, vector<1x16xf32>,
        %get3A_715 = vector.shape_cast %get3A_714 : vector<1x16xf32> to vector<16xf32>
        %add3A_716 = arith.addf %get3A_711, %get3A_715 : vector<16xf32>
        %max3A_717 = arith.constant 0.000000e+00 : f32
        %max3A_718 = vector.broadcast %max3A_717 : f32 to vector<16xf32>
        %max3A_719 = arith.maximumf %add3A_716, %max3A_718 : vector<16xf32>
        %swap3A_720 = arith.index_cast %add3A_673 : i32 to index
        %swap3A_721 = arith.constant 32 : index
        %swap3A_722 = tpu.vector_load %arg11[%swap3A_720, %swap3A_721] {strides = array<i32>} : memref<100x64xf32, #tpu.memory_space<vmem>>, vector<1x16xf32>,
        %swap3A_723 = vector.shape_cast %swap3A_722 : vector<1x16xf32> to vector<16xf32>
        %swap3A_724 = vector.shape_cast %max3A_719 : vector<16xf32> to vector<1x16xf32>
        tpu.vector_store %arg11[%swap3A_720, %swap3A_721], %swap3A_724 {strides = array<i32>} : memref<100x64xf32, #tpu.memory_space<vmem>>, vector<1x16xf32>,
        %get3A_725 = arith.index_cast %add3A_673 : i32 to index
        %get3A_726 = arith.constant 48 : index
        %get3A_727 = tpu.vector_load %arg11[%get3A_725, %get3A_726] {strides = array<i32>} : memref<100x64xf32, #tpu.memory_space<vmem>>, vector<1x16xf32>,
        %get3A_728 = vector.shape_cast %get3A_727 : vector<1x16xf32> to vector<16xf32>
        %get3A_729 = arith.index_cast %add3A_673 : i32 to index
        %get3A_730 = arith.constant 48 : index
        %get3A_731 = tpu.vector_load %arg12[%get3A_729, %get3A_730] {strides = array<i32>} : memref<100x64xf32, #tpu.memory_space<vmem>>, vector<1x16xf32>,
        %get3A_732 = vector.shape_cast %get3A_731 : vector<1x16xf32> to vector<16xf32>
        %add3A_733 = arith.addf %get3A_728, %get3A_732 : vector<16xf32>
        %max3A_734 = arith.constant 0.000000e+00 : f32
        %max3A_735 = vector.broadcast %max3A_734 : f32 to vector<16xf32>
        %max3A_736 = arith.maximumf %add3A_733, %max3A_735 : vector<16xf32>
        %swap3A_737 = arith.index_cast %add3A_673 : i32 to index
        %swap3A_738 = arith.constant 48 : index
        %swap3A_739 = tpu.vector_load %arg11[%swap3A_737, %swap3A_738] {strides = array<i32>} : memref<100x64xf32, #tpu.memory_space<vmem>>, vector<1x16xf32>,
        %swap3A_740 = vector.shape_cast %swap3A_739 : vector<1x16xf32> to vector<16xf32>
        %swap3A_741 = vector.shape_cast %max3A_736 : vector<16xf32> to vector<1x16xf32>
        tpu.vector_store %arg11[%swap3A_737, %swap3A_738], %swap3A_741 {strides = array<i32>} : memref<100x64xf32, #tpu.memory_space<vmem>>, vector<1x16xf32>,
        %mul3A_742 = arith.constant 5 : i32
        %mul3A_743 = arith.muli %scan3A_456, %mul3A_742 : i32
        %add3A_744 = arith.constant 4 : i32
        %add3A_745 = arith.addi %mul3A_743, %add3A_744 : i32
        %get3A_746 = arith.index_cast %add3A_745 : i32 to index
        %get3A_747 = arith.constant 0 : index
        %get3A_748 = tpu.vector_load %arg11[%get3A_746, %get3A_747] {strides = array<i32>} : memref<100x64xf32, #tpu.memory_space<vmem>>, vector<1x16xf32>,
        %get3A_749 = vector.shape_cast %get3A_748 : vector<1x16xf32> to vector<16xf32>
        %get3A_750 = arith.index_cast %add3A_745 : i32 to index
        %get3A_751 = arith.constant 0 : index
        %get3A_752 = tpu.vector_load %arg12[%get3A_750, %get3A_751] {strides = array<i32>} : memref<100x64xf32, #tpu.memory_space<vmem>>, vector<1x16xf32>,
        %get3A_753 = vector.shape_cast %get3A_752 : vector<1x16xf32> to vector<16xf32>
        %add3A_754 = arith.addf %get3A_749, %get3A_753 : vector<16xf32>
        %max3A_755 = arith.constant 0.000000e+00 : f32
        %max3A_756 = vector.broadcast %max3A_755 : f32 to vector<16xf32>
        %max3A_757 = arith.maximumf %add3A_754, %max3A_756 : vector<16xf32>
        %swap3A_758 = arith.index_cast %add3A_745 : i32 to index
        %swap3A_759 = arith.constant 0 : index
        %swap3A_760 = tpu.vector_load %arg11[%swap3A_758, %swap3A_759] {strides = array<i32>} : memref<100x64xf32, #tpu.memory_space<vmem>>, vector<1x16xf32>,
        %swap3A_761 = vector.shape_cast %swap3A_760 : vector<1x16xf32> to vector<16xf32>
        %swap3A_762 = vector.shape_cast %max3A_757 : vector<16xf32> to vector<1x16xf32>
        tpu.vector_store %arg11[%swap3A_758, %swap3A_759], %swap3A_762 {strides = array<i32>} : memref<100x64xf32, #tpu.memory_space<vmem>>, vector<1x16xf32>,
        %get3A_763 = arith.index_cast %add3A_745 : i32 to index
        %get3A_764 = arith.constant 16 : index
        %get3A_765 = tpu.vector_load %arg11[%get3A_763, %get3A_764] {strides = array<i32>} : memref<100x64xf32, #tpu.memory_space<vmem>>, vector<1x16xf32>,
        %get3A_766 = vector.shape_cast %get3A_765 : vector<1x16xf32> to vector<16xf32>
        %get3A_767 = arith.index_cast %add3A_745 : i32 to index
        %get3A_768 = arith.constant 16 : index
        %get3A_769 = tpu.vector_load %arg12[%get3A_767, %get3A_768] {strides = array<i32>} : memref<100x64xf32, #tpu.memory_space<vmem>>, vector<1x16xf32>,
        %get3A_770 = vector.shape_cast %get3A_769 : vector<1x16xf32> to vector<16xf32>
        %add3A_771 = arith.addf %get3A_766, %get3A_770 : vector<16xf32>
        %max3A_772 = arith.constant 0.000000e+00 : f32
        %max3A_773 = vector.broadcast %max3A_772 : f32 to vector<16xf32>
        %max3A_774 = arith.maximumf %add3A_771, %max3A_773 : vector<16xf32>
        %swap3A_775 = arith.index_cast %add3A_745 : i32 to index
        %swap3A_776 = arith.constant 16 : index
        %swap3A_777 = tpu.vector_load %arg11[%swap3A_775, %swap3A_776] {strides = array<i32>} : memref<100x64xf32, #tpu.memory_space<vmem>>, vector<1x16xf32>,
        %swap3A_778 = vector.shape_cast %swap3A_777 : vector<1x16xf32> to vector<16xf32>
        %swap3A_779 = vector.shape_cast %max3A_774 : vector<16xf32> to vector<1x16xf32>
        tpu.vector_store %arg11[%swap3A_775, %swap3A_776], %swap3A_779 {strides = array<i32>} : memref<100x64xf32, #tpu.memory_space<vmem>>, vector<1x16xf32>,
        %get3A_780 = arith.index_cast %add3A_745 : i32 to index
        %get3A_781 = arith.constant 32 : index
        %get3A_782 = tpu.vector_load %arg11[%get3A_780, %get3A_781] {strides = array<i32>} : memref<100x64xf32, #tpu.memory_space<vmem>>, vector<1x16xf32>,
        %get3A_783 = vector.shape_cast %get3A_782 : vector<1x16xf32> to vector<16xf32>
        %get3A_784 = arith.index_cast %add3A_745 : i32 to index
        %get3A_785 = arith.constant 32 : index
        %get3A_786 = tpu.vector_load %arg12[%get3A_784, %get3A_785] {strides = array<i32>} : memref<100x64xf32, #tpu.memory_space<vmem>>, vector<1x16xf32>,
        %get3A_787 = vector.shape_cast %get3A_786 : vector<1x16xf32> to vector<16xf32>
        %add3A_788 = arith.addf %get3A_783, %get3A_787 : vector<16xf32>
        %max3A_789 = arith.constant 0.000000e+00 : f32
        %max3A_790 = vector.broadcast %max3A_789 : f32 to vector<16xf32>
        %max3A_791 = arith.maximumf %add3A_788, %max3A_790 : vector<16xf32>
        %swap3A_792 = arith.index_cast %add3A_745 : i32 to index
        %swap3A_793 = arith.constant 32 : index
        %swap3A_794 = tpu.vector_load %arg11[%swap3A_792, %swap3A_793] {strides = array<i32>} : memref<100x64xf32, #tpu.memory_space<vmem>>, vector<1x16xf32>,
        %swap3A_795 = vector.shape_cast %swap3A_794 : vector<1x16xf32> to vector<16xf32>
        %swap3A_796 = vector.shape_cast %max3A_791 : vector<16xf32> to vector<1x16xf32>
        tpu.vector_store %arg11[%swap3A_792, %swap3A_793], %swap3A_796 {strides = array<i32>} : memref<100x64xf32, #tpu.memory_space<vmem>>, vector<1x16xf32>,
        %get3A_797 = arith.index_cast %add3A_745 : i32 to index
        %get3A_798 = arith.constant 48 : index
        %get3A_799 = tpu.vector_load %arg11[%get3A_797, %get3A_798] {strides = array<i32>} : memref<100x64xf32, #tpu.memory_space<vmem>>, vector<1x16xf32>,
        %get3A_800 = vector.shape_cast %get3A_799 : vector<1x16xf32> to vector<16xf32>
        %get3A_801 = arith.index_cast %add3A_745 : i32 to index
        %get3A_802 = arith.constant 48 : index
        %get3A_803 = tpu.vector_load %arg12[%get3A_801, %get3A_802] {strides = array<i32>} : memref<100x64xf32, #tpu.memory_space<vmem>>, vector<1x16xf32>,
        %get3A_804 = vector.shape_cast %get3A_803 : vector<1x16xf32> to vector<16xf32>
        %add3A_805 = arith.addf %get3A_800, %get3A_804 : vector<16xf32>
        %max3A_806 = arith.constant 0.000000e+00 : f32
        %max3A_807 = vector.broadcast %max3A_806 : f32 to vector<16xf32>
        %max3A_808 = arith.maximumf %add3A_805, %max3A_807 : vector<16xf32>
        %swap3A_809 = arith.index_cast %add3A_745 : i32 to index
        %swap3A_810 = arith.constant 48 : index
        %swap3A_811 = tpu.vector_load %arg11[%swap3A_809, %swap3A_810] {strides = array<i32>} : memref<100x64xf32, #tpu.memory_space<vmem>>, vector<1x16xf32>,
        %swap3A_812 = vector.shape_cast %swap3A_811 : vector<1x16xf32> to vector<16xf32>
        %swap3A_813 = vector.shape_cast %max3A_808 : vector<16xf32> to vector<1x16xf32>
        tpu.vector_store %arg11[%swap3A_809, %swap3A_810], %swap3A_813 {strides = array<i32>} : memref<100x64xf32, #tpu.memory_space<vmem>>, vector<1x16xf32>,
      }
      %scan3A_430 = arith.constant 20 : i32
      %dma_wait3A_431 = arith.constant 0 : i32
      %dma_wait3A_432 = tpu.memref_slice %arg8[%mul3A_370, %dma_wait3A_431] : memref<200x100xi32, #tpu.memory_space<vmem>> -> memref<1x100xi32, #tpu.memory_space<vmem>>
      %dma_wait3A_433 = tpu.memref_squeeze %dma_wait3A_432 : memref<1x100xi32, #tpu.memory_space<vmem>> -> memref<100xi32, #tpu.memory_space<vmem>>
      %dma_wait3A_434 = arith.constant 0 : i32
      %dma_wait3A_435 = arith.constant 0 : i32
      %dma_wait3A_436 = tpu.memref_slice %arg13[%dma_wait3A_434, %dma_wait3A_435] : memref<10112x64xf32, #tpu.memory_space<vmem_shared>> -> memref<10112x64xf32, #tpu.memory_space<vmem_shared>>
      tpu.wait_indirect_dma semaphore(%arg16 : memref<!tpu.dma_semaphore, #tpu.memory_space<semaphore_mem>>) src(%arg9 : memref<100x64xf32, #tpu.memory_space<vmem>>) dst(%dma_wait3A_436 : memref<10112x64xf32, #tpu.memory_space<vmem_shared>>)
      %lt3A = arith.constant 99 : i32
      %lt3A_437 = arith.cmpi slt, %scan3A_368, %lt3A : i32
      %convert_element_type3A = arith.extui %lt3A_437 : i1 to i32
      %cond3A = arith.constant 0 : i32
      %cond3A_438 = arith.cmpi ne, %convert_element_type3A, %cond3A : i32
      scf.if %cond3A_438 {
        %add3A_456 = arith.constant 2 : i32
        %add3A_457 = arith.addi %mul3A_370, %add3A_456 : i32
        %dma_start3A_458 = arith.constant 0 : i32
        %dma_start3A_459 = tpu.memref_slice %arg7[%add3A_457, %dma_start3A_458] : memref<200x100xi32, #tpu.memory_space<vmem>> -> memref<1x100xi32, #tpu.memory_space<vmem>>
        %dma_start3A_460 = tpu.memref_squeeze %dma_start3A_459 : memref<1x100xi32, #tpu.memory_space<vmem>> -> memref<100xi32, #tpu.memory_space<vmem>>
        %dma_start3A_461 = arith.constant 0 : i32
        %dma_start3A_462 = arith.constant 0 : i32
        %dma_start3A_463 = tpu.memref_slice %arg2[%arg0, %dma_start3A_461, %dma_start3A_462] : memref<2x10000x64xf32, #tpu.memory_space<hbm>> -> memref<1x10000x64xf32, #tpu.memory_space<hbm>>
        %dma_start3A_464 = tpu.memref_squeeze %dma_start3A_463 : memref<1x10000x64xf32, #tpu.memory_space<hbm>> -> memref<10000x64xf32, #tpu.memory_space<hbm>>
        %dma_start3A_465 = arith.constant 0 : i32
        %dma_start3A_466 = arith.constant 0 : i32
        %dma_start3A_467 = tpu.memref_slice %dma_start3A_464[%dma_start3A_465, %dma_start3A_466] : memref<10000x64xf32, #tpu.memory_space<hbm>> -> memref<10000x64xf32, #tpu.memory_space<hbm>>
        tpu.enqueue_indirect_dma source(%dma_start3A_467 : memref<10000x64xf32, #tpu.memory_space<hbm>>) target(%arg10 : memref<100x64xf32, #tpu.memory_space<vmem>>) offsets(%dma_start3A_460 : memref<100xi32, #tpu.memory_space<vmem>>) semaphore(%arg14 : memref<!tpu.dma_semaphore, #tpu.memory_space<semaphore_mem>>)
        %mul3A_468 = arith.constant 20000 : i32
        %mul3A_469 = arith.muli %arg1, %mul3A_468 : i32
        %mul3A_470 = arith.constant 100 : i32
        %mul3A_471 = arith.muli %add3A_457, %mul3A_470 : i32
        %add3A_472 = arith.addi %mul3A_469, %mul3A_471 : i32
        %mul3A_473 = arith.constant 64 : i32
        %mul3A_474 = arith.muli %arg0, %mul3A_473 : i32
        %dma_start3A_475 = tpu.memref_slice %arg3[%add3A_472, %mul3A_474] : memref<320000x128xf32, #tpu.memory_space<hbm>> -> memref<100x64xf32, #tpu.memory_space<hbm>>
        %dma_start3A_476 = tpu.memref_slice %arg3[%add3A_472, %mul3A_474] : memref<320000x128xf32, #tpu.memory_space<hbm>> -> memref<100x64xf32, #tpu.memory_space<hbm>>
        tpu.enqueue_dma source(%dma_start3A_476 : memref<100x64xf32, #tpu.memory_space<hbm>>) target(%arg9 : memref<100x64xf32, #tpu.memory_space<vmem>>) target_semaphore(%arg14 : memref<!tpu.dma_semaphore, #tpu.memory_space<semaphore_mem>>)
      } else {
      }
      %dma_start3A_439 = arith.constant 0 : i32
      %dma_start3A_440 = tpu.memref_slice %arg8[%add3A_374, %dma_start3A_439] : memref<200x100xi32, #tpu.memory_space<vmem>> -> memref<1x100xi32, #tpu.memory_space<vmem>>
      %dma_start3A_441 = tpu.memref_squeeze %dma_start3A_440 : memref<1x100xi32, #tpu.memory_space<vmem>> -> memref<100xi32, #tpu.memory_space<vmem>>
      %dma_start3A_442 = arith.constant 0 : i32
      %dma_start3A_443 = arith.constant 0 : i32
      %dma_start3A_444 = tpu.memref_slice %arg13[%dma_start3A_442, %dma_start3A_443] : memref<10112x64xf32, #tpu.memory_space<vmem_shared>> -> memref<10112x64xf32, #tpu.memory_space<vmem_shared>>
      tpu.enqueue_indirect_dma source(%arg11 : memref<100x64xf32, #tpu.memory_space<vmem>>) target(%dma_start3A_444 : memref<10112x64xf32, #tpu.memory_space<vmem_shared>>) offsets(%dma_start3A_441 : memref<100xi32, #tpu.memory_space<vmem>>) semaphore(%arg17 : memref<!tpu.dma_semaphore, #tpu.memory_space<semaphore_mem>>) {add = true}
      %dma_wait3A_445 = arith.constant 0 : i32
      %dma_wait3A_446 = tpu.memref_slice %arg8[%add3A_374, %dma_wait3A_445] : memref<200x100xi32, #tpu.memory_space<vmem>> -> memref<1x100xi32, #tpu.memory_space<vmem>>
      %dma_wait3A_447 = tpu.memref_squeeze %dma_wait3A_446 : memref<1x100xi32, #tpu.memory_space<vmem>> -> memref<100xi32, #tpu.memory_space<vmem>>
      %dma_wait3A_448 = arith.constant 0 : i32
      %dma_wait3A_449 = arith.constant 0 : i32
      %dma_wait3A_450 = tpu.memref_slice %arg13[%dma_wait3A_448, %dma_wait3A_449] : memref<10112x64xf32, #tpu.memory_space<vmem_shared>> -> memref<10112x64xf32, #tpu.memory_space<vmem_shared>>
      tpu.wait_indirect_dma semaphore(%arg17 : memref<!tpu.dma_semaphore, #tpu.memory_space<semaphore_mem>>) src(%arg11 : memref<100x64xf32, #tpu.memory_space<vmem>>) dst(%dma_wait3A_450 : memref<10112x64xf32, #tpu.memory_space<vmem_shared>>)
      %lt3A_451 = arith.constant 99 : i32
      %lt3A_452 = arith.cmpi slt, %scan3A_368, %lt3A_451 : i32
      %convert_element_type3A_453 = arith.extui %lt3A_452 : i1 to i32
      %cond3A_454 = arith.constant 0 : i32
      %cond3A_455 = arith.cmpi ne, %convert_element_type3A_453, %cond3A_454 : i32
      scf.if %cond3A_455 {
        %add3A_456 = arith.constant 2 : i32
        %add3A_457 = arith.addi %add3A_374, %add3A_456 : i32
        %dma_start3A_458 = arith.constant 0 : i32
        %dma_start3A_459 = tpu.memref_slice %arg7[%add3A_457, %dma_start3A_458] : memref<200x100xi32, #tpu.memory_space<vmem>> -> memref<1x100xi32, #tpu.memory_space<vmem>>
        %dma_start3A_460 = tpu.memref_squeeze %dma_start3A_459 : memref<1x100xi32, #tpu.memory_space<vmem>> -> memref<100xi32, #tpu.memory_space<vmem>>
        %dma_start3A_461 = arith.constant 0 : i32
        %dma_start3A_462 = arith.constant 0 : i32
        %dma_start3A_463 = tpu.memref_slice %arg2[%arg0, %dma_start3A_461, %dma_start3A_462] : memref<2x10000x64xf32, #tpu.memory_space<hbm>> -> memref<1x10000x64xf32, #tpu.memory_space<hbm>>
        %dma_start3A_464 = tpu.memref_squeeze %dma_start3A_463 : memref<1x10000x64xf32, #tpu.memory_space<hbm>> -> memref<10000x64xf32, #tpu.memory_space<hbm>>
        %dma_start3A_465 = arith.constant 0 : i32
        %dma_start3A_466 = arith.constant 0 : i32
        %dma_start3A_467 = tpu.memref_slice %dma_start3A_464[%dma_start3A_465, %dma_start3A_466] : memref<10000x64xf32, #tpu.memory_space<hbm>> -> memref<10000x64xf32, #tpu.memory_space<hbm>>
        tpu.enqueue_indirect_dma source(%dma_start3A_467 : memref<10000x64xf32, #tpu.memory_space<hbm>>) target(%arg12 : memref<100x64xf32, #tpu.memory_space<vmem>>) offsets(%dma_start3A_460 : memref<100xi32, #tpu.memory_space<vmem>>) semaphore(%arg15 : memref<!tpu.dma_semaphore, #tpu.memory_space<semaphore_mem>>)
        %mul3A_468 = arith.constant 20000 : i32
        %mul3A_469 = arith.muli %arg1, %mul3A_468 : i32
        %mul3A_470 = arith.constant 100 : i32
        %mul3A_471 = arith.muli %add3A_457, %mul3A_470 : i32
        %add3A_472 = arith.addi %mul3A_469, %mul3A_471 : i32
        %mul3A_473 = arith.constant 64 : i32
        %mul3A_474 = arith.muli %arg0, %mul3A_473 : i32
        %dma_start3A_475 = tpu.memref_slice %arg3[%add3A_472, %mul3A_474] : memref<320000x128xf32, #tpu.memory_space<hbm>> -> memref<100x64xf32, #tpu.memory_space<hbm>>
        %dma_start3A_476 = tpu.memref_slice %arg3[%add3A_472, %mul3A_474] : memref<320000x128xf32, #tpu.memory_space<hbm>> -> memref<100x64xf32, #tpu.memory_space<hbm>>
        tpu.enqueue_dma source(%dma_start3A_476 : memref<100x64xf32, #tpu.memory_space<hbm>>) target(%arg11 : memref<100x64xf32, #tpu.memory_space<vmem>>) target_semaphore(%arg15 : memref<!tpu.dma_semaphore, #tpu.memory_space<semaphore_mem>>)
      } else {
      }
    }
    %scan3A_240 = arith.constant 100 : i32
    %barrier3A_241 = arith.constant 0 : index
    tpu.barrier barrier_id(%barrier3A_241)
    %mul3A_242 = arith.constant 632 : i32
    %mul3A_243 = arith.muli %arg1, %mul3A_242 : i32
    %add3A_244 = arith.constant 0 : i32
    %add3A_245 = arith.addi %mul3A_243, %add3A_244 : i32
    %dma_start3A_246 = arith.constant 0 : i32
    %dma_start3A_247 = tpu.memref_slice %arg6[%arg0, %add3A_245, %dma_start3A_246] : memref<2x10112x64xf32, #tpu.memory_space<hbm>> -> memref<1x100x64xf32, #tpu.memory_space<hbm>>
    %dma_start3A_248 = tpu.memref_squeeze %dma_start3A_247 : memref<1x100x64xf32, #tpu.memory_space<hbm>> -> memref<100x64xf32, #tpu.memory_space<hbm>>
    %dma_start3A_249 = arith.constant 0 : i32
    %dma_start3A_250 = tpu.memref_slice %arg13[%add3A_245, %dma_start3A_249] : memref<10112x64xf32, #tpu.memory_space<vmem_shared>> -> memref<100x64xf32, #tpu.memory_space<vmem_shared>>
    tpu.enqueue_dma source(%dma_start3A_250 : memref<100x64xf32, #tpu.memory_space<vmem_shared>>) target(%dma_start3A_248 : memref<100x64xf32, #tpu.memory_space<hbm>>) target_semaphore(%arg14 : memref<!tpu.dma_semaphore, #tpu.memory_space<semaphore_mem>>)
    %mul3A_251 = arith.constant 632 : i32
    %mul3A_252 = arith.muli %arg1, %mul3A_251 : i32
    %add3A_253 = arith.constant 100 : i32
    %add3A_254 = arith.addi %mul3A_252, %add3A_253 : i32
    %dma_start3A_255 = arith.constant 0 : i32
    %dma_start3A_256 = tpu.memref_slice %arg6[%arg0, %add3A_254, %dma_start3A_255] : memref<2x10112x64xf32, #tpu.memory_space<hbm>> -> memref<1x100x64xf32, #tpu.memory_space<hbm>>
    %dma_start3A_257 = tpu.memref_squeeze %dma_start3A_256 : memref<1x100x64xf32, #tpu.memory_space<hbm>> -> memref<100x64xf32, #tpu.memory_space<hbm>>
    %dma_start3A_258 = arith.constant 0 : i32
    %dma_start3A_259 = tpu.memref_slice %arg13[%add3A_254, %dma_start3A_258] : memref<10112x64xf32, #tpu.memory_space<vmem_shared>> -> memref<100x64xf32, #tpu.memory_space<vmem_shared>>
    tpu.enqueue_dma source(%dma_start3A_259 : memref<100x64xf32, #tpu.memory_space<vmem_shared>>) target(%dma_start3A_257 : memref<100x64xf32, #tpu.memory_space<hbm>>) target_semaphore(%arg14 : memref<!tpu.dma_semaphore, #tpu.memory_space<semaphore_mem>>)
    %mul3A_260 = arith.constant 632 : i32
    %mul3A_261 = arith.muli %arg1, %mul3A_260 : i32
    %add3A_262 = arith.constant 200 : i32
    %add3A_263 = arith.addi %mul3A_261, %add3A_262 : i32
    %dma_start3A_264 = arith.constant 0 : i32
    %dma_start3A_265 = tpu.memref_slice %arg6[%arg0, %add3A_263, %dma_start3A_264] : memref<2x10112x64xf32, #tpu.memory_space<hbm>> -> memref<1x100x64xf32, #tpu.memory_space<hbm>>
    %dma_start3A_266 = tpu.memref_squeeze %dma_start3A_265 : memref<1x100x64xf32, #tpu.memory_space<hbm>> -> memref<100x64xf32, #tpu.memory_space<hbm>>
    %dma_start3A_267 = arith.constant 0 : i32
    %dma_start3A_268 = tpu.memref_slice %arg13[%add3A_263, %dma_start3A_267] : memref<10112x64xf32, #tpu.memory_space<vmem_shared>> -> memref<100x64xf32, #tpu.memory_space<vmem_shared>>
    tpu.enqueue_dma source(%dma_start3A_268 : memref<100x64xf32, #tpu.memory_space<vmem_shared>>) target(%dma_start3A_266 : memref<100x64xf32, #tpu.memory_space<hbm>>) target_semaphore(%arg14 : memref<!tpu.dma_semaphore, #tpu.memory_space<semaphore_mem>>)
    %mul3A_269 = arith.constant 632 : i32
    %mul3A_270 = arith.muli %arg1, %mul3A_269 : i32
    %add3A_271 = arith.constant 300 : i32
    %add3A_272 = arith.addi %mul3A_270, %add3A_271 : i32
    %dma_start3A_273 = arith.constant 0 : i32
    %dma_start3A_274 = tpu.memref_slice %arg6[%arg0, %add3A_272, %dma_start3A_273] : memref<2x10112x64xf32, #tpu.memory_space<hbm>> -> memref<1x100x64xf32, #tpu.memory_space<hbm>>
    %dma_start3A_275 = tpu.memref_squeeze %dma_start3A_274 : memref<1x100x64xf32, #tpu.memory_space<hbm>> -> memref<100x64xf32, #tpu.memory_space<hbm>>
    %dma_start3A_276 = arith.constant 0 : i32
    %dma_start3A_277 = tpu.memref_slice %arg13[%add3A_272, %dma_start3A_276] : memref<10112x64xf32, #tpu.memory_space<vmem_shared>> -> memref<100x64xf32, #tpu.memory_space<vmem_shared>>
    tpu.enqueue_dma source(%dma_start3A_277 : memref<100x64xf32, #tpu.memory_space<vmem_shared>>) target(%dma_start3A_275 : memref<100x64xf32, #tpu.memory_space<hbm>>) target_semaphore(%arg14 : memref<!tpu.dma_semaphore, #tpu.memory_space<semaphore_mem>>)
    %mul3A_278 = arith.constant 632 : i32
    %mul3A_279 = arith.muli %arg1, %mul3A_278 : i32
    %add3A_280 = arith.constant 400 : i32
    %add3A_281 = arith.addi %mul3A_279, %add3A_280 : i32
    %dma_start3A_282 = arith.constant 0 : i32
    %dma_start3A_283 = tpu.memref_slice %arg6[%arg0, %add3A_281, %dma_start3A_282] : memref<2x10112x64xf32, #tpu.memory_space<hbm>> -> memref<1x100x64xf32, #tpu.memory_space<hbm>>
    %dma_start3A_284 = tpu.memref_squeeze %dma_start3A_283 : memref<1x100x64xf32, #tpu.memory_space<hbm>> -> memref<100x64xf32, #tpu.memory_space<hbm>>
    %dma_start3A_285 = arith.constant 0 : i32
    %dma_start3A_286 = tpu.memref_slice %arg13[%add3A_281, %dma_start3A_285] : memref<10112x64xf32, #tpu.memory_space<vmem_shared>> -> memref<100x64xf32, #tpu.memory_space<vmem_shared>>
    tpu.enqueue_dma source(%dma_start3A_286 : memref<100x64xf32, #tpu.memory_space<vmem_shared>>) target(%dma_start3A_284 : memref<100x64xf32, #tpu.memory_space<hbm>>) target_semaphore(%arg14 : memref<!tpu.dma_semaphore, #tpu.memory_space<semaphore_mem>>)
    %mul3A_287 = arith.constant 632 : i32
    %mul3A_288 = arith.muli %arg1, %mul3A_287 : i32
    %add3A_289 = arith.constant 500 : i32
    %add3A_290 = arith.addi %mul3A_288, %add3A_289 : i32
    %dma_start3A_291 = arith.constant 0 : i32
    %dma_start3A_292 = tpu.memref_slice %arg6[%arg0, %add3A_290, %dma_start3A_291] : memref<2x10112x64xf32, #tpu.memory_space<hbm>> -> memref<1x100x64xf32, #tpu.memory_space<hbm>>
    %dma_start3A_293 = tpu.memref_squeeze %dma_start3A_292 : memref<1x100x64xf32, #tpu.memory_space<hbm>> -> memref<100x64xf32, #tpu.memory_space<hbm>>
    %dma_start3A_294 = arith.constant 0 : i32
    %dma_start3A_295 = tpu.memref_slice %arg13[%add3A_290, %dma_start3A_294] : memref<10112x64xf32, #tpu.memory_space<vmem_shared>> -> memref<100x64xf32, #tpu.memory_space<vmem_shared>>
    tpu.enqueue_dma source(%dma_start3A_295 : memref<100x64xf32, #tpu.memory_space<vmem_shared>>) target(%dma_start3A_293 : memref<100x64xf32, #tpu.memory_space<hbm>>) target_semaphore(%arg14 : memref<!tpu.dma_semaphore, #tpu.memory_space<semaphore_mem>>)
    %mul3A_296 = arith.constant 632 : i32
    %mul3A_297 = arith.muli %arg1, %mul3A_296 : i32
    %add3A_298 = arith.constant 600 : i32
    %add3A_299 = arith.addi %mul3A_297, %add3A_298 : i32
    %dma_start3A_300 = arith.constant 0 : i32
    %dma_start3A_301 = tpu.memref_slice %arg6[%arg0, %add3A_299, %dma_start3A_300] : memref<2x10112x64xf32, #tpu.memory_space<hbm>> -> memref<1x32x64xf32, #tpu.memory_space<hbm>>
    %dma_start3A_302 = tpu.memref_squeeze %dma_start3A_301 : memref<1x32x64xf32, #tpu.memory_space<hbm>> -> memref<32x64xf32, #tpu.memory_space<hbm>>
    %dma_start3A_303 = arith.constant 0 : i32
    %dma_start3A_304 = tpu.memref_slice %arg13[%add3A_299, %dma_start3A_303] : memref<10112x64xf32, #tpu.memory_space<vmem_shared>> -> memref<32x64xf32, #tpu.memory_space<vmem_shared>>
    tpu.enqueue_dma source(%dma_start3A_304 : memref<32x64xf32, #tpu.memory_space<vmem_shared>>) target(%dma_start3A_302 : memref<32x64xf32, #tpu.memory_space<hbm>>) target_semaphore(%arg14 : memref<!tpu.dma_semaphore, #tpu.memory_space<semaphore_mem>>)
    %mul3A_305 = arith.constant 632 : i32
    %mul3A_306 = arith.muli %arg1, %mul3A_305 : i32
    %add3A_307 = arith.constant 0 : i32
    %add3A_308 = arith.addi %mul3A_306, %add3A_307 : i32
    %dma_wait3A_309 = arith.constant 0 : i32
    %dma_wait3A_310 = tpu.memref_slice %arg6[%arg0, %add3A_308, %dma_wait3A_309] : memref<2x10112x64xf32, #tpu.memory_space<hbm>> -> memref<1x100x64xf32, #tpu.memory_space<hbm>>
    %dma_wait3A_311 = tpu.memref_squeeze %dma_wait3A_310 : memref<1x100x64xf32, #tpu.memory_space<hbm>> -> memref<100x64xf32, #tpu.memory_space<hbm>>
    %dma_wait3A_312 = arith.constant 0 : i32
    %dma_wait3A_313 = tpu.memref_slice %arg13[%add3A_308, %dma_wait3A_312] : memref<10112x64xf32, #tpu.memory_space<vmem_shared>> -> memref<100x64xf32, #tpu.memory_space<vmem_shared>>
    tpu.wait_dma2 semaphore(%arg14 : memref<!tpu.dma_semaphore, #tpu.memory_space<semaphore_mem>>) src(%dma_wait3A_313 : memref<100x64xf32, #tpu.memory_space<vmem_shared>>) dst(%dma_wait3A_311 : memref<100x64xf32, #tpu.memory_space<hbm>>)
    %mul3A_314 = arith.constant 632 : i32
    %mul3A_315 = arith.muli %arg1, %mul3A_314 : i32
    %add3A_316 = arith.constant 100 : i32
    %add3A_317 = arith.addi %mul3A_315, %add3A_316 : i32
    %dma_wait3A_318 = arith.constant 0 : i32
    %dma_wait3A_319 = tpu.memref_slice %arg6[%arg0, %add3A_317, %dma_wait3A_318] : memref<2x10112x64xf32, #tpu.memory_space<hbm>> -> memref<1x100x64xf32, #tpu.memory_space<hbm>>
    %dma_wait3A_320 = tpu.memref_squeeze %dma_wait3A_319 : memref<1x100x64xf32, #tpu.memory_space<hbm>> -> memref<100x64xf32, #tpu.memory_space<hbm>>
    %dma_wait3A_321 = arith.constant 0 : i32
    %dma_wait3A_322 = tpu.memref_slice %arg13[%add3A_317, %dma_wait3A_321] : memref<10112x64xf32, #tpu.memory_space<vmem_shared>> -> memref<100x64xf32, #tpu.memory_space<vmem_shared>>
    tpu.wait_dma2 semaphore(%arg14 : memref<!tpu.dma_semaphore, #tpu.memory_space<semaphore_mem>>) src(%dma_wait3A_322 : memref<100x64xf32, #tpu.memory_space<vmem_shared>>) dst(%dma_wait3A_320 : memref<100x64xf32, #tpu.memory_space<hbm>>)
    %mul3A_323 = arith.constant 632 : i32
    %mul3A_324 = arith.muli %arg1, %mul3A_323 : i32
    %add3A_325 = arith.constant 200 : i32
    %add3A_326 = arith.addi %mul3A_324, %add3A_325 : i32
    %dma_wait3A_327 = arith.constant 0 : i32
    %dma_wait3A_328 = tpu.memref_slice %arg6[%arg0, %add3A_326, %dma_wait3A_327] : memref<2x10112x64xf32, #tpu.memory_space<hbm>> -> memref<1x100x64xf32, #tpu.memory_space<hbm>>
    %dma_wait3A_329 = tpu.memref_squeeze %dma_wait3A_328 : memref<1x100x64xf32, #tpu.memory_space<hbm>> -> memref<100x64xf32, #tpu.memory_space<hbm>>
    %dma_wait3A_330 = arith.constant 0 : i32
    %dma_wait3A_331 = tpu.memref_slice %arg13[%add3A_326, %dma_wait3A_330] : memref<10112x64xf32, #tpu.memory_space<vmem_shared>> -> memref<100x64xf32, #tpu.memory_space<vmem_shared>>
    tpu.wait_dma2 semaphore(%arg14 : memref<!tpu.dma_semaphore, #tpu.memory_space<semaphore_mem>>) src(%dma_wait3A_331 : memref<100x64xf32, #tpu.memory_space<vmem_shared>>) dst(%dma_wait3A_329 : memref<100x64xf32, #tpu.memory_space<hbm>>)
    %mul3A_332 = arith.constant 632 : i32
    %mul3A_333 = arith.muli %arg1, %mul3A_332 : i32
    %add3A_334 = arith.constant 300 : i32
    %add3A_335 = arith.addi %mul3A_333, %add3A_334 : i32
    %dma_wait3A_336 = arith.constant 0 : i32
    %dma_wait3A_337 = tpu.memref_slice %arg6[%arg0, %add3A_335, %dma_wait3A_336] : memref<2x10112x64xf32, #tpu.memory_space<hbm>> -> memref<1x100x64xf32, #tpu.memory_space<hbm>>
    %dma_wait3A_338 = tpu.memref_squeeze %dma_wait3A_337 : memref<1x100x64xf32, #tpu.memory_space<hbm>> -> memref<100x64xf32, #tpu.memory_space<hbm>>
    %dma_wait3A_339 = arith.constant 0 : i32
    %dma_wait3A_340 = tpu.memref_slice %arg13[%add3A_335, %dma_wait3A_339] : memref<10112x64xf32, #tpu.memory_space<vmem_shared>> -> memref<100x64xf32, #tpu.memory_space<vmem_shared>>
    tpu.wait_dma2 semaphore(%arg14 : memref<!tpu.dma_semaphore, #tpu.memory_space<semaphore_mem>>) src(%dma_wait3A_340 : memref<100x64xf32, #tpu.memory_space<vmem_shared>>) dst(%dma_wait3A_338 : memref<100x64xf32, #tpu.memory_space<hbm>>)
    %mul3A_341 = arith.constant 632 : i32
    %mul3A_342 = arith.muli %arg1, %mul3A_341 : i32
    %add3A_343 = arith.constant 400 : i32
    %add3A_344 = arith.addi %mul3A_342, %add3A_343 : i32
    %dma_wait3A_345 = arith.constant 0 : i32
    %dma_wait3A_346 = tpu.memref_slice %arg6[%arg0, %add3A_344, %dma_wait3A_345] : memref<2x10112x64xf32, #tpu.memory_space<hbm>> -> memref<1x100x64xf32, #tpu.memory_space<hbm>>
    %dma_wait3A_347 = tpu.memref_squeeze %dma_wait3A_346 : memref<1x100x64xf32, #tpu.memory_space<hbm>> -> memref<100x64xf32, #tpu.memory_space<hbm>>
    %dma_wait3A_348 = arith.constant 0 : i32
    %dma_wait3A_349 = tpu.memref_slice %arg13[%add3A_344, %dma_wait3A_348] : memref<10112x64xf32, #tpu.memory_space<vmem_shared>> -> memref<100x64xf32, #tpu.memory_space<vmem_shared>>
    tpu.wait_dma2 semaphore(%arg14 : memref<!tpu.dma_semaphore, #tpu.memory_space<semaphore_mem>>) src(%dma_wait3A_349 : memref<100x64xf32, #tpu.memory_space<vmem_shared>>) dst(%dma_wait3A_347 : memref<100x64xf32, #tpu.memory_space<hbm>>)
    %mul3A_350 = arith.constant 632 : i32
    %mul3A_351 = arith.muli %arg1, %mul3A_350 : i32
    %add3A_352 = arith.constant 500 : i32
    %add3A_353 = arith.addi %mul3A_351, %add3A_352 : i32
    %dma_wait3A_354 = arith.constant 0 : i32
    %dma_wait3A_355 = tpu.memref_slice %arg6[%arg0, %add3A_353, %dma_wait3A_354] : memref<2x10112x64xf32, #tpu.memory_space<hbm>> -> memref<1x100x64xf32, #tpu.memory_space<hbm>>
    %dma_wait3A_356 = tpu.memref_squeeze %dma_wait3A_355 : memref<1x100x64xf32, #tpu.memory_space<hbm>> -> memref<100x64xf32, #tpu.memory_space<hbm>>
    %dma_wait3A_357 = arith.constant 0 : i32
    %dma_wait3A_358 = tpu.memref_slice %arg13[%add3A_353, %dma_wait3A_357] : memref<10112x64xf32, #tpu.memory_space<vmem_shared>> -> memref<100x64xf32, #tpu.memory_space<vmem_shared>>
    tpu.wait_dma2 semaphore(%arg14 : memref<!tpu.dma_semaphore, #tpu.memory_space<semaphore_mem>>) src(%dma_wait3A_358 : memref<100x64xf32, #tpu.memory_space<vmem_shared>>) dst(%dma_wait3A_356 : memref<100x64xf32, #tpu.memory_space<hbm>>)
    %mul3A_359 = arith.constant 632 : i32
    %mul3A_360 = arith.muli %arg1, %mul3A_359 : i32
    %add3A_361 = arith.constant 600 : i32
    %add3A_362 = arith.addi %mul3A_360, %add3A_361 : i32
    %dma_wait3A_363 = arith.constant 0 : i32
    %dma_wait3A_364 = tpu.memref_slice %arg6[%arg0, %add3A_362, %dma_wait3A_363] : memref<2x10112x64xf32, #tpu.memory_space<hbm>> -> memref<1x32x64xf32, #tpu.memory_space<hbm>>
    %dma_wait3A_365 = tpu.memref_squeeze %dma_wait3A_364 : memref<1x32x64xf32, #tpu.memory_space<hbm>> -> memref<32x64xf32, #tpu.memory_space<hbm>>
    %dma_wait3A_366 = arith.constant 0 : i32
    %dma_wait3A_367 = tpu.memref_slice %arg13[%add3A_362, %dma_wait3A_366] : memref<10112x64xf32, #tpu.memory_space<vmem_shared>> -> memref<32x64xf32, #tpu.memory_space<vmem_shared>>
    tpu.wait_dma2 semaphore(%arg14 : memref<!tpu.dma_semaphore, #tpu.memory_space<semaphore_mem>>) src(%dma_wait3A_367 : memref<32x64xf32, #tpu.memory_space<vmem_shared>>) dst(%dma_wait3A_365 : memref<32x64xf32, #tpu.memory_space<hbm>>)
    return
  }
}

#map = affine_map<(d0, d1) -> (0, 0, 0)>
#map1 = affine_map<(d0, d1) -> (0, 0)>
module attributes {stable_mosaic.version = 14 : i64} {
  func.func @_sc_gather_scatter_body(%arg0: i32, %arg1: i32, %arg2: memref<2x10000x64xf32, #tpu.memory_space<hbm>>, %arg3: memref<320000x128xf32, #tpu.memory_space<hbm>>, %arg4: memref<16x200x100xi32, #tpu.memory_space<hbm>>, %arg5: memref<16x200x100xi32, #tpu.memory_space<hbm>>, %arg6: memref<2x10112x64xf32, #tpu.memory_space<hbm>>, %arg7: memref<200x100xi32, #tpu.memory_space<vmem>>, %arg8: memref<200x100xi32, #tpu.memory_space<vmem>>, %arg9: memref<100x64xf32, #tpu.memory_space<vmem>>, %arg10: memref<100x64xf32, #tpu.memory_space<vmem>>, %arg11: memref<100x64xf32, #tpu.memory_space<vmem>>, %arg12: memref<100x64xf32, #tpu.memory_space<vmem>>, %arg13: memref<10112x64xf32, #tpu.memory_space<vmem_shared>>, %arg14: memref<!tpu.dma_semaphore, #tpu.memory_space<semaphore_mem>>, %arg15: memref<!tpu.dma_semaphore, #tpu.memory_space<semaphore_mem>>, %arg16: memref<!tpu.dma_semaphore, #tpu.memory_space<semaphore_mem>>, %arg17: memref<!tpu.dma_semaphore, #tpu.memory_space<semaphore_mem>>) attributes {dimension_semantics = [#tpu.dimension_semantics<core_parallel>, #tpu.dimension_semantics<subcore_parallel>], iteration_bounds = array<i64: 2, 16>, scalar_prefetch = 0 : i64, scratch_operands = 11 : i64, tpu.core_type = #tpu.core_type<sc_vector_subcore>, window_params = [{transform_indices = #map}, {transform_indices = #map1}, {transform_indices = #map}, {transform_indices = #map}, {transform_indices = #map}]} {
    %scan3A = arith.constant 0 : i32
    %scan3A_0 = arith.constant 0 : i32
    %scan3A_1 = arith.constant 100 : i32
    %scan3A_2 = arith.addi %scan3A_0, %scan3A_1 : i32
    %scan3A_3 = arith.constant 1 : i32
    scf.for %scan3A_368 = %scan3A_0 to %scan3A_2 step %scan3A_3  : i32 {
      %broadcast_in_dim3A = arith.constant 0.000000e+00 : f32
      %broadcast_in_dim3A_369 = vector.broadcast %broadcast_in_dim3A : f32 to vector<16xf32>
      %swap3A = arith.index_cast %scan3A_368 : i32 to index
      %swap3A_370 = arith.constant 0 : index
      %swap3A_371 = tpu.vector_load %arg9[%swap3A, %swap3A_370] {strides = array<i32>} : memref<100x64xf32, #tpu.memory_space<vmem>>, vector<1x16xf32>,
      %swap3A_372 = vector.shape_cast %swap3A_371 : vector<1x16xf32> to vector<16xf32>
      %swap3A_373 = vector.shape_cast %broadcast_in_dim3A_369 : vector<16xf32> to vector<1x16xf32>
      tpu.vector_store %arg9[%swap3A, %swap3A_370], %swap3A_373 {strides = array<i32>} : memref<100x64xf32, #tpu.memory_space<vmem>>, vector<1x16xf32>,
      %swap3A_374 = arith.index_cast %scan3A_368 : i32 to index
      %swap3A_375 = arith.constant 16 : index
      %swap3A_376 = tpu.vector_load %arg9[%swap3A_374, %swap3A_375] {strides = array<i32>} : memref<100x64xf32, #tpu.memory_space<vmem>>, vector<1x16xf32>,
      %swap3A_377 = vector.shape_cast %swap3A_376 : vector<1x16xf32> to vector<16xf32>
      %swap3A_378 = vector.shape_cast %broadcast_in_dim3A_369 : vector<16xf32> to vector<1x16xf32>
      tpu.vector_store %arg9[%swap3A_374, %swap3A_375], %swap3A_378 {strides = array<i32>} : memref<100x64xf32, #tpu.memory_space<vmem>>, vector<1x16xf32>,
      %swap3A_379 = arith.index_cast %scan3A_368 : i32 to index
      %swap3A_380 = arith.constant 32 : index
      %swap3A_381 = tpu.vector_load %arg9[%swap3A_379, %swap3A_380] {strides = array<i32>} : memref<100x64xf32, #tpu.memory_space<vmem>>, vector<1x16xf32>,
      %swap3A_382 = vector.shape_cast %swap3A_381 : vector<1x16xf32> to vector<16xf32>
      %swap3A_383 = vector.shape_cast %broadcast_in_dim3A_369 : vector<16xf32> to vector<1x16xf32>
      tpu.vector_store %arg9[%swap3A_379, %swap3A_380], %swap3A_383 {strides = array<i32>} : memref<100x64xf32, #tpu.memory_space<vmem>>, vector<1x16xf32>,
      %swap3A_384 = arith.index_cast %scan3A_368 : i32 to index
      %swap3A_385 = arith.constant 48 : index
      %swap3A_386 = tpu.vector_load %arg9[%swap3A_384, %swap3A_385] {strides = array<i32>} : memref<100x64xf32, #tpu.memory_space<vmem>>, vector<1x16xf32>,
      %swap3A_387 = vector.shape_cast %swap3A_386 : vector<1x16xf32> to vector<16xf32>
      %swap3A_388 = vector.shape_cast %broadcast_in_dim3A_369 : vector<16xf32> to vector<1x16xf32>
      tpu.vector_store %arg9[%swap3A_384, %swap3A_385], %swap3A_388 {strides = array<i32>} : memref<100x64xf32, #tpu.memory_space<vmem>>, vector<1x16xf32>,
    }
    %scan3A_4 = arith.constant 100 : i32
    %mul3A = arith.constant 632 : i32
    %mul3A_5 = arith.muli %arg1, %mul3A : i32
    %add3A = arith.constant 0 : i32
    %add3A_6 = arith.addi %mul3A_5, %add3A : i32
    %dma_start3A = arith.constant 0 : i32
    %dma_start3A_7 = arith.constant 0 : i32
    %dma_start3A_8 = tpu.memref_slice %arg9[%dma_start3A, %dma_start3A_7] : memref<100x64xf32, #tpu.memory_space<vmem>> -> memref<100x64xf32, #tpu.memory_space<vmem>>
    %dma_start3A_9 = arith.constant 0 : i32
    %dma_start3A_10 = tpu.memref_slice %arg13[%add3A_6, %dma_start3A_9] : memref<10112x64xf32, #tpu.memory_space<vmem_shared>> -> memref<100x64xf32, #tpu.memory_space<vmem_shared>>
    %dma_start3A_11 = arith.constant 0 : i32
    %dma_start3A_12 = tpu.memref_slice %arg13[%add3A_6, %dma_start3A_11] : memref<10112x64xf32, #tpu.memory_space<vmem_shared>> -> memref<100x64xf32, #tpu.memory_space<vmem_shared>>
    %dma_start3A_13 = arith.constant 0 : i32
    %dma_start3A_14 = arith.constant 0 : i32
    %dma_start3A_15 = tpu.memref_slice %arg9[%dma_start3A_13, %dma_start3A_14] : memref<100x64xf32, #tpu.memory_space<vmem>> -> memref<100x64xf32, #tpu.memory_space<vmem>>
    tpu.enqueue_dma source(%dma_start3A_15 : memref<100x64xf32, #tpu.memory_space<vmem>>) target(%dma_start3A_12 : memref<100x64xf32, #tpu.memory_space<vmem_shared>>) target_semaphore(%arg14 : memref<!tpu.dma_semaphore, #tpu.memory_space<semaphore_mem>>)
    %mul3A_16 = arith.constant 632 : i32
    %mul3A_17 = arith.muli %arg1, %mul3A_16 : i32
    %add3A_18 = arith.constant 100 : i32
    %add3A_19 = arith.addi %mul3A_17, %add3A_18 : i32
    %dma_start3A_20 = arith.constant 0 : i32
    %dma_start3A_21 = arith.constant 0 : i32
    %dma_start3A_22 = tpu.memref_slice %arg9[%dma_start3A_20, %dma_start3A_21] : memref<100x64xf32, #tpu.memory_space<vmem>> -> memref<100x64xf32, #tpu.memory_space<vmem>>
    %dma_start3A_23 = arith.constant 0 : i32
    %dma_start3A_24 = tpu.memref_slice %arg13[%add3A_19, %dma_start3A_23] : memref<10112x64xf32, #tpu.memory_space<vmem_shared>> -> memref<100x64xf32, #tpu.memory_space<vmem_shared>>
    %dma_start3A_25 = arith.constant 0 : i32
    %dma_start3A_26 = tpu.memref_slice %arg13[%add3A_19, %dma_start3A_25] : memref<10112x64xf32, #tpu.memory_space<vmem_shared>> -> memref<100x64xf32, #tpu.memory_space<vmem_shared>>
    %dma_start3A_27 = arith.constant 0 : i32
    %dma_start3A_28 = arith.constant 0 : i32
    %dma_start3A_29 = tpu.memref_slice %arg9[%dma_start3A_27, %dma_start3A_28] : memref<100x64xf32, #tpu.memory_space<vmem>> -> memref<100x64xf32, #tpu.memory_space<vmem>>
    tpu.enqueue_dma source(%dma_start3A_29 : memref<100x64xf32, #tpu.memory_space<vmem>>) target(%dma_start3A_26 : memref<100x64xf32, #tpu.memory_space<vmem_shared>>) target_semaphore(%arg14 : memref<!tpu.dma_semaphore, #tpu.memory_space<semaphore_mem>>)
    %mul3A_30 = arith.constant 632 : i32
    %mul3A_31 = arith.muli %arg1, %mul3A_30 : i32
    %add3A_32 = arith.constant 200 : i32
    %add3A_33 = arith.addi %mul3A_31, %add3A_32 : i32
    %dma_start3A_34 = arith.constant 0 : i32
    %dma_start3A_35 = arith.constant 0 : i32
    %dma_start3A_36 = tpu.memref_slice %arg9[%dma_start3A_34, %dma_start3A_35] : memref<100x64xf32, #tpu.memory_space<vmem>> -> memref<100x64xf32, #tpu.memory_space<vmem>>
    %dma_start3A_37 = arith.constant 0 : i32
    %dma_start3A_38 = tpu.memref_slice %arg13[%add3A_33, %dma_start3A_37] : memref<10112x64xf32, #tpu.memory_space<vmem_shared>> -> memref<100x64xf32, #tpu.memory_space<vmem_shared>>
    %dma_start3A_39 = arith.constant 0 : i32
    %dma_start3A_40 = tpu.memref_slice %arg13[%add3A_33, %dma_start3A_39] : memref<10112x64xf32, #tpu.memory_space<vmem_shared>> -> memref<100x64xf32, #tpu.memory_space<vmem_shared>>
    %dma_start3A_41 = arith.constant 0 : i32
    %dma_start3A_42 = arith.constant 0 : i32
    %dma_start3A_43 = tpu.memref_slice %arg9[%dma_start3A_41, %dma_start3A_42] : memref<100x64xf32, #tpu.memory_space<vmem>> -> memref<100x64xf32, #tpu.memory_space<vmem>>
    tpu.enqueue_dma source(%dma_start3A_43 : memref<100x64xf32, #tpu.memory_space<vmem>>) target(%dma_start3A_40 : memref<100x64xf32, #tpu.memory_space<vmem_shared>>) target_semaphore(%arg14 : memref<!tpu.dma_semaphore, #tpu.memory_space<semaphore_mem>>)
    %mul3A_44 = arith.constant 632 : i32
    %mul3A_45 = arith.muli %arg1, %mul3A_44 : i32
    %add3A_46 = arith.constant 300 : i32
    %add3A_47 = arith.addi %mul3A_45, %add3A_46 : i32
    %dma_start3A_48 = arith.constant 0 : i32
    %dma_start3A_49 = arith.constant 0 : i32
    %dma_start3A_50 = tpu.memref_slice %arg9[%dma_start3A_48, %dma_start3A_49] : memref<100x64xf32, #tpu.memory_space<vmem>> -> memref<100x64xf32, #tpu.memory_space<vmem>>
    %dma_start3A_51 = arith.constant 0 : i32
    %dma_start3A_52 = tpu.memref_slice %arg13[%add3A_47, %dma_start3A_51] : memref<10112x64xf32, #tpu.memory_space<vmem_shared>> -> memref<100x64xf32, #tpu.memory_space<vmem_shared>>
    %dma_start3A_53 = arith.constant 0 : i32
    %dma_start3A_54 = tpu.memref_slice %arg13[%add3A_47, %dma_start3A_53] : memref<10112x64xf32, #tpu.memory_space<vmem_shared>> -> memref<100x64xf32, #tpu.memory_space<vmem_shared>>
    %dma_start3A_55 = arith.constant 0 : i32
    %dma_start3A_56 = arith.constant 0 : i32
    %dma_start3A_57 = tpu.memref_slice %arg9[%dma_start3A_55, %dma_start3A_56] : memref<100x64xf32, #tpu.memory_space<vmem>> -> memref<100x64xf32, #tpu.memory_space<vmem>>
    tpu.enqueue_dma source(%dma_start3A_57 : memref<100x64xf32, #tpu.memory_space<vmem>>) target(%dma_start3A_54 : memref<100x64xf32, #tpu.memory_space<vmem_shared>>) target_semaphore(%arg14 : memref<!tpu.dma_semaphore, #tpu.memory_space<semaphore_mem>>)
    %mul3A_58 = arith.constant 632 : i32
    %mul3A_59 = arith.muli %arg1, %mul3A_58 : i32
    %add3A_60 = arith.constant 400 : i32
    %add3A_61 = arith.addi %mul3A_59, %add3A_60 : i32
    %dma_start3A_62 = arith.constant 0 : i32
    %dma_start3A_63 = arith.constant 0 : i32
    %dma_start3A_64 = tpu.memref_slice %arg9[%dma_start3A_62, %dma_start3A_63] : memref<100x64xf32, #tpu.memory_space<vmem>> -> memref<100x64xf32, #tpu.memory_space<vmem>>
    %dma_start3A_65 = arith.constant 0 : i32
    %dma_start3A_66 = tpu.memref_slice %arg13[%add3A_61, %dma_start3A_65] : memref<10112x64xf32, #tpu.memory_space<vmem_shared>> -> memref<100x64xf32, #tpu.memory_space<vmem_shared>>
    %dma_start3A_67 = arith.constant 0 : i32
    %dma_start3A_68 = tpu.memref_slice %arg13[%add3A_61, %dma_start3A_67] : memref<10112x64xf32, #tpu.memory_space<vmem_shared>> -> memref<100x64xf32, #tpu.memory_space<vmem_shared>>
    %dma_start3A_69 = arith.constant 0 : i32
    %dma_start3A_70 = arith.constant 0 : i32
    %dma_start3A_71 = tpu.memref_slice %arg9[%dma_start3A_69, %dma_start3A_70] : memref<100x64xf32, #tpu.memory_space<vmem>> -> memref<100x64xf32, #tpu.memory_space<vmem>>
    tpu.enqueue_dma source(%dma_start3A_71 : memref<100x64xf32, #tpu.memory_space<vmem>>) target(%dma_start3A_68 : memref<100x64xf32, #tpu.memory_space<vmem_shared>>) target_semaphore(%arg14 : memref<!tpu.dma_semaphore, #tpu.memory_space<semaphore_mem>>)
    %mul3A_72 = arith.constant 632 : i32
    %mul3A_73 = arith.muli %arg1, %mul3A_72 : i32
    %add3A_74 = arith.constant 500 : i32
    %add3A_75 = arith.addi %mul3A_73, %add3A_74 : i32
    %dma_start3A_76 = arith.constant 0 : i32
    %dma_start3A_77 = arith.constant 0 : i32
    %dma_start3A_78 = tpu.memref_slice %arg9[%dma_start3A_76, %dma_start3A_77] : memref<100x64xf32, #tpu.memory_space<vmem>> -> memref<100x64xf32, #tpu.memory_space<vmem>>
    %dma_start3A_79 = arith.constant 0 : i32
    %dma_start3A_80 = tpu.memref_slice %arg13[%add3A_75, %dma_start3A_79] : memref<10112x64xf32, #tpu.memory_space<vmem_shared>> -> memref<100x64xf32, #tpu.memory_space<vmem_shared>>
    %dma_start3A_81 = arith.constant 0 : i32
    %dma_start3A_82 = tpu.memref_slice %arg13[%add3A_75, %dma_start3A_81] : memref<10112x64xf32, #tpu.memory_space<vmem_shared>> -> memref<100x64xf32, #tpu.memory_space<vmem_shared>>
    %dma_start3A_83 = arith.constant 0 : i32
    %dma_start3A_84 = arith.constant 0 : i32
    %dma_start3A_85 = tpu.memref_slice %arg9[%dma_start3A_83, %dma_start3A_84] : memref<100x64xf32, #tpu.memory_space<vmem>> -> memref<100x64xf32, #tpu.memory_space<vmem>>
    tpu.enqueue_dma source(%dma_start3A_85 : memref<100x64xf32, #tpu.memory_space<vmem>>) target(%dma_start3A_82 : memref<100x64xf32, #tpu.memory_space<vmem_shared>>) target_semaphore(%arg14 : memref<!tpu.dma_semaphore, #tpu.memory_space<semaphore_mem>>)
    %mul3A_86 = arith.constant 632 : i32
    %mul3A_87 = arith.muli %arg1, %mul3A_86 : i32
    %add3A_88 = arith.constant 600 : i32
    %add3A_89 = arith.addi %mul3A_87, %add3A_88 : i32
    %dma_start3A_90 = arith.constant 0 : i32
    %dma_start3A_91 = arith.constant 0 : i32
    %dma_start3A_92 = tpu.memref_slice %arg9[%dma_start3A_90, %dma_start3A_91] : memref<100x64xf32, #tpu.memory_space<vmem>> -> memref<32x64xf32, #tpu.memory_space<vmem>>
    %dma_start3A_93 = arith.constant 0 : i32
    %dma_start3A_94 = tpu.memref_slice %arg13[%add3A_89, %dma_start3A_93] : memref<10112x64xf32, #tpu.memory_space<vmem_shared>> -> memref<32x64xf32, #tpu.memory_space<vmem_shared>>
    %dma_start3A_95 = arith.constant 0 : i32
    %dma_start3A_96 = tpu.memref_slice %arg13[%add3A_89, %dma_start3A_95] : memref<10112x64xf32, #tpu.memory_space<vmem_shared>> -> memref<32x64xf32, #tpu.memory_space<vmem_shared>>
    %dma_start3A_97 = arith.constant 0 : i32
    %dma_start3A_98 = arith.constant 0 : i32
    %dma_start3A_99 = tpu.memref_slice %arg9[%dma_start3A_97, %dma_start3A_98] : memref<100x64xf32, #tpu.memory_space<vmem>> -> memref<32x64xf32, #tpu.memory_space<vmem>>
    tpu.enqueue_dma source(%dma_start3A_99 : memref<32x64xf32, #tpu.memory_space<vmem>>) target(%dma_start3A_96 : memref<32x64xf32, #tpu.memory_space<vmem_shared>>) target_semaphore(%arg14 : memref<!tpu.dma_semaphore, #tpu.memory_space<semaphore_mem>>)
    %mul3A_100 = arith.constant 632 : i32
    %mul3A_101 = arith.muli %arg1, %mul3A_100 : i32
    %add3A_102 = arith.constant 0 : i32
    %add3A_103 = arith.addi %mul3A_101, %add3A_102 : i32
    %dma_wait3A = arith.constant 0 : i32
    %dma_wait3A_104 = arith.constant 0 : i32
    %dma_wait3A_105 = tpu.memref_slice %arg9[%dma_wait3A, %dma_wait3A_104] : memref<100x64xf32, #tpu.memory_space<vmem>> -> memref<100x64xf32, #tpu.memory_space<vmem>>
    %dma_wait3A_106 = arith.constant 0 : i32
    %dma_wait3A_107 = tpu.memref_slice %arg13[%add3A_103, %dma_wait3A_106] : memref<10112x64xf32, #tpu.memory_space<vmem_shared>> -> memref<100x64xf32, #tpu.memory_space<vmem_shared>>
    %dma_wait3A_108 = arith.constant 0 : i32
    %dma_wait3A_109 = tpu.memref_slice %arg13[%add3A_103, %dma_wait3A_108] : memref<10112x64xf32, #tpu.memory_space<vmem_shared>> -> memref<100x64xf32, #tpu.memory_space<vmem_shared>>
    %dma_wait3A_110 = arith.constant 0 : i32
    %dma_wait3A_111 = arith.constant 0 : i32
    %dma_wait3A_112 = tpu.memref_slice %arg9[%dma_wait3A_110, %dma_wait3A_111] : memref<100x64xf32, #tpu.memory_space<vmem>> -> memref<100x64xf32, #tpu.memory_space<vmem>>
    tpu.wait_dma2 semaphore(%arg14 : memref<!tpu.dma_semaphore, #tpu.memory_space<semaphore_mem>>) src(%dma_wait3A_112 : memref<100x64xf32, #tpu.memory_space<vmem>>) dst(%dma_wait3A_109 : memref<100x64xf32, #tpu.memory_space<vmem_shared>>)
    %mul3A_113 = arith.constant 632 : i32
    %mul3A_114 = arith.muli %arg1, %mul3A_113 : i32
    %add3A_115 = arith.constant 100 : i32
    %add3A_116 = arith.addi %mul3A_114, %add3A_115 : i32
    %dma_wait3A_117 = arith.constant 0 : i32
    %dma_wait3A_118 = arith.constant 0 : i32
    %dma_wait3A_119 = tpu.memref_slice %arg9[%dma_wait3A_117, %dma_wait3A_118] : memref<100x64xf32, #tpu.memory_space<vmem>> -> memref<100x64xf32, #tpu.memory_space<vmem>>
    %dma_wait3A_120 = arith.constant 0 : i32
    %dma_wait3A_121 = tpu.memref_slice %arg13[%add3A_116, %dma_wait3A_120] : memref<10112x64xf32, #tpu.memory_space<vmem_shared>> -> memref<100x64xf32, #tpu.memory_space<vmem_shared>>
    %dma_wait3A_122 = arith.constant 0 : i32
    %dma_wait3A_123 = tpu.memref_slice %arg13[%add3A_116, %dma_wait3A_122] : memref<10112x64xf32, #tpu.memory_space<vmem_shared>> -> memref<100x64xf32, #tpu.memory_space<vmem_shared>>
    %dma_wait3A_124 = arith.constant 0 : i32
    %dma_wait3A_125 = arith.constant 0 : i32
    %dma_wait3A_126 = tpu.memref_slice %arg9[%dma_wait3A_124, %dma_wait3A_125] : memref<100x64xf32, #tpu.memory_space<vmem>> -> memref<100x64xf32, #tpu.memory_space<vmem>>
    tpu.wait_dma2 semaphore(%arg14 : memref<!tpu.dma_semaphore, #tpu.memory_space<semaphore_mem>>) src(%dma_wait3A_126 : memref<100x64xf32, #tpu.memory_space<vmem>>) dst(%dma_wait3A_123 : memref<100x64xf32, #tpu.memory_space<vmem_shared>>)
    %mul3A_127 = arith.constant 632 : i32
    %mul3A_128 = arith.muli %arg1, %mul3A_127 : i32
    %add3A_129 = arith.constant 200 : i32
    %add3A_130 = arith.addi %mul3A_128, %add3A_129 : i32
    %dma_wait3A_131 = arith.constant 0 : i32
    %dma_wait3A_132 = arith.constant 0 : i32
    %dma_wait3A_133 = tpu.memref_slice %arg9[%dma_wait3A_131, %dma_wait3A_132] : memref<100x64xf32, #tpu.memory_space<vmem>> -> memref<100x64xf32, #tpu.memory_space<vmem>>
    %dma_wait3A_134 = arith.constant 0 : i32
    %dma_wait3A_135 = tpu.memref_slice %arg13[%add3A_130, %dma_wait3A_134] : memref<10112x64xf32, #tpu.memory_space<vmem_shared>> -> memref<100x64xf32, #tpu.memory_space<vmem_shared>>
    %dma_wait3A_136 = arith.constant 0 : i32
    %dma_wait3A_137 = tpu.memref_slice %arg13[%add3A_130, %dma_wait3A_136] : memref<10112x64xf32, #tpu.memory_space<vmem_shared>> -> memref<100x64xf32, #tpu.memory_space<vmem_shared>>
    %dma_wait3A_138 = arith.constant 0 : i32
    %dma_wait3A_139 = arith.constant 0 : i32
    %dma_wait3A_140 = tpu.memref_slice %arg9[%dma_wait3A_138, %dma_wait3A_139] : memref<100x64xf32, #tpu.memory_space<vmem>> -> memref<100x64xf32, #tpu.memory_space<vmem>>
    tpu.wait_dma2 semaphore(%arg14 : memref<!tpu.dma_semaphore, #tpu.memory_space<semaphore_mem>>) src(%dma_wait3A_140 : memref<100x64xf32, #tpu.memory_space<vmem>>) dst(%dma_wait3A_137 : memref<100x64xf32, #tpu.memory_space<vmem_shared>>)
    %mul3A_141 = arith.constant 632 : i32
    %mul3A_142 = arith.muli %arg1, %mul3A_141 : i32
    %add3A_143 = arith.constant 300 : i32
    %add3A_144 = arith.addi %mul3A_142, %add3A_143 : i32
    %dma_wait3A_145 = arith.constant 0 : i32
    %dma_wait3A_146 = arith.constant 0 : i32
    %dma_wait3A_147 = tpu.memref_slice %arg9[%dma_wait3A_145, %dma_wait3A_146] : memref<100x64xf32, #tpu.memory_space<vmem>> -> memref<100x64xf32, #tpu.memory_space<vmem>>
    %dma_wait3A_148 = arith.constant 0 : i32
    %dma_wait3A_149 = tpu.memref_slice %arg13[%add3A_144, %dma_wait3A_148] : memref<10112x64xf32, #tpu.memory_space<vmem_shared>> -> memref<100x64xf32, #tpu.memory_space<vmem_shared>>
    %dma_wait3A_150 = arith.constant 0 : i32
    %dma_wait3A_151 = tpu.memref_slice %arg13[%add3A_144, %dma_wait3A_150] : memref<10112x64xf32, #tpu.memory_space<vmem_shared>> -> memref<100x64xf32, #tpu.memory_space<vmem_shared>>
    %dma_wait3A_152 = arith.constant 0 : i32
    %dma_wait3A_153 = arith.constant 0 : i32
    %dma_wait3A_154 = tpu.memref_slice %arg9[%dma_wait3A_152, %dma_wait3A_153] : memref<100x64xf32, #tpu.memory_space<vmem>> -> memref<100x64xf32, #tpu.memory_space<vmem>>
    tpu.wait_dma2 semaphore(%arg14 : memref<!tpu.dma_semaphore, #tpu.memory_space<semaphore_mem>>) src(%dma_wait3A_154 : memref<100x64xf32, #tpu.memory_space<vmem>>) dst(%dma_wait3A_151 : memref<100x64xf32, #tpu.memory_space<vmem_shared>>)
    %mul3A_155 = arith.constant 632 : i32
    %mul3A_156 = arith.muli %arg1, %mul3A_155 : i32
    %add3A_157 = arith.constant 400 : i32
    %add3A_158 = arith.addi %mul3A_156, %add3A_157 : i32
    %dma_wait3A_159 = arith.constant 0 : i32
    %dma_wait3A_160 = arith.constant 0 : i32
    %dma_wait3A_161 = tpu.memref_slice %arg9[%dma_wait3A_159, %dma_wait3A_160] : memref<100x64xf32, #tpu.memory_space<vmem>> -> memref<100x64xf32, #tpu.memory_space<vmem>>
    %dma_wait3A_162 = arith.constant 0 : i32
    %dma_wait3A_163 = tpu.memref_slice %arg13[%add3A_158, %dma_wait3A_162] : memref<10112x64xf32, #tpu.memory_space<vmem_shared>> -> memref<100x64xf32, #tpu.memory_space<vmem_shared>>
    %dma_wait3A_164 = arith.constant 0 : i32
    %dma_wait3A_165 = tpu.memref_slice %arg13[%add3A_158, %dma_wait3A_164] : memref<10112x64xf32, #tpu.memory_space<vmem_shared>> -> memref<100x64xf32, #tpu.memory_space<vmem_shared>>
    %dma_wait3A_166 = arith.constant 0 : i32
    %dma_wait3A_167 = arith.constant 0 : i32
    %dma_wait3A_168 = tpu.memref_slice %arg9[%dma_wait3A_166, %dma_wait3A_167] : memref<100x64xf32, #tpu.memory_space<vmem>> -> memref<100x64xf32, #tpu.memory_space<vmem>>
    tpu.wait_dma2 semaphore(%arg14 : memref<!tpu.dma_semaphore, #tpu.memory_space<semaphore_mem>>) src(%dma_wait3A_168 : memref<100x64xf32, #tpu.memory_space<vmem>>) dst(%dma_wait3A_165 : memref<100x64xf32, #tpu.memory_space<vmem_shared>>)
    %mul3A_169 = arith.constant 632 : i32
    %mul3A_170 = arith.muli %arg1, %mul3A_169 : i32
    %add3A_171 = arith.constant 500 : i32
    %add3A_172 = arith.addi %mul3A_170, %add3A_171 : i32
    %dma_wait3A_173 = arith.constant 0 : i32
    %dma_wait3A_174 = arith.constant 0 : i32
    %dma_wait3A_175 = tpu.memref_slice %arg9[%dma_wait3A_173, %dma_wait3A_174] : memref<100x64xf32, #tpu.memory_space<vmem>> -> memref<100x64xf32, #tpu.memory_space<vmem>>
    %dma_wait3A_176 = arith.constant 0 : i32
    %dma_wait3A_177 = tpu.memref_slice %arg13[%add3A_172, %dma_wait3A_176] : memref<10112x64xf32, #tpu.memory_space<vmem_shared>> -> memref<100x64xf32, #tpu.memory_space<vmem_shared>>
    %dma_wait3A_178 = arith.constant 0 : i32
    %dma_wait3A_179 = tpu.memref_slice %arg13[%add3A_172, %dma_wait3A_178] : memref<10112x64xf32, #tpu.memory_space<vmem_shared>> -> memref<100x64xf32, #tpu.memory_space<vmem_shared>>
    %dma_wait3A_180 = arith.constant 0 : i32
    %dma_wait3A_181 = arith.constant 0 : i32
    %dma_wait3A_182 = tpu.memref_slice %arg9[%dma_wait3A_180, %dma_wait3A_181] : memref<100x64xf32, #tpu.memory_space<vmem>> -> memref<100x64xf32, #tpu.memory_space<vmem>>
    tpu.wait_dma2 semaphore(%arg14 : memref<!tpu.dma_semaphore, #tpu.memory_space<semaphore_mem>>) src(%dma_wait3A_182 : memref<100x64xf32, #tpu.memory_space<vmem>>) dst(%dma_wait3A_179 : memref<100x64xf32, #tpu.memory_space<vmem_shared>>)
    %mul3A_183 = arith.constant 632 : i32
    %mul3A_184 = arith.muli %arg1, %mul3A_183 : i32
    %add3A_185 = arith.constant 600 : i32
    %add3A_186 = arith.addi %mul3A_184, %add3A_185 : i32
    %dma_wait3A_187 = arith.constant 0 : i32
    %dma_wait3A_188 = arith.constant 0 : i32
    %dma_wait3A_189 = tpu.memref_slice %arg9[%dma_wait3A_187, %dma_wait3A_188] : memref<100x64xf32, #tpu.memory_space<vmem>> -> memref<32x64xf32, #tpu.memory_space<vmem>>
    %dma_wait3A_190 = arith.constant 0 : i32
    %dma_wait3A_191 = tpu.memref_slice %arg13[%add3A_186, %dma_wait3A_190] : memref<10112x64xf32, #tpu.memory_space<vmem_shared>> -> memref<32x64xf32, #tpu.memory_space<vmem_shared>>
    %dma_wait3A_192 = arith.constant 0 : i32
    %dma_wait3A_193 = tpu.memref_slice %arg13[%add3A_186, %dma_wait3A_192] : memref<10112x64xf32, #tpu.memory_space<vmem_shared>> -> memref<32x64xf32, #tpu.memory_space<vmem_shared>>
    %dma_wait3A_194 = arith.constant 0 : i32
    %dma_wait3A_195 = arith.constant 0 : i32
    %dma_wait3A_196 = tpu.memref_slice %arg9[%dma_wait3A_194, %dma_wait3A_195] : memref<100x64xf32, #tpu.memory_space<vmem>> -> memref<32x64xf32, #tpu.memory_space<vmem>>
    tpu.wait_dma2 semaphore(%arg14 : memref<!tpu.dma_semaphore, #tpu.memory_space<semaphore_mem>>) src(%dma_wait3A_196 : memref<32x64xf32, #tpu.memory_space<vmem>>) dst(%dma_wait3A_193 : memref<32x64xf32, #tpu.memory_space<vmem_shared>>)
    "tpu.region"() ({
      %run_scoped3A = tpu.sem_alloc : memref<!tpu.dma_semaphore, #tpu.memory_space<semaphore_mem>>
      %dma_start3A_368 = arith.constant 0 : i32
      %dma_start3A_369 = arith.constant 0 : i32
      %dma_start3A_370 = tpu.memref_slice %arg4[%arg1, %dma_start3A_368, %dma_start3A_369] : memref<16x200x100xi32, #tpu.memory_space<hbm>> -> memref<1x200x100xi32, #tpu.memory_space<hbm>>
      %dma_start3A_371 = tpu.memref_squeeze %dma_start3A_370 : memref<1x200x100xi32, #tpu.memory_space<hbm>> -> memref<200x100xi32, #tpu.memory_space<hbm>>
      %dma_start3A_372 = arith.constant 0 : i32
      %dma_start3A_373 = arith.constant 0 : i32
      %dma_start3A_374 = tpu.memref_slice %arg4[%arg1, %dma_start3A_372, %dma_start3A_373] : memref<16x200x100xi32, #tpu.memory_space<hbm>> -> memref<1x200x100xi32, #tpu.memory_space<hbm>>
      %dma_start3A_375 = tpu.memref_squeeze %dma_start3A_374 : memref<1x200x100xi32, #tpu.memory_space<hbm>> -> memref<200x100xi32, #tpu.memory_space<hbm>>
      tpu.enqueue_dma source(%dma_start3A_375 : memref<200x100xi32, #tpu.memory_space<hbm>>) target(%arg7 : memref<200x100xi32, #tpu.memory_space<vmem>>) target_semaphore(%run_scoped3A : memref<!tpu.dma_semaphore, #tpu.memory_space<semaphore_mem>>)
      %dma_wait3A_376 = arith.constant 0 : i32
      %dma_wait3A_377 = arith.constant 0 : i32
      %dma_wait3A_378 = tpu.memref_slice %arg4[%arg1, %dma_wait3A_376, %dma_wait3A_377] : memref<16x200x100xi32, #tpu.memory_space<hbm>> -> memref<1x200x100xi32, #tpu.memory_space<hbm>>
      %dma_wait3A_379 = tpu.memref_squeeze %dma_wait3A_378 : memref<1x200x100xi32, #tpu.memory_space<hbm>> -> memref<200x100xi32, #tpu.memory_space<hbm>>
      %dma_wait3A_380 = arith.constant 0 : i32
      %dma_wait3A_381 = arith.constant 0 : i32
      %dma_wait3A_382 = tpu.memref_slice %arg4[%arg1, %dma_wait3A_380, %dma_wait3A_381] : memref<16x200x100xi32, #tpu.memory_space<hbm>> -> memref<1x200x100xi32, #tpu.memory_space<hbm>>
      %dma_wait3A_383 = tpu.memref_squeeze %dma_wait3A_382 : memref<1x200x100xi32, #tpu.memory_space<hbm>> -> memref<200x100xi32, #tpu.memory_space<hbm>>
      tpu.wait_dma2 semaphore(%run_scoped3A : memref<!tpu.dma_semaphore, #tpu.memory_space<semaphore_mem>>) src(%dma_wait3A_383 : memref<200x100xi32, #tpu.memory_space<hbm>>) dst(%arg7 : memref<200x100xi32, #tpu.memory_space<vmem>>)
      tpu.yield
    }) : () -> ()
    "tpu.region"() ({
      %run_scoped3A = tpu.sem_alloc : memref<!tpu.dma_semaphore, #tpu.memory_space<semaphore_mem>>
      %dma_start3A_368 = arith.constant 0 : i32
      %dma_start3A_369 = arith.constant 0 : i32
      %dma_start3A_370 = tpu.memref_slice %arg5[%arg1, %dma_start3A_368, %dma_start3A_369] : memref<16x200x100xi32, #tpu.memory_space<hbm>> -> memref<1x200x100xi32, #tpu.memory_space<hbm>>
      %dma_start3A_371 = tpu.memref_squeeze %dma_start3A_370 : memref<1x200x100xi32, #tpu.memory_space<hbm>> -> memref<200x100xi32, #tpu.memory_space<hbm>>
      %dma_start3A_372 = arith.constant 0 : i32
      %dma_start3A_373 = arith.constant 0 : i32
      %dma_start3A_374 = tpu.memref_slice %arg5[%arg1, %dma_start3A_372, %dma_start3A_373] : memref<16x200x100xi32, #tpu.memory_space<hbm>> -> memref<1x200x100xi32, #tpu.memory_space<hbm>>
      %dma_start3A_375 = tpu.memref_squeeze %dma_start3A_374 : memref<1x200x100xi32, #tpu.memory_space<hbm>> -> memref<200x100xi32, #tpu.memory_space<hbm>>
      tpu.enqueue_dma source(%dma_start3A_375 : memref<200x100xi32, #tpu.memory_space<hbm>>) target(%arg8 : memref<200x100xi32, #tpu.memory_space<vmem>>) target_semaphore(%run_scoped3A : memref<!tpu.dma_semaphore, #tpu.memory_space<semaphore_mem>>)
      %dma_wait3A_376 = arith.constant 0 : i32
      %dma_wait3A_377 = arith.constant 0 : i32
      %dma_wait3A_378 = tpu.memref_slice %arg5[%arg1, %dma_wait3A_376, %dma_wait3A_377] : memref<16x200x100xi32, #tpu.memory_space<hbm>> -> memref<1x200x100xi32, #tpu.memory_space<hbm>>
      %dma_wait3A_379 = tpu.memref_squeeze %dma_wait3A_378 : memref<1x200x100xi32, #tpu.memory_space<hbm>> -> memref<200x100xi32, #tpu.memory_space<hbm>>
      %dma_wait3A_380 = arith.constant 0 : i32
      %dma_wait3A_381 = arith.constant 0 : i32
      %dma_wait3A_382 = tpu.memref_slice %arg5[%arg1, %dma_wait3A_380, %dma_wait3A_381] : memref<16x200x100xi32, #tpu.memory_space<hbm>> -> memref<1x200x100xi32, #tpu.memory_space<hbm>>
      %dma_wait3A_383 = tpu.memref_squeeze %dma_wait3A_382 : memref<1x200x100xi32, #tpu.memory_space<hbm>> -> memref<200x100xi32, #tpu.memory_space<hbm>>
      tpu.wait_dma2 semaphore(%run_scoped3A : memref<!tpu.dma_semaphore, #tpu.memory_space<semaphore_mem>>) src(%dma_wait3A_383 : memref<200x100xi32, #tpu.memory_space<hbm>>) dst(%arg8 : memref<200x100xi32, #tpu.memory_space<vmem>>)
      tpu.yield
    }) : () -> ()
    %barrier3A = arith.constant 0 : index
    tpu.barrier barrier_id(%barrier3A)
    %dma_start3A_197 = arith.constant 0 : i32
    %dma_start3A_198 = arith.constant 0 : i32
    %dma_start3A_199 = tpu.memref_slice %arg7[%dma_start3A_197, %dma_start3A_198] : memref<200x100xi32, #tpu.memory_space<vmem>> -> memref<1x100xi32, #tpu.memory_space<vmem>>
    %dma_start3A_200 = tpu.memref_squeeze %dma_start3A_199 : memref<1x100xi32, #tpu.memory_space<vmem>> -> memref<100xi32, #tpu.memory_space<vmem>>
    %dma_start3A_201 = arith.constant 0 : i32
    %dma_start3A_202 = arith.constant 0 : i32
    %dma_start3A_203 = tpu.memref_slice %arg2[%arg0, %dma_start3A_201, %dma_start3A_202] : memref<2x10000x64xf32, #tpu.memory_space<hbm>> -> memref<1x10000x64xf32, #tpu.memory_space<hbm>>
    %dma_start3A_204 = tpu.memref_squeeze %dma_start3A_203 : memref<1x10000x64xf32, #tpu.memory_space<hbm>> -> memref<10000x64xf32, #tpu.memory_space<hbm>>
    %dma_start3A_205 = arith.constant 0 : i32
    %dma_start3A_206 = arith.constant 0 : i32
    %dma_start3A_207 = tpu.memref_slice %dma_start3A_204[%dma_start3A_205, %dma_start3A_206] : memref<10000x64xf32, #tpu.memory_space<hbm>> -> memref<10000x64xf32, #tpu.memory_space<hbm>>
    tpu.enqueue_indirect_dma source(%dma_start3A_207 : memref<10000x64xf32, #tpu.memory_space<hbm>>) target(%arg10 : memref<100x64xf32, #tpu.memory_space<vmem>>) offsets(%dma_start3A_200 : memref<100xi32, #tpu.memory_space<vmem>>) semaphore(%arg14 : memref<!tpu.dma_semaphore, #tpu.memory_space<semaphore_mem>>)
    %mul3A_208 = arith.constant 20000 : i32
    %mul3A_209 = arith.muli %arg1, %mul3A_208 : i32
    %add3A_210 = arith.constant 0 : i32
    %add3A_211 = arith.addi %mul3A_209, %add3A_210 : i32
    %mul3A_212 = arith.constant 64 : i32
    %mul3A_213 = arith.muli %arg0, %mul3A_212 : i32
    %dma_start3A_214 = tpu.memref_slice %arg3[%add3A_211, %mul3A_213] : memref<320000x128xf32, #tpu.memory_space<hbm>> -> memref<100x64xf32, #tpu.memory_space<hbm>>
    %dma_start3A_215 = tpu.memref_slice %arg3[%add3A_211, %mul3A_213] : memref<320000x128xf32, #tpu.memory_space<hbm>> -> memref<100x64xf32, #tpu.memory_space<hbm>>
    tpu.enqueue_dma source(%dma_start3A_215 : memref<100x64xf32, #tpu.memory_space<hbm>>) target(%arg9 : memref<100x64xf32, #tpu.memory_space<vmem>>) target_semaphore(%arg14 : memref<!tpu.dma_semaphore, #tpu.memory_space<semaphore_mem>>)
    %dma_start3A_216 = arith.constant 1 : i32
    %dma_start3A_217 = arith.constant 0 : i32
    %dma_start3A_218 = tpu.memref_slice %arg7[%dma_start3A_216, %dma_start3A_217] : memref<200x100xi32, #tpu.memory_space<vmem>> -> memref<1x100xi32, #tpu.memory_space<vmem>>
    %dma_start3A_219 = tpu.memref_squeeze %dma_start3A_218 : memref<1x100xi32, #tpu.memory_space<vmem>> -> memref<100xi32, #tpu.memory_space<vmem>>
    %dma_start3A_220 = arith.constant 0 : i32
    %dma_start3A_221 = arith.constant 0 : i32
    %dma_start3A_222 = tpu.memref_slice %arg2[%arg0, %dma_start3A_220, %dma_start3A_221] : memref<2x10000x64xf32, #tpu.memory_space<hbm>> -> memref<1x10000x64xf32, #tpu.memory_space<hbm>>
    %dma_start3A_223 = tpu.memref_squeeze %dma_start3A_222 : memref<1x10000x64xf32, #tpu.memory_space<hbm>> -> memref<10000x64xf32, #tpu.memory_space<hbm>>
    %dma_start3A_224 = arith.constant 0 : i32
    %dma_start3A_225 = arith.constant 0 : i32
    %dma_start3A_226 = tpu.memref_slice %dma_start3A_223[%dma_start3A_224, %dma_start3A_225] : memref<10000x64xf32, #tpu.memory_space<hbm>> -> memref<10000x64xf32, #tpu.memory_space<hbm>>
    tpu.enqueue_indirect_dma source(%dma_start3A_226 : memref<10000x64xf32, #tpu.memory_space<hbm>>) target(%arg12 : memref<100x64xf32, #tpu.memory_space<vmem>>) offsets(%dma_start3A_219 : memref<100xi32, #tpu.memory_space<vmem>>) semaphore(%arg15 : memref<!tpu.dma_semaphore, #tpu.memory_space<semaphore_mem>>)
    %mul3A_227 = arith.constant 20000 : i32
    %mul3A_228 = arith.muli %arg1, %mul3A_227 : i32
    %add3A_229 = arith.constant 100 : i32
    %add3A_230 = arith.addi %mul3A_228, %add3A_229 : i32
    %mul3A_231 = arith.constant 64 : i32
    %mul3A_232 = arith.muli %arg0, %mul3A_231 : i32
    %dma_start3A_233 = tpu.memref_slice %arg3[%add3A_230, %mul3A_232] : memref<320000x128xf32, #tpu.memory_space<hbm>> -> memref<100x64xf32, #tpu.memory_space<hbm>>
    %dma_start3A_234 = tpu.memref_slice %arg3[%add3A_230, %mul3A_232] : memref<320000x128xf32, #tpu.memory_space<hbm>> -> memref<100x64xf32, #tpu.memory_space<hbm>>
    tpu.enqueue_dma source(%dma_start3A_234 : memref<100x64xf32, #tpu.memory_space<hbm>>) target(%arg11 : memref<100x64xf32, #tpu.memory_space<vmem>>) target_semaphore(%arg15 : memref<!tpu.dma_semaphore, #tpu.memory_space<semaphore_mem>>)
    %scan3A_235 = arith.constant 0 : i32
    %scan3A_236 = arith.constant 0 : i32
    %scan3A_237 = arith.constant 100 : i32
    %scan3A_238 = arith.addi %scan3A_236, %scan3A_237 : i32
    %scan3A_239 = arith.constant 1 : i32
    scf.for %scan3A_368 = %scan3A_236 to %scan3A_238 step %scan3A_239  : i32 {
      %mul3A_369 = arith.constant 2 : i32
      %mul3A_370 = arith.muli %mul3A_369, %scan3A_368 : i32
      %mul3A_371 = arith.constant 2 : i32
      %mul3A_372 = arith.muli %mul3A_371, %scan3A_368 : i32
      %add3A_373 = arith.constant 1 : i32
      %add3A_374 = arith.addi %mul3A_372, %add3A_373 : i32
      %dma_wait3A_375 = arith.constant 0 : i32
      %dma_wait3A_376 = tpu.memref_slice %arg7[%mul3A_370, %dma_wait3A_375] : memref<200x100xi32, #tpu.memory_space<vmem>> -> memref<1x100xi32, #tpu.memory_space<vmem>>
      %dma_wait3A_377 = tpu.memref_squeeze %dma_wait3A_376 : memref<1x100xi32, #tpu.memory_space<vmem>> -> memref<100xi32, #tpu.memory_space<vmem>>
      %dma_wait3A_378 = arith.constant 0 : i32
      %dma_wait3A_379 = arith.constant 0 : i32
      %dma_wait3A_380 = tpu.memref_slice %arg2[%arg0, %dma_wait3A_378, %dma_wait3A_379] : memref<2x10000x64xf32, #tpu.memory_space<hbm>> -> memref<1x10000x64xf32, #tpu.memory_space<hbm>>
      %dma_wait3A_381 = tpu.memref_squeeze %dma_wait3A_380 : memref<1x10000x64xf32, #tpu.memory_space<hbm>> -> memref<10000x64xf32, #tpu.memory_space<hbm>>
      %dma_wait3A_382 = arith.constant 0 : i32
      %dma_wait3A_383 = arith.constant 0 : i32
      %dma_wait3A_384 = tpu.memref_slice %dma_wait3A_381[%dma_wait3A_382, %dma_wait3A_383] : memref<10000x64xf32, #tpu.memory_space<hbm>> -> memref<10000x64xf32, #tpu.memory_space<hbm>>
      tpu.wait_indirect_dma semaphore(%arg14 : memref<!tpu.dma_semaphore, #tpu.memory_space<semaphore_mem>>) src(%dma_wait3A_384 : memref<10000x64xf32, #tpu.memory_space<hbm>>) dst(%arg10 : memref<100x64xf32, #tpu.memory_space<vmem>>)
      %mul3A_385 = arith.constant 20000 : i32
      %mul3A_386 = arith.muli %arg1, %mul3A_385 : i32
      %mul3A_387 = arith.constant 100 : i32
      %mul3A_388 = arith.muli %mul3A_370, %mul3A_387 : i32
      %add3A_389 = arith.addi %mul3A_386, %mul3A_388 : i32
      %mul3A_390 = arith.constant 64 : i32
      %mul3A_391 = arith.muli %arg0, %mul3A_390 : i32
      %dma_wait3A_392 = tpu.memref_slice %arg3[%add3A_389, %mul3A_391] : memref<320000x128xf32, #tpu.memory_space<hbm>> -> memref<100x64xf32, #tpu.memory_space<hbm>>
      %dma_wait3A_393 = tpu.memref_slice %arg3[%add3A_389, %mul3A_391] : memref<320000x128xf32, #tpu.memory_space<hbm>> -> memref<100x64xf32, #tpu.memory_space<hbm>>
      tpu.wait_dma2 semaphore(%arg14 : memref<!tpu.dma_semaphore, #tpu.memory_space<semaphore_mem>>) src(%dma_wait3A_393 : memref<100x64xf32, #tpu.memory_space<hbm>>) dst(%arg9 : memref<100x64xf32, #tpu.memory_space<vmem>>)
      %scan3A_394 = arith.constant 0 : i32
      %scan3A_395 = arith.constant 0 : i32
      %scan3A_396 = arith.constant 20 : i32
      %scan3A_397 = arith.addi %scan3A_395, %scan3A_396 : i32
      %scan3A_398 = arith.constant 1 : i32
      scf.for %scan3A_456 = %scan3A_395 to %scan3A_397 step %scan3A_398  : i32 {
        %mul3A_457 = arith.constant 5 : i32
        %mul3A_458 = arith.muli %scan3A_456, %mul3A_457 : i32
        %add3A_459 = arith.constant 0 : i32
        %add3A_460 = arith.addi %mul3A_458, %add3A_459 : i32
        %get3A = arith.index_cast %add3A_460 : i32 to index
        %get3A_461 = arith.constant 0 : index
        %get3A_462 = tpu.vector_load %arg9[%get3A, %get3A_461] {strides = array<i32>} : memref<100x64xf32, #tpu.memory_space<vmem>>, vector<1x16xf32>,
        %get3A_463 = vector.shape_cast %get3A_462 : vector<1x16xf32> to vector<16xf32>
        %get3A_464 = arith.index_cast %add3A_460 : i32 to index
        %get3A_465 = arith.constant 0 : index
        %get3A_466 = tpu.vector_load %arg10[%get3A_464, %get3A_465] {strides = array<i32>} : memref<100x64xf32, #tpu.memory_space<vmem>>, vector<1x16xf32>,
        %get3A_467 = vector.shape_cast %get3A_466 : vector<1x16xf32> to vector<16xf32>
        %add3A_468 = arith.addf %get3A_463, %get3A_467 : vector<16xf32>
        %max3A = arith.constant 0.000000e+00 : f32
        %max3A_469 = vector.broadcast %max3A : f32 to vector<16xf32>
        %max3A_470 = arith.maximumf %add3A_468, %max3A_469 : vector<16xf32>
        %swap3A = arith.index_cast %add3A_460 : i32 to index
        %swap3A_471 = arith.constant 0 : index
        %swap3A_472 = tpu.vector_load %arg9[%swap3A, %swap3A_471] {strides = array<i32>} : memref<100x64xf32, #tpu.memory_space<vmem>>, vector<1x16xf32>,
        %swap3A_473 = vector.shape_cast %swap3A_472 : vector<1x16xf32> to vector<16xf32>
        %swap3A_474 = vector.shape_cast %max3A_470 : vector<16xf32> to vector<1x16xf32>
        tpu.vector_store %arg9[%swap3A, %swap3A_471], %swap3A_474 {strides = array<i32>} : memref<100x64xf32, #tpu.memory_space<vmem>>, vector<1x16xf32>,
        %get3A_475 = arith.index_cast %add3A_460 : i32 to index
        %get3A_476 = arith.constant 16 : index
        %get3A_477 = tpu.vector_load %arg9[%get3A_475, %get3A_476] {strides = array<i32>} : memref<100x64xf32, #tpu.memory_space<vmem>>, vector<1x16xf32>,
        %get3A_478 = vector.shape_cast %get3A_477 : vector<1x16xf32> to vector<16xf32>
        %get3A_479 = arith.index_cast %add3A_460 : i32 to index
        %get3A_480 = arith.constant 16 : index
        %get3A_481 = tpu.vector_load %arg10[%get3A_479, %get3A_480] {strides = array<i32>} : memref<100x64xf32, #tpu.memory_space<vmem>>, vector<1x16xf32>,
        %get3A_482 = vector.shape_cast %get3A_481 : vector<1x16xf32> to vector<16xf32>
        %add3A_483 = arith.addf %get3A_478, %get3A_482 : vector<16xf32>
        %max3A_484 = arith.constant 0.000000e+00 : f32
        %max3A_485 = vector.broadcast %max3A_484 : f32 to vector<16xf32>
        %max3A_486 = arith.maximumf %add3A_483, %max3A_485 : vector<16xf32>
        %swap3A_487 = arith.index_cast %add3A_460 : i32 to index
        %swap3A_488 = arith.constant 16 : index
        %swap3A_489 = tpu.vector_load %arg9[%swap3A_487, %swap3A_488] {strides = array<i32>} : memref<100x64xf32, #tpu.memory_space<vmem>>, vector<1x16xf32>,
        %swap3A_490 = vector.shape_cast %swap3A_489 : vector<1x16xf32> to vector<16xf32>
        %swap3A_491 = vector.shape_cast %max3A_486 : vector<16xf32> to vector<1x16xf32>
        tpu.vector_store %arg9[%swap3A_487, %swap3A_488], %swap3A_491 {strides = array<i32>} : memref<100x64xf32, #tpu.memory_space<vmem>>, vector<1x16xf32>,
        %get3A_492 = arith.index_cast %add3A_460 : i32 to index
        %get3A_493 = arith.constant 32 : index
        %get3A_494 = tpu.vector_load %arg9[%get3A_492, %get3A_493] {strides = array<i32>} : memref<100x64xf32, #tpu.memory_space<vmem>>, vector<1x16xf32>,
        %get3A_495 = vector.shape_cast %get3A_494 : vector<1x16xf32> to vector<16xf32>
        %get3A_496 = arith.index_cast %add3A_460 : i32 to index
        %get3A_497 = arith.constant 32 : index
        %get3A_498 = tpu.vector_load %arg10[%get3A_496, %get3A_497] {strides = array<i32>} : memref<100x64xf32, #tpu.memory_space<vmem>>, vector<1x16xf32>,
        %get3A_499 = vector.shape_cast %get3A_498 : vector<1x16xf32> to vector<16xf32>
        %add3A_500 = arith.addf %get3A_495, %get3A_499 : vector<16xf32>
        %max3A_501 = arith.constant 0.000000e+00 : f32
        %max3A_502 = vector.broadcast %max3A_501 : f32 to vector<16xf32>
        %max3A_503 = arith.maximumf %add3A_500, %max3A_502 : vector<16xf32>
        %swap3A_504 = arith.index_cast %add3A_460 : i32 to index
        %swap3A_505 = arith.constant 32 : index
        %swap3A_506 = tpu.vector_load %arg9[%swap3A_504, %swap3A_505] {strides = array<i32>} : memref<100x64xf32, #tpu.memory_space<vmem>>, vector<1x16xf32>,
        %swap3A_507 = vector.shape_cast %swap3A_506 : vector<1x16xf32> to vector<16xf32>
        %swap3A_508 = vector.shape_cast %max3A_503 : vector<16xf32> to vector<1x16xf32>
        tpu.vector_store %arg9[%swap3A_504, %swap3A_505], %swap3A_508 {strides = array<i32>} : memref<100x64xf32, #tpu.memory_space<vmem>>, vector<1x16xf32>,
        %get3A_509 = arith.index_cast %add3A_460 : i32 to index
        %get3A_510 = arith.constant 48 : index
        %get3A_511 = tpu.vector_load %arg9[%get3A_509, %get3A_510] {strides = array<i32>} : memref<100x64xf32, #tpu.memory_space<vmem>>, vector<1x16xf32>,
        %get3A_512 = vector.shape_cast %get3A_511 : vector<1x16xf32> to vector<16xf32>
        %get3A_513 = arith.index_cast %add3A_460 : i32 to index
        %get3A_514 = arith.constant 48 : index
        %get3A_515 = tpu.vector_load %arg10[%get3A_513, %get3A_514] {strides = array<i32>} : memref<100x64xf32, #tpu.memory_space<vmem>>, vector<1x16xf32>,
        %get3A_516 = vector.shape_cast %get3A_515 : vector<1x16xf32> to vector<16xf32>
        %add3A_517 = arith.addf %get3A_512, %get3A_516 : vector<16xf32>
        %max3A_518 = arith.constant 0.000000e+00 : f32
        %max3A_519 = vector.broadcast %max3A_518 : f32 to vector<16xf32>
        %max3A_520 = arith.maximumf %add3A_517, %max3A_519 : vector<16xf32>
        %swap3A_521 = arith.index_cast %add3A_460 : i32 to index
        %swap3A_522 = arith.constant 48 : index
        %swap3A_523 = tpu.vector_load %arg9[%swap3A_521, %swap3A_522] {strides = array<i32>} : memref<100x64xf32, #tpu.memory_space<vmem>>, vector<1x16xf32>,
        %swap3A_524 = vector.shape_cast %swap3A_523 : vector<1x16xf32> to vector<16xf32>
        %swap3A_525 = vector.shape_cast %max3A_520 : vector<16xf32> to vector<1x16xf32>
        tpu.vector_store %arg9[%swap3A_521, %swap3A_522], %swap3A_525 {strides = array<i32>} : memref<100x64xf32, #tpu.memory_space<vmem>>, vector<1x16xf32>,
        %mul3A_526 = arith.constant 5 : i32
        %mul3A_527 = arith.muli %scan3A_456, %mul3A_526 : i32
        %add3A_528 = arith.constant 1 : i32
        %add3A_529 = arith.addi %mul3A_527, %add3A_528 : i32
        %get3A_530 = arith.index_cast %add3A_529 : i32 to index
        %get3A_531 = arith.constant 0 : index
        %get3A_532 = tpu.vector_load %arg9[%get3A_530, %get3A_531] {strides = array<i32>} : memref<100x64xf32, #tpu.memory_space<vmem>>, vector<1x16xf32>,
        %get3A_533 = vector.shape_cast %get3A_532 : vector<1x16xf32> to vector<16xf32>
        %get3A_534 = arith.index_cast %add3A_529 : i32 to index
        %get3A_535 = arith.constant 0 : index
        %get3A_536 = tpu.vector_load %arg10[%get3A_534, %get3A_535] {strides = array<i32>} : memref<100x64xf32, #tpu.memory_space<vmem>>, vector<1x16xf32>,
        %get3A_537 = vector.shape_cast %get3A_536 : vector<1x16xf32> to vector<16xf32>
        %add3A_538 = arith.addf %get3A_533, %get3A_537 : vector<16xf32>
        %max3A_539 = arith.constant 0.000000e+00 : f32
        %max3A_540 = vector.broadcast %max3A_539 : f32 to vector<16xf32>
        %max3A_541 = arith.maximumf %add3A_538, %max3A_540 : vector<16xf32>
        %swap3A_542 = arith.index_cast %add3A_529 : i32 to index
        %swap3A_543 = arith.constant 0 : index
        %swap3A_544 = tpu.vector_load %arg9[%swap3A_542, %swap3A_543] {strides = array<i32>} : memref<100x64xf32, #tpu.memory_space<vmem>>, vector<1x16xf32>,
        %swap3A_545 = vector.shape_cast %swap3A_544 : vector<1x16xf32> to vector<16xf32>
        %swap3A_546 = vector.shape_cast %max3A_541 : vector<16xf32> to vector<1x16xf32>
        tpu.vector_store %arg9[%swap3A_542, %swap3A_543], %swap3A_546 {strides = array<i32>} : memref<100x64xf32, #tpu.memory_space<vmem>>, vector<1x16xf32>,
        %get3A_547 = arith.index_cast %add3A_529 : i32 to index
        %get3A_548 = arith.constant 16 : index
        %get3A_549 = tpu.vector_load %arg9[%get3A_547, %get3A_548] {strides = array<i32>} : memref<100x64xf32, #tpu.memory_space<vmem>>, vector<1x16xf32>,
        %get3A_550 = vector.shape_cast %get3A_549 : vector<1x16xf32> to vector<16xf32>
        %get3A_551 = arith.index_cast %add3A_529 : i32 to index
        %get3A_552 = arith.constant 16 : index
        %get3A_553 = tpu.vector_load %arg10[%get3A_551, %get3A_552] {strides = array<i32>} : memref<100x64xf32, #tpu.memory_space<vmem>>, vector<1x16xf32>,
        %get3A_554 = vector.shape_cast %get3A_553 : vector<1x16xf32> to vector<16xf32>
        %add3A_555 = arith.addf %get3A_550, %get3A_554 : vector<16xf32>
        %max3A_556 = arith.constant 0.000000e+00 : f32
        %max3A_557 = vector.broadcast %max3A_556 : f32 to vector<16xf32>
        %max3A_558 = arith.maximumf %add3A_555, %max3A_557 : vector<16xf32>
        %swap3A_559 = arith.index_cast %add3A_529 : i32 to index
        %swap3A_560 = arith.constant 16 : index
        %swap3A_561 = tpu.vector_load %arg9[%swap3A_559, %swap3A_560] {strides = array<i32>} : memref<100x64xf32, #tpu.memory_space<vmem>>, vector<1x16xf32>,
        %swap3A_562 = vector.shape_cast %swap3A_561 : vector<1x16xf32> to vector<16xf32>
        %swap3A_563 = vector.shape_cast %max3A_558 : vector<16xf32> to vector<1x16xf32>
        tpu.vector_store %arg9[%swap3A_559, %swap3A_560], %swap3A_563 {strides = array<i32>} : memref<100x64xf32, #tpu.memory_space<vmem>>, vector<1x16xf32>,
        %get3A_564 = arith.index_cast %add3A_529 : i32 to index
        %get3A_565 = arith.constant 32 : index
        %get3A_566 = tpu.vector_load %arg9[%get3A_564, %get3A_565] {strides = array<i32>} : memref<100x64xf32, #tpu.memory_space<vmem>>, vector<1x16xf32>,
        %get3A_567 = vector.shape_cast %get3A_566 : vector<1x16xf32> to vector<16xf32>
        %get3A_568 = arith.index_cast %add3A_529 : i32 to index
        %get3A_569 = arith.constant 32 : index
        %get3A_570 = tpu.vector_load %arg10[%get3A_568, %get3A_569] {strides = array<i32>} : memref<100x64xf32, #tpu.memory_space<vmem>>, vector<1x16xf32>,
        %get3A_571 = vector.shape_cast %get3A_570 : vector<1x16xf32> to vector<16xf32>
        %add3A_572 = arith.addf %get3A_567, %get3A_571 : vector<16xf32>
        %max3A_573 = arith.constant 0.000000e+00 : f32
        %max3A_574 = vector.broadcast %max3A_573 : f32 to vector<16xf32>
        %max3A_575 = arith.maximumf %add3A_572, %max3A_574 : vector<16xf32>
        %swap3A_576 = arith.index_cast %add3A_529 : i32 to index
        %swap3A_577 = arith.constant 32 : index
        %swap3A_578 = tpu.vector_load %arg9[%swap3A_576, %swap3A_577] {strides = array<i32>} : memref<100x64xf32, #tpu.memory_space<vmem>>, vector<1x16xf32>,
        %swap3A_579 = vector.shape_cast %swap3A_578 : vector<1x16xf32> to vector<16xf32>
        %swap3A_580 = vector.shape_cast %max3A_575 : vector<16xf32> to vector<1x16xf32>
        tpu.vector_store %arg9[%swap3A_576, %swap3A_577], %swap3A_580 {strides = array<i32>} : memref<100x64xf32, #tpu.memory_space<vmem>>, vector<1x16xf32>,
        %get3A_581 = arith.index_cast %add3A_529 : i32 to index
        %get3A_582 = arith.constant 48 : index
        %get3A_583 = tpu.vector_load %arg9[%get3A_581, %get3A_582] {strides = array<i32>} : memref<100x64xf32, #tpu.memory_space<vmem>>, vector<1x16xf32>,
        %get3A_584 = vector.shape_cast %get3A_583 : vector<1x16xf32> to vector<16xf32>
        %get3A_585 = arith.index_cast %add3A_529 : i32 to index
        %get3A_586 = arith.constant 48 : index
        %get3A_587 = tpu.vector_load %arg10[%get3A_585, %get3A_586] {strides = array<i32>} : memref<100x64xf32, #tpu.memory_space<vmem>>, vector<1x16xf32>,
        %get3A_588 = vector.shape_cast %get3A_587 : vector<1x16xf32> to vector<16xf32>
        %add3A_589 = arith.addf %get3A_584, %get3A_588 : vector<16xf32>
        %max3A_590 = arith.constant 0.000000e+00 : f32
        %max3A_591 = vector.broadcast %max3A_590 : f32 to vector<16xf32>
        %max3A_592 = arith.maximumf %add3A_589, %max3A_591 : vector<16xf32>
        %swap3A_593 = arith.index_cast %add3A_529 : i32 to index
        %swap3A_594 = arith.constant 48 : index
        %swap3A_595 = tpu.vector_load %arg9[%swap3A_593, %swap3A_594] {strides = array<i32>} : memref<100x64xf32, #tpu.memory_space<vmem>>, vector<1x16xf32>,
        %swap3A_596 = vector.shape_cast %swap3A_595 : vector<1x16xf32> to vector<16xf32>
        %swap3A_597 = vector.shape_cast %max3A_592 : vector<16xf32> to vector<1x16xf32>
        tpu.vector_store %arg9[%swap3A_593, %swap3A_594], %swap3A_597 {strides = array<i32>} : memref<100x64xf32, #tpu.memory_space<vmem>>, vector<1x16xf32>,
        %mul3A_598 = arith.constant 5 : i32
        %mul3A_599 = arith.muli %scan3A_456, %mul3A_598 : i32
        %add3A_600 = arith.constant 2 : i32
        %add3A_601 = arith.addi %mul3A_599, %add3A_600 : i32
        %get3A_602 = arith.index_cast %add3A_601 : i32 to index
        %get3A_603 = arith.constant 0 : index
        %get3A_604 = tpu.vector_load %arg9[%get3A_602, %get3A_603] {strides = array<i32>} : memref<100x64xf32, #tpu.memory_space<vmem>>, vector<1x16xf32>,
        %get3A_605 = vector.shape_cast %get3A_604 : vector<1x16xf32> to vector<16xf32>
        %get3A_606 = arith.index_cast %add3A_601 : i32 to index
        %get3A_607 = arith.constant 0 : index
        %get3A_608 = tpu.vector_load %arg10[%get3A_606, %get3A_607] {strides = array<i32>} : memref<100x64xf32, #tpu.memory_space<vmem>>, vector<1x16xf32>,
        %get3A_609 = vector.shape_cast %get3A_608 : vector<1x16xf32> to vector<16xf32>
        %add3A_610 = arith.addf %get3A_605, %get3A_609 : vector<16xf32>
        %max3A_611 = arith.constant 0.000000e+00 : f32
        %max3A_612 = vector.broadcast %max3A_611 : f32 to vector<16xf32>
        %max3A_613 = arith.maximumf %add3A_610, %max3A_612 : vector<16xf32>
        %swap3A_614 = arith.index_cast %add3A_601 : i32 to index
        %swap3A_615 = arith.constant 0 : index
        %swap3A_616 = tpu.vector_load %arg9[%swap3A_614, %swap3A_615] {strides = array<i32>} : memref<100x64xf32, #tpu.memory_space<vmem>>, vector<1x16xf32>,
        %swap3A_617 = vector.shape_cast %swap3A_616 : vector<1x16xf32> to vector<16xf32>
        %swap3A_618 = vector.shape_cast %max3A_613 : vector<16xf32> to vector<1x16xf32>
        tpu.vector_store %arg9[%swap3A_614, %swap3A_615], %swap3A_618 {strides = array<i32>} : memref<100x64xf32, #tpu.memory_space<vmem>>, vector<1x16xf32>,
        %get3A_619 = arith.index_cast %add3A_601 : i32 to index
        %get3A_620 = arith.constant 16 : index
        %get3A_621 = tpu.vector_load %arg9[%get3A_619, %get3A_620] {strides = array<i32>} : memref<100x64xf32, #tpu.memory_space<vmem>>, vector<1x16xf32>,
        %get3A_622 = vector.shape_cast %get3A_621 : vector<1x16xf32> to vector<16xf32>
        %get3A_623 = arith.index_cast %add3A_601 : i32 to index
        %get3A_624 = arith.constant 16 : index
        %get3A_625 = tpu.vector_load %arg10[%get3A_623, %get3A_624] {strides = array<i32>} : memref<100x64xf32, #tpu.memory_space<vmem>>, vector<1x16xf32>,
        %get3A_626 = vector.shape_cast %get3A_625 : vector<1x16xf32> to vector<16xf32>
        %add3A_627 = arith.addf %get3A_622, %get3A_626 : vector<16xf32>
        %max3A_628 = arith.constant 0.000000e+00 : f32
        %max3A_629 = vector.broadcast %max3A_628 : f32 to vector<16xf32>
        %max3A_630 = arith.maximumf %add3A_627, %max3A_629 : vector<16xf32>
        %swap3A_631 = arith.index_cast %add3A_601 : i32 to index
        %swap3A_632 = arith.constant 16 : index
        %swap3A_633 = tpu.vector_load %arg9[%swap3A_631, %swap3A_632] {strides = array<i32>} : memref<100x64xf32, #tpu.memory_space<vmem>>, vector<1x16xf32>,
        %swap3A_634 = vector.shape_cast %swap3A_633 : vector<1x16xf32> to vector<16xf32>
        %swap3A_635 = vector.shape_cast %max3A_630 : vector<16xf32> to vector<1x16xf32>
        tpu.vector_store %arg9[%swap3A_631, %swap3A_632], %swap3A_635 {strides = array<i32>} : memref<100x64xf32, #tpu.memory_space<vmem>>, vector<1x16xf32>,
        %get3A_636 = arith.index_cast %add3A_601 : i32 to index
        %get3A_637 = arith.constant 32 : index
        %get3A_638 = tpu.vector_load %arg9[%get3A_636, %get3A_637] {strides = array<i32>} : memref<100x64xf32, #tpu.memory_space<vmem>>, vector<1x16xf32>,
        %get3A_639 = vector.shape_cast %get3A_638 : vector<1x16xf32> to vector<16xf32>
        %get3A_640 = arith.index_cast %add3A_601 : i32 to index
        %get3A_641 = arith.constant 32 : index
        %get3A_642 = tpu.vector_load %arg10[%get3A_640, %get3A_641] {strides = array<i32>} : memref<100x64xf32, #tpu.memory_space<vmem>>, vector<1x16xf32>,
        %get3A_643 = vector.shape_cast %get3A_642 : vector<1x16xf32> to vector<16xf32>
        %add3A_644 = arith.addf %get3A_639, %get3A_643 : vector<16xf32>
        %max3A_645 = arith.constant 0.000000e+00 : f32
        %max3A_646 = vector.broadcast %max3A_645 : f32 to vector<16xf32>
        %max3A_647 = arith.maximumf %add3A_644, %max3A_646 : vector<16xf32>
        %swap3A_648 = arith.index_cast %add3A_601 : i32 to index
        %swap3A_649 = arith.constant 32 : index
        %swap3A_650 = tpu.vector_load %arg9[%swap3A_648, %swap3A_649] {strides = array<i32>} : memref<100x64xf32, #tpu.memory_space<vmem>>, vector<1x16xf32>,
        %swap3A_651 = vector.shape_cast %swap3A_650 : vector<1x16xf32> to vector<16xf32>
        %swap3A_652 = vector.shape_cast %max3A_647 : vector<16xf32> to vector<1x16xf32>
        tpu.vector_store %arg9[%swap3A_648, %swap3A_649], %swap3A_652 {strides = array<i32>} : memref<100x64xf32, #tpu.memory_space<vmem>>, vector<1x16xf32>,
        %get3A_653 = arith.index_cast %add3A_601 : i32 to index
        %get3A_654 = arith.constant 48 : index
        %get3A_655 = tpu.vector_load %arg9[%get3A_653, %get3A_654] {strides = array<i32>} : memref<100x64xf32, #tpu.memory_space<vmem>>, vector<1x16xf32>,
        %get3A_656 = vector.shape_cast %get3A_655 : vector<1x16xf32> to vector<16xf32>
        %get3A_657 = arith.index_cast %add3A_601 : i32 to index
        %get3A_658 = arith.constant 48 : index
        %get3A_659 = tpu.vector_load %arg10[%get3A_657, %get3A_658] {strides = array<i32>} : memref<100x64xf32, #tpu.memory_space<vmem>>, vector<1x16xf32>,
        %get3A_660 = vector.shape_cast %get3A_659 : vector<1x16xf32> to vector<16xf32>
        %add3A_661 = arith.addf %get3A_656, %get3A_660 : vector<16xf32>
        %max3A_662 = arith.constant 0.000000e+00 : f32
        %max3A_663 = vector.broadcast %max3A_662 : f32 to vector<16xf32>
        %max3A_664 = arith.maximumf %add3A_661, %max3A_663 : vector<16xf32>
        %swap3A_665 = arith.index_cast %add3A_601 : i32 to index
        %swap3A_666 = arith.constant 48 : index
        %swap3A_667 = tpu.vector_load %arg9[%swap3A_665, %swap3A_666] {strides = array<i32>} : memref<100x64xf32, #tpu.memory_space<vmem>>, vector<1x16xf32>,
        %swap3A_668 = vector.shape_cast %swap3A_667 : vector<1x16xf32> to vector<16xf32>
        %swap3A_669 = vector.shape_cast %max3A_664 : vector<16xf32> to vector<1x16xf32>
        tpu.vector_store %arg9[%swap3A_665, %swap3A_666], %swap3A_669 {strides = array<i32>} : memref<100x64xf32, #tpu.memory_space<vmem>>, vector<1x16xf32>,
        %mul3A_670 = arith.constant 5 : i32
        %mul3A_671 = arith.muli %scan3A_456, %mul3A_670 : i32
        %add3A_672 = arith.constant 3 : i32
        %add3A_673 = arith.addi %mul3A_671, %add3A_672 : i32
        %get3A_674 = arith.index_cast %add3A_673 : i32 to index
        %get3A_675 = arith.constant 0 : index
        %get3A_676 = tpu.vector_load %arg9[%get3A_674, %get3A_675] {strides = array<i32>} : memref<100x64xf32, #tpu.memory_space<vmem>>, vector<1x16xf32>,
        %get3A_677 = vector.shape_cast %get3A_676 : vector<1x16xf32> to vector<16xf32>
        %get3A_678 = arith.index_cast %add3A_673 : i32 to index
        %get3A_679 = arith.constant 0 : index
        %get3A_680 = tpu.vector_load %arg10[%get3A_678, %get3A_679] {strides = array<i32>} : memref<100x64xf32, #tpu.memory_space<vmem>>, vector<1x16xf32>,
        %get3A_681 = vector.shape_cast %get3A_680 : vector<1x16xf32> to vector<16xf32>
        %add3A_682 = arith.addf %get3A_677, %get3A_681 : vector<16xf32>
        %max3A_683 = arith.constant 0.000000e+00 : f32
        %max3A_684 = vector.broadcast %max3A_683 : f32 to vector<16xf32>
        %max3A_685 = arith.maximumf %add3A_682, %max3A_684 : vector<16xf32>
        %swap3A_686 = arith.index_cast %add3A_673 : i32 to index
        %swap3A_687 = arith.constant 0 : index
        %swap3A_688 = tpu.vector_load %arg9[%swap3A_686, %swap3A_687] {strides = array<i32>} : memref<100x64xf32, #tpu.memory_space<vmem>>, vector<1x16xf32>,
        %swap3A_689 = vector.shape_cast %swap3A_688 : vector<1x16xf32> to vector<16xf32>
        %swap3A_690 = vector.shape_cast %max3A_685 : vector<16xf32> to vector<1x16xf32>
        tpu.vector_store %arg9[%swap3A_686, %swap3A_687], %swap3A_690 {strides = array<i32>} : memref<100x64xf32, #tpu.memory_space<vmem>>, vector<1x16xf32>,
        %get3A_691 = arith.index_cast %add3A_673 : i32 to index
        %get3A_692 = arith.constant 16 : index
        %get3A_693 = tpu.vector_load %arg9[%get3A_691, %get3A_692] {strides = array<i32>} : memref<100x64xf32, #tpu.memory_space<vmem>>, vector<1x16xf32>,
        %get3A_694 = vector.shape_cast %get3A_693 : vector<1x16xf32> to vector<16xf32>
        %get3A_695 = arith.index_cast %add3A_673 : i32 to index
        %get3A_696 = arith.constant 16 : index
        %get3A_697 = tpu.vector_load %arg10[%get3A_695, %get3A_696] {strides = array<i32>} : memref<100x64xf32, #tpu.memory_space<vmem>>, vector<1x16xf32>,
        %get3A_698 = vector.shape_cast %get3A_697 : vector<1x16xf32> to vector<16xf32>
        %add3A_699 = arith.addf %get3A_694, %get3A_698 : vector<16xf32>
        %max3A_700 = arith.constant 0.000000e+00 : f32
        %max3A_701 = vector.broadcast %max3A_700 : f32 to vector<16xf32>
        %max3A_702 = arith.maximumf %add3A_699, %max3A_701 : vector<16xf32>
        %swap3A_703 = arith.index_cast %add3A_673 : i32 to index
        %swap3A_704 = arith.constant 16 : index
        %swap3A_705 = tpu.vector_load %arg9[%swap3A_703, %swap3A_704] {strides = array<i32>} : memref<100x64xf32, #tpu.memory_space<vmem>>, vector<1x16xf32>,
        %swap3A_706 = vector.shape_cast %swap3A_705 : vector<1x16xf32> to vector<16xf32>
        %swap3A_707 = vector.shape_cast %max3A_702 : vector<16xf32> to vector<1x16xf32>
        tpu.vector_store %arg9[%swap3A_703, %swap3A_704], %swap3A_707 {strides = array<i32>} : memref<100x64xf32, #tpu.memory_space<vmem>>, vector<1x16xf32>,
        %get3A_708 = arith.index_cast %add3A_673 : i32 to index
        %get3A_709 = arith.constant 32 : index
        %get3A_710 = tpu.vector_load %arg9[%get3A_708, %get3A_709] {strides = array<i32>} : memref<100x64xf32, #tpu.memory_space<vmem>>, vector<1x16xf32>,
        %get3A_711 = vector.shape_cast %get3A_710 : vector<1x16xf32> to vector<16xf32>
        %get3A_712 = arith.index_cast %add3A_673 : i32 to index
        %get3A_713 = arith.constant 32 : index
        %get3A_714 = tpu.vector_load %arg10[%get3A_712, %get3A_713] {strides = array<i32>} : memref<100x64xf32, #tpu.memory_space<vmem>>, vector<1x16xf32>,
        %get3A_715 = vector.shape_cast %get3A_714 : vector<1x16xf32> to vector<16xf32>
        %add3A_716 = arith.addf %get3A_711, %get3A_715 : vector<16xf32>
        %max3A_717 = arith.constant 0.000000e+00 : f32
        %max3A_718 = vector.broadcast %max3A_717 : f32 to vector<16xf32>
        %max3A_719 = arith.maximumf %add3A_716, %max3A_718 : vector<16xf32>
        %swap3A_720 = arith.index_cast %add3A_673 : i32 to index
        %swap3A_721 = arith.constant 32 : index
        %swap3A_722 = tpu.vector_load %arg9[%swap3A_720, %swap3A_721] {strides = array<i32>} : memref<100x64xf32, #tpu.memory_space<vmem>>, vector<1x16xf32>,
        %swap3A_723 = vector.shape_cast %swap3A_722 : vector<1x16xf32> to vector<16xf32>
        %swap3A_724 = vector.shape_cast %max3A_719 : vector<16xf32> to vector<1x16xf32>
        tpu.vector_store %arg9[%swap3A_720, %swap3A_721], %swap3A_724 {strides = array<i32>} : memref<100x64xf32, #tpu.memory_space<vmem>>, vector<1x16xf32>,
        %get3A_725 = arith.index_cast %add3A_673 : i32 to index
        %get3A_726 = arith.constant 48 : index
        %get3A_727 = tpu.vector_load %arg9[%get3A_725, %get3A_726] {strides = array<i32>} : memref<100x64xf32, #tpu.memory_space<vmem>>, vector<1x16xf32>,
        %get3A_728 = vector.shape_cast %get3A_727 : vector<1x16xf32> to vector<16xf32>
        %get3A_729 = arith.index_cast %add3A_673 : i32 to index
        %get3A_730 = arith.constant 48 : index
        %get3A_731 = tpu.vector_load %arg10[%get3A_729, %get3A_730] {strides = array<i32>} : memref<100x64xf32, #tpu.memory_space<vmem>>, vector<1x16xf32>,
        %get3A_732 = vector.shape_cast %get3A_731 : vector<1x16xf32> to vector<16xf32>
        %add3A_733 = arith.addf %get3A_728, %get3A_732 : vector<16xf32>
        %max3A_734 = arith.constant 0.000000e+00 : f32
        %max3A_735 = vector.broadcast %max3A_734 : f32 to vector<16xf32>
        %max3A_736 = arith.maximumf %add3A_733, %max3A_735 : vector<16xf32>
        %swap3A_737 = arith.index_cast %add3A_673 : i32 to index
        %swap3A_738 = arith.constant 48 : index
        %swap3A_739 = tpu.vector_load %arg9[%swap3A_737, %swap3A_738] {strides = array<i32>} : memref<100x64xf32, #tpu.memory_space<vmem>>, vector<1x16xf32>,
        %swap3A_740 = vector.shape_cast %swap3A_739 : vector<1x16xf32> to vector<16xf32>
        %swap3A_741 = vector.shape_cast %max3A_736 : vector<16xf32> to vector<1x16xf32>
        tpu.vector_store %arg9[%swap3A_737, %swap3A_738], %swap3A_741 {strides = array<i32>} : memref<100x64xf32, #tpu.memory_space<vmem>>, vector<1x16xf32>,
        %mul3A_742 = arith.constant 5 : i32
        %mul3A_743 = arith.muli %scan3A_456, %mul3A_742 : i32
        %add3A_744 = arith.constant 4 : i32
        %add3A_745 = arith.addi %mul3A_743, %add3A_744 : i32
        %get3A_746 = arith.index_cast %add3A_745 : i32 to index
        %get3A_747 = arith.constant 0 : index
        %get3A_748 = tpu.vector_load %arg9[%get3A_746, %get3A_747] {strides = array<i32>} : memref<100x64xf32, #tpu.memory_space<vmem>>, vector<1x16xf32>,
        %get3A_749 = vector.shape_cast %get3A_748 : vector<1x16xf32> to vector<16xf32>
        %get3A_750 = arith.index_cast %add3A_745 : i32 to index
        %get3A_751 = arith.constant 0 : index
        %get3A_752 = tpu.vector_load %arg10[%get3A_750, %get3A_751] {strides = array<i32>} : memref<100x64xf32, #tpu.memory_space<vmem>>, vector<1x16xf32>,
        %get3A_753 = vector.shape_cast %get3A_752 : vector<1x16xf32> to vector<16xf32>
        %add3A_754 = arith.addf %get3A_749, %get3A_753 : vector<16xf32>
        %max3A_755 = arith.constant 0.000000e+00 : f32
        %max3A_756 = vector.broadcast %max3A_755 : f32 to vector<16xf32>
        %max3A_757 = arith.maximumf %add3A_754, %max3A_756 : vector<16xf32>
        %swap3A_758 = arith.index_cast %add3A_745 : i32 to index
        %swap3A_759 = arith.constant 0 : index
        %swap3A_760 = tpu.vector_load %arg9[%swap3A_758, %swap3A_759] {strides = array<i32>} : memref<100x64xf32, #tpu.memory_space<vmem>>, vector<1x16xf32>,
        %swap3A_761 = vector.shape_cast %swap3A_760 : vector<1x16xf32> to vector<16xf32>
        %swap3A_762 = vector.shape_cast %max3A_757 : vector<16xf32> to vector<1x16xf32>
        tpu.vector_store %arg9[%swap3A_758, %swap3A_759], %swap3A_762 {strides = array<i32>} : memref<100x64xf32, #tpu.memory_space<vmem>>, vector<1x16xf32>,
        %get3A_763 = arith.index_cast %add3A_745 : i32 to index
        %get3A_764 = arith.constant 16 : index
        %get3A_765 = tpu.vector_load %arg9[%get3A_763, %get3A_764] {strides = array<i32>} : memref<100x64xf32, #tpu.memory_space<vmem>>, vector<1x16xf32>,
        %get3A_766 = vector.shape_cast %get3A_765 : vector<1x16xf32> to vector<16xf32>
        %get3A_767 = arith.index_cast %add3A_745 : i32 to index
        %get3A_768 = arith.constant 16 : index
        %get3A_769 = tpu.vector_load %arg10[%get3A_767, %get3A_768] {strides = array<i32>} : memref<100x64xf32, #tpu.memory_space<vmem>>, vector<1x16xf32>,
        %get3A_770 = vector.shape_cast %get3A_769 : vector<1x16xf32> to vector<16xf32>
        %add3A_771 = arith.addf %get3A_766, %get3A_770 : vector<16xf32>
        %max3A_772 = arith.constant 0.000000e+00 : f32
        %max3A_773 = vector.broadcast %max3A_772 : f32 to vector<16xf32>
        %max3A_774 = arith.maximumf %add3A_771, %max3A_773 : vector<16xf32>
        %swap3A_775 = arith.index_cast %add3A_745 : i32 to index
        %swap3A_776 = arith.constant 16 : index
        %swap3A_777 = tpu.vector_load %arg9[%swap3A_775, %swap3A_776] {strides = array<i32>} : memref<100x64xf32, #tpu.memory_space<vmem>>, vector<1x16xf32>,
        %swap3A_778 = vector.shape_cast %swap3A_777 : vector<1x16xf32> to vector<16xf32>
        %swap3A_779 = vector.shape_cast %max3A_774 : vector<16xf32> to vector<1x16xf32>
        tpu.vector_store %arg9[%swap3A_775, %swap3A_776], %swap3A_779 {strides = array<i32>} : memref<100x64xf32, #tpu.memory_space<vmem>>, vector<1x16xf32>,
        %get3A_780 = arith.index_cast %add3A_745 : i32 to index
        %get3A_781 = arith.constant 32 : index
        %get3A_782 = tpu.vector_load %arg9[%get3A_780, %get3A_781] {strides = array<i32>} : memref<100x64xf32, #tpu.memory_space<vmem>>, vector<1x16xf32>,
        %get3A_783 = vector.shape_cast %get3A_782 : vector<1x16xf32> to vector<16xf32>
        %get3A_784 = arith.index_cast %add3A_745 : i32 to index
        %get3A_785 = arith.constant 32 : index
        %get3A_786 = tpu.vector_load %arg10[%get3A_784, %get3A_785] {strides = array<i32>} : memref<100x64xf32, #tpu.memory_space<vmem>>, vector<1x16xf32>,
        %get3A_787 = vector.shape_cast %get3A_786 : vector<1x16xf32> to vector<16xf32>
        %add3A_788 = arith.addf %get3A_783, %get3A_787 : vector<16xf32>
        %max3A_789 = arith.constant 0.000000e+00 : f32
        %max3A_790 = vector.broadcast %max3A_789 : f32 to vector<16xf32>
        %max3A_791 = arith.maximumf %add3A_788, %max3A_790 : vector<16xf32>
        %swap3A_792 = arith.index_cast %add3A_745 : i32 to index
        %swap3A_793 = arith.constant 32 : index
        %swap3A_794 = tpu.vector_load %arg9[%swap3A_792, %swap3A_793] {strides = array<i32>} : memref<100x64xf32, #tpu.memory_space<vmem>>, vector<1x16xf32>,
        %swap3A_795 = vector.shape_cast %swap3A_794 : vector<1x16xf32> to vector<16xf32>
        %swap3A_796 = vector.shape_cast %max3A_791 : vector<16xf32> to vector<1x16xf32>
        tpu.vector_store %arg9[%swap3A_792, %swap3A_793], %swap3A_796 {strides = array<i32>} : memref<100x64xf32, #tpu.memory_space<vmem>>, vector<1x16xf32>,
        %get3A_797 = arith.index_cast %add3A_745 : i32 to index
        %get3A_798 = arith.constant 48 : index
        %get3A_799 = tpu.vector_load %arg9[%get3A_797, %get3A_798] {strides = array<i32>} : memref<100x64xf32, #tpu.memory_space<vmem>>, vector<1x16xf32>,
        %get3A_800 = vector.shape_cast %get3A_799 : vector<1x16xf32> to vector<16xf32>
        %get3A_801 = arith.index_cast %add3A_745 : i32 to index
        %get3A_802 = arith.constant 48 : index
        %get3A_803 = tpu.vector_load %arg10[%get3A_801, %get3A_802] {strides = array<i32>} : memref<100x64xf32, #tpu.memory_space<vmem>>, vector<1x16xf32>,
        %get3A_804 = vector.shape_cast %get3A_803 : vector<1x16xf32> to vector<16xf32>
        %add3A_805 = arith.addf %get3A_800, %get3A_804 : vector<16xf32>
        %max3A_806 = arith.constant 0.000000e+00 : f32
        %max3A_807 = vector.broadcast %max3A_806 : f32 to vector<16xf32>
        %max3A_808 = arith.maximumf %add3A_805, %max3A_807 : vector<16xf32>
        %swap3A_809 = arith.index_cast %add3A_745 : i32 to index
        %swap3A_810 = arith.constant 48 : index
        %swap3A_811 = tpu.vector_load %arg9[%swap3A_809, %swap3A_810] {strides = array<i32>} : memref<100x64xf32, #tpu.memory_space<vmem>>, vector<1x16xf32>,
        %swap3A_812 = vector.shape_cast %swap3A_811 : vector<1x16xf32> to vector<16xf32>
        %swap3A_813 = vector.shape_cast %max3A_808 : vector<16xf32> to vector<1x16xf32>
        tpu.vector_store %arg9[%swap3A_809, %swap3A_810], %swap3A_813 {strides = array<i32>} : memref<100x64xf32, #tpu.memory_space<vmem>>, vector<1x16xf32>,
      }
      %scan3A_399 = arith.constant 20 : i32
      %dma_start3A_400 = arith.constant 0 : i32
      %dma_start3A_401 = tpu.memref_slice %arg8[%mul3A_370, %dma_start3A_400] : memref<200x100xi32, #tpu.memory_space<vmem>> -> memref<1x100xi32, #tpu.memory_space<vmem>>
      %dma_start3A_402 = tpu.memref_squeeze %dma_start3A_401 : memref<1x100xi32, #tpu.memory_space<vmem>> -> memref<100xi32, #tpu.memory_space<vmem>>
      %dma_start3A_403 = arith.constant 0 : i32
      %dma_start3A_404 = arith.constant 0 : i32
      %dma_start3A_405 = tpu.memref_slice %arg13[%dma_start3A_403, %dma_start3A_404] : memref<10112x64xf32, #tpu.memory_space<vmem_shared>> -> memref<10112x64xf32, #tpu.memory_space<vmem_shared>>
      tpu.enqueue_indirect_dma source(%arg9 : memref<100x64xf32, #tpu.memory_space<vmem>>) target(%dma_start3A_405 : memref<10112x64xf32, #tpu.memory_space<vmem_shared>>) offsets(%dma_start3A_402 : memref<100xi32, #tpu.memory_space<vmem>>) semaphore(%arg16 : memref<!tpu.dma_semaphore, #tpu.memory_space<semaphore_mem>>) {add = true}
      %dma_wait3A_406 = arith.constant 0 : i32
      %dma_wait3A_407 = tpu.memref_slice %arg7[%add3A_374, %dma_wait3A_406] : memref<200x100xi32, #tpu.memory_space<vmem>> -> memref<1x100xi32, #tpu.memory_space<vmem>>
      %dma_wait3A_408 = tpu.memref_squeeze %dma_wait3A_407 : memref<1x100xi32, #tpu.memory_space<vmem>> -> memref<100xi32, #tpu.memory_space<vmem>>
      %dma_wait3A_409 = arith.constant 0 : i32
      %dma_wait3A_410 = arith.constant 0 : i32
      %dma_wait3A_411 = tpu.memref_slice %arg2[%arg0, %dma_wait3A_409, %dma_wait3A_410] : memref<2x10000x64xf32, #tpu.memory_space<hbm>> -> memref<1x10000x64xf32, #tpu.memory_space<hbm>>
      %dma_wait3A_412 = tpu.memref_squeeze %dma_wait3A_411 : memref<1x10000x64xf32, #tpu.memory_space<hbm>> -> memref<10000x64xf32, #tpu.memory_space<hbm>>
      %dma_wait3A_413 = arith.constant 0 : i32
      %dma_wait3A_414 = arith.constant 0 : i32
      %dma_wait3A_415 = tpu.memref_slice %dma_wait3A_412[%dma_wait3A_413, %dma_wait3A_414] : memref<10000x64xf32, #tpu.memory_space<hbm>> -> memref<10000x64xf32, #tpu.memory_space<hbm>>
      tpu.wait_indirect_dma semaphore(%arg15 : memref<!tpu.dma_semaphore, #tpu.memory_space<semaphore_mem>>) src(%dma_wait3A_415 : memref<10000x64xf32, #tpu.memory_space<hbm>>) dst(%arg12 : memref<100x64xf32, #tpu.memory_space<vmem>>)
      %mul3A_416 = arith.constant 20000 : i32
      %mul3A_417 = arith.muli %arg1, %mul3A_416 : i32
      %mul3A_418 = arith.constant 100 : i32
      %mul3A_419 = arith.muli %add3A_374, %mul3A_418 : i32
      %add3A_420 = arith.addi %mul3A_417, %mul3A_419 : i32
      %mul3A_421 = arith.constant 64 : i32
      %mul3A_422 = arith.muli %arg0, %mul3A_421 : i32
      %dma_wait3A_423 = tpu.memref_slice %arg3[%add3A_420, %mul3A_422] : memref<320000x128xf32, #tpu.memory_space<hbm>> -> memref<100x64xf32, #tpu.memory_space<hbm>>
      %dma_wait3A_424 = tpu.memref_slice %arg3[%add3A_420, %mul3A_422] : memref<320000x128xf32, #tpu.memory_space<hbm>> -> memref<100x64xf32, #tpu.memory_space<hbm>>
      tpu.wait_dma2 semaphore(%arg15 : memref<!tpu.dma_semaphore, #tpu.memory_space<semaphore_mem>>) src(%dma_wait3A_424 : memref<100x64xf32, #tpu.memory_space<hbm>>) dst(%arg11 : memref<100x64xf32, #tpu.memory_space<vmem>>)
      %scan3A_425 = arith.constant 0 : i32
      %scan3A_426 = arith.constant 0 : i32
      %scan3A_427 = arith.constant 20 : i32
      %scan3A_428 = arith.addi %scan3A_426, %scan3A_427 : i32
      %scan3A_429 = arith.constant 1 : i32
      scf.for %scan3A_456 = %scan3A_426 to %scan3A_428 step %scan3A_429  : i32 {
        %mul3A_457 = arith.constant 5 : i32
        %mul3A_458 = arith.muli %scan3A_456, %mul3A_457 : i32
        %add3A_459 = arith.constant 0 : i32
        %add3A_460 = arith.addi %mul3A_458, %add3A_459 : i32
        %get3A = arith.index_cast %add3A_460 : i32 to index
        %get3A_461 = arith.constant 0 : index
        %get3A_462 = tpu.vector_load %arg11[%get3A, %get3A_461] {strides = array<i32>} : memref<100x64xf32, #tpu.memory_space<vmem>>, vector<1x16xf32>,
        %get3A_463 = vector.shape_cast %get3A_462 : vector<1x16xf32> to vector<16xf32>
        %get3A_464 = arith.index_cast %add3A_460 : i32 to index
        %get3A_465 = arith.constant 0 : index
        %get3A_466 = tpu.vector_load %arg12[%get3A_464, %get3A_465] {strides = array<i32>} : memref<100x64xf32, #tpu.memory_space<vmem>>, vector<1x16xf32>,
        %get3A_467 = vector.shape_cast %get3A_466 : vector<1x16xf32> to vector<16xf32>
        %add3A_468 = arith.addf %get3A_463, %get3A_467 : vector<16xf32>
        %max3A = arith.constant 0.000000e+00 : f32
        %max3A_469 = vector.broadcast %max3A : f32 to vector<16xf32>
        %max3A_470 = arith.maximumf %add3A_468, %max3A_469 : vector<16xf32>
        %swap3A = arith.index_cast %add3A_460 : i32 to index
        %swap3A_471 = arith.constant 0 : index
        %swap3A_472 = tpu.vector_load %arg11[%swap3A, %swap3A_471] {strides = array<i32>} : memref<100x64xf32, #tpu.memory_space<vmem>>, vector<1x16xf32>,
        %swap3A_473 = vector.shape_cast %swap3A_472 : vector<1x16xf32> to vector<16xf32>
        %swap3A_474 = vector.shape_cast %max3A_470 : vector<16xf32> to vector<1x16xf32>
        tpu.vector_store %arg11[%swap3A, %swap3A_471], %swap3A_474 {strides = array<i32>} : memref<100x64xf32, #tpu.memory_space<vmem>>, vector<1x16xf32>,
        %get3A_475 = arith.index_cast %add3A_460 : i32 to index
        %get3A_476 = arith.constant 16 : index
        %get3A_477 = tpu.vector_load %arg11[%get3A_475, %get3A_476] {strides = array<i32>} : memref<100x64xf32, #tpu.memory_space<vmem>>, vector<1x16xf32>,
        %get3A_478 = vector.shape_cast %get3A_477 : vector<1x16xf32> to vector<16xf32>
        %get3A_479 = arith.index_cast %add3A_460 : i32 to index
        %get3A_480 = arith.constant 16 : index
        %get3A_481 = tpu.vector_load %arg12[%get3A_479, %get3A_480] {strides = array<i32>} : memref<100x64xf32, #tpu.memory_space<vmem>>, vector<1x16xf32>,
        %get3A_482 = vector.shape_cast %get3A_481 : vector<1x16xf32> to vector<16xf32>
        %add3A_483 = arith.addf %get3A_478, %get3A_482 : vector<16xf32>
        %max3A_484 = arith.constant 0.000000e+00 : f32
        %max3A_485 = vector.broadcast %max3A_484 : f32 to vector<16xf32>
        %max3A_486 = arith.maximumf %add3A_483, %max3A_485 : vector<16xf32>
        %swap3A_487 = arith.index_cast %add3A_460 : i32 to index
        %swap3A_488 = arith.constant 16 : index
        %swap3A_489 = tpu.vector_load %arg11[%swap3A_487, %swap3A_488] {strides = array<i32>} : memref<100x64xf32, #tpu.memory_space<vmem>>, vector<1x16xf32>,
        %swap3A_490 = vector.shape_cast %swap3A_489 : vector<1x16xf32> to vector<16xf32>
        %swap3A_491 = vector.shape_cast %max3A_486 : vector<16xf32> to vector<1x16xf32>
        tpu.vector_store %arg11[%swap3A_487, %swap3A_488], %swap3A_491 {strides = array<i32>} : memref<100x64xf32, #tpu.memory_space<vmem>>, vector<1x16xf32>,
        %get3A_492 = arith.index_cast %add3A_460 : i32 to index
        %get3A_493 = arith.constant 32 : index
        %get3A_494 = tpu.vector_load %arg11[%get3A_492, %get3A_493] {strides = array<i32>} : memref<100x64xf32, #tpu.memory_space<vmem>>, vector<1x16xf32>,
        %get3A_495 = vector.shape_cast %get3A_494 : vector<1x16xf32> to vector<16xf32>
        %get3A_496 = arith.index_cast %add3A_460 : i32 to index
        %get3A_497 = arith.constant 32 : index
        %get3A_498 = tpu.vector_load %arg12[%get3A_496, %get3A_497] {strides = array<i32>} : memref<100x64xf32, #tpu.memory_space<vmem>>, vector<1x16xf32>,
        %get3A_499 = vector.shape_cast %get3A_498 : vector<1x16xf32> to vector<16xf32>
        %add3A_500 = arith.addf %get3A_495, %get3A_499 : vector<16xf32>
        %max3A_501 = arith.constant 0.000000e+00 : f32
        %max3A_502 = vector.broadcast %max3A_501 : f32 to vector<16xf32>
        %max3A_503 = arith.maximumf %add3A_500, %max3A_502 : vector<16xf32>
        %swap3A_504 = arith.index_cast %add3A_460 : i32 to index
        %swap3A_505 = arith.constant 32 : index
        %swap3A_506 = tpu.vector_load %arg11[%swap3A_504, %swap3A_505] {strides = array<i32>} : memref<100x64xf32, #tpu.memory_space<vmem>>, vector<1x16xf32>,
        %swap3A_507 = vector.shape_cast %swap3A_506 : vector<1x16xf32> to vector<16xf32>
        %swap3A_508 = vector.shape_cast %max3A_503 : vector<16xf32> to vector<1x16xf32>
        tpu.vector_store %arg11[%swap3A_504, %swap3A_505], %swap3A_508 {strides = array<i32>} : memref<100x64xf32, #tpu.memory_space<vmem>>, vector<1x16xf32>,
        %get3A_509 = arith.index_cast %add3A_460 : i32 to index
        %get3A_510 = arith.constant 48 : index
        %get3A_511 = tpu.vector_load %arg11[%get3A_509, %get3A_510] {strides = array<i32>} : memref<100x64xf32, #tpu.memory_space<vmem>>, vector<1x16xf32>,
        %get3A_512 = vector.shape_cast %get3A_511 : vector<1x16xf32> to vector<16xf32>
        %get3A_513 = arith.index_cast %add3A_460 : i32 to index
        %get3A_514 = arith.constant 48 : index
        %get3A_515 = tpu.vector_load %arg12[%get3A_513, %get3A_514] {strides = array<i32>} : memref<100x64xf32, #tpu.memory_space<vmem>>, vector<1x16xf32>,
        %get3A_516 = vector.shape_cast %get3A_515 : vector<1x16xf32> to vector<16xf32>
        %add3A_517 = arith.addf %get3A_512, %get3A_516 : vector<16xf32>
        %max3A_518 = arith.constant 0.000000e+00 : f32
        %max3A_519 = vector.broadcast %max3A_518 : f32 to vector<16xf32>
        %max3A_520 = arith.maximumf %add3A_517, %max3A_519 : vector<16xf32>
        %swap3A_521 = arith.index_cast %add3A_460 : i32 to index
        %swap3A_522 = arith.constant 48 : index
        %swap3A_523 = tpu.vector_load %arg11[%swap3A_521, %swap3A_522] {strides = array<i32>} : memref<100x64xf32, #tpu.memory_space<vmem>>, vector<1x16xf32>,
        %swap3A_524 = vector.shape_cast %swap3A_523 : vector<1x16xf32> to vector<16xf32>
        %swap3A_525 = vector.shape_cast %max3A_520 : vector<16xf32> to vector<1x16xf32>
        tpu.vector_store %arg11[%swap3A_521, %swap3A_522], %swap3A_525 {strides = array<i32>} : memref<100x64xf32, #tpu.memory_space<vmem>>, vector<1x16xf32>,
        %mul3A_526 = arith.constant 5 : i32
        %mul3A_527 = arith.muli %scan3A_456, %mul3A_526 : i32
        %add3A_528 = arith.constant 1 : i32
        %add3A_529 = arith.addi %mul3A_527, %add3A_528 : i32
        %get3A_530 = arith.index_cast %add3A_529 : i32 to index
        %get3A_531 = arith.constant 0 : index
        %get3A_532 = tpu.vector_load %arg11[%get3A_530, %get3A_531] {strides = array<i32>} : memref<100x64xf32, #tpu.memory_space<vmem>>, vector<1x16xf32>,
        %get3A_533 = vector.shape_cast %get3A_532 : vector<1x16xf32> to vector<16xf32>
        %get3A_534 = arith.index_cast %add3A_529 : i32 to index
        %get3A_535 = arith.constant 0 : index
        %get3A_536 = tpu.vector_load %arg12[%get3A_534, %get3A_535] {strides = array<i32>} : memref<100x64xf32, #tpu.memory_space<vmem>>, vector<1x16xf32>,
        %get3A_537 = vector.shape_cast %get3A_536 : vector<1x16xf32> to vector<16xf32>
        %add3A_538 = arith.addf %get3A_533, %get3A_537 : vector<16xf32>
        %max3A_539 = arith.constant 0.000000e+00 : f32
        %max3A_540 = vector.broadcast %max3A_539 : f32 to vector<16xf32>
        %max3A_541 = arith.maximumf %add3A_538, %max3A_540 : vector<16xf32>
        %swap3A_542 = arith.index_cast %add3A_529 : i32 to index
        %swap3A_543 = arith.constant 0 : index
        %swap3A_544 = tpu.vector_load %arg11[%swap3A_542, %swap3A_543] {strides = array<i32>} : memref<100x64xf32, #tpu.memory_space<vmem>>, vector<1x16xf32>,
        %swap3A_545 = vector.shape_cast %swap3A_544 : vector<1x16xf32> to vector<16xf32>
        %swap3A_546 = vector.shape_cast %max3A_541 : vector<16xf32> to vector<1x16xf32>
        tpu.vector_store %arg11[%swap3A_542, %swap3A_543], %swap3A_546 {strides = array<i32>} : memref<100x64xf32, #tpu.memory_space<vmem>>, vector<1x16xf32>,
        %get3A_547 = arith.index_cast %add3A_529 : i32 to index
        %get3A_548 = arith.constant 16 : index
        %get3A_549 = tpu.vector_load %arg11[%get3A_547, %get3A_548] {strides = array<i32>} : memref<100x64xf32, #tpu.memory_space<vmem>>, vector<1x16xf32>,
        %get3A_550 = vector.shape_cast %get3A_549 : vector<1x16xf32> to vector<16xf32>
        %get3A_551 = arith.index_cast %add3A_529 : i32 to index
        %get3A_552 = arith.constant 16 : index
        %get3A_553 = tpu.vector_load %arg12[%get3A_551, %get3A_552] {strides = array<i32>} : memref<100x64xf32, #tpu.memory_space<vmem>>, vector<1x16xf32>,
        %get3A_554 = vector.shape_cast %get3A_553 : vector<1x16xf32> to vector<16xf32>
        %add3A_555 = arith.addf %get3A_550, %get3A_554 : vector<16xf32>
        %max3A_556 = arith.constant 0.000000e+00 : f32
        %max3A_557 = vector.broadcast %max3A_556 : f32 to vector<16xf32>
        %max3A_558 = arith.maximumf %add3A_555, %max3A_557 : vector<16xf32>
        %swap3A_559 = arith.index_cast %add3A_529 : i32 to index
        %swap3A_560 = arith.constant 16 : index
        %swap3A_561 = tpu.vector_load %arg11[%swap3A_559, %swap3A_560] {strides = array<i32>} : memref<100x64xf32, #tpu.memory_space<vmem>>, vector<1x16xf32>,
        %swap3A_562 = vector.shape_cast %swap3A_561 : vector<1x16xf32> to vector<16xf32>
        %swap3A_563 = vector.shape_cast %max3A_558 : vector<16xf32> to vector<1x16xf32>
        tpu.vector_store %arg11[%swap3A_559, %swap3A_560], %swap3A_563 {strides = array<i32>} : memref<100x64xf32, #tpu.memory_space<vmem>>, vector<1x16xf32>,
        %get3A_564 = arith.index_cast %add3A_529 : i32 to index
        %get3A_565 = arith.constant 32 : index
        %get3A_566 = tpu.vector_load %arg11[%get3A_564, %get3A_565] {strides = array<i32>} : memref<100x64xf32, #tpu.memory_space<vmem>>, vector<1x16xf32>,
        %get3A_567 = vector.shape_cast %get3A_566 : vector<1x16xf32> to vector<16xf32>
        %get3A_568 = arith.index_cast %add3A_529 : i32 to index
        %get3A_569 = arith.constant 32 : index
        %get3A_570 = tpu.vector_load %arg12[%get3A_568, %get3A_569] {strides = array<i32>} : memref<100x64xf32, #tpu.memory_space<vmem>>, vector<1x16xf32>,
        %get3A_571 = vector.shape_cast %get3A_570 : vector<1x16xf32> to vector<16xf32>
        %add3A_572 = arith.addf %get3A_567, %get3A_571 : vector<16xf32>
        %max3A_573 = arith.constant 0.000000e+00 : f32
        %max3A_574 = vector.broadcast %max3A_573 : f32 to vector<16xf32>
        %max3A_575 = arith.maximumf %add3A_572, %max3A_574 : vector<16xf32>
        %swap3A_576 = arith.index_cast %add3A_529 : i32 to index
        %swap3A_577 = arith.constant 32 : index
        %swap3A_578 = tpu.vector_load %arg11[%swap3A_576, %swap3A_577] {strides = array<i32>} : memref<100x64xf32, #tpu.memory_space<vmem>>, vector<1x16xf32>,
        %swap3A_579 = vector.shape_cast %swap3A_578 : vector<1x16xf32> to vector<16xf32>
        %swap3A_580 = vector.shape_cast %max3A_575 : vector<16xf32> to vector<1x16xf32>
        tpu.vector_store %arg11[%swap3A_576, %swap3A_577], %swap3A_580 {strides = array<i32>} : memref<100x64xf32, #tpu.memory_space<vmem>>, vector<1x16xf32>,
        %get3A_581 = arith.index_cast %add3A_529 : i32 to index
        %get3A_582 = arith.constant 48 : index
        %get3A_583 = tpu.vector_load %arg11[%get3A_581, %get3A_582] {strides = array<i32>} : memref<100x64xf32, #tpu.memory_space<vmem>>, vector<1x16xf32>,
        %get3A_584 = vector.shape_cast %get3A_583 : vector<1x16xf32> to vector<16xf32>
        %get3A_585 = arith.index_cast %add3A_529 : i32 to index
        %get3A_586 = arith.constant 48 : index
        %get3A_587 = tpu.vector_load %arg12[%get3A_585, %get3A_586] {strides = array<i32>} : memref<100x64xf32, #tpu.memory_space<vmem>>, vector<1x16xf32>,
        %get3A_588 = vector.shape_cast %get3A_587 : vector<1x16xf32> to vector<16xf32>
        %add3A_589 = arith.addf %get3A_584, %get3A_588 : vector<16xf32>
        %max3A_590 = arith.constant 0.000000e+00 : f32
        %max3A_591 = vector.broadcast %max3A_590 : f32 to vector<16xf32>
        %max3A_592 = arith.maximumf %add3A_589, %max3A_591 : vector<16xf32>
        %swap3A_593 = arith.index_cast %add3A_529 : i32 to index
        %swap3A_594 = arith.constant 48 : index
        %swap3A_595 = tpu.vector_load %arg11[%swap3A_593, %swap3A_594] {strides = array<i32>} : memref<100x64xf32, #tpu.memory_space<vmem>>, vector<1x16xf32>,
        %swap3A_596 = vector.shape_cast %swap3A_595 : vector<1x16xf32> to vector<16xf32>
        %swap3A_597 = vector.shape_cast %max3A_592 : vector<16xf32> to vector<1x16xf32>
        tpu.vector_store %arg11[%swap3A_593, %swap3A_594], %swap3A_597 {strides = array<i32>} : memref<100x64xf32, #tpu.memory_space<vmem>>, vector<1x16xf32>,
        %mul3A_598 = arith.constant 5 : i32
        %mul3A_599 = arith.muli %scan3A_456, %mul3A_598 : i32
        %add3A_600 = arith.constant 2 : i32
        %add3A_601 = arith.addi %mul3A_599, %add3A_600 : i32
        %get3A_602 = arith.index_cast %add3A_601 : i32 to index
        %get3A_603 = arith.constant 0 : index
        %get3A_604 = tpu.vector_load %arg11[%get3A_602, %get3A_603] {strides = array<i32>} : memref<100x64xf32, #tpu.memory_space<vmem>>, vector<1x16xf32>,
        %get3A_605 = vector.shape_cast %get3A_604 : vector<1x16xf32> to vector<16xf32>
        %get3A_606 = arith.index_cast %add3A_601 : i32 to index
        %get3A_607 = arith.constant 0 : index
        %get3A_608 = tpu.vector_load %arg12[%get3A_606, %get3A_607] {strides = array<i32>} : memref<100x64xf32, #tpu.memory_space<vmem>>, vector<1x16xf32>,
        %get3A_609 = vector.shape_cast %get3A_608 : vector<1x16xf32> to vector<16xf32>
        %add3A_610 = arith.addf %get3A_605, %get3A_609 : vector<16xf32>
        %max3A_611 = arith.constant 0.000000e+00 : f32
        %max3A_612 = vector.broadcast %max3A_611 : f32 to vector<16xf32>
        %max3A_613 = arith.maximumf %add3A_610, %max3A_612 : vector<16xf32>
        %swap3A_614 = arith.index_cast %add3A_601 : i32 to index
        %swap3A_615 = arith.constant 0 : index
        %swap3A_616 = tpu.vector_load %arg11[%swap3A_614, %swap3A_615] {strides = array<i32>} : memref<100x64xf32, #tpu.memory_space<vmem>>, vector<1x16xf32>,
        %swap3A_617 = vector.shape_cast %swap3A_616 : vector<1x16xf32> to vector<16xf32>
        %swap3A_618 = vector.shape_cast %max3A_613 : vector<16xf32> to vector<1x16xf32>
        tpu.vector_store %arg11[%swap3A_614, %swap3A_615], %swap3A_618 {strides = array<i32>} : memref<100x64xf32, #tpu.memory_space<vmem>>, vector<1x16xf32>,
        %get3A_619 = arith.index_cast %add3A_601 : i32 to index
        %get3A_620 = arith.constant 16 : index
        %get3A_621 = tpu.vector_load %arg11[%get3A_619, %get3A_620] {strides = array<i32>} : memref<100x64xf32, #tpu.memory_space<vmem>>, vector<1x16xf32>,
        %get3A_622 = vector.shape_cast %get3A_621 : vector<1x16xf32> to vector<16xf32>
        %get3A_623 = arith.index_cast %add3A_601 : i32 to index
        %get3A_624 = arith.constant 16 : index
        %get3A_625 = tpu.vector_load %arg12[%get3A_623, %get3A_624] {strides = array<i32>} : memref<100x64xf32, #tpu.memory_space<vmem>>, vector<1x16xf32>,
        %get3A_626 = vector.shape_cast %get3A_625 : vector<1x16xf32> to vector<16xf32>
        %add3A_627 = arith.addf %get3A_622, %get3A_626 : vector<16xf32>
        %max3A_628 = arith.constant 0.000000e+00 : f32
        %max3A_629 = vector.broadcast %max3A_628 : f32 to vector<16xf32>
        %max3A_630 = arith.maximumf %add3A_627, %max3A_629 : vector<16xf32>
        %swap3A_631 = arith.index_cast %add3A_601 : i32 to index
        %swap3A_632 = arith.constant 16 : index
        %swap3A_633 = tpu.vector_load %arg11[%swap3A_631, %swap3A_632] {strides = array<i32>} : memref<100x64xf32, #tpu.memory_space<vmem>>, vector<1x16xf32>,
        %swap3A_634 = vector.shape_cast %swap3A_633 : vector<1x16xf32> to vector<16xf32>
        %swap3A_635 = vector.shape_cast %max3A_630 : vector<16xf32> to vector<1x16xf32>
        tpu.vector_store %arg11[%swap3A_631, %swap3A_632], %swap3A_635 {strides = array<i32>} : memref<100x64xf32, #tpu.memory_space<vmem>>, vector<1x16xf32>,
        %get3A_636 = arith.index_cast %add3A_601 : i32 to index
        %get3A_637 = arith.constant 32 : index
        %get3A_638 = tpu.vector_load %arg11[%get3A_636, %get3A_637] {strides = array<i32>} : memref<100x64xf32, #tpu.memory_space<vmem>>, vector<1x16xf32>,
        %get3A_639 = vector.shape_cast %get3A_638 : vector<1x16xf32> to vector<16xf32>
        %get3A_640 = arith.index_cast %add3A_601 : i32 to index
        %get3A_641 = arith.constant 32 : index
        %get3A_642 = tpu.vector_load %arg12[%get3A_640, %get3A_641] {strides = array<i32>} : memref<100x64xf32, #tpu.memory_space<vmem>>, vector<1x16xf32>,
        %get3A_643 = vector.shape_cast %get3A_642 : vector<1x16xf32> to vector<16xf32>
        %add3A_644 = arith.addf %get3A_639, %get3A_643 : vector<16xf32>
        %max3A_645 = arith.constant 0.000000e+00 : f32
        %max3A_646 = vector.broadcast %max3A_645 : f32 to vector<16xf32>
        %max3A_647 = arith.maximumf %add3A_644, %max3A_646 : vector<16xf32>
        %swap3A_648 = arith.index_cast %add3A_601 : i32 to index
        %swap3A_649 = arith.constant 32 : index
        %swap3A_650 = tpu.vector_load %arg11[%swap3A_648, %swap3A_649] {strides = array<i32>} : memref<100x64xf32, #tpu.memory_space<vmem>>, vector<1x16xf32>,
        %swap3A_651 = vector.shape_cast %swap3A_650 : vector<1x16xf32> to vector<16xf32>
        %swap3A_652 = vector.shape_cast %max3A_647 : vector<16xf32> to vector<1x16xf32>
        tpu.vector_store %arg11[%swap3A_648, %swap3A_649], %swap3A_652 {strides = array<i32>} : memref<100x64xf32, #tpu.memory_space<vmem>>, vector<1x16xf32>,
        %get3A_653 = arith.index_cast %add3A_601 : i32 to index
        %get3A_654 = arith.constant 48 : index
        %get3A_655 = tpu.vector_load %arg11[%get3A_653, %get3A_654] {strides = array<i32>} : memref<100x64xf32, #tpu.memory_space<vmem>>, vector<1x16xf32>,
        %get3A_656 = vector.shape_cast %get3A_655 : vector<1x16xf32> to vector<16xf32>
        %get3A_657 = arith.index_cast %add3A_601 : i32 to index
        %get3A_658 = arith.constant 48 : index
        %get3A_659 = tpu.vector_load %arg12[%get3A_657, %get3A_658] {strides = array<i32>} : memref<100x64xf32, #tpu.memory_space<vmem>>, vector<1x16xf32>,
        %get3A_660 = vector.shape_cast %get3A_659 : vector<1x16xf32> to vector<16xf32>
        %add3A_661 = arith.addf %get3A_656, %get3A_660 : vector<16xf32>
        %max3A_662 = arith.constant 0.000000e+00 : f32
        %max3A_663 = vector.broadcast %max3A_662 : f32 to vector<16xf32>
        %max3A_664 = arith.maximumf %add3A_661, %max3A_663 : vector<16xf32>
        %swap3A_665 = arith.index_cast %add3A_601 : i32 to index
        %swap3A_666 = arith.constant 48 : index
        %swap3A_667 = tpu.vector_load %arg11[%swap3A_665, %swap3A_666] {strides = array<i32>} : memref<100x64xf32, #tpu.memory_space<vmem>>, vector<1x16xf32>,
        %swap3A_668 = vector.shape_cast %swap3A_667 : vector<1x16xf32> to vector<16xf32>
        %swap3A_669 = vector.shape_cast %max3A_664 : vector<16xf32> to vector<1x16xf32>
        tpu.vector_store %arg11[%swap3A_665, %swap3A_666], %swap3A_669 {strides = array<i32>} : memref<100x64xf32, #tpu.memory_space<vmem>>, vector<1x16xf32>,
        %mul3A_670 = arith.constant 5 : i32
        %mul3A_671 = arith.muli %scan3A_456, %mul3A_670 : i32
        %add3A_672 = arith.constant 3 : i32
        %add3A_673 = arith.addi %mul3A_671, %add3A_672 : i32
        %get3A_674 = arith.index_cast %add3A_673 : i32 to index
        %get3A_675 = arith.constant 0 : index
        %get3A_676 = tpu.vector_load %arg11[%get3A_674, %get3A_675] {strides = array<i32>} : memref<100x64xf32, #tpu.memory_space<vmem>>, vector<1x16xf32>,
        %get3A_677 = vector.shape_cast %get3A_676 : vector<1x16xf32> to vector<16xf32>
        %get3A_678 = arith.index_cast %add3A_673 : i32 to index
        %get3A_679 = arith.constant 0 : index
        %get3A_680 = tpu.vector_load %arg12[%get3A_678, %get3A_679] {strides = array<i32>} : memref<100x64xf32, #tpu.memory_space<vmem>>, vector<1x16xf32>,
        %get3A_681 = vector.shape_cast %get3A_680 : vector<1x16xf32> to vector<16xf32>
        %add3A_682 = arith.addf %get3A_677, %get3A_681 : vector<16xf32>
        %max3A_683 = arith.constant 0.000000e+00 : f32
        %max3A_684 = vector.broadcast %max3A_683 : f32 to vector<16xf32>
        %max3A_685 = arith.maximumf %add3A_682, %max3A_684 : vector<16xf32>
        %swap3A_686 = arith.index_cast %add3A_673 : i32 to index
        %swap3A_687 = arith.constant 0 : index
        %swap3A_688 = tpu.vector_load %arg11[%swap3A_686, %swap3A_687] {strides = array<i32>} : memref<100x64xf32, #tpu.memory_space<vmem>>, vector<1x16xf32>,
        %swap3A_689 = vector.shape_cast %swap3A_688 : vector<1x16xf32> to vector<16xf32>
        %swap3A_690 = vector.shape_cast %max3A_685 : vector<16xf32> to vector<1x16xf32>
        tpu.vector_store %arg11[%swap3A_686, %swap3A_687], %swap3A_690 {strides = array<i32>} : memref<100x64xf32, #tpu.memory_space<vmem>>, vector<1x16xf32>,
        %get3A_691 = arith.index_cast %add3A_673 : i32 to index
        %get3A_692 = arith.constant 16 : index
        %get3A_693 = tpu.vector_load %arg11[%get3A_691, %get3A_692] {strides = array<i32>} : memref<100x64xf32, #tpu.memory_space<vmem>>, vector<1x16xf32>,
        %get3A_694 = vector.shape_cast %get3A_693 : vector<1x16xf32> to vector<16xf32>
        %get3A_695 = arith.index_cast %add3A_673 : i32 to index
        %get3A_696 = arith.constant 16 : index
        %get3A_697 = tpu.vector_load %arg12[%get3A_695, %get3A_696] {strides = array<i32>} : memref<100x64xf32, #tpu.memory_space<vmem>>, vector<1x16xf32>,
        %get3A_698 = vector.shape_cast %get3A_697 : vector<1x16xf32> to vector<16xf32>
        %add3A_699 = arith.addf %get3A_694, %get3A_698 : vector<16xf32>
        %max3A_700 = arith.constant 0.000000e+00 : f32
        %max3A_701 = vector.broadcast %max3A_700 : f32 to vector<16xf32>
        %max3A_702 = arith.maximumf %add3A_699, %max3A_701 : vector<16xf32>
        %swap3A_703 = arith.index_cast %add3A_673 : i32 to index
        %swap3A_704 = arith.constant 16 : index
        %swap3A_705 = tpu.vector_load %arg11[%swap3A_703, %swap3A_704] {strides = array<i32>} : memref<100x64xf32, #tpu.memory_space<vmem>>, vector<1x16xf32>,
        %swap3A_706 = vector.shape_cast %swap3A_705 : vector<1x16xf32> to vector<16xf32>
        %swap3A_707 = vector.shape_cast %max3A_702 : vector<16xf32> to vector<1x16xf32>
        tpu.vector_store %arg11[%swap3A_703, %swap3A_704], %swap3A_707 {strides = array<i32>} : memref<100x64xf32, #tpu.memory_space<vmem>>, vector<1x16xf32>,
        %get3A_708 = arith.index_cast %add3A_673 : i32 to index
        %get3A_709 = arith.constant 32 : index
        %get3A_710 = tpu.vector_load %arg11[%get3A_708, %get3A_709] {strides = array<i32>} : memref<100x64xf32, #tpu.memory_space<vmem>>, vector<1x16xf32>,
        %get3A_711 = vector.shape_cast %get3A_710 : vector<1x16xf32> to vector<16xf32>
        %get3A_712 = arith.index_cast %add3A_673 : i32 to index
        %get3A_713 = arith.constant 32 : index
        %get3A_714 = tpu.vector_load %arg12[%get3A_712, %get3A_713] {strides = array<i32>} : memref<100x64xf32, #tpu.memory_space<vmem>>, vector<1x16xf32>,
        %get3A_715 = vector.shape_cast %get3A_714 : vector<1x16xf32> to vector<16xf32>
        %add3A_716 = arith.addf %get3A_711, %get3A_715 : vector<16xf32>
        %max3A_717 = arith.constant 0.000000e+00 : f32
        %max3A_718 = vector.broadcast %max3A_717 : f32 to vector<16xf32>
        %max3A_719 = arith.maximumf %add3A_716, %max3A_718 : vector<16xf32>
        %swap3A_720 = arith.index_cast %add3A_673 : i32 to index
        %swap3A_721 = arith.constant 32 : index
        %swap3A_722 = tpu.vector_load %arg11[%swap3A_720, %swap3A_721] {strides = array<i32>} : memref<100x64xf32, #tpu.memory_space<vmem>>, vector<1x16xf32>,
        %swap3A_723 = vector.shape_cast %swap3A_722 : vector<1x16xf32> to vector<16xf32>
        %swap3A_724 = vector.shape_cast %max3A_719 : vector<16xf32> to vector<1x16xf32>
        tpu.vector_store %arg11[%swap3A_720, %swap3A_721], %swap3A_724 {strides = array<i32>} : memref<100x64xf32, #tpu.memory_space<vmem>>, vector<1x16xf32>,
        %get3A_725 = arith.index_cast %add3A_673 : i32 to index
        %get3A_726 = arith.constant 48 : index
        %get3A_727 = tpu.vector_load %arg11[%get3A_725, %get3A_726] {strides = array<i32>} : memref<100x64xf32, #tpu.memory_space<vmem>>, vector<1x16xf32>,
        %get3A_728 = vector.shape_cast %get3A_727 : vector<1x16xf32> to vector<16xf32>
        %get3A_729 = arith.index_cast %add3A_673 : i32 to index
        %get3A_730 = arith.constant 48 : index
        %get3A_731 = tpu.vector_load %arg12[%get3A_729, %get3A_730] {strides = array<i32>} : memref<100x64xf32, #tpu.memory_space<vmem>>, vector<1x16xf32>,
        %get3A_732 = vector.shape_cast %get3A_731 : vector<1x16xf32> to vector<16xf32>
        %add3A_733 = arith.addf %get3A_728, %get3A_732 : vector<16xf32>
        %max3A_734 = arith.constant 0.000000e+00 : f32
        %max3A_735 = vector.broadcast %max3A_734 : f32 to vector<16xf32>
        %max3A_736 = arith.maximumf %add3A_733, %max3A_735 : vector<16xf32>
        %swap3A_737 = arith.index_cast %add3A_673 : i32 to index
        %swap3A_738 = arith.constant 48 : index
        %swap3A_739 = tpu.vector_load %arg11[%swap3A_737, %swap3A_738] {strides = array<i32>} : memref<100x64xf32, #tpu.memory_space<vmem>>, vector<1x16xf32>,
        %swap3A_740 = vector.shape_cast %swap3A_739 : vector<1x16xf32> to vector<16xf32>
        %swap3A_741 = vector.shape_cast %max3A_736 : vector<16xf32> to vector<1x16xf32>
        tpu.vector_store %arg11[%swap3A_737, %swap3A_738], %swap3A_741 {strides = array<i32>} : memref<100x64xf32, #tpu.memory_space<vmem>>, vector<1x16xf32>,
        %mul3A_742 = arith.constant 5 : i32
        %mul3A_743 = arith.muli %scan3A_456, %mul3A_742 : i32
        %add3A_744 = arith.constant 4 : i32
        %add3A_745 = arith.addi %mul3A_743, %add3A_744 : i32
        %get3A_746 = arith.index_cast %add3A_745 : i32 to index
        %get3A_747 = arith.constant 0 : index
        %get3A_748 = tpu.vector_load %arg11[%get3A_746, %get3A_747] {strides = array<i32>} : memref<100x64xf32, #tpu.memory_space<vmem>>, vector<1x16xf32>,
        %get3A_749 = vector.shape_cast %get3A_748 : vector<1x16xf32> to vector<16xf32>
        %get3A_750 = arith.index_cast %add3A_745 : i32 to index
        %get3A_751 = arith.constant 0 : index
        %get3A_752 = tpu.vector_load %arg12[%get3A_750, %get3A_751] {strides = array<i32>} : memref<100x64xf32, #tpu.memory_space<vmem>>, vector<1x16xf32>,
        %get3A_753 = vector.shape_cast %get3A_752 : vector<1x16xf32> to vector<16xf32>
        %add3A_754 = arith.addf %get3A_749, %get3A_753 : vector<16xf32>
        %max3A_755 = arith.constant 0.000000e+00 : f32
        %max3A_756 = vector.broadcast %max3A_755 : f32 to vector<16xf32>
        %max3A_757 = arith.maximumf %add3A_754, %max3A_756 : vector<16xf32>
        %swap3A_758 = arith.index_cast %add3A_745 : i32 to index
        %swap3A_759 = arith.constant 0 : index
        %swap3A_760 = tpu.vector_load %arg11[%swap3A_758, %swap3A_759] {strides = array<i32>} : memref<100x64xf32, #tpu.memory_space<vmem>>, vector<1x16xf32>,
        %swap3A_761 = vector.shape_cast %swap3A_760 : vector<1x16xf32> to vector<16xf32>
        %swap3A_762 = vector.shape_cast %max3A_757 : vector<16xf32> to vector<1x16xf32>
        tpu.vector_store %arg11[%swap3A_758, %swap3A_759], %swap3A_762 {strides = array<i32>} : memref<100x64xf32, #tpu.memory_space<vmem>>, vector<1x16xf32>,
        %get3A_763 = arith.index_cast %add3A_745 : i32 to index
        %get3A_764 = arith.constant 16 : index
        %get3A_765 = tpu.vector_load %arg11[%get3A_763, %get3A_764] {strides = array<i32>} : memref<100x64xf32, #tpu.memory_space<vmem>>, vector<1x16xf32>,
        %get3A_766 = vector.shape_cast %get3A_765 : vector<1x16xf32> to vector<16xf32>
        %get3A_767 = arith.index_cast %add3A_745 : i32 to index
        %get3A_768 = arith.constant 16 : index
        %get3A_769 = tpu.vector_load %arg12[%get3A_767, %get3A_768] {strides = array<i32>} : memref<100x64xf32, #tpu.memory_space<vmem>>, vector<1x16xf32>,
        %get3A_770 = vector.shape_cast %get3A_769 : vector<1x16xf32> to vector<16xf32>
        %add3A_771 = arith.addf %get3A_766, %get3A_770 : vector<16xf32>
        %max3A_772 = arith.constant 0.000000e+00 : f32
        %max3A_773 = vector.broadcast %max3A_772 : f32 to vector<16xf32>
        %max3A_774 = arith.maximumf %add3A_771, %max3A_773 : vector<16xf32>
        %swap3A_775 = arith.index_cast %add3A_745 : i32 to index
        %swap3A_776 = arith.constant 16 : index
        %swap3A_777 = tpu.vector_load %arg11[%swap3A_775, %swap3A_776] {strides = array<i32>} : memref<100x64xf32, #tpu.memory_space<vmem>>, vector<1x16xf32>,
        %swap3A_778 = vector.shape_cast %swap3A_777 : vector<1x16xf32> to vector<16xf32>
        %swap3A_779 = vector.shape_cast %max3A_774 : vector<16xf32> to vector<1x16xf32>
        tpu.vector_store %arg11[%swap3A_775, %swap3A_776], %swap3A_779 {strides = array<i32>} : memref<100x64xf32, #tpu.memory_space<vmem>>, vector<1x16xf32>,
        %get3A_780 = arith.index_cast %add3A_745 : i32 to index
        %get3A_781 = arith.constant 32 : index
        %get3A_782 = tpu.vector_load %arg11[%get3A_780, %get3A_781] {strides = array<i32>} : memref<100x64xf32, #tpu.memory_space<vmem>>, vector<1x16xf32>,
        %get3A_783 = vector.shape_cast %get3A_782 : vector<1x16xf32> to vector<16xf32>
        %get3A_784 = arith.index_cast %add3A_745 : i32 to index
        %get3A_785 = arith.constant 32 : index
        %get3A_786 = tpu.vector_load %arg12[%get3A_784, %get3A_785] {strides = array<i32>} : memref<100x64xf32, #tpu.memory_space<vmem>>, vector<1x16xf32>,
        %get3A_787 = vector.shape_cast %get3A_786 : vector<1x16xf32> to vector<16xf32>
        %add3A_788 = arith.addf %get3A_783, %get3A_787 : vector<16xf32>
        %max3A_789 = arith.constant 0.000000e+00 : f32
        %max3A_790 = vector.broadcast %max3A_789 : f32 to vector<16xf32>
        %max3A_791 = arith.maximumf %add3A_788, %max3A_790 : vector<16xf32>
        %swap3A_792 = arith.index_cast %add3A_745 : i32 to index
        %swap3A_793 = arith.constant 32 : index
        %swap3A_794 = tpu.vector_load %arg11[%swap3A_792, %swap3A_793] {strides = array<i32>} : memref<100x64xf32, #tpu.memory_space<vmem>>, vector<1x16xf32>,
        %swap3A_795 = vector.shape_cast %swap3A_794 : vector<1x16xf32> to vector<16xf32>
        %swap3A_796 = vector.shape_cast %max3A_791 : vector<16xf32> to vector<1x16xf32>
        tpu.vector_store %arg11[%swap3A_792, %swap3A_793], %swap3A_796 {strides = array<i32>} : memref<100x64xf32, #tpu.memory_space<vmem>>, vector<1x16xf32>,
        %get3A_797 = arith.index_cast %add3A_745 : i32 to index
        %get3A_798 = arith.constant 48 : index
        %get3A_799 = tpu.vector_load %arg11[%get3A_797, %get3A_798] {strides = array<i32>} : memref<100x64xf32, #tpu.memory_space<vmem>>, vector<1x16xf32>,
        %get3A_800 = vector.shape_cast %get3A_799 : vector<1x16xf32> to vector<16xf32>
        %get3A_801 = arith.index_cast %add3A_745 : i32 to index
        %get3A_802 = arith.constant 48 : index
        %get3A_803 = tpu.vector_load %arg12[%get3A_801, %get3A_802] {strides = array<i32>} : memref<100x64xf32, #tpu.memory_space<vmem>>, vector<1x16xf32>,
        %get3A_804 = vector.shape_cast %get3A_803 : vector<1x16xf32> to vector<16xf32>
        %add3A_805 = arith.addf %get3A_800, %get3A_804 : vector<16xf32>
        %max3A_806 = arith.constant 0.000000e+00 : f32
        %max3A_807 = vector.broadcast %max3A_806 : f32 to vector<16xf32>
        %max3A_808 = arith.maximumf %add3A_805, %max3A_807 : vector<16xf32>
        %swap3A_809 = arith.index_cast %add3A_745 : i32 to index
        %swap3A_810 = arith.constant 48 : index
        %swap3A_811 = tpu.vector_load %arg11[%swap3A_809, %swap3A_810] {strides = array<i32>} : memref<100x64xf32, #tpu.memory_space<vmem>>, vector<1x16xf32>,
        %swap3A_812 = vector.shape_cast %swap3A_811 : vector<1x16xf32> to vector<16xf32>
        %swap3A_813 = vector.shape_cast %max3A_808 : vector<16xf32> to vector<1x16xf32>
        tpu.vector_store %arg11[%swap3A_809, %swap3A_810], %swap3A_813 {strides = array<i32>} : memref<100x64xf32, #tpu.memory_space<vmem>>, vector<1x16xf32>,
      }
      %scan3A_430 = arith.constant 20 : i32
      %dma_wait3A_431 = arith.constant 0 : i32
      %dma_wait3A_432 = tpu.memref_slice %arg8[%mul3A_370, %dma_wait3A_431] : memref<200x100xi32, #tpu.memory_space<vmem>> -> memref<1x100xi32, #tpu.memory_space<vmem>>
      %dma_wait3A_433 = tpu.memref_squeeze %dma_wait3A_432 : memref<1x100xi32, #tpu.memory_space<vmem>> -> memref<100xi32, #tpu.memory_space<vmem>>
      %dma_wait3A_434 = arith.constant 0 : i32
      %dma_wait3A_435 = arith.constant 0 : i32
      %dma_wait3A_436 = tpu.memref_slice %arg13[%dma_wait3A_434, %dma_wait3A_435] : memref<10112x64xf32, #tpu.memory_space<vmem_shared>> -> memref<10112x64xf32, #tpu.memory_space<vmem_shared>>
      tpu.wait_indirect_dma semaphore(%arg16 : memref<!tpu.dma_semaphore, #tpu.memory_space<semaphore_mem>>) src(%arg9 : memref<100x64xf32, #tpu.memory_space<vmem>>) dst(%dma_wait3A_436 : memref<10112x64xf32, #tpu.memory_space<vmem_shared>>)
      %lt3A = arith.constant 99 : i32
      %lt3A_437 = arith.cmpi slt, %scan3A_368, %lt3A : i32
      %convert_element_type3A = arith.extui %lt3A_437 : i1 to i32
      %cond3A = arith.constant 0 : i32
      %cond3A_438 = arith.cmpi ne, %convert_element_type3A, %cond3A : i32
      scf.if %cond3A_438 {
        %add3A_456 = arith.constant 2 : i32
        %add3A_457 = arith.addi %mul3A_370, %add3A_456 : i32
        %dma_start3A_458 = arith.constant 0 : i32
        %dma_start3A_459 = tpu.memref_slice %arg7[%add3A_457, %dma_start3A_458] : memref<200x100xi32, #tpu.memory_space<vmem>> -> memref<1x100xi32, #tpu.memory_space<vmem>>
        %dma_start3A_460 = tpu.memref_squeeze %dma_start3A_459 : memref<1x100xi32, #tpu.memory_space<vmem>> -> memref<100xi32, #tpu.memory_space<vmem>>
        %dma_start3A_461 = arith.constant 0 : i32
        %dma_start3A_462 = arith.constant 0 : i32
        %dma_start3A_463 = tpu.memref_slice %arg2[%arg0, %dma_start3A_461, %dma_start3A_462] : memref<2x10000x64xf32, #tpu.memory_space<hbm>> -> memref<1x10000x64xf32, #tpu.memory_space<hbm>>
        %dma_start3A_464 = tpu.memref_squeeze %dma_start3A_463 : memref<1x10000x64xf32, #tpu.memory_space<hbm>> -> memref<10000x64xf32, #tpu.memory_space<hbm>>
        %dma_start3A_465 = arith.constant 0 : i32
        %dma_start3A_466 = arith.constant 0 : i32
        %dma_start3A_467 = tpu.memref_slice %dma_start3A_464[%dma_start3A_465, %dma_start3A_466] : memref<10000x64xf32, #tpu.memory_space<hbm>> -> memref<10000x64xf32, #tpu.memory_space<hbm>>
        tpu.enqueue_indirect_dma source(%dma_start3A_467 : memref<10000x64xf32, #tpu.memory_space<hbm>>) target(%arg10 : memref<100x64xf32, #tpu.memory_space<vmem>>) offsets(%dma_start3A_460 : memref<100xi32, #tpu.memory_space<vmem>>) semaphore(%arg14 : memref<!tpu.dma_semaphore, #tpu.memory_space<semaphore_mem>>)
        %mul3A_468 = arith.constant 20000 : i32
        %mul3A_469 = arith.muli %arg1, %mul3A_468 : i32
        %mul3A_470 = arith.constant 100 : i32
        %mul3A_471 = arith.muli %add3A_457, %mul3A_470 : i32
        %add3A_472 = arith.addi %mul3A_469, %mul3A_471 : i32
        %mul3A_473 = arith.constant 64 : i32
        %mul3A_474 = arith.muli %arg0, %mul3A_473 : i32
        %dma_start3A_475 = tpu.memref_slice %arg3[%add3A_472, %mul3A_474] : memref<320000x128xf32, #tpu.memory_space<hbm>> -> memref<100x64xf32, #tpu.memory_space<hbm>>
        %dma_start3A_476 = tpu.memref_slice %arg3[%add3A_472, %mul3A_474] : memref<320000x128xf32, #tpu.memory_space<hbm>> -> memref<100x64xf32, #tpu.memory_space<hbm>>
        tpu.enqueue_dma source(%dma_start3A_476 : memref<100x64xf32, #tpu.memory_space<hbm>>) target(%arg9 : memref<100x64xf32, #tpu.memory_space<vmem>>) target_semaphore(%arg14 : memref<!tpu.dma_semaphore, #tpu.memory_space<semaphore_mem>>)
      } else {
      }
      %dma_start3A_439 = arith.constant 0 : i32
      %dma_start3A_440 = tpu.memref_slice %arg8[%add3A_374, %dma_start3A_439] : memref<200x100xi32, #tpu.memory_space<vmem>> -> memref<1x100xi32, #tpu.memory_space<vmem>>
      %dma_start3A_441 = tpu.memref_squeeze %dma_start3A_440 : memref<1x100xi32, #tpu.memory_space<vmem>> -> memref<100xi32, #tpu.memory_space<vmem>>
      %dma_start3A_442 = arith.constant 0 : i32
      %dma_start3A_443 = arith.constant 0 : i32
      %dma_start3A_444 = tpu.memref_slice %arg13[%dma_start3A_442, %dma_start3A_443] : memref<10112x64xf32, #tpu.memory_space<vmem_shared>> -> memref<10112x64xf32, #tpu.memory_space<vmem_shared>>
      tpu.enqueue_indirect_dma source(%arg11 : memref<100x64xf32, #tpu.memory_space<vmem>>) target(%dma_start3A_444 : memref<10112x64xf32, #tpu.memory_space<vmem_shared>>) offsets(%dma_start3A_441 : memref<100xi32, #tpu.memory_space<vmem>>) semaphore(%arg17 : memref<!tpu.dma_semaphore, #tpu.memory_space<semaphore_mem>>) {add = true}
      %dma_wait3A_445 = arith.constant 0 : i32
      %dma_wait3A_446 = tpu.memref_slice %arg8[%add3A_374, %dma_wait3A_445] : memref<200x100xi32, #tpu.memory_space<vmem>> -> memref<1x100xi32, #tpu.memory_space<vmem>>
      %dma_wait3A_447 = tpu.memref_squeeze %dma_wait3A_446 : memref<1x100xi32, #tpu.memory_space<vmem>> -> memref<100xi32, #tpu.memory_space<vmem>>
      %dma_wait3A_448 = arith.constant 0 : i32
      %dma_wait3A_449 = arith.constant 0 : i32
      %dma_wait3A_450 = tpu.memref_slice %arg13[%dma_wait3A_448, %dma_wait3A_449] : memref<10112x64xf32, #tpu.memory_space<vmem_shared>> -> memref<10112x64xf32, #tpu.memory_space<vmem_shared>>
      tpu.wait_indirect_dma semaphore(%arg17 : memref<!tpu.dma_semaphore, #tpu.memory_space<semaphore_mem>>) src(%arg11 : memref<100x64xf32, #tpu.memory_space<vmem>>) dst(%dma_wait3A_450 : memref<10112x64xf32, #tpu.memory_space<vmem_shared>>)
      %lt3A_451 = arith.constant 99 : i32
      %lt3A_452 = arith.cmpi slt, %scan3A_368, %lt3A_451 : i32
      %convert_element_type3A_453 = arith.extui %lt3A_452 : i1 to i32
      %cond3A_454 = arith.constant 0 : i32
      %cond3A_455 = arith.cmpi ne, %convert_element_type3A_453, %cond3A_454 : i32
      scf.if %cond3A_455 {
        %add3A_456 = arith.constant 2 : i32
        %add3A_457 = arith.addi %add3A_374, %add3A_456 : i32
        %dma_start3A_458 = arith.constant 0 : i32
        %dma_start3A_459 = tpu.memref_slice %arg7[%add3A_457, %dma_start3A_458] : memref<200x100xi32, #tpu.memory_space<vmem>> -> memref<1x100xi32, #tpu.memory_space<vmem>>
        %dma_start3A_460 = tpu.memref_squeeze %dma_start3A_459 : memref<1x100xi32, #tpu.memory_space<vmem>> -> memref<100xi32, #tpu.memory_space<vmem>>
        %dma_start3A_461 = arith.constant 0 : i32
        %dma_start3A_462 = arith.constant 0 : i32
        %dma_start3A_463 = tpu.memref_slice %arg2[%arg0, %dma_start3A_461, %dma_start3A_462] : memref<2x10000x64xf32, #tpu.memory_space<hbm>> -> memref<1x10000x64xf32, #tpu.memory_space<hbm>>
        %dma_start3A_464 = tpu.memref_squeeze %dma_start3A_463 : memref<1x10000x64xf32, #tpu.memory_space<hbm>> -> memref<10000x64xf32, #tpu.memory_space<hbm>>
        %dma_start3A_465 = arith.constant 0 : i32
        %dma_start3A_466 = arith.constant 0 : i32
        %dma_start3A_467 = tpu.memref_slice %dma_start3A_464[%dma_start3A_465, %dma_start3A_466] : memref<10000x64xf32, #tpu.memory_space<hbm>> -> memref<10000x64xf32, #tpu.memory_space<hbm>>
        tpu.enqueue_indirect_dma source(%dma_start3A_467 : memref<10000x64xf32, #tpu.memory_space<hbm>>) target(%arg12 : memref<100x64xf32, #tpu.memory_space<vmem>>) offsets(%dma_start3A_460 : memref<100xi32, #tpu.memory_space<vmem>>) semaphore(%arg15 : memref<!tpu.dma_semaphore, #tpu.memory_space<semaphore_mem>>)
        %mul3A_468 = arith.constant 20000 : i32
        %mul3A_469 = arith.muli %arg1, %mul3A_468 : i32
        %mul3A_470 = arith.constant 100 : i32
        %mul3A_471 = arith.muli %add3A_457, %mul3A_470 : i32
        %add3A_472 = arith.addi %mul3A_469, %mul3A_471 : i32
        %mul3A_473 = arith.constant 64 : i32
        %mul3A_474 = arith.muli %arg0, %mul3A_473 : i32
        %dma_start3A_475 = tpu.memref_slice %arg3[%add3A_472, %mul3A_474] : memref<320000x128xf32, #tpu.memory_space<hbm>> -> memref<100x64xf32, #tpu.memory_space<hbm>>
        %dma_start3A_476 = tpu.memref_slice %arg3[%add3A_472, %mul3A_474] : memref<320000x128xf32, #tpu.memory_space<hbm>> -> memref<100x64xf32, #tpu.memory_space<hbm>>
        tpu.enqueue_dma source(%dma_start3A_476 : memref<100x64xf32, #tpu.memory_space<hbm>>) target(%arg11 : memref<100x64xf32, #tpu.memory_space<vmem>>) target_semaphore(%arg15 : memref<!tpu.dma_semaphore, #tpu.memory_space<semaphore_mem>>)
      } else {
      }
    }
    %scan3A_240 = arith.constant 100 : i32
    %barrier3A_241 = arith.constant 0 : index
    tpu.barrier barrier_id(%barrier3A_241)
    %mul3A_242 = arith.constant 632 : i32
    %mul3A_243 = arith.muli %arg1, %mul3A_242 : i32
    %add3A_244 = arith.constant 0 : i32
    %add3A_245 = arith.addi %mul3A_243, %add3A_244 : i32
    %dma_start3A_246 = arith.constant 0 : i32
    %dma_start3A_247 = tpu.memref_slice %arg6[%arg0, %add3A_245, %dma_start3A_246] : memref<2x10112x64xf32, #tpu.memory_space<hbm>> -> memref<1x100x64xf32, #tpu.memory_space<hbm>>
    %dma_start3A_248 = tpu.memref_squeeze %dma_start3A_247 : memref<1x100x64xf32, #tpu.memory_space<hbm>> -> memref<100x64xf32, #tpu.memory_space<hbm>>
    %dma_start3A_249 = arith.constant 0 : i32
    %dma_start3A_250 = tpu.memref_slice %arg13[%add3A_245, %dma_start3A_249] : memref<10112x64xf32, #tpu.memory_space<vmem_shared>> -> memref<100x64xf32, #tpu.memory_space<vmem_shared>>
    tpu.enqueue_dma source(%dma_start3A_250 : memref<100x64xf32, #tpu.memory_space<vmem_shared>>) target(%dma_start3A_248 : memref<100x64xf32, #tpu.memory_space<hbm>>) target_semaphore(%arg14 : memref<!tpu.dma_semaphore, #tpu.memory_space<semaphore_mem>>)
    %mul3A_251 = arith.constant 632 : i32
    %mul3A_252 = arith.muli %arg1, %mul3A_251 : i32
    %add3A_253 = arith.constant 100 : i32
    %add3A_254 = arith.addi %mul3A_252, %add3A_253 : i32
    %dma_start3A_255 = arith.constant 0 : i32
    %dma_start3A_256 = tpu.memref_slice %arg6[%arg0, %add3A_254, %dma_start3A_255] : memref<2x10112x64xf32, #tpu.memory_space<hbm>> -> memref<1x100x64xf32, #tpu.memory_space<hbm>>
    %dma_start3A_257 = tpu.memref_squeeze %dma_start3A_256 : memref<1x100x64xf32, #tpu.memory_space<hbm>> -> memref<100x64xf32, #tpu.memory_space<hbm>>
    %dma_start3A_258 = arith.constant 0 : i32
    %dma_start3A_259 = tpu.memref_slice %arg13[%add3A_254, %dma_start3A_258] : memref<10112x64xf32, #tpu.memory_space<vmem_shared>> -> memref<100x64xf32, #tpu.memory_space<vmem_shared>>
    tpu.enqueue_dma source(%dma_start3A_259 : memref<100x64xf32, #tpu.memory_space<vmem_shared>>) target(%dma_start3A_257 : memref<100x64xf32, #tpu.memory_space<hbm>>) target_semaphore(%arg14 : memref<!tpu.dma_semaphore, #tpu.memory_space<semaphore_mem>>)
    %mul3A_260 = arith.constant 632 : i32
    %mul3A_261 = arith.muli %arg1, %mul3A_260 : i32
    %add3A_262 = arith.constant 200 : i32
    %add3A_263 = arith.addi %mul3A_261, %add3A_262 : i32
    %dma_start3A_264 = arith.constant 0 : i32
    %dma_start3A_265 = tpu.memref_slice %arg6[%arg0, %add3A_263, %dma_start3A_264] : memref<2x10112x64xf32, #tpu.memory_space<hbm>> -> memref<1x100x64xf32, #tpu.memory_space<hbm>>
    %dma_start3A_266 = tpu.memref_squeeze %dma_start3A_265 : memref<1x100x64xf32, #tpu.memory_space<hbm>> -> memref<100x64xf32, #tpu.memory_space<hbm>>
    %dma_start3A_267 = arith.constant 0 : i32
    %dma_start3A_268 = tpu.memref_slice %arg13[%add3A_263, %dma_start3A_267] : memref<10112x64xf32, #tpu.memory_space<vmem_shared>> -> memref<100x64xf32, #tpu.memory_space<vmem_shared>>
    tpu.enqueue_dma source(%dma_start3A_268 : memref<100x64xf32, #tpu.memory_space<vmem_shared>>) target(%dma_start3A_266 : memref<100x64xf32, #tpu.memory_space<hbm>>) target_semaphore(%arg14 : memref<!tpu.dma_semaphore, #tpu.memory_space<semaphore_mem>>)
    %mul3A_269 = arith.constant 632 : i32
    %mul3A_270 = arith.muli %arg1, %mul3A_269 : i32
    %add3A_271 = arith.constant 300 : i32
    %add3A_272 = arith.addi %mul3A_270, %add3A_271 : i32
    %dma_start3A_273 = arith.constant 0 : i32
    %dma_start3A_274 = tpu.memref_slice %arg6[%arg0, %add3A_272, %dma_start3A_273] : memref<2x10112x64xf32, #tpu.memory_space<hbm>> -> memref<1x100x64xf32, #tpu.memory_space<hbm>>
    %dma_start3A_275 = tpu.memref_squeeze %dma_start3A_274 : memref<1x100x64xf32, #tpu.memory_space<hbm>> -> memref<100x64xf32, #tpu.memory_space<hbm>>
    %dma_start3A_276 = arith.constant 0 : i32
    %dma_start3A_277 = tpu.memref_slice %arg13[%add3A_272, %dma_start3A_276] : memref<10112x64xf32, #tpu.memory_space<vmem_shared>> -> memref<100x64xf32, #tpu.memory_space<vmem_shared>>
    tpu.enqueue_dma source(%dma_start3A_277 : memref<100x64xf32, #tpu.memory_space<vmem_shared>>) target(%dma_start3A_275 : memref<100x64xf32, #tpu.memory_space<hbm>>) target_semaphore(%arg14 : memref<!tpu.dma_semaphore, #tpu.memory_space<semaphore_mem>>)
    %mul3A_278 = arith.constant 632 : i32
    %mul3A_279 = arith.muli %arg1, %mul3A_278 : i32
    %add3A_280 = arith.constant 400 : i32
    %add3A_281 = arith.addi %mul3A_279, %add3A_280 : i32
    %dma_start3A_282 = arith.constant 0 : i32
    %dma_start3A_283 = tpu.memref_slice %arg6[%arg0, %add3A_281, %dma_start3A_282] : memref<2x10112x64xf32, #tpu.memory_space<hbm>> -> memref<1x100x64xf32, #tpu.memory_space<hbm>>
    %dma_start3A_284 = tpu.memref_squeeze %dma_start3A_283 : memref<1x100x64xf32, #tpu.memory_space<hbm>> -> memref<100x64xf32, #tpu.memory_space<hbm>>
    %dma_start3A_285 = arith.constant 0 : i32
    %dma_start3A_286 = tpu.memref_slice %arg13[%add3A_281, %dma_start3A_285] : memref<10112x64xf32, #tpu.memory_space<vmem_shared>> -> memref<100x64xf32, #tpu.memory_space<vmem_shared>>
    tpu.enqueue_dma source(%dma_start3A_286 : memref<100x64xf32, #tpu.memory_space<vmem_shared>>) target(%dma_start3A_284 : memref<100x64xf32, #tpu.memory_space<hbm>>) target_semaphore(%arg14 : memref<!tpu.dma_semaphore, #tpu.memory_space<semaphore_mem>>)
    %mul3A_287 = arith.constant 632 : i32
    %mul3A_288 = arith.muli %arg1, %mul3A_287 : i32
    %add3A_289 = arith.constant 500 : i32
    %add3A_290 = arith.addi %mul3A_288, %add3A_289 : i32
    %dma_start3A_291 = arith.constant 0 : i32
    %dma_start3A_292 = tpu.memref_slice %arg6[%arg0, %add3A_290, %dma_start3A_291] : memref<2x10112x64xf32, #tpu.memory_space<hbm>> -> memref<1x100x64xf32, #tpu.memory_space<hbm>>
    %dma_start3A_293 = tpu.memref_squeeze %dma_start3A_292 : memref<1x100x64xf32, #tpu.memory_space<hbm>> -> memref<100x64xf32, #tpu.memory_space<hbm>>
    %dma_start3A_294 = arith.constant 0 : i32
    %dma_start3A_295 = tpu.memref_slice %arg13[%add3A_290, %dma_start3A_294] : memref<10112x64xf32, #tpu.memory_space<vmem_shared>> -> memref<100x64xf32, #tpu.memory_space<vmem_shared>>
    tpu.enqueue_dma source(%dma_start3A_295 : memref<100x64xf32, #tpu.memory_space<vmem_shared>>) target(%dma_start3A_293 : memref<100x64xf32, #tpu.memory_space<hbm>>) target_semaphore(%arg14 : memref<!tpu.dma_semaphore, #tpu.memory_space<semaphore_mem>>)
    %mul3A_296 = arith.constant 632 : i32
    %mul3A_297 = arith.muli %arg1, %mul3A_296 : i32
    %add3A_298 = arith.constant 600 : i32
    %add3A_299 = arith.addi %mul3A_297, %add3A_298 : i32
    %dma_start3A_300 = arith.constant 0 : i32
    %dma_start3A_301 = tpu.memref_slice %arg6[%arg0, %add3A_299, %dma_start3A_300] : memref<2x10112x64xf32, #tpu.memory_space<hbm>> -> memref<1x32x64xf32, #tpu.memory_space<hbm>>
    %dma_start3A_302 = tpu.memref_squeeze %dma_start3A_301 : memref<1x32x64xf32, #tpu.memory_space<hbm>> -> memref<32x64xf32, #tpu.memory_space<hbm>>
    %dma_start3A_303 = arith.constant 0 : i32
    %dma_start3A_304 = tpu.memref_slice %arg13[%add3A_299, %dma_start3A_303] : memref<10112x64xf32, #tpu.memory_space<vmem_shared>> -> memref<32x64xf32, #tpu.memory_space<vmem_shared>>
    tpu.enqueue_dma source(%dma_start3A_304 : memref<32x64xf32, #tpu.memory_space<vmem_shared>>) target(%dma_start3A_302 : memref<32x64xf32, #tpu.memory_space<hbm>>) target_semaphore(%arg14 : memref<!tpu.dma_semaphore, #tpu.memory_space<semaphore_mem>>)
    %mul3A_305 = arith.constant 632 : i32
    %mul3A_306 = arith.muli %arg1, %mul3A_305 : i32
    %add3A_307 = arith.constant 0 : i32
    %add3A_308 = arith.addi %mul3A_306, %add3A_307 : i32
    %dma_wait3A_309 = arith.constant 0 : i32
    %dma_wait3A_310 = tpu.memref_slice %arg6[%arg0, %add3A_308, %dma_wait3A_309] : memref<2x10112x64xf32, #tpu.memory_space<hbm>> -> memref<1x100x64xf32, #tpu.memory_space<hbm>>
    %dma_wait3A_311 = tpu.memref_squeeze %dma_wait3A_310 : memref<1x100x64xf32, #tpu.memory_space<hbm>> -> memref<100x64xf32, #tpu.memory_space<hbm>>
    %dma_wait3A_312 = arith.constant 0 : i32
    %dma_wait3A_313 = tpu.memref_slice %arg13[%add3A_308, %dma_wait3A_312] : memref<10112x64xf32, #tpu.memory_space<vmem_shared>> -> memref<100x64xf32, #tpu.memory_space<vmem_shared>>
    tpu.wait_dma2 semaphore(%arg14 : memref<!tpu.dma_semaphore, #tpu.memory_space<semaphore_mem>>) src(%dma_wait3A_313 : memref<100x64xf32, #tpu.memory_space<vmem_shared>>) dst(%dma_wait3A_311 : memref<100x64xf32, #tpu.memory_space<hbm>>)
    %mul3A_314 = arith.constant 632 : i32
    %mul3A_315 = arith.muli %arg1, %mul3A_314 : i32
    %add3A_316 = arith.constant 100 : i32
    %add3A_317 = arith.addi %mul3A_315, %add3A_316 : i32
    %dma_wait3A_318 = arith.constant 0 : i32
    %dma_wait3A_319 = tpu.memref_slice %arg6[%arg0, %add3A_317, %dma_wait3A_318] : memref<2x10112x64xf32, #tpu.memory_space<hbm>> -> memref<1x100x64xf32, #tpu.memory_space<hbm>>
    %dma_wait3A_320 = tpu.memref_squeeze %dma_wait3A_319 : memref<1x100x64xf32, #tpu.memory_space<hbm>> -> memref<100x64xf32, #tpu.memory_space<hbm>>
    %dma_wait3A_321 = arith.constant 0 : i32
    %dma_wait3A_322 = tpu.memref_slice %arg13[%add3A_317, %dma_wait3A_321] : memref<10112x64xf32, #tpu.memory_space<vmem_shared>> -> memref<100x64xf32, #tpu.memory_space<vmem_shared>>
    tpu.wait_dma2 semaphore(%arg14 : memref<!tpu.dma_semaphore, #tpu.memory_space<semaphore_mem>>) src(%dma_wait3A_322 : memref<100x64xf32, #tpu.memory_space<vmem_shared>>) dst(%dma_wait3A_320 : memref<100x64xf32, #tpu.memory_space<hbm>>)
    %mul3A_323 = arith.constant 632 : i32
    %mul3A_324 = arith.muli %arg1, %mul3A_323 : i32
    %add3A_325 = arith.constant 200 : i32
    %add3A_326 = arith.addi %mul3A_324, %add3A_325 : i32
    %dma_wait3A_327 = arith.constant 0 : i32
    %dma_wait3A_328 = tpu.memref_slice %arg6[%arg0, %add3A_326, %dma_wait3A_327] : memref<2x10112x64xf32, #tpu.memory_space<hbm>> -> memref<1x100x64xf32, #tpu.memory_space<hbm>>
    %dma_wait3A_329 = tpu.memref_squeeze %dma_wait3A_328 : memref<1x100x64xf32, #tpu.memory_space<hbm>> -> memref<100x64xf32, #tpu.memory_space<hbm>>
    %dma_wait3A_330 = arith.constant 0 : i32
    %dma_wait3A_331 = tpu.memref_slice %arg13[%add3A_326, %dma_wait3A_330] : memref<10112x64xf32, #tpu.memory_space<vmem_shared>> -> memref<100x64xf32, #tpu.memory_space<vmem_shared>>
    tpu.wait_dma2 semaphore(%arg14 : memref<!tpu.dma_semaphore, #tpu.memory_space<semaphore_mem>>) src(%dma_wait3A_331 : memref<100x64xf32, #tpu.memory_space<vmem_shared>>) dst(%dma_wait3A_329 : memref<100x64xf32, #tpu.memory_space<hbm>>)
    %mul3A_332 = arith.constant 632 : i32
    %mul3A_333 = arith.muli %arg1, %mul3A_332 : i32
    %add3A_334 = arith.constant 300 : i32
    %add3A_335 = arith.addi %mul3A_333, %add3A_334 : i32
    %dma_wait3A_336 = arith.constant 0 : i32
    %dma_wait3A_337 = tpu.memref_slice %arg6[%arg0, %add3A_335, %dma_wait3A_336] : memref<2x10112x64xf32, #tpu.memory_space<hbm>> -> memref<1x100x64xf32, #tpu.memory_space<hbm>>
    %dma_wait3A_338 = tpu.memref_squeeze %dma_wait3A_337 : memref<1x100x64xf32, #tpu.memory_space<hbm>> -> memref<100x64xf32, #tpu.memory_space<hbm>>
    %dma_wait3A_339 = arith.constant 0 : i32
    %dma_wait3A_340 = tpu.memref_slice %arg13[%add3A_335, %dma_wait3A_339] : memref<10112x64xf32, #tpu.memory_space<vmem_shared>> -> memref<100x64xf32, #tpu.memory_space<vmem_shared>>
    tpu.wait_dma2 semaphore(%arg14 : memref<!tpu.dma_semaphore, #tpu.memory_space<semaphore_mem>>) src(%dma_wait3A_340 : memref<100x64xf32, #tpu.memory_space<vmem_shared>>) dst(%dma_wait3A_338 : memref<100x64xf32, #tpu.memory_space<hbm>>)
    %mul3A_341 = arith.constant 632 : i32
    %mul3A_342 = arith.muli %arg1, %mul3A_341 : i32
    %add3A_343 = arith.constant 400 : i32
    %add3A_344 = arith.addi %mul3A_342, %add3A_343 : i32
    %dma_wait3A_345 = arith.constant 0 : i32
    %dma_wait3A_346 = tpu.memref_slice %arg6[%arg0, %add3A_344, %dma_wait3A_345] : memref<2x10112x64xf32, #tpu.memory_space<hbm>> -> memref<1x100x64xf32, #tpu.memory_space<hbm>>
    %dma_wait3A_347 = tpu.memref_squeeze %dma_wait3A_346 : memref<1x100x64xf32, #tpu.memory_space<hbm>> -> memref<100x64xf32, #tpu.memory_space<hbm>>
    %dma_wait3A_348 = arith.constant 0 : i32
    %dma_wait3A_349 = tpu.memref_slice %arg13[%add3A_344, %dma_wait3A_348] : memref<10112x64xf32, #tpu.memory_space<vmem_shared>> -> memref<100x64xf32, #tpu.memory_space<vmem_shared>>
    tpu.wait_dma2 semaphore(%arg14 : memref<!tpu.dma_semaphore, #tpu.memory_space<semaphore_mem>>) src(%dma_wait3A_349 : memref<100x64xf32, #tpu.memory_space<vmem_shared>>) dst(%dma_wait3A_347 : memref<100x64xf32, #tpu.memory_space<hbm>>)
    %mul3A_350 = arith.constant 632 : i32
    %mul3A_351 = arith.muli %arg1, %mul3A_350 : i32
    %add3A_352 = arith.constant 500 : i32
    %add3A_353 = arith.addi %mul3A_351, %add3A_352 : i32
    %dma_wait3A_354 = arith.constant 0 : i32
    %dma_wait3A_355 = tpu.memref_slice %arg6[%arg0, %add3A_353, %dma_wait3A_354] : memref<2x10112x64xf32, #tpu.memory_space<hbm>> -> memref<1x100x64xf32, #tpu.memory_space<hbm>>
    %dma_wait3A_356 = tpu.memref_squeeze %dma_wait3A_355 : memref<1x100x64xf32, #tpu.memory_space<hbm>> -> memref<100x64xf32, #tpu.memory_space<hbm>>
    %dma_wait3A_357 = arith.constant 0 : i32
    %dma_wait3A_358 = tpu.memref_slice %arg13[%add3A_353, %dma_wait3A_357] : memref<10112x64xf32, #tpu.memory_space<vmem_shared>> -> memref<100x64xf32, #tpu.memory_space<vmem_shared>>
    tpu.wait_dma2 semaphore(%arg14 : memref<!tpu.dma_semaphore, #tpu.memory_space<semaphore_mem>>) src(%dma_wait3A_358 : memref<100x64xf32, #tpu.memory_space<vmem_shared>>) dst(%dma_wait3A_356 : memref<100x64xf32, #tpu.memory_space<hbm>>)
    %mul3A_359 = arith.constant 632 : i32
    %mul3A_360 = arith.muli %arg1, %mul3A_359 : i32
    %add3A_361 = arith.constant 600 : i32
    %add3A_362 = arith.addi %mul3A_360, %add3A_361 : i32
    %dma_wait3A_363 = arith.constant 0 : i32
    %dma_wait3A_364 = tpu.memref_slice %arg6[%arg0, %add3A_362, %dma_wait3A_363] : memref<2x10112x64xf32, #tpu.memory_space<hbm>> -> memref<1x32x64xf32, #tpu.memory_space<hbm>>
    %dma_wait3A_365 = tpu.memref_squeeze %dma_wait3A_364 : memref<1x32x64xf32, #tpu.memory_space<hbm>> -> memref<32x64xf32, #tpu.memory_space<hbm>>
    %dma_wait3A_366 = arith.constant 0 : i32
    %dma_wait3A_367 = tpu.memref_slice %arg13[%add3A_362, %dma_wait3A_366] : memref<10112x64xf32, #tpu.memory_space<vmem_shared>> -> memref<32x64xf32, #tpu.memory_space<vmem_shared>>
    tpu.wait_dma2 semaphore(%arg14 : memref<!tpu.dma_semaphore, #tpu.memory_space<semaphore_mem>>) src(%dma_wait3A_367 : memref<32x64xf32, #tpu.memory_space<vmem_shared>>) dst(%dma_wait3A_365 : memref<32x64xf32, #tpu.memory_space<hbm>>)
    return
  }
}

#map = affine_map<(d0, d1) -> (0, 0)>
#map1 = affine_map<(d0, d1) -> (0, 0, 0)>
module attributes {stable_mosaic.version = 14 : i64} {
  func.func @_sc_scatter_body(%arg0: i32, %arg1: i32, %arg2: memref<320000x128xf32, #tpu.memory_space<hbm>>, %arg3: memref<16x100x200xi32, #tpu.memory_space<hbm>>, %arg4: memref<2x10112x64xf32, #tpu.memory_space<hbm>>, %arg5: memref<100x200xi32, #tpu.memory_space<vmem>>, %arg6: memref<200x64xf32, #tpu.memory_space<vmem>>, %arg7: memref<200x64xf32, #tpu.memory_space<vmem>>, %arg8: memref<10112x64xf32, #tpu.memory_space<vmem_shared>>, %arg9: memref<!tpu.dma_semaphore, #tpu.memory_space<semaphore_mem>>, %arg10: memref<!tpu.dma_semaphore, #tpu.memory_space<semaphore_mem>>, %arg11: memref<!tpu.dma_semaphore, #tpu.memory_space<semaphore_mem>>, %arg12: memref<!tpu.dma_semaphore, #tpu.memory_space<semaphore_mem>>) attributes {dimension_semantics = [#tpu.dimension_semantics<core_parallel>, #tpu.dimension_semantics<subcore_parallel>], iteration_bounds = array<i64: 2, 16>, scalar_prefetch = 0 : i64, scratch_operands = 8 : i64, tpu.core_type = #tpu.core_type<sc_vector_subcore>, window_params = [{transform_indices = #map}, {transform_indices = #map1}, {transform_indices = #map1}]} {
    %scan3A = arith.constant 0 : i32
    %scan3A_0 = arith.constant 0 : i32
    %scan3A_1 = arith.constant 100 : i32
    %scan3A_2 = arith.addi %scan3A_0, %scan3A_1 : i32
    %scan3A_3 = arith.constant 1 : i32
    scf.for %scan3A_346 = %scan3A_0 to %scan3A_2 step %scan3A_3  : i32 {
      %broadcast_in_dim3A = arith.constant 0.000000e+00 : f32
      %broadcast_in_dim3A_347 = vector.broadcast %broadcast_in_dim3A : f32 to vector<16xf32>
      %swap3A = arith.index_cast %scan3A_346 : i32 to index
      %swap3A_348 = arith.constant 0 : index
      %swap3A_349 = tpu.vector_load %arg6[%swap3A, %swap3A_348] {strides = array<i32>} : memref<200x64xf32, #tpu.memory_space<vmem>>, vector<1x16xf32>,
      %swap3A_350 = vector.shape_cast %swap3A_349 : vector<1x16xf32> to vector<16xf32>
      %swap3A_351 = vector.shape_cast %broadcast_in_dim3A_347 : vector<16xf32> to vector<1x16xf32>
      tpu.vector_store %arg6[%swap3A, %swap3A_348], %swap3A_351 {strides = array<i32>} : memref<200x64xf32, #tpu.memory_space<vmem>>, vector<1x16xf32>,
      %swap3A_352 = arith.index_cast %scan3A_346 : i32 to index
      %swap3A_353 = arith.constant 16 : index
      %swap3A_354 = tpu.vector_load %arg6[%swap3A_352, %swap3A_353] {strides = array<i32>} : memref<200x64xf32, #tpu.memory_space<vmem>>, vector<1x16xf32>,
      %swap3A_355 = vector.shape_cast %swap3A_354 : vector<1x16xf32> to vector<16xf32>
      %swap3A_356 = vector.shape_cast %broadcast_in_dim3A_347 : vector<16xf32> to vector<1x16xf32>
      tpu.vector_store %arg6[%swap3A_352, %swap3A_353], %swap3A_356 {strides = array<i32>} : memref<200x64xf32, #tpu.memory_space<vmem>>, vector<1x16xf32>,
      %swap3A_357 = arith.index_cast %scan3A_346 : i32 to index
      %swap3A_358 = arith.constant 32 : index
      %swap3A_359 = tpu.vector_load %arg6[%swap3A_357, %swap3A_358] {strides = array<i32>} : memref<200x64xf32, #tpu.memory_space<vmem>>, vector<1x16xf32>,
      %swap3A_360 = vector.shape_cast %swap3A_359 : vector<1x16xf32> to vector<16xf32>
      %swap3A_361 = vector.shape_cast %broadcast_in_dim3A_347 : vector<16xf32> to vector<1x16xf32>
      tpu.vector_store %arg6[%swap3A_357, %swap3A_358], %swap3A_361 {strides = array<i32>} : memref<200x64xf32, #tpu.memory_space<vmem>>, vector<1x16xf32>,
      %swap3A_362 = arith.index_cast %scan3A_346 : i32 to index
      %swap3A_363 = arith.constant 48 : index
      %swap3A_364 = tpu.vector_load %arg6[%swap3A_362, %swap3A_363] {strides = array<i32>} : memref<200x64xf32, #tpu.memory_space<vmem>>, vector<1x16xf32>,
      %swap3A_365 = vector.shape_cast %swap3A_364 : vector<1x16xf32> to vector<16xf32>
      %swap3A_366 = vector.shape_cast %broadcast_in_dim3A_347 : vector<16xf32> to vector<1x16xf32>
      tpu.vector_store %arg6[%swap3A_362, %swap3A_363], %swap3A_366 {strides = array<i32>} : memref<200x64xf32, #tpu.memory_space<vmem>>, vector<1x16xf32>,
    }
    %scan3A_4 = arith.constant 100 : i32
    %mul3A = arith.constant 632 : i32
    %mul3A_5 = arith.muli %arg1, %mul3A : i32
    %add3A = arith.constant 0 : i32
    %add3A_6 = arith.addi %mul3A_5, %add3A : i32
    %dma_start3A = arith.constant 0 : i32
    %dma_start3A_7 = arith.constant 0 : i32
    %dma_start3A_8 = tpu.memref_slice %arg6[%dma_start3A, %dma_start3A_7] : memref<200x64xf32, #tpu.memory_space<vmem>> -> memref<100x64xf32, #tpu.memory_space<vmem>>
    %dma_start3A_9 = arith.constant 0 : i32
    %dma_start3A_10 = tpu.memref_slice %arg8[%add3A_6, %dma_start3A_9] : memref<10112x64xf32, #tpu.memory_space<vmem_shared>> -> memref<100x64xf32, #tpu.memory_space<vmem_shared>>
    %dma_start3A_11 = arith.constant 0 : i32
    %dma_start3A_12 = tpu.memref_slice %arg8[%add3A_6, %dma_start3A_11] : memref<10112x64xf32, #tpu.memory_space<vmem_shared>> -> memref<100x64xf32, #tpu.memory_space<vmem_shared>>
    %dma_start3A_13 = arith.constant 0 : i32
    %dma_start3A_14 = arith.constant 0 : i32
    %dma_start3A_15 = tpu.memref_slice %arg6[%dma_start3A_13, %dma_start3A_14] : memref<200x64xf32, #tpu.memory_space<vmem>> -> memref<100x64xf32, #tpu.memory_space<vmem>>
    tpu.enqueue_dma source(%dma_start3A_15 : memref<100x64xf32, #tpu.memory_space<vmem>>) target(%dma_start3A_12 : memref<100x64xf32, #tpu.memory_space<vmem_shared>>) target_semaphore(%arg9 : memref<!tpu.dma_semaphore, #tpu.memory_space<semaphore_mem>>)
    %mul3A_16 = arith.constant 632 : i32
    %mul3A_17 = arith.muli %arg1, %mul3A_16 : i32
    %add3A_18 = arith.constant 100 : i32
    %add3A_19 = arith.addi %mul3A_17, %add3A_18 : i32
    %dma_start3A_20 = arith.constant 0 : i32
    %dma_start3A_21 = arith.constant 0 : i32
    %dma_start3A_22 = tpu.memref_slice %arg6[%dma_start3A_20, %dma_start3A_21] : memref<200x64xf32, #tpu.memory_space<vmem>> -> memref<100x64xf32, #tpu.memory_space<vmem>>
    %dma_start3A_23 = arith.constant 0 : i32
    %dma_start3A_24 = tpu.memref_slice %arg8[%add3A_19, %dma_start3A_23] : memref<10112x64xf32, #tpu.memory_space<vmem_shared>> -> memref<100x64xf32, #tpu.memory_space<vmem_shared>>
    %dma_start3A_25 = arith.constant 0 : i32
    %dma_start3A_26 = tpu.memref_slice %arg8[%add3A_19, %dma_start3A_25] : memref<10112x64xf32, #tpu.memory_space<vmem_shared>> -> memref<100x64xf32, #tpu.memory_space<vmem_shared>>
    %dma_start3A_27 = arith.constant 0 : i32
    %dma_start3A_28 = arith.constant 0 : i32
    %dma_start3A_29 = tpu.memref_slice %arg6[%dma_start3A_27, %dma_start3A_28] : memref<200x64xf32, #tpu.memory_space<vmem>> -> memref<100x64xf32, #tpu.memory_space<vmem>>
    tpu.enqueue_dma source(%dma_start3A_29 : memref<100x64xf32, #tpu.memory_space<vmem>>) target(%dma_start3A_26 : memref<100x64xf32, #tpu.memory_space<vmem_shared>>) target_semaphore(%arg9 : memref<!tpu.dma_semaphore, #tpu.memory_space<semaphore_mem>>)
    %mul3A_30 = arith.constant 632 : i32
    %mul3A_31 = arith.muli %arg1, %mul3A_30 : i32
    %add3A_32 = arith.constant 200 : i32
    %add3A_33 = arith.addi %mul3A_31, %add3A_32 : i32
    %dma_start3A_34 = arith.constant 0 : i32
    %dma_start3A_35 = arith.constant 0 : i32
    %dma_start3A_36 = tpu.memref_slice %arg6[%dma_start3A_34, %dma_start3A_35] : memref<200x64xf32, #tpu.memory_space<vmem>> -> memref<100x64xf32, #tpu.memory_space<vmem>>
    %dma_start3A_37 = arith.constant 0 : i32
    %dma_start3A_38 = tpu.memref_slice %arg8[%add3A_33, %dma_start3A_37] : memref<10112x64xf32, #tpu.memory_space<vmem_shared>> -> memref<100x64xf32, #tpu.memory_space<vmem_shared>>
    %dma_start3A_39 = arith.constant 0 : i32
    %dma_start3A_40 = tpu.memref_slice %arg8[%add3A_33, %dma_start3A_39] : memref<10112x64xf32, #tpu.memory_space<vmem_shared>> -> memref<100x64xf32, #tpu.memory_space<vmem_shared>>
    %dma_start3A_41 = arith.constant 0 : i32
    %dma_start3A_42 = arith.constant 0 : i32
    %dma_start3A_43 = tpu.memref_slice %arg6[%dma_start3A_41, %dma_start3A_42] : memref<200x64xf32, #tpu.memory_space<vmem>> -> memref<100x64xf32, #tpu.memory_space<vmem>>
    tpu.enqueue_dma source(%dma_start3A_43 : memref<100x64xf32, #tpu.memory_space<vmem>>) target(%dma_start3A_40 : memref<100x64xf32, #tpu.memory_space<vmem_shared>>) target_semaphore(%arg9 : memref<!tpu.dma_semaphore, #tpu.memory_space<semaphore_mem>>)
    %mul3A_44 = arith.constant 632 : i32
    %mul3A_45 = arith.muli %arg1, %mul3A_44 : i32
    %add3A_46 = arith.constant 300 : i32
    %add3A_47 = arith.addi %mul3A_45, %add3A_46 : i32
    %dma_start3A_48 = arith.constant 0 : i32
    %dma_start3A_49 = arith.constant 0 : i32
    %dma_start3A_50 = tpu.memref_slice %arg6[%dma_start3A_48, %dma_start3A_49] : memref<200x64xf32, #tpu.memory_space<vmem>> -> memref<100x64xf32, #tpu.memory_space<vmem>>
    %dma_start3A_51 = arith.constant 0 : i32
    %dma_start3A_52 = tpu.memref_slice %arg8[%add3A_47, %dma_start3A_51] : memref<10112x64xf32, #tpu.memory_space<vmem_shared>> -> memref<100x64xf32, #tpu.memory_space<vmem_shared>>
    %dma_start3A_53 = arith.constant 0 : i32
    %dma_start3A_54 = tpu.memref_slice %arg8[%add3A_47, %dma_start3A_53] : memref<10112x64xf32, #tpu.memory_space<vmem_shared>> -> memref<100x64xf32, #tpu.memory_space<vmem_shared>>
    %dma_start3A_55 = arith.constant 0 : i32
    %dma_start3A_56 = arith.constant 0 : i32
    %dma_start3A_57 = tpu.memref_slice %arg6[%dma_start3A_55, %dma_start3A_56] : memref<200x64xf32, #tpu.memory_space<vmem>> -> memref<100x64xf32, #tpu.memory_space<vmem>>
    tpu.enqueue_dma source(%dma_start3A_57 : memref<100x64xf32, #tpu.memory_space<vmem>>) target(%dma_start3A_54 : memref<100x64xf32, #tpu.memory_space<vmem_shared>>) target_semaphore(%arg9 : memref<!tpu.dma_semaphore, #tpu.memory_space<semaphore_mem>>)
    %mul3A_58 = arith.constant 632 : i32
    %mul3A_59 = arith.muli %arg1, %mul3A_58 : i32
    %add3A_60 = arith.constant 400 : i32
    %add3A_61 = arith.addi %mul3A_59, %add3A_60 : i32
    %dma_start3A_62 = arith.constant 0 : i32
    %dma_start3A_63 = arith.constant 0 : i32
    %dma_start3A_64 = tpu.memref_slice %arg6[%dma_start3A_62, %dma_start3A_63] : memref<200x64xf32, #tpu.memory_space<vmem>> -> memref<100x64xf32, #tpu.memory_space<vmem>>
    %dma_start3A_65 = arith.constant 0 : i32
    %dma_start3A_66 = tpu.memref_slice %arg8[%add3A_61, %dma_start3A_65] : memref<10112x64xf32, #tpu.memory_space<vmem_shared>> -> memref<100x64xf32, #tpu.memory_space<vmem_shared>>
    %dma_start3A_67 = arith.constant 0 : i32
    %dma_start3A_68 = tpu.memref_slice %arg8[%add3A_61, %dma_start3A_67] : memref<10112x64xf32, #tpu.memory_space<vmem_shared>> -> memref<100x64xf32, #tpu.memory_space<vmem_shared>>
    %dma_start3A_69 = arith.constant 0 : i32
    %dma_start3A_70 = arith.constant 0 : i32
    %dma_start3A_71 = tpu.memref_slice %arg6[%dma_start3A_69, %dma_start3A_70] : memref<200x64xf32, #tpu.memory_space<vmem>> -> memref<100x64xf32, #tpu.memory_space<vmem>>
    tpu.enqueue_dma source(%dma_start3A_71 : memref<100x64xf32, #tpu.memory_space<vmem>>) target(%dma_start3A_68 : memref<100x64xf32, #tpu.memory_space<vmem_shared>>) target_semaphore(%arg9 : memref<!tpu.dma_semaphore, #tpu.memory_space<semaphore_mem>>)
    %mul3A_72 = arith.constant 632 : i32
    %mul3A_73 = arith.muli %arg1, %mul3A_72 : i32
    %add3A_74 = arith.constant 500 : i32
    %add3A_75 = arith.addi %mul3A_73, %add3A_74 : i32
    %dma_start3A_76 = arith.constant 0 : i32
    %dma_start3A_77 = arith.constant 0 : i32
    %dma_start3A_78 = tpu.memref_slice %arg6[%dma_start3A_76, %dma_start3A_77] : memref<200x64xf32, #tpu.memory_space<vmem>> -> memref<100x64xf32, #tpu.memory_space<vmem>>
    %dma_start3A_79 = arith.constant 0 : i32
    %dma_start3A_80 = tpu.memref_slice %arg8[%add3A_75, %dma_start3A_79] : memref<10112x64xf32, #tpu.memory_space<vmem_shared>> -> memref<100x64xf32, #tpu.memory_space<vmem_shared>>
    %dma_start3A_81 = arith.constant 0 : i32
    %dma_start3A_82 = tpu.memref_slice %arg8[%add3A_75, %dma_start3A_81] : memref<10112x64xf32, #tpu.memory_space<vmem_shared>> -> memref<100x64xf32, #tpu.memory_space<vmem_shared>>
    %dma_start3A_83 = arith.constant 0 : i32
    %dma_start3A_84 = arith.constant 0 : i32
    %dma_start3A_85 = tpu.memref_slice %arg6[%dma_start3A_83, %dma_start3A_84] : memref<200x64xf32, #tpu.memory_space<vmem>> -> memref<100x64xf32, #tpu.memory_space<vmem>>
    tpu.enqueue_dma source(%dma_start3A_85 : memref<100x64xf32, #tpu.memory_space<vmem>>) target(%dma_start3A_82 : memref<100x64xf32, #tpu.memory_space<vmem_shared>>) target_semaphore(%arg9 : memref<!tpu.dma_semaphore, #tpu.memory_space<semaphore_mem>>)
    %mul3A_86 = arith.constant 632 : i32
    %mul3A_87 = arith.muli %arg1, %mul3A_86 : i32
    %add3A_88 = arith.constant 600 : i32
    %add3A_89 = arith.addi %mul3A_87, %add3A_88 : i32
    %dma_start3A_90 = arith.constant 0 : i32
    %dma_start3A_91 = arith.constant 0 : i32
    %dma_start3A_92 = tpu.memref_slice %arg6[%dma_start3A_90, %dma_start3A_91] : memref<200x64xf32, #tpu.memory_space<vmem>> -> memref<32x64xf32, #tpu.memory_space<vmem>>
    %dma_start3A_93 = arith.constant 0 : i32
    %dma_start3A_94 = tpu.memref_slice %arg8[%add3A_89, %dma_start3A_93] : memref<10112x64xf32, #tpu.memory_space<vmem_shared>> -> memref<32x64xf32, #tpu.memory_space<vmem_shared>>
    %dma_start3A_95 = arith.constant 0 : i32
    %dma_start3A_96 = tpu.memref_slice %arg8[%add3A_89, %dma_start3A_95] : memref<10112x64xf32, #tpu.memory_space<vmem_shared>> -> memref<32x64xf32, #tpu.memory_space<vmem_shared>>
    %dma_start3A_97 = arith.constant 0 : i32
    %dma_start3A_98 = arith.constant 0 : i32
    %dma_start3A_99 = tpu.memref_slice %arg6[%dma_start3A_97, %dma_start3A_98] : memref<200x64xf32, #tpu.memory_space<vmem>> -> memref<32x64xf32, #tpu.memory_space<vmem>>
    tpu.enqueue_dma source(%dma_start3A_99 : memref<32x64xf32, #tpu.memory_space<vmem>>) target(%dma_start3A_96 : memref<32x64xf32, #tpu.memory_space<vmem_shared>>) target_semaphore(%arg9 : memref<!tpu.dma_semaphore, #tpu.memory_space<semaphore_mem>>)
    %mul3A_100 = arith.constant 632 : i32
    %mul3A_101 = arith.muli %arg1, %mul3A_100 : i32
    %add3A_102 = arith.constant 0 : i32
    %add3A_103 = arith.addi %mul3A_101, %add3A_102 : i32
    %dma_wait3A = arith.constant 0 : i32
    %dma_wait3A_104 = arith.constant 0 : i32
    %dma_wait3A_105 = tpu.memref_slice %arg6[%dma_wait3A, %dma_wait3A_104] : memref<200x64xf32, #tpu.memory_space<vmem>> -> memref<100x64xf32, #tpu.memory_space<vmem>>
    %dma_wait3A_106 = arith.constant 0 : i32
    %dma_wait3A_107 = tpu.memref_slice %arg8[%add3A_103, %dma_wait3A_106] : memref<10112x64xf32, #tpu.memory_space<vmem_shared>> -> memref<100x64xf32, #tpu.memory_space<vmem_shared>>
    %dma_wait3A_108 = arith.constant 0 : i32
    %dma_wait3A_109 = tpu.memref_slice %arg8[%add3A_103, %dma_wait3A_108] : memref<10112x64xf32, #tpu.memory_space<vmem_shared>> -> memref<100x64xf32, #tpu.memory_space<vmem_shared>>
    %dma_wait3A_110 = arith.constant 0 : i32
    %dma_wait3A_111 = arith.constant 0 : i32
    %dma_wait3A_112 = tpu.memref_slice %arg6[%dma_wait3A_110, %dma_wait3A_111] : memref<200x64xf32, #tpu.memory_space<vmem>> -> memref<100x64xf32, #tpu.memory_space<vmem>>
    tpu.wait_dma2 semaphore(%arg9 : memref<!tpu.dma_semaphore, #tpu.memory_space<semaphore_mem>>) src(%dma_wait3A_112 : memref<100x64xf32, #tpu.memory_space<vmem>>) dst(%dma_wait3A_109 : memref<100x64xf32, #tpu.memory_space<vmem_shared>>)
    %mul3A_113 = arith.constant 632 : i32
    %mul3A_114 = arith.muli %arg1, %mul3A_113 : i32
    %add3A_115 = arith.constant 100 : i32
    %add3A_116 = arith.addi %mul3A_114, %add3A_115 : i32
    %dma_wait3A_117 = arith.constant 0 : i32
    %dma_wait3A_118 = arith.constant 0 : i32
    %dma_wait3A_119 = tpu.memref_slice %arg6[%dma_wait3A_117, %dma_wait3A_118] : memref<200x64xf32, #tpu.memory_space<vmem>> -> memref<100x64xf32, #tpu.memory_space<vmem>>
    %dma_wait3A_120 = arith.constant 0 : i32
    %dma_wait3A_121 = tpu.memref_slice %arg8[%add3A_116, %dma_wait3A_120] : memref<10112x64xf32, #tpu.memory_space<vmem_shared>> -> memref<100x64xf32, #tpu.memory_space<vmem_shared>>
    %dma_wait3A_122 = arith.constant 0 : i32
    %dma_wait3A_123 = tpu.memref_slice %arg8[%add3A_116, %dma_wait3A_122] : memref<10112x64xf32, #tpu.memory_space<vmem_shared>> -> memref<100x64xf32, #tpu.memory_space<vmem_shared>>
    %dma_wait3A_124 = arith.constant 0 : i32
    %dma_wait3A_125 = arith.constant 0 : i32
    %dma_wait3A_126 = tpu.memref_slice %arg6[%dma_wait3A_124, %dma_wait3A_125] : memref<200x64xf32, #tpu.memory_space<vmem>> -> memref<100x64xf32, #tpu.memory_space<vmem>>
    tpu.wait_dma2 semaphore(%arg9 : memref<!tpu.dma_semaphore, #tpu.memory_space<semaphore_mem>>) src(%dma_wait3A_126 : memref<100x64xf32, #tpu.memory_space<vmem>>) dst(%dma_wait3A_123 : memref<100x64xf32, #tpu.memory_space<vmem_shared>>)
    %mul3A_127 = arith.constant 632 : i32
    %mul3A_128 = arith.muli %arg1, %mul3A_127 : i32
    %add3A_129 = arith.constant 200 : i32
    %add3A_130 = arith.addi %mul3A_128, %add3A_129 : i32
    %dma_wait3A_131 = arith.constant 0 : i32
    %dma_wait3A_132 = arith.constant 0 : i32
    %dma_wait3A_133 = tpu.memref_slice %arg6[%dma_wait3A_131, %dma_wait3A_132] : memref<200x64xf32, #tpu.memory_space<vmem>> -> memref<100x64xf32, #tpu.memory_space<vmem>>
    %dma_wait3A_134 = arith.constant 0 : i32
    %dma_wait3A_135 = tpu.memref_slice %arg8[%add3A_130, %dma_wait3A_134] : memref<10112x64xf32, #tpu.memory_space<vmem_shared>> -> memref<100x64xf32, #tpu.memory_space<vmem_shared>>
    %dma_wait3A_136 = arith.constant 0 : i32
    %dma_wait3A_137 = tpu.memref_slice %arg8[%add3A_130, %dma_wait3A_136] : memref<10112x64xf32, #tpu.memory_space<vmem_shared>> -> memref<100x64xf32, #tpu.memory_space<vmem_shared>>
    %dma_wait3A_138 = arith.constant 0 : i32
    %dma_wait3A_139 = arith.constant 0 : i32
    %dma_wait3A_140 = tpu.memref_slice %arg6[%dma_wait3A_138, %dma_wait3A_139] : memref<200x64xf32, #tpu.memory_space<vmem>> -> memref<100x64xf32, #tpu.memory_space<vmem>>
    tpu.wait_dma2 semaphore(%arg9 : memref<!tpu.dma_semaphore, #tpu.memory_space<semaphore_mem>>) src(%dma_wait3A_140 : memref<100x64xf32, #tpu.memory_space<vmem>>) dst(%dma_wait3A_137 : memref<100x64xf32, #tpu.memory_space<vmem_shared>>)
    %mul3A_141 = arith.constant 632 : i32
    %mul3A_142 = arith.muli %arg1, %mul3A_141 : i32
    %add3A_143 = arith.constant 300 : i32
    %add3A_144 = arith.addi %mul3A_142, %add3A_143 : i32
    %dma_wait3A_145 = arith.constant 0 : i32
    %dma_wait3A_146 = arith.constant 0 : i32
    %dma_wait3A_147 = tpu.memref_slice %arg6[%dma_wait3A_145, %dma_wait3A_146] : memref<200x64xf32, #tpu.memory_space<vmem>> -> memref<100x64xf32, #tpu.memory_space<vmem>>
    %dma_wait3A_148 = arith.constant 0 : i32
    %dma_wait3A_149 = tpu.memref_slice %arg8[%add3A_144, %dma_wait3A_148] : memref<10112x64xf32, #tpu.memory_space<vmem_shared>> -> memref<100x64xf32, #tpu.memory_space<vmem_shared>>
    %dma_wait3A_150 = arith.constant 0 : i32
    %dma_wait3A_151 = tpu.memref_slice %arg8[%add3A_144, %dma_wait3A_150] : memref<10112x64xf32, #tpu.memory_space<vmem_shared>> -> memref<100x64xf32, #tpu.memory_space<vmem_shared>>
    %dma_wait3A_152 = arith.constant 0 : i32
    %dma_wait3A_153 = arith.constant 0 : i32
    %dma_wait3A_154 = tpu.memref_slice %arg6[%dma_wait3A_152, %dma_wait3A_153] : memref<200x64xf32, #tpu.memory_space<vmem>> -> memref<100x64xf32, #tpu.memory_space<vmem>>
    tpu.wait_dma2 semaphore(%arg9 : memref<!tpu.dma_semaphore, #tpu.memory_space<semaphore_mem>>) src(%dma_wait3A_154 : memref<100x64xf32, #tpu.memory_space<vmem>>) dst(%dma_wait3A_151 : memref<100x64xf32, #tpu.memory_space<vmem_shared>>)
    %mul3A_155 = arith.constant 632 : i32
    %mul3A_156 = arith.muli %arg1, %mul3A_155 : i32
    %add3A_157 = arith.constant 400 : i32
    %add3A_158 = arith.addi %mul3A_156, %add3A_157 : i32
    %dma_wait3A_159 = arith.constant 0 : i32
    %dma_wait3A_160 = arith.constant 0 : i32
    %dma_wait3A_161 = tpu.memref_slice %arg6[%dma_wait3A_159, %dma_wait3A_160] : memref<200x64xf32, #tpu.memory_space<vmem>> -> memref<100x64xf32, #tpu.memory_space<vmem>>
    %dma_wait3A_162 = arith.constant 0 : i32
    %dma_wait3A_163 = tpu.memref_slice %arg8[%add3A_158, %dma_wait3A_162] : memref<10112x64xf32, #tpu.memory_space<vmem_shared>> -> memref<100x64xf32, #tpu.memory_space<vmem_shared>>
    %dma_wait3A_164 = arith.constant 0 : i32
    %dma_wait3A_165 = tpu.memref_slice %arg8[%add3A_158, %dma_wait3A_164] : memref<10112x64xf32, #tpu.memory_space<vmem_shared>> -> memref<100x64xf32, #tpu.memory_space<vmem_shared>>
    %dma_wait3A_166 = arith.constant 0 : i32
    %dma_wait3A_167 = arith.constant 0 : i32
    %dma_wait3A_168 = tpu.memref_slice %arg6[%dma_wait3A_166, %dma_wait3A_167] : memref<200x64xf32, #tpu.memory_space<vmem>> -> memref<100x64xf32, #tpu.memory_space<vmem>>
    tpu.wait_dma2 semaphore(%arg9 : memref<!tpu.dma_semaphore, #tpu.memory_space<semaphore_mem>>) src(%dma_wait3A_168 : memref<100x64xf32, #tpu.memory_space<vmem>>) dst(%dma_wait3A_165 : memref<100x64xf32, #tpu.memory_space<vmem_shared>>)
    %mul3A_169 = arith.constant 632 : i32
    %mul3A_170 = arith.muli %arg1, %mul3A_169 : i32
    %add3A_171 = arith.constant 500 : i32
    %add3A_172 = arith.addi %mul3A_170, %add3A_171 : i32
    %dma_wait3A_173 = arith.constant 0 : i32
    %dma_wait3A_174 = arith.constant 0 : i32
    %dma_wait3A_175 = tpu.memref_slice %arg6[%dma_wait3A_173, %dma_wait3A_174] : memref<200x64xf32, #tpu.memory_space<vmem>> -> memref<100x64xf32, #tpu.memory_space<vmem>>
    %dma_wait3A_176 = arith.constant 0 : i32
    %dma_wait3A_177 = tpu.memref_slice %arg8[%add3A_172, %dma_wait3A_176] : memref<10112x64xf32, #tpu.memory_space<vmem_shared>> -> memref<100x64xf32, #tpu.memory_space<vmem_shared>>
    %dma_wait3A_178 = arith.constant 0 : i32
    %dma_wait3A_179 = tpu.memref_slice %arg8[%add3A_172, %dma_wait3A_178] : memref<10112x64xf32, #tpu.memory_space<vmem_shared>> -> memref<100x64xf32, #tpu.memory_space<vmem_shared>>
    %dma_wait3A_180 = arith.constant 0 : i32
    %dma_wait3A_181 = arith.constant 0 : i32
    %dma_wait3A_182 = tpu.memref_slice %arg6[%dma_wait3A_180, %dma_wait3A_181] : memref<200x64xf32, #tpu.memory_space<vmem>> -> memref<100x64xf32, #tpu.memory_space<vmem>>
    tpu.wait_dma2 semaphore(%arg9 : memref<!tpu.dma_semaphore, #tpu.memory_space<semaphore_mem>>) src(%dma_wait3A_182 : memref<100x64xf32, #tpu.memory_space<vmem>>) dst(%dma_wait3A_179 : memref<100x64xf32, #tpu.memory_space<vmem_shared>>)
    %mul3A_183 = arith.constant 632 : i32
    %mul3A_184 = arith.muli %arg1, %mul3A_183 : i32
    %add3A_185 = arith.constant 600 : i32
    %add3A_186 = arith.addi %mul3A_184, %add3A_185 : i32
    %dma_wait3A_187 = arith.constant 0 : i32
    %dma_wait3A_188 = arith.constant 0 : i32
    %dma_wait3A_189 = tpu.memref_slice %arg6[%dma_wait3A_187, %dma_wait3A_188] : memref<200x64xf32, #tpu.memory_space<vmem>> -> memref<32x64xf32, #tpu.memory_space<vmem>>
    %dma_wait3A_190 = arith.constant 0 : i32
    %dma_wait3A_191 = tpu.memref_slice %arg8[%add3A_186, %dma_wait3A_190] : memref<10112x64xf32, #tpu.memory_space<vmem_shared>> -> memref<32x64xf32, #tpu.memory_space<vmem_shared>>
    %dma_wait3A_192 = arith.constant 0 : i32
    %dma_wait3A_193 = tpu.memref_slice %arg8[%add3A_186, %dma_wait3A_192] : memref<10112x64xf32, #tpu.memory_space<vmem_shared>> -> memref<32x64xf32, #tpu.memory_space<vmem_shared>>
    %dma_wait3A_194 = arith.constant 0 : i32
    %dma_wait3A_195 = arith.constant 0 : i32
    %dma_wait3A_196 = tpu.memref_slice %arg6[%dma_wait3A_194, %dma_wait3A_195] : memref<200x64xf32, #tpu.memory_space<vmem>> -> memref<32x64xf32, #tpu.memory_space<vmem>>
    tpu.wait_dma2 semaphore(%arg9 : memref<!tpu.dma_semaphore, #tpu.memory_space<semaphore_mem>>) src(%dma_wait3A_196 : memref<32x64xf32, #tpu.memory_space<vmem>>) dst(%dma_wait3A_193 : memref<32x64xf32, #tpu.memory_space<vmem_shared>>)
    "tpu.region"() ({
      %run_scoped3A = tpu.sem_alloc : memref<!tpu.dma_semaphore, #tpu.memory_space<semaphore_mem>>
      %dma_start3A_346 = arith.constant 0 : i32
      %dma_start3A_347 = arith.constant 0 : i32
      %dma_start3A_348 = tpu.memref_slice %arg3[%arg1, %dma_start3A_346, %dma_start3A_347] : memref<16x100x200xi32, #tpu.memory_space<hbm>> -> memref<1x100x200xi32, #tpu.memory_space<hbm>>
      %dma_start3A_349 = tpu.memref_squeeze %dma_start3A_348 : memref<1x100x200xi32, #tpu.memory_space<hbm>> -> memref<100x200xi32, #tpu.memory_space<hbm>>
      %dma_start3A_350 = arith.constant 0 : i32
      %dma_start3A_351 = arith.constant 0 : i32
      %dma_start3A_352 = tpu.memref_slice %arg3[%arg1, %dma_start3A_350, %dma_start3A_351] : memref<16x100x200xi32, #tpu.memory_space<hbm>> -> memref<1x100x200xi32, #tpu.memory_space<hbm>>
      %dma_start3A_353 = tpu.memref_squeeze %dma_start3A_352 : memref<1x100x200xi32, #tpu.memory_space<hbm>> -> memref<100x200xi32, #tpu.memory_space<hbm>>
      tpu.enqueue_dma source(%dma_start3A_353 : memref<100x200xi32, #tpu.memory_space<hbm>>) target(%arg5 : memref<100x200xi32, #tpu.memory_space<vmem>>) target_semaphore(%run_scoped3A : memref<!tpu.dma_semaphore, #tpu.memory_space<semaphore_mem>>)
      %dma_wait3A_354 = arith.constant 0 : i32
      %dma_wait3A_355 = arith.constant 0 : i32
      %dma_wait3A_356 = tpu.memref_slice %arg3[%arg1, %dma_wait3A_354, %dma_wait3A_355] : memref<16x100x200xi32, #tpu.memory_space<hbm>> -> memref<1x100x200xi32, #tpu.memory_space<hbm>>
      %dma_wait3A_357 = tpu.memref_squeeze %dma_wait3A_356 : memref<1x100x200xi32, #tpu.memory_space<hbm>> -> memref<100x200xi32, #tpu.memory_space<hbm>>
      %dma_wait3A_358 = arith.constant 0 : i32
      %dma_wait3A_359 = arith.constant 0 : i32
      %dma_wait3A_360 = tpu.memref_slice %arg3[%arg1, %dma_wait3A_358, %dma_wait3A_359] : memref<16x100x200xi32, #tpu.memory_space<hbm>> -> memref<1x100x200xi32, #tpu.memory_space<hbm>>
      %dma_wait3A_361 = tpu.memref_squeeze %dma_wait3A_360 : memref<1x100x200xi32, #tpu.memory_space<hbm>> -> memref<100x200xi32, #tpu.memory_space<hbm>>
      tpu.wait_dma2 semaphore(%run_scoped3A : memref<!tpu.dma_semaphore, #tpu.memory_space<semaphore_mem>>) src(%dma_wait3A_361 : memref<100x200xi32, #tpu.memory_space<hbm>>) dst(%arg5 : memref<100x200xi32, #tpu.memory_space<vmem>>)
      tpu.yield
    }) : () -> ()
    %barrier3A = arith.constant 0 : index
    tpu.barrier barrier_id(%barrier3A)
    %mul3A_197 = arith.constant 20000 : i32
    %mul3A_198 = arith.muli %arg1, %mul3A_197 : i32
    %add3A_199 = arith.constant 0 : i32
    %add3A_200 = arith.addi %mul3A_198, %add3A_199 : i32
    %mul3A_201 = arith.constant 64 : i32
    %mul3A_202 = arith.muli %arg0, %mul3A_201 : i32
    %dma_start3A_203 = tpu.memref_slice %arg2[%add3A_200, %mul3A_202] : memref<320000x128xf32, #tpu.memory_space<hbm>> -> memref<200x64xf32, #tpu.memory_space<hbm>>
    %dma_start3A_204 = tpu.memref_slice %arg2[%add3A_200, %mul3A_202] : memref<320000x128xf32, #tpu.memory_space<hbm>> -> memref<200x64xf32, #tpu.memory_space<hbm>>
    tpu.enqueue_dma source(%dma_start3A_204 : memref<200x64xf32, #tpu.memory_space<hbm>>) target(%arg6 : memref<200x64xf32, #tpu.memory_space<vmem>>) target_semaphore(%arg9 : memref<!tpu.dma_semaphore, #tpu.memory_space<semaphore_mem>>)
    %mul3A_205 = arith.constant 20000 : i32
    %mul3A_206 = arith.muli %arg1, %mul3A_205 : i32
    %add3A_207 = arith.constant 200 : i32
    %add3A_208 = arith.addi %mul3A_206, %add3A_207 : i32
    %mul3A_209 = arith.constant 64 : i32
    %mul3A_210 = arith.muli %arg0, %mul3A_209 : i32
    %dma_start3A_211 = tpu.memref_slice %arg2[%add3A_208, %mul3A_210] : memref<320000x128xf32, #tpu.memory_space<hbm>> -> memref<200x64xf32, #tpu.memory_space<hbm>>
    %dma_start3A_212 = tpu.memref_slice %arg2[%add3A_208, %mul3A_210] : memref<320000x128xf32, #tpu.memory_space<hbm>> -> memref<200x64xf32, #tpu.memory_space<hbm>>
    tpu.enqueue_dma source(%dma_start3A_212 : memref<200x64xf32, #tpu.memory_space<hbm>>) target(%arg7 : memref<200x64xf32, #tpu.memory_space<vmem>>) target_semaphore(%arg10 : memref<!tpu.dma_semaphore, #tpu.memory_space<semaphore_mem>>)
    %scan3A_213 = arith.constant 0 : i32
    %scan3A_214 = arith.constant 0 : i32
    %scan3A_215 = arith.constant 50 : i32
    %scan3A_216 = arith.addi %scan3A_214, %scan3A_215 : i32
    %scan3A_217 = arith.constant 1 : i32
    scf.for %scan3A_346 = %scan3A_214 to %scan3A_216 step %scan3A_217  : i32 {
      %mul3A_347 = arith.constant 2 : i32
      %mul3A_348 = arith.muli %mul3A_347, %scan3A_346 : i32
      %mul3A_349 = arith.constant 2 : i32
      %mul3A_350 = arith.muli %mul3A_349, %scan3A_346 : i32
      %add3A_351 = arith.constant 1 : i32
      %add3A_352 = arith.addi %mul3A_350, %add3A_351 : i32
      %mul3A_353 = arith.constant 20000 : i32
      %mul3A_354 = arith.muli %arg1, %mul3A_353 : i32
      %mul3A_355 = arith.constant 200 : i32
      %mul3A_356 = arith.muli %mul3A_348, %mul3A_355 : i32
      %add3A_357 = arith.addi %mul3A_354, %mul3A_356 : i32
      %mul3A_358 = arith.constant 64 : i32
      %mul3A_359 = arith.muli %arg0, %mul3A_358 : i32
      %dma_wait3A_360 = tpu.memref_slice %arg2[%add3A_357, %mul3A_359] : memref<320000x128xf32, #tpu.memory_space<hbm>> -> memref<200x64xf32, #tpu.memory_space<hbm>>
      %dma_wait3A_361 = tpu.memref_slice %arg2[%add3A_357, %mul3A_359] : memref<320000x128xf32, #tpu.memory_space<hbm>> -> memref<200x64xf32, #tpu.memory_space<hbm>>
      tpu.wait_dma2 semaphore(%arg9 : memref<!tpu.dma_semaphore, #tpu.memory_space<semaphore_mem>>) src(%dma_wait3A_361 : memref<200x64xf32, #tpu.memory_space<hbm>>) dst(%arg6 : memref<200x64xf32, #tpu.memory_space<vmem>>)
      %dma_start3A_362 = arith.constant 0 : i32
      %dma_start3A_363 = tpu.memref_slice %arg5[%mul3A_348, %dma_start3A_362] : memref<100x200xi32, #tpu.memory_space<vmem>> -> memref<1x200xi32, #tpu.memory_space<vmem>>
      %dma_start3A_364 = tpu.memref_squeeze %dma_start3A_363 : memref<1x200xi32, #tpu.memory_space<vmem>> -> memref<200xi32, #tpu.memory_space<vmem>>
      %dma_start3A_365 = arith.constant 0 : i32
      %dma_start3A_366 = arith.constant 0 : i32
      %dma_start3A_367 = tpu.memref_slice %arg8[%dma_start3A_365, %dma_start3A_366] : memref<10112x64xf32, #tpu.memory_space<vmem_shared>> -> memref<10112x64xf32, #tpu.memory_space<vmem_shared>>
      tpu.enqueue_indirect_dma source(%arg6 : memref<200x64xf32, #tpu.memory_space<vmem>>) target(%dma_start3A_367 : memref<10112x64xf32, #tpu.memory_space<vmem_shared>>) offsets(%dma_start3A_364 : memref<200xi32, #tpu.memory_space<vmem>>) semaphore(%arg11 : memref<!tpu.dma_semaphore, #tpu.memory_space<semaphore_mem>>) {add = true}
      %mul3A_368 = arith.constant 20000 : i32
      %mul3A_369 = arith.muli %arg1, %mul3A_368 : i32
      %mul3A_370 = arith.constant 200 : i32
      %mul3A_371 = arith.muli %add3A_352, %mul3A_370 : i32
      %add3A_372 = arith.addi %mul3A_369, %mul3A_371 : i32
      %mul3A_373 = arith.constant 64 : i32
      %mul3A_374 = arith.muli %arg0, %mul3A_373 : i32
      %dma_wait3A_375 = tpu.memref_slice %arg2[%add3A_372, %mul3A_374] : memref<320000x128xf32, #tpu.memory_space<hbm>> -> memref<200x64xf32, #tpu.memory_space<hbm>>
      %dma_wait3A_376 = tpu.memref_slice %arg2[%add3A_372, %mul3A_374] : memref<320000x128xf32, #tpu.memory_space<hbm>> -> memref<200x64xf32, #tpu.memory_space<hbm>>
      tpu.wait_dma2 semaphore(%arg10 : memref<!tpu.dma_semaphore, #tpu.memory_space<semaphore_mem>>) src(%dma_wait3A_376 : memref<200x64xf32, #tpu.memory_space<hbm>>) dst(%arg7 : memref<200x64xf32, #tpu.memory_space<vmem>>)
      %dma_start3A_377 = arith.constant 0 : i32
      %dma_start3A_378 = tpu.memref_slice %arg5[%add3A_352, %dma_start3A_377] : memref<100x200xi32, #tpu.memory_space<vmem>> -> memref<1x200xi32, #tpu.memory_space<vmem>>
      %dma_start3A_379 = tpu.memref_squeeze %dma_start3A_378 : memref<1x200xi32, #tpu.memory_space<vmem>> -> memref<200xi32, #tpu.memory_space<vmem>>
      %dma_start3A_380 = arith.constant 0 : i32
      %dma_start3A_381 = arith.constant 0 : i32
      %dma_start3A_382 = tpu.memref_slice %arg8[%dma_start3A_380, %dma_start3A_381] : memref<10112x64xf32, #tpu.memory_space<vmem_shared>> -> memref<10112x64xf32, #tpu.memory_space<vmem_shared>>
      tpu.enqueue_indirect_dma source(%arg7 : memref<200x64xf32, #tpu.memory_space<vmem>>) target(%dma_start3A_382 : memref<10112x64xf32, #tpu.memory_space<vmem_shared>>) offsets(%dma_start3A_379 : memref<200xi32, #tpu.memory_space<vmem>>) semaphore(%arg12 : memref<!tpu.dma_semaphore, #tpu.memory_space<semaphore_mem>>) {add = true}
      %dma_wait3A_383 = arith.constant 0 : i32
      %dma_wait3A_384 = tpu.memref_slice %arg5[%mul3A_348, %dma_wait3A_383] : memref<100x200xi32, #tpu.memory_space<vmem>> -> memref<1x200xi32, #tpu.memory_space<vmem>>
      %dma_wait3A_385 = tpu.memref_squeeze %dma_wait3A_384 : memref<1x200xi32, #tpu.memory_space<vmem>> -> memref<200xi32, #tpu.memory_space<vmem>>
      %dma_wait3A_386 = arith.constant 0 : i32
      %dma_wait3A_387 = arith.constant 0 : i32
      %dma_wait3A_388 = tpu.memref_slice %arg8[%dma_wait3A_386, %dma_wait3A_387] : memref<10112x64xf32, #tpu.memory_space<vmem_shared>> -> memref<10112x64xf32, #tpu.memory_space<vmem_shared>>
      tpu.wait_indirect_dma semaphore(%arg11 : memref<!tpu.dma_semaphore, #tpu.memory_space<semaphore_mem>>) src(%arg6 : memref<200x64xf32, #tpu.memory_space<vmem>>) dst(%dma_wait3A_388 : memref<10112x64xf32, #tpu.memory_space<vmem_shared>>)
      %lt3A = arith.constant 49 : i32
      %lt3A_389 = arith.cmpi slt, %scan3A_346, %lt3A : i32
      %convert_element_type3A = arith.extui %lt3A_389 : i1 to i32
      %cond3A = arith.constant 0 : i32
      %cond3A_390 = arith.cmpi ne, %convert_element_type3A, %cond3A : i32
      scf.if %cond3A_390 {
        %add3A_402 = arith.constant 2 : i32
        %add3A_403 = arith.addi %mul3A_348, %add3A_402 : i32
        %mul3A_404 = arith.constant 20000 : i32
        %mul3A_405 = arith.muli %arg1, %mul3A_404 : i32
        %mul3A_406 = arith.constant 200 : i32
        %mul3A_407 = arith.muli %add3A_403, %mul3A_406 : i32
        %add3A_408 = arith.addi %mul3A_405, %mul3A_407 : i32
        %mul3A_409 = arith.constant 64 : i32
        %mul3A_410 = arith.muli %arg0, %mul3A_409 : i32
        %dma_start3A_411 = tpu.memref_slice %arg2[%add3A_408, %mul3A_410] : memref<320000x128xf32, #tpu.memory_space<hbm>> -> memref<200x64xf32, #tpu.memory_space<hbm>>
        %dma_start3A_412 = tpu.memref_slice %arg2[%add3A_408, %mul3A_410] : memref<320000x128xf32, #tpu.memory_space<hbm>> -> memref<200x64xf32, #tpu.memory_space<hbm>>
        tpu.enqueue_dma source(%dma_start3A_412 : memref<200x64xf32, #tpu.memory_space<hbm>>) target(%arg6 : memref<200x64xf32, #tpu.memory_space<vmem>>) target_semaphore(%arg9 : memref<!tpu.dma_semaphore, #tpu.memory_space<semaphore_mem>>)
      } else {
      }
      %dma_wait3A_391 = arith.constant 0 : i32
      %dma_wait3A_392 = tpu.memref_slice %arg5[%add3A_352, %dma_wait3A_391] : memref<100x200xi32, #tpu.memory_space<vmem>> -> memref<1x200xi32, #tpu.memory_space<vmem>>
      %dma_wait3A_393 = tpu.memref_squeeze %dma_wait3A_392 : memref<1x200xi32, #tpu.memory_space<vmem>> -> memref<200xi32, #tpu.memory_space<vmem>>
      %dma_wait3A_394 = arith.constant 0 : i32
      %dma_wait3A_395 = arith.constant 0 : i32
      %dma_wait3A_396 = tpu.memref_slice %arg8[%dma_wait3A_394, %dma_wait3A_395] : memref<10112x64xf32, #tpu.memory_space<vmem_shared>> -> memref<10112x64xf32, #tpu.memory_space<vmem_shared>>
      tpu.wait_indirect_dma semaphore(%arg12 : memref<!tpu.dma_semaphore, #tpu.memory_space<semaphore_mem>>) src(%arg7 : memref<200x64xf32, #tpu.memory_space<vmem>>) dst(%dma_wait3A_396 : memref<10112x64xf32, #tpu.memory_space<vmem_shared>>)
      %lt3A_397 = arith.constant 49 : i32
      %lt3A_398 = arith.cmpi slt, %scan3A_346, %lt3A_397 : i32
      %convert_element_type3A_399 = arith.extui %lt3A_398 : i1 to i32
      %cond3A_400 = arith.constant 0 : i32
      %cond3A_401 = arith.cmpi ne, %convert_element_type3A_399, %cond3A_400 : i32
      scf.if %cond3A_401 {
        %add3A_402 = arith.constant 2 : i32
        %add3A_403 = arith.addi %add3A_352, %add3A_402 : i32
        %mul3A_404 = arith.constant 20000 : i32
        %mul3A_405 = arith.muli %arg1, %mul3A_404 : i32
        %mul3A_406 = arith.constant 200 : i32
        %mul3A_407 = arith.muli %add3A_403, %mul3A_406 : i32
        %add3A_408 = arith.addi %mul3A_405, %mul3A_407 : i32
        %mul3A_409 = arith.constant 64 : i32
        %mul3A_410 = arith.muli %arg0, %mul3A_409 : i32
        %dma_start3A_411 = tpu.memref_slice %arg2[%add3A_408, %mul3A_410] : memref<320000x128xf32, #tpu.memory_space<hbm>> -> memref<200x64xf32, #tpu.memory_space<hbm>>
        %dma_start3A_412 = tpu.memref_slice %arg2[%add3A_408, %mul3A_410] : memref<320000x128xf32, #tpu.memory_space<hbm>> -> memref<200x64xf32, #tpu.memory_space<hbm>>
        tpu.enqueue_dma source(%dma_start3A_412 : memref<200x64xf32, #tpu.memory_space<hbm>>) target(%arg7 : memref<200x64xf32, #tpu.memory_space<vmem>>) target_semaphore(%arg10 : memref<!tpu.dma_semaphore, #tpu.memory_space<semaphore_mem>>)
      } else {
      }
    }
    %scan3A_218 = arith.constant 50 : i32
    %barrier3A_219 = arith.constant 0 : index
    tpu.barrier barrier_id(%barrier3A_219)
    %mul3A_220 = arith.constant 632 : i32
    %mul3A_221 = arith.muli %arg1, %mul3A_220 : i32
    %add3A_222 = arith.constant 0 : i32
    %add3A_223 = arith.addi %mul3A_221, %add3A_222 : i32
    %dma_start3A_224 = arith.constant 0 : i32
    %dma_start3A_225 = tpu.memref_slice %arg4[%arg0, %add3A_223, %dma_start3A_224] : memref<2x10112x64xf32, #tpu.memory_space<hbm>> -> memref<1x100x64xf32, #tpu.memory_space<hbm>>
    %dma_start3A_226 = tpu.memref_squeeze %dma_start3A_225 : memref<1x100x64xf32, #tpu.memory_space<hbm>> -> memref<100x64xf32, #tpu.memory_space<hbm>>
    %dma_start3A_227 = arith.constant 0 : i32
    %dma_start3A_228 = tpu.memref_slice %arg8[%add3A_223, %dma_start3A_227] : memref<10112x64xf32, #tpu.memory_space<vmem_shared>> -> memref<100x64xf32, #tpu.memory_space<vmem_shared>>
    tpu.enqueue_dma source(%dma_start3A_228 : memref<100x64xf32, #tpu.memory_space<vmem_shared>>) target(%dma_start3A_226 : memref<100x64xf32, #tpu.memory_space<hbm>>) target_semaphore(%arg9 : memref<!tpu.dma_semaphore, #tpu.memory_space<semaphore_mem>>)
    %mul3A_229 = arith.constant 632 : i32
    %mul3A_230 = arith.muli %arg1, %mul3A_229 : i32
    %add3A_231 = arith.constant 100 : i32
    %add3A_232 = arith.addi %mul3A_230, %add3A_231 : i32
    %dma_start3A_233 = arith.constant 0 : i32
    %dma_start3A_234 = tpu.memref_slice %arg4[%arg0, %add3A_232, %dma_start3A_233] : memref<2x10112x64xf32, #tpu.memory_space<hbm>> -> memref<1x100x64xf32, #tpu.memory_space<hbm>>
    %dma_start3A_235 = tpu.memref_squeeze %dma_start3A_234 : memref<1x100x64xf32, #tpu.memory_space<hbm>> -> memref<100x64xf32, #tpu.memory_space<hbm>>
    %dma_start3A_236 = arith.constant 0 : i32
    %dma_start3A_237 = tpu.memref_slice %arg8[%add3A_232, %dma_start3A_236] : memref<10112x64xf32, #tpu.memory_space<vmem_shared>> -> memref<100x64xf32, #tpu.memory_space<vmem_shared>>
    tpu.enqueue_dma source(%dma_start3A_237 : memref<100x64xf32, #tpu.memory_space<vmem_shared>>) target(%dma_start3A_235 : memref<100x64xf32, #tpu.memory_space<hbm>>) target_semaphore(%arg9 : memref<!tpu.dma_semaphore, #tpu.memory_space<semaphore_mem>>)
    %mul3A_238 = arith.constant 632 : i32
    %mul3A_239 = arith.muli %arg1, %mul3A_238 : i32
    %add3A_240 = arith.constant 200 : i32
    %add3A_241 = arith.addi %mul3A_239, %add3A_240 : i32
    %dma_start3A_242 = arith.constant 0 : i32
    %dma_start3A_243 = tpu.memref_slice %arg4[%arg0, %add3A_241, %dma_start3A_242] : memref<2x10112x64xf32, #tpu.memory_space<hbm>> -> memref<1x100x64xf32, #tpu.memory_space<hbm>>
    %dma_start3A_244 = tpu.memref_squeeze %dma_start3A_243 : memref<1x100x64xf32, #tpu.memory_space<hbm>> -> memref<100x64xf32, #tpu.memory_space<hbm>>
    %dma_start3A_245 = arith.constant 0 : i32
    %dma_start3A_246 = tpu.memref_slice %arg8[%add3A_241, %dma_start3A_245] : memref<10112x64xf32, #tpu.memory_space<vmem_shared>> -> memref<100x64xf32, #tpu.memory_space<vmem_shared>>
    tpu.enqueue_dma source(%dma_start3A_246 : memref<100x64xf32, #tpu.memory_space<vmem_shared>>) target(%dma_start3A_244 : memref<100x64xf32, #tpu.memory_space<hbm>>) target_semaphore(%arg9 : memref<!tpu.dma_semaphore, #tpu.memory_space<semaphore_mem>>)
    %mul3A_247 = arith.constant 632 : i32
    %mul3A_248 = arith.muli %arg1, %mul3A_247 : i32
    %add3A_249 = arith.constant 300 : i32
    %add3A_250 = arith.addi %mul3A_248, %add3A_249 : i32
    %dma_start3A_251 = arith.constant 0 : i32
    %dma_start3A_252 = tpu.memref_slice %arg4[%arg0, %add3A_250, %dma_start3A_251] : memref<2x10112x64xf32, #tpu.memory_space<hbm>> -> memref<1x100x64xf32, #tpu.memory_space<hbm>>
    %dma_start3A_253 = tpu.memref_squeeze %dma_start3A_252 : memref<1x100x64xf32, #tpu.memory_space<hbm>> -> memref<100x64xf32, #tpu.memory_space<hbm>>
    %dma_start3A_254 = arith.constant 0 : i32
    %dma_start3A_255 = tpu.memref_slice %arg8[%add3A_250, %dma_start3A_254] : memref<10112x64xf32, #tpu.memory_space<vmem_shared>> -> memref<100x64xf32, #tpu.memory_space<vmem_shared>>
    tpu.enqueue_dma source(%dma_start3A_255 : memref<100x64xf32, #tpu.memory_space<vmem_shared>>) target(%dma_start3A_253 : memref<100x64xf32, #tpu.memory_space<hbm>>) target_semaphore(%arg9 : memref<!tpu.dma_semaphore, #tpu.memory_space<semaphore_mem>>)
    %mul3A_256 = arith.constant 632 : i32
    %mul3A_257 = arith.muli %arg1, %mul3A_256 : i32
    %add3A_258 = arith.constant 400 : i32
    %add3A_259 = arith.addi %mul3A_257, %add3A_258 : i32
    %dma_start3A_260 = arith.constant 0 : i32
    %dma_start3A_261 = tpu.memref_slice %arg4[%arg0, %add3A_259, %dma_start3A_260] : memref<2x10112x64xf32, #tpu.memory_space<hbm>> -> memref<1x100x64xf32, #tpu.memory_space<hbm>>
    %dma_start3A_262 = tpu.memref_squeeze %dma_start3A_261 : memref<1x100x64xf32, #tpu.memory_space<hbm>> -> memref<100x64xf32, #tpu.memory_space<hbm>>
    %dma_start3A_263 = arith.constant 0 : i32
    %dma_start3A_264 = tpu.memref_slice %arg8[%add3A_259, %dma_start3A_263] : memref<10112x64xf32, #tpu.memory_space<vmem_shared>> -> memref<100x64xf32, #tpu.memory_space<vmem_shared>>
    tpu.enqueue_dma source(%dma_start3A_264 : memref<100x64xf32, #tpu.memory_space<vmem_shared>>) target(%dma_start3A_262 : memref<100x64xf32, #tpu.memory_space<hbm>>) target_semaphore(%arg9 : memref<!tpu.dma_semaphore, #tpu.memory_space<semaphore_mem>>)
    %mul3A_265 = arith.constant 632 : i32
    %mul3A_266 = arith.muli %arg1, %mul3A_265 : i32
    %add3A_267 = arith.constant 500 : i32
    %add3A_268 = arith.addi %mul3A_266, %add3A_267 : i32
    %dma_start3A_269 = arith.constant 0 : i32
    %dma_start3A_270 = tpu.memref_slice %arg4[%arg0, %add3A_268, %dma_start3A_269] : memref<2x10112x64xf32, #tpu.memory_space<hbm>> -> memref<1x100x64xf32, #tpu.memory_space<hbm>>
    %dma_start3A_271 = tpu.memref_squeeze %dma_start3A_270 : memref<1x100x64xf32, #tpu.memory_space<hbm>> -> memref<100x64xf32, #tpu.memory_space<hbm>>
    %dma_start3A_272 = arith.constant 0 : i32
    %dma_start3A_273 = tpu.memref_slice %arg8[%add3A_268, %dma_start3A_272] : memref<10112x64xf32, #tpu.memory_space<vmem_shared>> -> memref<100x64xf32, #tpu.memory_space<vmem_shared>>
    tpu.enqueue_dma source(%dma_start3A_273 : memref<100x64xf32, #tpu.memory_space<vmem_shared>>) target(%dma_start3A_271 : memref<100x64xf32, #tpu.memory_space<hbm>>) target_semaphore(%arg9 : memref<!tpu.dma_semaphore, #tpu.memory_space<semaphore_mem>>)
    %mul3A_274 = arith.constant 632 : i32
    %mul3A_275 = arith.muli %arg1, %mul3A_274 : i32
    %add3A_276 = arith.constant 600 : i32
    %add3A_277 = arith.addi %mul3A_275, %add3A_276 : i32
    %dma_start3A_278 = arith.constant 0 : i32
    %dma_start3A_279 = tpu.memref_slice %arg4[%arg0, %add3A_277, %dma_start3A_278] : memref<2x10112x64xf32, #tpu.memory_space<hbm>> -> memref<1x32x64xf32, #tpu.memory_space<hbm>>
    %dma_start3A_280 = tpu.memref_squeeze %dma_start3A_279 : memref<1x32x64xf32, #tpu.memory_space<hbm>> -> memref<32x64xf32, #tpu.memory_space<hbm>>
    %dma_start3A_281 = arith.constant 0 : i32
    %dma_start3A_282 = tpu.memref_slice %arg8[%add3A_277, %dma_start3A_281] : memref<10112x64xf32, #tpu.memory_space<vmem_shared>> -> memref<32x64xf32, #tpu.memory_space<vmem_shared>>
    tpu.enqueue_dma source(%dma_start3A_282 : memref<32x64xf32, #tpu.memory_space<vmem_shared>>) target(%dma_start3A_280 : memref<32x64xf32, #tpu.memory_space<hbm>>) target_semaphore(%arg9 : memref<!tpu.dma_semaphore, #tpu.memory_space<semaphore_mem>>)
    %mul3A_283 = arith.constant 632 : i32
    %mul3A_284 = arith.muli %arg1, %mul3A_283 : i32
    %add3A_285 = arith.constant 0 : i32
    %add3A_286 = arith.addi %mul3A_284, %add3A_285 : i32
    %dma_wait3A_287 = arith.constant 0 : i32
    %dma_wait3A_288 = tpu.memref_slice %arg4[%arg0, %add3A_286, %dma_wait3A_287] : memref<2x10112x64xf32, #tpu.memory_space<hbm>> -> memref<1x100x64xf32, #tpu.memory_space<hbm>>
    %dma_wait3A_289 = tpu.memref_squeeze %dma_wait3A_288 : memref<1x100x64xf32, #tpu.memory_space<hbm>> -> memref<100x64xf32, #tpu.memory_space<hbm>>
    %dma_wait3A_290 = arith.constant 0 : i32
    %dma_wait3A_291 = tpu.memref_slice %arg8[%add3A_286, %dma_wait3A_290] : memref<10112x64xf32, #tpu.memory_space<vmem_shared>> -> memref<100x64xf32, #tpu.memory_space<vmem_shared>>
    tpu.wait_dma2 semaphore(%arg9 : memref<!tpu.dma_semaphore, #tpu.memory_space<semaphore_mem>>) src(%dma_wait3A_291 : memref<100x64xf32, #tpu.memory_space<vmem_shared>>) dst(%dma_wait3A_289 : memref<100x64xf32, #tpu.memory_space<hbm>>)
    %mul3A_292 = arith.constant 632 : i32
    %mul3A_293 = arith.muli %arg1, %mul3A_292 : i32
    %add3A_294 = arith.constant 100 : i32
    %add3A_295 = arith.addi %mul3A_293, %add3A_294 : i32
    %dma_wait3A_296 = arith.constant 0 : i32
    %dma_wait3A_297 = tpu.memref_slice %arg4[%arg0, %add3A_295, %dma_wait3A_296] : memref<2x10112x64xf32, #tpu.memory_space<hbm>> -> memref<1x100x64xf32, #tpu.memory_space<hbm>>
    %dma_wait3A_298 = tpu.memref_squeeze %dma_wait3A_297 : memref<1x100x64xf32, #tpu.memory_space<hbm>> -> memref<100x64xf32, #tpu.memory_space<hbm>>
    %dma_wait3A_299 = arith.constant 0 : i32
    %dma_wait3A_300 = tpu.memref_slice %arg8[%add3A_295, %dma_wait3A_299] : memref<10112x64xf32, #tpu.memory_space<vmem_shared>> -> memref<100x64xf32, #tpu.memory_space<vmem_shared>>
    tpu.wait_dma2 semaphore(%arg9 : memref<!tpu.dma_semaphore, #tpu.memory_space<semaphore_mem>>) src(%dma_wait3A_300 : memref<100x64xf32, #tpu.memory_space<vmem_shared>>) dst(%dma_wait3A_298 : memref<100x64xf32, #tpu.memory_space<hbm>>)
    %mul3A_301 = arith.constant 632 : i32
    %mul3A_302 = arith.muli %arg1, %mul3A_301 : i32
    %add3A_303 = arith.constant 200 : i32
    %add3A_304 = arith.addi %mul3A_302, %add3A_303 : i32
    %dma_wait3A_305 = arith.constant 0 : i32
    %dma_wait3A_306 = tpu.memref_slice %arg4[%arg0, %add3A_304, %dma_wait3A_305] : memref<2x10112x64xf32, #tpu.memory_space<hbm>> -> memref<1x100x64xf32, #tpu.memory_space<hbm>>
    %dma_wait3A_307 = tpu.memref_squeeze %dma_wait3A_306 : memref<1x100x64xf32, #tpu.memory_space<hbm>> -> memref<100x64xf32, #tpu.memory_space<hbm>>
    %dma_wait3A_308 = arith.constant 0 : i32
    %dma_wait3A_309 = tpu.memref_slice %arg8[%add3A_304, %dma_wait3A_308] : memref<10112x64xf32, #tpu.memory_space<vmem_shared>> -> memref<100x64xf32, #tpu.memory_space<vmem_shared>>
    tpu.wait_dma2 semaphore(%arg9 : memref<!tpu.dma_semaphore, #tpu.memory_space<semaphore_mem>>) src(%dma_wait3A_309 : memref<100x64xf32, #tpu.memory_space<vmem_shared>>) dst(%dma_wait3A_307 : memref<100x64xf32, #tpu.memory_space<hbm>>)
    %mul3A_310 = arith.constant 632 : i32
    %mul3A_311 = arith.muli %arg1, %mul3A_310 : i32
    %add3A_312 = arith.constant 300 : i32
    %add3A_313 = arith.addi %mul3A_311, %add3A_312 : i32
    %dma_wait3A_314 = arith.constant 0 : i32
    %dma_wait3A_315 = tpu.memref_slice %arg4[%arg0, %add3A_313, %dma_wait3A_314] : memref<2x10112x64xf32, #tpu.memory_space<hbm>> -> memref<1x100x64xf32, #tpu.memory_space<hbm>>
    %dma_wait3A_316 = tpu.memref_squeeze %dma_wait3A_315 : memref<1x100x64xf32, #tpu.memory_space<hbm>> -> memref<100x64xf32, #tpu.memory_space<hbm>>
    %dma_wait3A_317 = arith.constant 0 : i32
    %dma_wait3A_318 = tpu.memref_slice %arg8[%add3A_313, %dma_wait3A_317] : memref<10112x64xf32, #tpu.memory_space<vmem_shared>> -> memref<100x64xf32, #tpu.memory_space<vmem_shared>>
    tpu.wait_dma2 semaphore(%arg9 : memref<!tpu.dma_semaphore, #tpu.memory_space<semaphore_mem>>) src(%dma_wait3A_318 : memref<100x64xf32, #tpu.memory_space<vmem_shared>>) dst(%dma_wait3A_316 : memref<100x64xf32, #tpu.memory_space<hbm>>)
    %mul3A_319 = arith.constant 632 : i32
    %mul3A_320 = arith.muli %arg1, %mul3A_319 : i32
    %add3A_321 = arith.constant 400 : i32
    %add3A_322 = arith.addi %mul3A_320, %add3A_321 : i32
    %dma_wait3A_323 = arith.constant 0 : i32
    %dma_wait3A_324 = tpu.memref_slice %arg4[%arg0, %add3A_322, %dma_wait3A_323] : memref<2x10112x64xf32, #tpu.memory_space<hbm>> -> memref<1x100x64xf32, #tpu.memory_space<hbm>>
    %dma_wait3A_325 = tpu.memref_squeeze %dma_wait3A_324 : memref<1x100x64xf32, #tpu.memory_space<hbm>> -> memref<100x64xf32, #tpu.memory_space<hbm>>
    %dma_wait3A_326 = arith.constant 0 : i32
    %dma_wait3A_327 = tpu.memref_slice %arg8[%add3A_322, %dma_wait3A_326] : memref<10112x64xf32, #tpu.memory_space<vmem_shared>> -> memref<100x64xf32, #tpu.memory_space<vmem_shared>>
    tpu.wait_dma2 semaphore(%arg9 : memref<!tpu.dma_semaphore, #tpu.memory_space<semaphore_mem>>) src(%dma_wait3A_327 : memref<100x64xf32, #tpu.memory_space<vmem_shared>>) dst(%dma_wait3A_325 : memref<100x64xf32, #tpu.memory_space<hbm>>)
    %mul3A_328 = arith.constant 632 : i32
    %mul3A_329 = arith.muli %arg1, %mul3A_328 : i32
    %add3A_330 = arith.constant 500 : i32
    %add3A_331 = arith.addi %mul3A_329, %add3A_330 : i32
    %dma_wait3A_332 = arith.constant 0 : i32
    %dma_wait3A_333 = tpu.memref_slice %arg4[%arg0, %add3A_331, %dma_wait3A_332] : memref<2x10112x64xf32, #tpu.memory_space<hbm>> -> memref<1x100x64xf32, #tpu.memory_space<hbm>>
    %dma_wait3A_334 = tpu.memref_squeeze %dma_wait3A_333 : memref<1x100x64xf32, #tpu.memory_space<hbm>> -> memref<100x64xf32, #tpu.memory_space<hbm>>
    %dma_wait3A_335 = arith.constant 0 : i32
    %dma_wait3A_336 = tpu.memref_slice %arg8[%add3A_331, %dma_wait3A_335] : memref<10112x64xf32, #tpu.memory_space<vmem_shared>> -> memref<100x64xf32, #tpu.memory_space<vmem_shared>>
    tpu.wait_dma2 semaphore(%arg9 : memref<!tpu.dma_semaphore, #tpu.memory_space<semaphore_mem>>) src(%dma_wait3A_336 : memref<100x64xf32, #tpu.memory_space<vmem_shared>>) dst(%dma_wait3A_334 : memref<100x64xf32, #tpu.memory_space<hbm>>)
    %mul3A_337 = arith.constant 632 : i32
    %mul3A_338 = arith.muli %arg1, %mul3A_337 : i32
    %add3A_339 = arith.constant 600 : i32
    %add3A_340 = arith.addi %mul3A_338, %add3A_339 : i32
    %dma_wait3A_341 = arith.constant 0 : i32
    %dma_wait3A_342 = tpu.memref_slice %arg4[%arg0, %add3A_340, %dma_wait3A_341] : memref<2x10112x64xf32, #tpu.memory_space<hbm>> -> memref<1x32x64xf32, #tpu.memory_space<hbm>>
    %dma_wait3A_343 = tpu.memref_squeeze %dma_wait3A_342 : memref<1x32x64xf32, #tpu.memory_space<hbm>> -> memref<32x64xf32, #tpu.memory_space<hbm>>
    %dma_wait3A_344 = arith.constant 0 : i32
    %dma_wait3A_345 = tpu.memref_slice %arg8[%add3A_340, %dma_wait3A_344] : memref<10112x64xf32, #tpu.memory_space<vmem_shared>> -> memref<32x64xf32, #tpu.memory_space<vmem_shared>>
    tpu.wait_dma2 semaphore(%arg9 : memref<!tpu.dma_semaphore, #tpu.memory_space<semaphore_mem>>) src(%dma_wait3A_345 : memref<32x64xf32, #tpu.memory_space<vmem_shared>>) dst(%dma_wait3A_343 : memref<32x64xf32, #tpu.memory_space<hbm>>)
    return
  }
}

module attributes {stable_mosaic.version = 14 : i64} {
  func.func @_edge_mlp_body(%arg0: i32, %arg1: memref<8000x16xf32, #tpu.memory_space<vmem>>, %arg2: memref<16x128xf32, #tpu.memory_space<vmem>>, %arg3: memref<1x128xf32, #tpu.memory_space<vmem>>, %arg4: memref<8000x128xf32, #tpu.memory_space<vmem>>) attributes {dimension_semantics = [#tpu.dimension_semantics<arbitrary>], iteration_bounds = array<i64: 40>, scalar_prefetch = 0 : i64, scratch_operands = 0 : i64, tpu.core_type = #tpu.core_type<tc>, window_params = [{transform_indices = @transform_0, window_bounds = array<i64: 8000, 16>}, {pipeline_mode = #tpu.pipeline_mode<synchronous>, transform_indices = @transform_1, window_bounds = array<i64: 16, 128>}, {pipeline_mode = #tpu.pipeline_mode<synchronous>, transform_indices = @transform_2, window_bounds = array<i64: 1, 128>}, {transform_indices = @transform_3, window_bounds = array<i64: 8000, 128>}]} {
    %get3A = arith.constant 0 : index
    %get3A_0 = arith.constant 0 : index
    %get3A_1 = vector.load %arg1[%get3A, %get3A_0] : memref<8000x16xf32, #tpu.memory_space<vmem>>, vector<8000x16xf32>
    %convert_element_type3A = arith.truncf %get3A_1 : vector<8000x16xf32> to vector<8000x16xbf16>
    %get3A_2 = arith.constant 0 : index
    %get3A_3 = arith.constant 0 : index
    %get3A_4 = vector.load %arg2[%get3A_2, %get3A_3] : memref<16x128xf32, #tpu.memory_space<vmem>>, vector<16x128xf32>
    %convert_element_type3A_5 = arith.truncf %get3A_4 : vector<16x128xf32> to vector<16x128xbf16>
    %dot_general3A = arith.constant dense<0.000000e+00> : vector<8000x128xf32>
    %dot_general3A_6 = tpu.matmul %convert_element_type3A, %convert_element_type3A_5, %dot_general3A {dimension_numbers = #tpu.dot_dimension_numbers<[1], [0], [0], [1], [0, 0, 1, 1], [], []>, transpose_lhs_hint = false} : vector<8000x16xbf16>, vector<16x128xbf16>, vector<8000x128xf32> -> vector<8000x128xf32>
    %get3A_7 = arith.constant 0 : index
    %get3A_8 = arith.constant 0 : index
    %get3A_9 = vector.load %arg3[%get3A_7, %get3A_8] : memref<1x128xf32, #tpu.memory_space<vmem>>, vector<1x128xf32>
    %add3A = vector.broadcast %get3A_9 : vector<1x128xf32> to vector<8000x128xf32>
    %add3A_10 = arith.addf %dot_general3A_6, %add3A : vector<8000x128xf32>
    %max3A = arith.constant 0.000000e+00 : f32
    %max3A_11 = vector.broadcast %max3A : f32 to vector<8000x128xf32>
    %max3A_12 = arith.maximumf %add3A_10, %max3A_11 : vector<8000x128xf32>
    %swap3A = arith.constant 0 : index
    %swap3A_13 = arith.constant 0 : index
    %swap3A_14 = vector.load %arg4[%swap3A, %swap3A_13] : memref<8000x128xf32, #tpu.memory_space<vmem>>, vector<8000x128xf32>
    tpu.vector_store %arg4[%swap3A, %swap3A_13], %max3A_12 {strides = array<i32>} : memref<8000x128xf32, #tpu.memory_space<vmem>>, vector<8000x128xf32>,
    return
  }
  func.func @transform_0(%arg0: i32) -> (i32, i32) {
    %c0_i32 = arith.constant 0 : i32
    %c0_i32_0 = arith.constant 0 : i32
    return %arg0, %c0_i32 : i32, i32
  }
  func.func @transform_1(%arg0: i32) -> (i32, i32) {
    %c0_i32 = arith.constant 0 : i32
    %c0_i32_0 = arith.constant 0 : i32
    %c0_i32_1 = arith.constant 0 : i32
    return %c0_i32, %c0_i32_0 : i32, i32
  }
  func.func @transform_2(%arg0: i32) -> (i32, i32) {
    %c0_i32 = arith.constant 0 : i32
    %c0_i32_0 = arith.constant 0 : i32
    %c0_i32_1 = arith.constant 0 : i32
    return %c0_i32, %c0_i32_0 : i32, i32
  }
  func.func @transform_3(%arg0: i32) -> (i32, i32) {
    %c0_i32 = arith.constant 0 : i32
    %c0_i32_0 = arith.constant 0 : i32
    return %arg0, %c0_i32 : i32, i32
  }
}

module attributes {stable_mosaic.version = 14 : i64} {
  func.func @_edge_mlp_body(%arg0: i32, %arg1: memref<8000x16xf32, #tpu.memory_space<vmem>>, %arg2: memref<16x128xf32, #tpu.memory_space<vmem>>, %arg3: memref<1x128xf32, #tpu.memory_space<vmem>>, %arg4: memref<8000x128xf32, #tpu.memory_space<vmem>>) attributes {dimension_semantics = [#tpu.dimension_semantics<arbitrary>], iteration_bounds = array<i64: 40>, scalar_prefetch = 0 : i64, scratch_operands = 0 : i64, tpu.core_type = #tpu.core_type<tc>, window_params = [{transform_indices = @transform_0, window_bounds = array<i64: 8000, 16>}, {pipeline_mode = #tpu.pipeline_mode<synchronous>, transform_indices = @transform_1, window_bounds = array<i64: 16, 128>}, {pipeline_mode = #tpu.pipeline_mode<synchronous>, transform_indices = @transform_2, window_bounds = array<i64: 1, 128>}, {transform_indices = @transform_3, window_bounds = array<i64: 8000, 128>}]} {
    %get3A = arith.constant 0 : index
    %get3A_0 = arith.constant 0 : index
    %get3A_1 = vector.load %arg1[%get3A, %get3A_0] : memref<8000x16xf32, #tpu.memory_space<vmem>>, vector<8000x16xf32>
    %convert_element_type3A = arith.truncf %get3A_1 : vector<8000x16xf32> to vector<8000x16xbf16>
    %get3A_2 = arith.constant 0 : index
    %get3A_3 = arith.constant 0 : index
    %get3A_4 = vector.load %arg2[%get3A_2, %get3A_3] : memref<16x128xf32, #tpu.memory_space<vmem>>, vector<16x128xf32>
    %convert_element_type3A_5 = arith.truncf %get3A_4 : vector<16x128xf32> to vector<16x128xbf16>
    %dot_general3A = arith.constant dense<0.000000e+00> : vector<8000x128xf32>
    %dot_general3A_6 = tpu.matmul %convert_element_type3A, %convert_element_type3A_5, %dot_general3A {dimension_numbers = #tpu.dot_dimension_numbers<[1], [0], [0], [1], [0, 0, 1, 1], [], []>, transpose_lhs_hint = false} : vector<8000x16xbf16>, vector<16x128xbf16>, vector<8000x128xf32> -> vector<8000x128xf32>
    %get3A_7 = arith.constant 0 : index
    %get3A_8 = arith.constant 0 : index
    %get3A_9 = vector.load %arg3[%get3A_7, %get3A_8] : memref<1x128xf32, #tpu.memory_space<vmem>>, vector<1x128xf32>
    %add3A = vector.broadcast %get3A_9 : vector<1x128xf32> to vector<8000x128xf32>
    %add3A_10 = arith.addf %dot_general3A_6, %add3A : vector<8000x128xf32>
    %swap3A = arith.constant 0 : index
    %swap3A_11 = arith.constant 0 : index
    %swap3A_12 = vector.load %arg4[%swap3A, %swap3A_11] : memref<8000x128xf32, #tpu.memory_space<vmem>>, vector<8000x128xf32>
    tpu.vector_store %arg4[%swap3A, %swap3A_11], %add3A_10 {strides = array<i32>} : memref<8000x128xf32, #tpu.memory_space<vmem>>, vector<8000x128xf32>,
    return
  }
  func.func @transform_0(%arg0: i32) -> (i32, i32) {
    %c0_i32 = arith.constant 0 : i32
    %c0_i32_0 = arith.constant 0 : i32
    return %arg0, %c0_i32 : i32, i32
  }
  func.func @transform_1(%arg0: i32) -> (i32, i32) {
    %c0_i32 = arith.constant 0 : i32
    %c0_i32_0 = arith.constant 0 : i32
    %c0_i32_1 = arith.constant 0 : i32
    return %c0_i32, %c0_i32_0 : i32, i32
  }
  func.func @transform_2(%arg0: i32) -> (i32, i32) {
    %c0_i32 = arith.constant 0 : i32
    %c0_i32_0 = arith.constant 0 : i32
    %c0_i32_1 = arith.constant 0 : i32
    return %c0_i32, %c0_i32_0 : i32, i32
  }
  func.func @transform_3(%arg0: i32) -> (i32, i32) {
    %c0_i32 = arith.constant 0 : i32
    %c0_i32_0 = arith.constant 0 : i32
    return %arg0, %c0_i32 : i32, i32
  }
}

module attributes {stable_mosaic.version = 14 : i64} {
  func.func @_node_body(%arg0: memref<10000x128xf32, #tpu.memory_space<vmem>>, %arg1: memref<10000x64xf32, #tpu.memory_space<vmem>>, %arg2: memref<10000x64xf32, #tpu.memory_space<vmem>>, %arg3: memref<128x256xf32, #tpu.memory_space<vmem>>, %arg4: memref<1x256xf32, #tpu.memory_space<vmem>>, %arg5: memref<1x256xf32, #tpu.memory_space<vmem>>, %arg6: memref<1x256xf32, #tpu.memory_space<vmem>>, %arg7: memref<256x128xf32, #tpu.memory_space<vmem>>, %arg8: memref<1x128xf32, #tpu.memory_space<vmem>>, %arg9: memref<1x128xf32, #tpu.memory_space<vmem>>, %arg10: memref<1x128xf32, #tpu.memory_space<vmem>>, %arg11: memref<1xf32, #tpu.memory_space<smem>>, %arg12: memref<10000x128xf32, #tpu.memory_space<vmem>>) attributes {dimension_semantics = [], scalar_prefetch = 0 : i64, scratch_operands = 0 : i64, tpu.core_type = #tpu.core_type<tc>} {
    %get3A = arith.constant 0 : index
    %get3A_0 = arith.constant 0 : index
    %get3A_1 = vector.load %arg1[%get3A, %get3A_0] : memref<10000x64xf32, #tpu.memory_space<vmem>>, vector<10000x64xf32>
    %get3A_2 = arith.constant 0 : index
    %get3A_3 = arith.constant 0 : index
    %get3A_4 = vector.load %arg2[%get3A_2, %get3A_3] : memref<10000x64xf32, #tpu.memory_space<vmem>>, vector<10000x64xf32>
    %concatenate3A = tpu.concatenate %get3A_1, %get3A_4 in 1 : vector<10000x64xf32>, vector<10000x64xf32> -> vector<10000x128xf32>
    %get3A_5 = arith.constant 0 : index
    %get3A_6 = memref.load %arg11[%get3A_5] : memref<1xf32, #tpu.memory_space<smem>>
    %add3A = arith.constant 1.000000e+00 : f32
    %add3A_7 = arith.addf %add3A, %get3A_6 : f32
    %get3A_8 = arith.constant 0 : index
    %get3A_9 = arith.constant 0 : index
    %get3A_10 = vector.load %arg0[%get3A_8, %get3A_9] : memref<10000x128xf32, #tpu.memory_space<vmem>>, vector<10000x128xf32>
    %mul3A = vector.broadcast %add3A_7 : f32 to vector<10000x128xf32>
    %mul3A_11 = arith.mulf %mul3A, %get3A_10 : vector<10000x128xf32>
    %add3A_12 = arith.addf %mul3A_11, %concatenate3A : vector<10000x128xf32>
    %convert_element_type3A = arith.truncf %add3A_12 : vector<10000x128xf32> to vector<10000x128xbf16>
    %get3A_13 = arith.constant 0 : index
    %get3A_14 = arith.constant 0 : index
    %get3A_15 = vector.load %arg3[%get3A_13, %get3A_14] : memref<128x256xf32, #tpu.memory_space<vmem>>, vector<128x256xf32>
    %convert_element_type3A_16 = arith.truncf %get3A_15 : vector<128x256xf32> to vector<128x256xbf16>
    %dot_general3A = arith.constant dense<0.000000e+00> : vector<10000x256xf32>
    %dot_general3A_17 = tpu.matmul %convert_element_type3A, %convert_element_type3A_16, %dot_general3A {dimension_numbers = #tpu.dot_dimension_numbers<[1], [0], [0], [1], [0, 0, 1, 1], [], []>, transpose_lhs_hint = false} : vector<10000x128xbf16>, vector<128x256xbf16>, vector<10000x256xf32> -> vector<10000x256xf32>
    %get3A_18 = arith.constant 0 : index
    %get3A_19 = arith.constant 0 : index
    %get3A_20 = vector.load %arg4[%get3A_18, %get3A_19] : memref<1x256xf32, #tpu.memory_space<vmem>>, vector<1x256xf32>
    %add3A_21 = vector.broadcast %get3A_20 : vector<1x256xf32> to vector<10000x256xf32>
    %add3A_22 = arith.addf %dot_general3A_17, %add3A_21 : vector<10000x256xf32>
    %reduce_sum3A = arith.constant dense<0.000000e+00> : vector<256xf32>
    %reduce_sum3A_23 = vector.multi_reduction <add>, %add3A_22, %reduce_sum3A [0] : vector<10000x256xf32> to vector<256xf32>
    %broadcast_in_dim3A = vector.shape_cast %reduce_sum3A_23 : vector<256xf32> to vector<1x256xf32>
    %div3A = arith.constant 1.000000e+04 : f32
    %div3A_24 = vector.broadcast %div3A : f32 to vector<1x256xf32>
    %div3A_25 = arith.divf %broadcast_in_dim3A, %div3A_24 : vector<1x256xf32>
    %mul3A_26 = arith.mulf %add3A_22, %add3A_22 : vector<10000x256xf32>
    %reduce_sum3A_27 = arith.constant dense<0.000000e+00> : vector<256xf32>
    %reduce_sum3A_28 = vector.multi_reduction <add>, %mul3A_26, %reduce_sum3A_27 [0] : vector<10000x256xf32> to vector<256xf32>
    %broadcast_in_dim3A_29 = vector.shape_cast %reduce_sum3A_28 : vector<256xf32> to vector<1x256xf32>
    %div3A_30 = arith.constant 1.000000e+04 : f32
    %div3A_31 = vector.broadcast %div3A_30 : f32 to vector<1x256xf32>
    %div3A_32 = arith.divf %broadcast_in_dim3A_29, %div3A_31 : vector<1x256xf32>
    %mul3A_33 = arith.mulf %div3A_25, %div3A_25 : vector<1x256xf32>
    %sub3A = arith.subf %div3A_32, %mul3A_33 : vector<1x256xf32>
    %sub3A_34 = vector.broadcast %div3A_25 : vector<1x256xf32> to vector<10000x256xf32>
    %sub3A_35 = arith.subf %add3A_22, %sub3A_34 : vector<10000x256xf32>
    %add3A_36 = arith.constant 9.99999974E-6 : f32
    %add3A_37 = vector.broadcast %add3A_36 : f32 to vector<1x256xf32>
    %add3A_38 = arith.addf %sub3A, %add3A_37 : vector<1x256xf32>
    %rsqrt3A = math.rsqrt %add3A_38 : vector<1x256xf32>
    %mul3A_39 = vector.broadcast %rsqrt3A : vector<1x256xf32> to vector<10000x256xf32>
    %mul3A_40 = arith.mulf %sub3A_35, %mul3A_39 : vector<10000x256xf32>
    %get3A_41 = arith.constant 0 : index
    %get3A_42 = arith.constant 0 : index
    %get3A_43 = vector.load %arg5[%get3A_41, %get3A_42] : memref<1x256xf32, #tpu.memory_space<vmem>>, vector<1x256xf32>
    %mul3A_44 = vector.broadcast %get3A_43 : vector<1x256xf32> to vector<10000x256xf32>
    %mul3A_45 = arith.mulf %mul3A_40, %mul3A_44 : vector<10000x256xf32>
    %get3A_46 = arith.constant 0 : index
    %get3A_47 = arith.constant 0 : index
    %get3A_48 = vector.load %arg6[%get3A_46, %get3A_47] : memref<1x256xf32, #tpu.memory_space<vmem>>, vector<1x256xf32>
    %add3A_49 = vector.broadcast %get3A_48 : vector<1x256xf32> to vector<10000x256xf32>
    %add3A_50 = arith.addf %mul3A_45, %add3A_49 : vector<10000x256xf32>
    %max3A = arith.constant 0.000000e+00 : f32
    %max3A_51 = vector.broadcast %max3A : f32 to vector<10000x256xf32>
    %max3A_52 = arith.maximumf %add3A_50, %max3A_51 : vector<10000x256xf32>
    %convert_element_type3A_53 = arith.truncf %max3A_52 : vector<10000x256xf32> to vector<10000x256xbf16>
    %get3A_54 = arith.constant 0 : index
    %get3A_55 = arith.constant 0 : index
    %get3A_56 = vector.load %arg7[%get3A_54, %get3A_55] : memref<256x128xf32, #tpu.memory_space<vmem>>, vector<256x128xf32>
    %convert_element_type3A_57 = arith.truncf %get3A_56 : vector<256x128xf32> to vector<256x128xbf16>
    %dot_general3A_58 = arith.constant dense<0.000000e+00> : vector<10000x128xf32>
    %dot_general3A_59 = tpu.matmul %convert_element_type3A_53, %convert_element_type3A_57, %dot_general3A_58 {dimension_numbers = #tpu.dot_dimension_numbers<[1], [0], [0], [1], [0, 0, 1, 1], [], []>, transpose_lhs_hint = false} : vector<10000x256xbf16>, vector<256x128xbf16>, vector<10000x128xf32> -> vector<10000x128xf32>
    %get3A_60 = arith.constant 0 : index
    %get3A_61 = arith.constant 0 : index
    %get3A_62 = vector.load %arg8[%get3A_60, %get3A_61] : memref<1x128xf32, #tpu.memory_space<vmem>>, vector<1x128xf32>
    %add3A_63 = vector.broadcast %get3A_62 : vector<1x128xf32> to vector<10000x128xf32>
    %add3A_64 = arith.addf %dot_general3A_59, %add3A_63 : vector<10000x128xf32>
    %reduce_sum3A_65 = arith.constant dense<0.000000e+00> : vector<128xf32>
    %reduce_sum3A_66 = vector.multi_reduction <add>, %add3A_64, %reduce_sum3A_65 [0] : vector<10000x128xf32> to vector<128xf32>
    %broadcast_in_dim3A_67 = vector.shape_cast %reduce_sum3A_66 : vector<128xf32> to vector<1x128xf32>
    %div3A_68 = arith.constant 1.000000e+04 : f32
    %div3A_69 = vector.broadcast %div3A_68 : f32 to vector<1x128xf32>
    %div3A_70 = arith.divf %broadcast_in_dim3A_67, %div3A_69 : vector<1x128xf32>
    %mul3A_71 = arith.mulf %add3A_64, %add3A_64 : vector<10000x128xf32>
    %reduce_sum3A_72 = arith.constant dense<0.000000e+00> : vector<128xf32>
    %reduce_sum3A_73 = vector.multi_reduction <add>, %mul3A_71, %reduce_sum3A_72 [0] : vector<10000x128xf32> to vector<128xf32>
    %broadcast_in_dim3A_74 = vector.shape_cast %reduce_sum3A_73 : vector<128xf32> to vector<1x128xf32>
    %div3A_75 = arith.constant 1.000000e+04 : f32
    %div3A_76 = vector.broadcast %div3A_75 : f32 to vector<1x128xf32>
    %div3A_77 = arith.divf %broadcast_in_dim3A_74, %div3A_76 : vector<1x128xf32>
    %mul3A_78 = arith.mulf %div3A_70, %div3A_70 : vector<1x128xf32>
    %sub3A_79 = arith.subf %div3A_77, %mul3A_78 : vector<1x128xf32>
    %sub3A_80 = vector.broadcast %div3A_70 : vector<1x128xf32> to vector<10000x128xf32>
    %sub3A_81 = arith.subf %add3A_64, %sub3A_80 : vector<10000x128xf32>
    %add3A_82 = arith.constant 9.99999974E-6 : f32
    %add3A_83 = vector.broadcast %add3A_82 : f32 to vector<1x128xf32>
    %add3A_84 = arith.addf %sub3A_79, %add3A_83 : vector<1x128xf32>
    %rsqrt3A_85 = math.rsqrt %add3A_84 : vector<1x128xf32>
    %mul3A_86 = vector.broadcast %rsqrt3A_85 : vector<1x128xf32> to vector<10000x128xf32>
    %mul3A_87 = arith.mulf %sub3A_81, %mul3A_86 : vector<10000x128xf32>
    %get3A_88 = arith.constant 0 : index
    %get3A_89 = arith.constant 0 : index
    %get3A_90 = vector.load %arg9[%get3A_88, %get3A_89] : memref<1x128xf32, #tpu.memory_space<vmem>>, vector<1x128xf32>
    %mul3A_91 = vector.broadcast %get3A_90 : vector<1x128xf32> to vector<10000x128xf32>
    %mul3A_92 = arith.mulf %mul3A_87, %mul3A_91 : vector<10000x128xf32>
    %get3A_93 = arith.constant 0 : index
    %get3A_94 = arith.constant 0 : index
    %get3A_95 = vector.load %arg10[%get3A_93, %get3A_94] : memref<1x128xf32, #tpu.memory_space<vmem>>, vector<1x128xf32>
    %add3A_96 = vector.broadcast %get3A_95 : vector<1x128xf32> to vector<10000x128xf32>
    %add3A_97 = arith.addf %mul3A_92, %add3A_96 : vector<10000x128xf32>
    %max3A_98 = arith.constant 0.000000e+00 : f32
    %max3A_99 = vector.broadcast %max3A_98 : f32 to vector<10000x128xf32>
    %max3A_100 = arith.maximumf %add3A_97, %max3A_99 : vector<10000x128xf32>
    %swap3A = arith.constant 0 : index
    %swap3A_101 = arith.constant 0 : index
    %swap3A_102 = vector.load %arg12[%swap3A, %swap3A_101] : memref<10000x128xf32, #tpu.memory_space<vmem>>, vector<10000x128xf32>
    tpu.vector_store %arg12[%swap3A, %swap3A_101], %max3A_100 {strides = array<i32>} : memref<10000x128xf32, #tpu.memory_space<vmem>>, vector<10000x128xf32>,
    return
  }
}

module attributes {stable_mosaic.version = 14 : i64} {
  func.func @_node_body(%arg0: memref<10000x128xf32, #tpu.memory_space<vmem>>, %arg1: memref<10000x64xf32, #tpu.memory_space<vmem>>, %arg2: memref<10000x64xf32, #tpu.memory_space<vmem>>, %arg3: memref<128x256xf32, #tpu.memory_space<vmem>>, %arg4: memref<1x256xf32, #tpu.memory_space<vmem>>, %arg5: memref<1x256xf32, #tpu.memory_space<vmem>>, %arg6: memref<1x256xf32, #tpu.memory_space<vmem>>, %arg7: memref<256x128xf32, #tpu.memory_space<vmem>>, %arg8: memref<1x128xf32, #tpu.memory_space<vmem>>, %arg9: memref<1x128xf32, #tpu.memory_space<vmem>>, %arg10: memref<1x128xf32, #tpu.memory_space<vmem>>, %arg11: memref<1xf32, #tpu.memory_space<smem>>, %arg12: memref<10000x128xf32, #tpu.memory_space<vmem>>) attributes {dimension_semantics = [], scalar_prefetch = 0 : i64, scratch_operands = 0 : i64, tpu.core_type = #tpu.core_type<tc>} {
    %get3A = arith.constant 0 : index
    %get3A_0 = arith.constant 0 : index
    %get3A_1 = vector.load %arg1[%get3A, %get3A_0] : memref<10000x64xf32, #tpu.memory_space<vmem>>, vector<10000x64xf32>
    %get3A_2 = arith.constant 0 : index
    %get3A_3 = arith.constant 0 : index
    %get3A_4 = vector.load %arg2[%get3A_2, %get3A_3] : memref<10000x64xf32, #tpu.memory_space<vmem>>, vector<10000x64xf32>
    %concatenate3A = tpu.concatenate %get3A_1, %get3A_4 in 1 : vector<10000x64xf32>, vector<10000x64xf32> -> vector<10000x128xf32>
    %get3A_5 = arith.constant 0 : index
    %get3A_6 = memref.load %arg11[%get3A_5] : memref<1xf32, #tpu.memory_space<smem>>
    %add3A = arith.constant 1.000000e+00 : f32
    %add3A_7 = arith.addf %add3A, %get3A_6 : f32
    %get3A_8 = arith.constant 0 : index
    %get3A_9 = arith.constant 0 : index
    %get3A_10 = vector.load %arg0[%get3A_8, %get3A_9] : memref<10000x128xf32, #tpu.memory_space<vmem>>, vector<10000x128xf32>
    %mul3A = vector.broadcast %add3A_7 : f32 to vector<10000x128xf32>
    %mul3A_11 = arith.mulf %mul3A, %get3A_10 : vector<10000x128xf32>
    %add3A_12 = arith.addf %mul3A_11, %concatenate3A : vector<10000x128xf32>
    %convert_element_type3A = arith.truncf %add3A_12 : vector<10000x128xf32> to vector<10000x128xbf16>
    %get3A_13 = arith.constant 0 : index
    %get3A_14 = arith.constant 0 : index
    %get3A_15 = vector.load %arg3[%get3A_13, %get3A_14] : memref<128x256xf32, #tpu.memory_space<vmem>>, vector<128x256xf32>
    %convert_element_type3A_16 = arith.truncf %get3A_15 : vector<128x256xf32> to vector<128x256xbf16>
    %dot_general3A = arith.constant dense<0.000000e+00> : vector<10000x256xf32>
    %dot_general3A_17 = tpu.matmul %convert_element_type3A, %convert_element_type3A_16, %dot_general3A {dimension_numbers = #tpu.dot_dimension_numbers<[1], [0], [0], [1], [0, 0, 1, 1], [], []>, transpose_lhs_hint = false} : vector<10000x128xbf16>, vector<128x256xbf16>, vector<10000x256xf32> -> vector<10000x256xf32>
    %get3A_18 = arith.constant 0 : index
    %get3A_19 = arith.constant 0 : index
    %get3A_20 = vector.load %arg4[%get3A_18, %get3A_19] : memref<1x256xf32, #tpu.memory_space<vmem>>, vector<1x256xf32>
    %add3A_21 = vector.broadcast %get3A_20 : vector<1x256xf32> to vector<10000x256xf32>
    %add3A_22 = arith.addf %dot_general3A_17, %add3A_21 : vector<10000x256xf32>
    %reduce_sum3A = arith.constant dense<0.000000e+00> : vector<256xf32>
    %reduce_sum3A_23 = vector.multi_reduction <add>, %add3A_22, %reduce_sum3A [0] : vector<10000x256xf32> to vector<256xf32>
    %broadcast_in_dim3A = vector.shape_cast %reduce_sum3A_23 : vector<256xf32> to vector<1x256xf32>
    %div3A = arith.constant 1.000000e+04 : f32
    %div3A_24 = vector.broadcast %div3A : f32 to vector<1x256xf32>
    %div3A_25 = arith.divf %broadcast_in_dim3A, %div3A_24 : vector<1x256xf32>
    %mul3A_26 = arith.mulf %add3A_22, %add3A_22 : vector<10000x256xf32>
    %reduce_sum3A_27 = arith.constant dense<0.000000e+00> : vector<256xf32>
    %reduce_sum3A_28 = vector.multi_reduction <add>, %mul3A_26, %reduce_sum3A_27 [0] : vector<10000x256xf32> to vector<256xf32>
    %broadcast_in_dim3A_29 = vector.shape_cast %reduce_sum3A_28 : vector<256xf32> to vector<1x256xf32>
    %div3A_30 = arith.constant 1.000000e+04 : f32
    %div3A_31 = vector.broadcast %div3A_30 : f32 to vector<1x256xf32>
    %div3A_32 = arith.divf %broadcast_in_dim3A_29, %div3A_31 : vector<1x256xf32>
    %mul3A_33 = arith.mulf %div3A_25, %div3A_25 : vector<1x256xf32>
    %sub3A = arith.subf %div3A_32, %mul3A_33 : vector<1x256xf32>
    %sub3A_34 = vector.broadcast %div3A_25 : vector<1x256xf32> to vector<10000x256xf32>
    %sub3A_35 = arith.subf %add3A_22, %sub3A_34 : vector<10000x256xf32>
    %add3A_36 = arith.constant 9.99999974E-6 : f32
    %add3A_37 = vector.broadcast %add3A_36 : f32 to vector<1x256xf32>
    %add3A_38 = arith.addf %sub3A, %add3A_37 : vector<1x256xf32>
    %rsqrt3A = math.rsqrt %add3A_38 : vector<1x256xf32>
    %mul3A_39 = vector.broadcast %rsqrt3A : vector<1x256xf32> to vector<10000x256xf32>
    %mul3A_40 = arith.mulf %sub3A_35, %mul3A_39 : vector<10000x256xf32>
    %get3A_41 = arith.constant 0 : index
    %get3A_42 = arith.constant 0 : index
    %get3A_43 = vector.load %arg5[%get3A_41, %get3A_42] : memref<1x256xf32, #tpu.memory_space<vmem>>, vector<1x256xf32>
    %mul3A_44 = vector.broadcast %get3A_43 : vector<1x256xf32> to vector<10000x256xf32>
    %mul3A_45 = arith.mulf %mul3A_40, %mul3A_44 : vector<10000x256xf32>
    %get3A_46 = arith.constant 0 : index
    %get3A_47 = arith.constant 0 : index
    %get3A_48 = vector.load %arg6[%get3A_46, %get3A_47] : memref<1x256xf32, #tpu.memory_space<vmem>>, vector<1x256xf32>
    %add3A_49 = vector.broadcast %get3A_48 : vector<1x256xf32> to vector<10000x256xf32>
    %add3A_50 = arith.addf %mul3A_45, %add3A_49 : vector<10000x256xf32>
    %max3A = arith.constant 0.000000e+00 : f32
    %max3A_51 = vector.broadcast %max3A : f32 to vector<10000x256xf32>
    %max3A_52 = arith.maximumf %add3A_50, %max3A_51 : vector<10000x256xf32>
    %convert_element_type3A_53 = arith.truncf %max3A_52 : vector<10000x256xf32> to vector<10000x256xbf16>
    %get3A_54 = arith.constant 0 : index
    %get3A_55 = arith.constant 0 : index
    %get3A_56 = vector.load %arg7[%get3A_54, %get3A_55] : memref<256x128xf32, #tpu.memory_space<vmem>>, vector<256x128xf32>
    %convert_element_type3A_57 = arith.truncf %get3A_56 : vector<256x128xf32> to vector<256x128xbf16>
    %dot_general3A_58 = arith.constant dense<0.000000e+00> : vector<10000x128xf32>
    %dot_general3A_59 = tpu.matmul %convert_element_type3A_53, %convert_element_type3A_57, %dot_general3A_58 {dimension_numbers = #tpu.dot_dimension_numbers<[1], [0], [0], [1], [0, 0, 1, 1], [], []>, transpose_lhs_hint = false} : vector<10000x256xbf16>, vector<256x128xbf16>, vector<10000x128xf32> -> vector<10000x128xf32>
    %get3A_60 = arith.constant 0 : index
    %get3A_61 = arith.constant 0 : index
    %get3A_62 = vector.load %arg8[%get3A_60, %get3A_61] : memref<1x128xf32, #tpu.memory_space<vmem>>, vector<1x128xf32>
    %add3A_63 = vector.broadcast %get3A_62 : vector<1x128xf32> to vector<10000x128xf32>
    %add3A_64 = arith.addf %dot_general3A_59, %add3A_63 : vector<10000x128xf32>
    %reduce_sum3A_65 = arith.constant dense<0.000000e+00> : vector<128xf32>
    %reduce_sum3A_66 = vector.multi_reduction <add>, %add3A_64, %reduce_sum3A_65 [0] : vector<10000x128xf32> to vector<128xf32>
    %broadcast_in_dim3A_67 = vector.shape_cast %reduce_sum3A_66 : vector<128xf32> to vector<1x128xf32>
    %div3A_68 = arith.constant 1.000000e+04 : f32
    %div3A_69 = vector.broadcast %div3A_68 : f32 to vector<1x128xf32>
    %div3A_70 = arith.divf %broadcast_in_dim3A_67, %div3A_69 : vector<1x128xf32>
    %mul3A_71 = arith.mulf %add3A_64, %add3A_64 : vector<10000x128xf32>
    %reduce_sum3A_72 = arith.constant dense<0.000000e+00> : vector<128xf32>
    %reduce_sum3A_73 = vector.multi_reduction <add>, %mul3A_71, %reduce_sum3A_72 [0] : vector<10000x128xf32> to vector<128xf32>
    %broadcast_in_dim3A_74 = vector.shape_cast %reduce_sum3A_73 : vector<128xf32> to vector<1x128xf32>
    %div3A_75 = arith.constant 1.000000e+04 : f32
    %div3A_76 = vector.broadcast %div3A_75 : f32 to vector<1x128xf32>
    %div3A_77 = arith.divf %broadcast_in_dim3A_74, %div3A_76 : vector<1x128xf32>
    %mul3A_78 = arith.mulf %div3A_70, %div3A_70 : vector<1x128xf32>
    %sub3A_79 = arith.subf %div3A_77, %mul3A_78 : vector<1x128xf32>
    %sub3A_80 = vector.broadcast %div3A_70 : vector<1x128xf32> to vector<10000x128xf32>
    %sub3A_81 = arith.subf %add3A_64, %sub3A_80 : vector<10000x128xf32>
    %add3A_82 = arith.constant 9.99999974E-6 : f32
    %add3A_83 = vector.broadcast %add3A_82 : f32 to vector<1x128xf32>
    %add3A_84 = arith.addf %sub3A_79, %add3A_83 : vector<1x128xf32>
    %rsqrt3A_85 = math.rsqrt %add3A_84 : vector<1x128xf32>
    %mul3A_86 = vector.broadcast %rsqrt3A_85 : vector<1x128xf32> to vector<10000x128xf32>
    %mul3A_87 = arith.mulf %sub3A_81, %mul3A_86 : vector<10000x128xf32>
    %get3A_88 = arith.constant 0 : index
    %get3A_89 = arith.constant 0 : index
    %get3A_90 = vector.load %arg9[%get3A_88, %get3A_89] : memref<1x128xf32, #tpu.memory_space<vmem>>, vector<1x128xf32>
    %mul3A_91 = vector.broadcast %get3A_90 : vector<1x128xf32> to vector<10000x128xf32>
    %mul3A_92 = arith.mulf %mul3A_87, %mul3A_91 : vector<10000x128xf32>
    %get3A_93 = arith.constant 0 : index
    %get3A_94 = arith.constant 0 : index
    %get3A_95 = vector.load %arg10[%get3A_93, %get3A_94] : memref<1x128xf32, #tpu.memory_space<vmem>>, vector<1x128xf32>
    %add3A_96 = vector.broadcast %get3A_95 : vector<1x128xf32> to vector<10000x128xf32>
    %add3A_97 = arith.addf %mul3A_92, %add3A_96 : vector<10000x128xf32>
    %swap3A = arith.constant 0 : index
    %swap3A_98 = arith.constant 0 : index
    %swap3A_99 = vector.load %arg12[%swap3A, %swap3A_98] : memref<10000x128xf32, #tpu.memory_space<vmem>>, vector<10000x128xf32>
    tpu.vector_store %arg12[%swap3A, %swap3A_98], %add3A_97 {strides = array<i32>} : memref<10000x128xf32, #tpu.memory_space<vmem>>, vector<10000x128xf32>,
    return
  }
}

</mosaic_0001>

<sc_bundles>
// kernel: kernel.11.cloned.1.call-start
scs
__scs_entry_jumppad:
0x0: {  	(pc) =	sbr.rel $0x88, $3  }
0x1: {  	(tag) =	ssettag $0x0;
	lr =	simm.s32 $0x1  }
0x2: {  	[smem:$0x3F93] =	sst lr;
	_ =	strace $0xD0000000  }
0x3: {  	_ = 	snop  }
0x4: {  	_ = 	snop  }
0x5: {  	_ = 	snop  }
0x6: {  	_ = 	snop  }
0x7: {  	_ = 	snop  }
__scs_overlays_trampoline_lowered:
0x8: {  	[smem:$0x3FA2] =	sst s0  }
0x9: {  	[smem:$0x3FA3] =	sst s1  }
0xa: {  	[smem:$0x3FA4] =	sst s2  }
0xb: {  	[smem:$0x3FA5] =	sst s3  }
0xc: {  	[smem:$0x3FA6] =	sst s4  }
0xd: {  	[smem:$0x3FA7] =	sst s5  }
0xe: {  	[smem:$0x3FA8] =	sst s6  }
0xf: {  	[smem:$0x3FA9] =	sst s7  }
0x10: {  	[smem:$0x3FAA] =	sst s8  }
0x11: {  	[smem:$0x3FAB] =	sst s9;
	s0 =	simm.s32 @!p0 $0x0  }
0x12: {  	s1 =	sld [smem:$0x3F91];
	s0 =	simm.s32 @p0 $0x1  }
0x13: {  	[smem:$0x3FAC] =	sst s0;
	s0 =	simm.s32 @!p1 $0x0  }
0x14: {  	s2 =	sld [smem:$0x3F90];
	s0 =	simm.s32 @p1 $0x1  }
0x15: {  	[smem:$0x3FAD] =	sst s0;
	s0 =	simm.s32 @!p2 $0x0  }
0x16: {  	s3 =	sld [smem:$0x3FDB];
	s0 =	simm.s32 @p2 $0x1  }
0x17: {  	s4 =	simm.s32 $0x1BF5;
	[smem:$0x3FAF] =	sst s0  }
0x18: {  	s0 =	sld [smem:$0x3F92];
	_ =	swait.ge [sflag:s4], $0x0  }
0x19: {  	s7 =	sld [smem:$0x3F93]  }
0x1a: {  	s8 =	sadd.s32 $0xFFFFE003, lr  }
0x1b: {  	s9 =	sadd.s32 $0xFFFFFEF7, lr;
	s5 =	simm.s32 $0xFFFFFFFF;
	p2 =	slt.u32 s8, $0xFFFFF086  }
0x1c: {  	p1 =	slt.u32 s9, $0xF7A;
	s5 =	simm.s32 @!p2 $0x0  }
0x1d: {  	s5 =	simm.s32 @p1 $0x1;
	p0 =	seq.s32 s7, s2  }
0x1e: {  	s7 =	smul.u32 @!p0 $0xF7A, s2;
	p2 =	seq.s32 @!p0 s5, $0x0  }
0x1f: {  	s9 =	smul.u32 $0xF7A, s1;
	s8 =	simm.s32 @!p0 $0x1BF5;
	p2 =	por !p2, p0  }
0x20: {  	[sflag:s8] =	ssyncset.s32 @!p0 $0xFFFFF086;
	s6 =	sadd.s32 @!p0 s3, s7;
	s7 =	simm.s32 @!p0 $0x108  }
0x21: {  	s3 =	sadd.s32 s3, s9;
	s6 =	sadd.s32 @!p0 $0x88, s6;
	s7 =	simm.s32 @p2 $0x1082  }
0x22: {  	[simem:s7], [sflag:s8] =	dma.local @!p0 [hbm:s6], $0xF7A  }
0x23: {  	s9 =	sor.u32 $0xD0000000, s2;
	s6 =	simm.s32 $0x108;
	_ =	swait.ge @!p0 [sflag:s8], $0x0  }
0x24: {  	s3 =	sadd.s32 $0x88, s3;
	s6 =	simm.s32 @!p1 $0x1082;
	[sflag:s4] =	ssyncset.s32 $0xFFFFF086  }
0x25: {  	[simem:s6], [sflag:s4] =	dma.local [hbm:s3], $0xF7A  }
0x26: {  	[smem:$0x3F93] =	sst s1;
	(tag) =	ssettag s2;
	_ =	strace s9  }
0x27: {  	s1 =	sld [smem:$0x3FA3]  }
0x28: {  	s2 =	sld [smem:$0x3FA4]  }
0x29: {  	s4 =	sld [smem:$0x3FA6]  }
0x2a: {  	p0 =	seq.s32 s5, $0x0;
	s5 =	sld [smem:$0x3FA7]  }
0x2b: {  	s6 =	sld [smem:$0x3FA8]  }
0x2c: {  	s7 =	sld [smem:$0x3FA9]  }
0x2d: {  	s3 =	simm.s32 $0x108;
	s8 =	sld [smem:$0x3FAA]  }
0x2e: {  	s3 =	simm.s32 @!p0 $0x1082;
	s9 =	sld [smem:$0x3FAB]  }
0x2f: {  	lr =	sadd.s32 s0, s3;
	s0 =	sld [smem:$0x3FA2]  }
0x30: {  	s3 =	sld [smem:$0x3FA5]  }
0x31: {  	[smem:$0x3FAE] =	sst s10  }
0x32: {  	s10 =	sld [smem:$0x3FAC];
	_ =	sdelay $0x3  }
0x33: {  	p0 =	seq.s32 s10, $0x1;
	s10 =	sld [smem:$0x3FAE];
	_ =	sdelay $0x3  }
0x34: {  	[smem:$0x3FAE] =	sst s10  }
0x35: {  	s10 =	sld [smem:$0x3FAD];
	_ =	sdelay $0x3  }
0x36: {  	p1 =	seq.s32 s10, $0x1;
	s10 =	sld [smem:$0x3FAE];
	_ =	sdelay $0x3  }
0x37: {  	[smem:$0x3FAE] =	sst s10  }
0x38: {  	s10 =	sld [smem:$0x3FAF]  }
0x39: {  	_ = 	snop;
	(pc) =	sbr.ind lr, $3  }
0x3a: {  	_ = 	snop  }
0x3b: {  	_ = 	snop  }
0x3c: {  	p2 =	seq.s32 s10, $0x1;
	s10 =	sld [smem:$0x3FAE]  }
0x3d: {  	_ =	shalt  }
0x3e: {  	_ =	shalt  }
0x3f: {  	_ =	shalt  }
0x40: {  	_ =	shalt  }
0x41: {  	_ =	shalt  }
0x42: {  	_ =	shalt  }
0x43: {  	_ =	shalt  }
0x44: {  	_ =	shalt  }
0x45: {  	_ =	shalt  }
0x46: {  	_ =	shalt  }
0x47: {  	_ =	shalt  }
0x48: {  	_ =	shalt  }
0x49: {  	_ =	shalt  }
0x4a: {  	_ =	shalt  }
0x4b: {  	_ =	shalt  }
0x4c: {  	_ =	shalt  }
0x4d: {  	_ =	shalt  }
0x4e: {  	_ =	shalt  }
0x4f: {  	_ =	shalt  }
0x50: {  	_ =	shalt  }
0x51: {  	_ =	shalt  }
0x52: {  	_ =	shalt  }
0x53: {  	_ =	shalt  }
0x54: {  	_ =	shalt  }
0x55: {  	_ =	shalt  }
0x56: {  	_ =	shalt  }
0x57: {  	_ =	shalt  }
0x58: {  	_ =	shalt  }
0x59: {  	_ =	shalt  }
0x5a: {  	_ =	shalt  }
0x5b: {  	_ =	shalt  }
0x5c: {  	_ =	shalt  }
0x5d: {  	_ =	shalt  }
0x5e: {  	_ =	shalt  }
0x5f: {  	_ =	shalt  }
0x60: {  	_ =	shalt  }
0x61: {  	_ =	shalt  }
0x62: {  	_ =	shalt  }
0x63: {  	_ =	shalt  }
0x64: {  	_ =	shalt  }
0x65: {  	_ =	shalt  }
0x66: {  	_ =	shalt  }
0x67: {  	_ =	shalt  }
0x68: {  	_ =	shalt  }
0x69: {  	_ =	shalt  }
0x6a: {  	_ =	shalt  }
0x6b: {  	_ =	shalt  }
0x6c: {  	_ =	shalt  }
0x6d: {  	_ =	shalt  }
0x6e: {  	_ =	shalt  }
0x6f: {  	_ =	shalt  }
0x70: {  	_ =	shalt  }
0x71: {  	_ =	shalt  }
0x72: {  	_ =	shalt  }
0x73: {  	_ =	shalt  }
0x74: {  	_ =	shalt  }
0x75: {  	_ =	shalt  }
0x76: {  	_ =	shalt  }
0x77: {  	_ =	shalt  }
0x78: {  	_ =	shalt  }
0x79: {  	_ =	shalt  }
0x7a: {  	_ =	shalt  }
0x7b: {  	_ =	shalt  }
0x7c: {  	_ =	shalt  }
0x7d: {  	_ =	shalt  }
0x7e: {  	_ =	shalt  }
0x7f: {  	_ =	shalt  }
0x80: {  	_ =	shalt  }
0x81: {  	_ =	shalt  }
0x82: {  	_ =	shalt  }
0x83: {  	_ =	shalt  }
0x84: {  	_ =	shalt  }
0x85: {  	_ =	shalt  }
0x86: {  	_ =	shalt  }
0x87: {  	_ =	shalt  }
.Lfunc_end0:
.L_simem_size_0:
called_computation_lowered:
.L_overlay_start_0:
0x88: {  	s2 =	sld [smem:$0x3FD9]  }
0x89: {  	s3 =	sld [smem:$0x3FFE];
	_ =	sdelay $0x1  }
0x8a: {  	s1 =	srdreg.scid  }
0x8b: {  	s0 =	sand.u32 $0x1, s1  }
0x8c: {  	s16 =	sshll.u32 s0, $0xA;
	s2 =	sadd.s32 s3, s2  }
0x8d: {  	s2 =	sadd.s32 s2, s16  }
0x8e: {  	[smem:$0x3FBA] =	sst s2  }
0x8f: {  	_ = 	snop  }
0x90: {  	(tm) =	ssettm $0x1  }
0x91: {  	s17 =	sld [smem:$0x3FFB];
	_ =	sdelay $0x3  }
0x92: {  	_ =	strace s17  }
0x93: {  	s2 =	sld [smem:$0x3FFC];
	_ =	sdelay $0x3  }
0x94: {  	_ =	strace s2  }
0x95: {  	s2 =	sld [smem:$0x3FFD];
	_ =	sdelay $0x3  }
0x96: {  	_ =	strace s2  }
0x97: {  	_ =	strace $0x8FFFFFFF  }
0x98: {  	s18 =	sld [smem:$0x3FDB];
	_ =	sdelay $0x1  }
0x99: {  	s19 =	simm.s32 $_scs_section_size  }
0x9a: {  	s4 =	simm.s32 $_size__tile_overlayer_lowered;
	s5 =	simm.s32 $_tile_overlayer_lowered  }
0x9b: {  	s22 =	simm.s32 $0x1BFF;
	s21 =	sshll.u32 s5, $0x1;
	s2 =	sadd.s32 s19, s18  }
0x9c: {  	s6 =	simm.s32 $0x0;
	s20 =	sshll.u32 s4, $0x1;
	s4 =	sadd.s32 s21, s2  }
0x9d: {  	[timem:s6], [sflag:s22] =	dma.local [hbm:s4], s20  }
0x9e: {  	_ =	swait.ge [sflag:s22], s20  }
0x9f: {  	s3 =	ssub.s32 $0x0, s20;
	[sflag:s22] =	ssyncset.done $0x0  }
0xa0: {  	[sflag:s22] =	ssyncadd.s32 s3;
	_ =	sdelay $0x1  }
0xa1: {  	s23 =	simm.s32 $0x1B8B  }
0xa2: {  	_ =	swait.ge [sflag:s23], $0x1  }
0xa3: {  	[sflag:s23] =	ssyncset.done $0x0  }
0xa4: {  	s25 =	simm.s32 $0x1B8E;
	s24 =	sld [smem:$0x3FFE];
	[sflag:s23] =	ssyncadd.s32 $0xFFFFFFFF  }
0xa5: {  	s26 =	simm.s32 $execute0_lowered;
	[smem:$0x3FD2] =	sst s25  }
0xa6: {  	s4 =	sshll.u32 s26, $0x1;
	_ =	strace $0x80000046;
	[dreg:$0x1] =	wrdreg $0xFFFFFFFF  }
0xa7: {  	s28 =	simm.s32 $_size_execute0_lowered;
	s2 =	sadd.s32 s2, s4;
	[dreg:$0x0] =	wrdreg $0x0  }
0xa8: {  	s4 =	sshll.u32 s28, $0x1;
	[dreg:$0x2] =	wrdreg s2  }
0xa9: {  	[dreg:$0x3] =	wrdreg s4  }
0xaa: {  	[dreg:$0x4] =	wrdreg $0xC0  }
0xab: {  	_ =	task [dreg:s6], $0x5FFFF  }
0xac: {  	[dreg:$0x1] =	wrdreg $0xFFFFFFFF  }
0xad: {  	[dreg:$0x0] =	wrdreg $0x60  }
0xae: {  	[dreg:$0x2] =	wrdreg s24  }
0xaf: {  	[dreg:$0x3] =	wrdreg $0xB2200  }
0xb0: {  	[dreg:$0x4] =	wrdreg $0x9  }
0xb1: {  	_ =	task.clear_ibuf [dreg:s6], $0x5FFFF;
	_ =	strace $0x90000046  }
0xb2: {  	s29 =	simm.s32 $0x9;
	_ =	strace $0x80000048  }
0xb3: {  	_ =	swait.ge [sflag:s29], $0x1  }
0xb4: {  	[sflag:s29] =	ssyncadd.s32 $0xFFFFFFFF  }
0xb5: {  	_ =	strace $0x90000048  }
0xb6: {  	_ =	sfence  }
0xb7: {  	s30 =	sld [smem:$0x0];
	_ =	sdelay $0x2  }
0xb8: {  	s31 =	sshll.u32 s1, $0xD;
	s1 =	sshrl.u32 s1, $0x2  }
0xb9: {  	s3 =	sand.u32 $0x4000, s31;
	s1 =	sadd.s32 s1, s30  }
0xba: {  	s0 =	sor.u32 s3, s0;
	s1 =	sshll.u32 s1, $0x11  }
0xbb: {  	s0 =	sor.u32 s1, s0  }
0xbc: {  	s0 =	sadd.s32 $0x8F2B, s0  }
0xbd: {  	[sflag:s0] =	ssyncadd.remote.s32 $0x1  }
0xbe: {  	_ =	sfence.sel $0xFFFF  }
0xbf: {  	[dreg:$0x0] =	wrdreg $0xFFFFFFFF;
	(pc) =	sbr.abs _section_cstart, $3  }
0xc0: {  	[dreg:$0x1] =	wrdreg $0xFFFFFFFF  }
0xc1: {  	_ =	task.clear_ibuf [dreg:s6], $0x2FFFF;
	_ =	strace $0x9FFFFFFF  }
0xc2: {  	(tm) =	ssettm $0x7FFFFFFF  }
0xc3: {  	_ =	shalt  }
tec
execute0_lowered:
.L_overlay_start_1:
0x0: {  	(tag) =	ssettag $0x1  }
0x1: {  	s0 =	rddreg [dreg:$0x0]  }
0x2: {  	s2 =	rddreg [dreg:$0x1]  }
0x3: {  	s3 =	simm.s32 $0x0;
	s9 =	stileid.u32;
	s4 =	srdreg.scid  }
0x4: {  	s28 =	simm.s32 $0x5;
	s29 =	simm.s32 $0x40;
	s30 =	simm.s32 $0x80  }
0x5: {  	s31 =	simm.s32 $0x8020;
	[smem:$0x7FF] =	sst s3;
	s1 =	smul.u32 $0x4E20, s9  }
0x6: {  	s11 =	sand.u32 $0x1, s4;
	s12 =	smul.u32 $0x9E00, s9;
	s4 =	sadd.s32 $0x4F4200, s0  }
0x7: {  	s18 =	smul.u32 $0x271000, s9;
	_ =	strace $0x80000047;
	s5 =	ssub.s32 $0x2, s11  }
0x8: {  	s19 =	sshll.u32 s11, $0x6;
	s22 =	smul.u32 $0x9E000, s11;
	s1 =	sshrl.u32 s1, $0x3  }
0x9: {  	s6 =	sshrl.u32 s5, $0x1;
	s14 =	sadd.s32 $0x1900, s12;
	s15 =	sadd.s32 $0x3200, s12  }
0xa: {  	s16 =	sadd.s32 $0x4B00, s12;
	s17 =	sadd.s32 $0x6400, s12;
	s20 =	sadd.s32 $0x7D00, s12  }
0xb: {  	s21 =	sadd.s32 $0x9600, s12;
	s24 =	sor.u32 s19, s18;
	s1 =	sadd.s32 s1, s0  }
0xc: {  	s0 =	sadd.s32 $0x9D6200, s0;
	s13 =	ssub.s32 s5, s6;
	s5 =	sadd.s32 s12, s2  }
0xd: {  	s6 =	sadd.s32 s14, s2;
	s7 =	sadd.s32 s15, s2;
	s8 =	sadd.s32 s16, s2  }
0xe: {  	s9 =	sadd.s32 s17, s2;
	s10 =	sadd.s32 s20, s2;
	s11 =	sadd.s32 s21, s2  }
0xf: {  	s25 =	sshrl.u32 s24, $0x3;
	s26 =	sadd.s32 $0x6400, s24;
	s12 =	sadd.s32 s12, s22  }
0x10: {  	s14 =	sadd.s32 s22, s14;
	s15 =	sadd.s32 s22, s15;
	s16 =	sadd.s32 s22, s16  }
0x11: {  	s17 =	sadd.s32 s22, s17;
	s20 =	sadd.s32 s22, s20;
	s23 =	sadd.s32 s22, s21  }
0x12: {  	s1 =	sadd.s32 $0x4EA000, s1;
	s12 =	sshrl.u32 s12, $0x3;
	s14 =	sshrl.u32 s14, $0x3  }
0x13: {  	s19 =	sshrl.u32 s17, $0x3;
	s22 =	smax.u32 s13, $0x1;
	s13 =	simm.s32 $0x4  }
0x14: {  	[dreg:$0x3] =	wrdreg s1;
	s1 =	sadd.s32 s4, s25;
	s12 =	sadd.s32 s0, s12  }
0x15: {  	s19 =	sadd.s32 s0, s19;
	s25 =	sadd.s32 $0x12C00, s24;
	[dreg:$0x4] =	wrdreg s1  }
0x16: {  	s24 =	sadd.s32 $0xC800, s24;
	s1 =	sshrl.u32 s26, $0x3;
	[dreg:$0x6] =	wrdreg s12  }
0x17: {  	s12 =	sshrl.u32 s16, $0x3;
	s26 =	sshrl.u32 s25, $0x3;
	s25 =	simm.s32 $0x4E20  }
0x18: {  	s1 =	sadd.s32 s4, s1;
	s18 =	sadd.s32 s0, s12;
	s12 =	sshrl.u32 s23, $0x3  }
0x19: {  	s23 =	sadd.s32 s26, s4;
	[dreg:$0x5] =	wrdreg s1;
	s1 =	sadd.s32 s0, s14  }
0x1a: {  	s26 =	simm.s32 $0x1;
	[dreg:$0x7] =	wrdreg s1;
	s1 =	sshrl.u32 s15, $0x3  }
0x1b: {  	[dreg:$0x9] =	wrdreg s18;
	s21 =	sadd.s32 s0, s12;
	s1 =	sadd.s32 s0, s1  }
0x1c: {  	s12 =	simm.s32 $0x3;
	[dreg:$0x8] =	wrdreg s1;
	s1 =	sshrl.u32 s20, $0x3  }
0x1d: {  	v0 =	vimm.f32 $0.0e+00;
	s20 =	sadd.s32 s0, s1;
	s0 =	simm.s32 $0xC8;
	s1 =	simm.s32 $0x2  }
.LBB2_1:
0x1e: {  	s15 =	simm.s32 $0x100;
	s14 =	simm.s32 $0x0  }
.LBB2_2:
0x1f: {  	p0 =	sne.s32 s15, $0x6300;
	[tilespmem:s14+$0x4E50] =	vst v0;
	s16 =	smov.u32 s15;
	s15 =	sadd.s32 $0x100, s15  }
.Ltmp0:
0x20: {  	[tilespmem:s14+$0x4E40] =	vst v0;
	(pc) =	sbr.rel @p0 .LBB2_2-.Ltmp0, $3  }
0x21: {  	[tilespmem:s14+$0x4E20] =	vst v0  }
0x22: {  	[tilespmem:s14+$0x4E30] =	vst v0;
	_ =	sdelay $0x1  }
0x23: {  	s14 =	sshra.s32 s16, $0x2  }
0x24: {  	[tilespmem:s14+$0x4E50] =	vst v0  }
0x25: {  	[tilespmem:s14+$0x4E40] =	vst v0  }
0x26: {  	[tilespmem:s14+$0x4E20] =	vst v0  }
0x27: {  	[tilespmem:s14+$0x4E30] =	vst v0  }
0x28: {  	[spmem:s5] =	stream.linear.scatter [tilespmem:s25], [sflag:$0x1], $0x1900, $0x38;
	[tilespmem:$0x15020] =	vst v63  }
0x29: {  	_ = 	snop  }
0x2a: {  	[spmem:s6] =	stream.linear.scatter [tilespmem:s25], [sflag:$0x1], $0x1900, $0x38;
	[tilespmem:$0x15020] =	vst v63  }
0x2b: {  	_ = 	snop  }
0x2c: {  	[spmem:s7] =	stream.linear.scatter [tilespmem:s25], [sflag:$0x1], $0x1900, $0x38;
	[tilespmem:$0x15020] =	vst v63  }
0x2d: {  	_ = 	snop  }
0x2e: {  	[spmem:s8] =	stream.linear.scatter [tilespmem:s25], [sflag:$0x1], $0x1900, $0x38;
	[tilespmem:$0x15020] =	vst v63  }
0x2f: {  	_ = 	snop  }
0x30: {  	[spmem:s9] =	stream.linear.scatter [tilespmem:s25], [sflag:$0x1], $0x1900, $0x38;
	[tilespmem:$0x15020] =	vst v63  }
0x31: {  	_ = 	snop  }
0x32: {  	[spmem:s10] =	stream.linear.scatter [tilespmem:s25], [sflag:$0x1], $0x1900, $0x38;
	[tilespmem:$0x15020] =	vst v63  }
0x33: {  	_ = 	snop  }
0x34: {  	[spmem:s11] =	stream.linear.scatter [tilespmem:s25], [sflag:$0x1], $0x800, $0x38;
	[tilespmem:$0x15020] =	vst v63  }
0x35: {  	_ =	swait.ge [sflag:s26], $0x1900  }
0x36: {  	[sflag:s26] =	ssyncset.done $0x0  }
0x37: {  	[sflag:s26] =	ssyncadd.s32 $0xFFFFE700  }
0x38: {  	_ =	swait.ge [sflag:s26], $0x1900  }
0x39: {  	[sflag:s26] =	ssyncset.done $0x0  }
0x3a: {  	[sflag:s26] =	ssyncadd.s32 $0xFFFFE700  }
0x3b: {  	_ =	swait.ge [sflag:s26], $0x1900  }
0x3c: {  	[sflag:s26] =	ssyncset.done $0x0  }
0x3d: {  	[sflag:s26] =	ssyncadd.s32 $0xFFFFE700  }
0x3e: {  	_ =	swait.ge [sflag:s26], $0x1900  }
0x3f: {  	[sflag:s26] =	ssyncset.done $0x0  }
0x40: {  	[sflag:s26] =	ssyncadd.s32 $0xFFFFE700  }
0x41: {  	_ =	swait.ge [sflag:s26], $0x1900  }
0x42: {  	[sflag:s26] =	ssyncset.done $0x0  }
0x43: {  	[sflag:s26] =	ssyncadd.s32 $0xFFFFE700  }
0x44: {  	_ =	swait.ge [sflag:s26], $0x1900  }
0x45: {  	[sflag:s26] =	ssyncset.done $0x0  }
0x46: {  	[sflag:s26] =	ssyncadd.s32 $0xFFFFE700  }
0x47: {  	_ =	swait.ge [sflag:s26], $0x800  }
0x48: {  	[sflag:s26] =	ssyncset.done $0x0  }
0x49: {  	s17 =	simm.s32 $0x0;
	s15 =	rddreg [dreg:$0x3];
	[sflag:s26] =	ssyncadd.s32 $0xFFFFF800  }
0x4a: {  	[tilespmem:s17], [sflag:$0x5] =	stream.linear.gather [hbm4b:s15+s17], $0x4E20, $0x38;
	[tilespmem:$0x15020] =	vst v63  }
0x4b: {  	_ =	swait.ge [sflag:s28], $0x4E20  }
0x4c: {  	[sflag:s28] =	ssyncset.done $0x0  }
0x4d: {  	[sflag:s28] =	ssyncadd.s32 $0xFFFFB1E0  }
0x4e: {  	[bflag:$0x0] =	sbarrier.arrive $0xFFFF  }
0x4f: {  	s18 =	rddreg [dreg:$0x4]  }
0x50: {  	[tilespmem:s25], [sflag:$0x1] =	stream.strided.gather [hbm4b:s18+s29], $0x3200, s30, s29, $0x38;
	[tilespmem:$0x15020] =	vst v63  }
0x51: {  	s15 =	rddreg [dreg:$0x5]  }
0x52: {  	[tilespmem:s31], [sflag:$0x2] =	stream.strided.gather [hbm4b:s15+s29], $0x3200, s30, s29, $0x38;
	[tilespmem:$0x15020] =	vst v63  }
0x53: {  	_ =	swait.ge [sflag:s26], $0x3200  }
0x54: {  	[sflag:s26] =	ssyncset.done $0x0  }
0x55: {  	s16 =	simm.s32 $0x0;
	[sflag:s26] =	ssyncadd.s32 $0xFFFFCE00  }
0x56: {  	[spmem:s2] =	stream.indirect.scatter.add.f32 [tilespmem:s25], [sflag:$0x3], $0x40, s16, s0, $0xb8;
	[tilespmem:$0x15020] =	vst v63  }
0x57: {  	_ =	swait.ge [sflag:s1], $0x3200  }
0x58: {  	[sflag:s1] =	ssyncset.done $0x0  }
0x59: {  	s17 =	simm.s32 $0xC8;
	[sflag:s1] =	ssyncadd.s32 $0xFFFFCE00  }
0x5a: {  	[spmem:s2] =	stream.indirect.scatter.add.f32 [tilespmem:s31], [sflag:$0x4], $0x40, s17, s0, $0xb8;
	[tilespmem:$0x15020] =	vst v63  }
0x5b: {  	_ =	swait.ge [sflag:s12], $0x3200  }
0x5c: {  	s18 =	sshrl.u32 s24, $0x3;
	[sflag:s12] =	ssyncset.done $0x0  }
0x5d: {  	s14 =	sadd.s32 s4, s18;
	[sflag:s12] =	ssyncadd.s32 $0xFFFFCE00  }
0x5e: {  	[tilespmem:s25], [sflag:$0x1] =	stream.strided.gather [hbm4b:s14+s29], $0x3200, s30, s29, $0x38;
	[tilespmem:$0x15020] =	vst v63  }
0x5f: {  	_ =	swait.ge [sflag:s13], $0x3200  }
0x60: {  	s15 =	sadd.s32 $0xC800, s24;
	s16 =	simm.s32 $0x258;
	[sflag:s13] =	ssyncset.done $0x0  }
0x61: {  	s17 =	sadd.s32 $0x0, s23;
	s14 =	simm.s32 $0x1900;
	[sflag:s13] =	ssyncadd.s32 $0xFFFFCE00  }
.LBB2_4:
0x62: {  	[tilespmem:s31], [sflag:$0x2] =	stream.strided.gather [hbm4b:s17+s29], $0x3200, s30, s29, $0x38;
	[tilespmem:$0x15020] =	vst v63  }
0x63: {  	s17 =	smov.u32 s14  }
0x64: {  	p0 =	sne.s32 s14, $0x4B000;
	s14 =	sadd.s32 $0x1900, s14;
	_ =	swait.ge [sflag:s26], $0x3200  }
0x65: {  	[sflag:s26] =	ssyncset.done $0x0  }
0x66: {  	s18 =	sadd.s32 $0xFFFFFF38, s16;
	[sflag:s26] =	ssyncadd.s32 $0xFFFFCE00  }
0x67: {  	[spmem:s2] =	stream.indirect.scatter.add.f32 [tilespmem:s25], [sflag:$0x3], $0x40, s18, s0, $0xb8;
	[tilespmem:$0x15020] =	vst v63  }
0x68: {  	_ =	swait.ge [sflag:s1], $0x3200  }
0x69: {  	[sflag:s1] =	ssyncset.done $0x0  }
0x6a: {  	[sflag:s1] =	ssyncadd.s32 $0xFFFFCE00  }
0x6b: {  	[spmem:s2] =	stream.indirect.scatter.add.f32 [tilespmem:s31], [sflag:$0x4], $0x40, s16, s0, $0xb8;
	[tilespmem:$0x15020] =	vst v63  }
0x6c: {  	_ =	swait.ge [sflag:s12], $0x3200  }
0x6d: {  	s18 =	sshrl.u32 s15, $0x3;
	[sflag:s12] =	ssyncset.done $0x0  }
.Ltmp1:
0x6e: {  	s18 =	sadd.s32 s4, s18;
	[sflag:s12] =	ssyncadd.s32 $0xFFFFCE00;
	(pc) =	sbr.rel @p0 .LBB2_4-.Ltmp1, $4  }
0x6f: {  	[tilespmem:s25], [sflag:$0x1] =	stream.strided.gather [hbm4b:s18+s29], $0x3200, s30, s29, $0x38;
	[tilespmem:$0x15020] =	vst v63  }
0x70: {  	_ =	swait.ge [sflag:s13], $0x3200  }
0x71: {  	s15 =	sadd.s32 $0xC800, s15;
	[sflag:s13] =	ssyncset.done $0x0  }
0x72: {  	s17 =	sadd.s32 s17, s23;
	s16 =	sadd.s32 $0x190, s16;
	[sflag:s13] =	ssyncadd.s32 $0xFFFFCE00  }
0x73: {  	[tilespmem:s31], [sflag:$0x2] =	stream.strided.gather [hbm4b:s17+s29], $0x3200, s30, s29, $0x38;
	[tilespmem:$0x15020] =	vst v63  }
0x74: {  	_ =	swait.ge [sflag:s26], $0x3200  }
0x75: {  	[sflag:s26] =	ssyncset.done $0x0  }
0x76: {  	s14 =	simm.s32 $0x4C90;
	[sflag:s26] =	ssyncadd.s32 $0xFFFFCE00  }
0x77: {  	[spmem:s2] =	stream.indirect.scatter.add.f32 [tilespmem:s25], [sflag:$0x3], $0x40, s14, s0, $0xb8;
	[tilespmem:$0x15020] =	vst v63  }
0x78: {  	_ =	swait.ge [sflag:s1], $0x3200  }
0x79: {  	[sflag:s1] =	ssyncset.done $0x0  }
0x7a: {  	s16 =	simm.s32 $0x4D58;
	[sflag:s1] =	ssyncadd.s32 $0xFFFFCE00  }
0x7b: {  	[spmem:s2] =	stream.indirect.scatter.add.f32 [tilespmem:s31], [sflag:$0x4], $0x40, s16, s0, $0xb8;
	[tilespmem:$0x15020] =	vst v63  }
0x7c: {  	_ =	swait.ge [sflag:s12], $0x3200  }
0x7d: {  	[sflag:s12] =	ssyncset.done $0x0  }
0x7e: {  	[sflag:s12] =	ssyncadd.s32 $0xFFFFCE00  }
0x7f: {  	_ =	swait.ge [sflag:s13], $0x3200  }
0x80: {  	[sflag:s13] =	ssyncset.done $0x0  }
0x81: {  	s17 =	stileid.u32;
	[sflag:s13] =	ssyncadd.s32 $0xFFFFCE00  }
0x82: {  	s14 =	sshll.u32 s17, $0x6;
	[bflag:$0x0] =	sbarrier.arrive $0xFFFF  }
0x83: {  	s15 =	sshrl.u32 s5, $0x3;
	s14 =	sor.u32 $0x1C01, s14;
	s16 =	rddreg [dreg:$0x6]  }
0x84: {  	[hbm:s16], [sflag:s14] =	dma.local [spmem:s15], $0x320  }
0x85: {  	s18 =	sshrl.u32 s6, $0x3;
	s16 =	rddreg [dreg:$0x7]  }
0x86: {  	[hbm:s16], [sflag:s14] =	dma.local [spmem:s18], $0x320  }
0x87: {  	s17 =	sshrl.u32 s7, $0x3;
	s16 =	rddreg [dreg:$0x8]  }
0x88: {  	[hbm:s16], [sflag:s14] =	dma.local [spmem:s17], $0x320  }
0x89: {  	s18 =	sshrl.u32 s8, $0x3;
	s16 =	rddreg [dreg:$0x9]  }
0x8a: {  	[hbm:s16], [sflag:s14] =	dma.local [spmem:s18], $0x320  }
0x8b: {  	s17 =	sshrl.u32 s10, $0x3;
	s16 =	sshrl.u32 s9, $0x3;
	s18 =	sshrl.u32 s11, $0x3  }
0x8c: {  	[hbm:s19], [sflag:s14] =	dma.local [spmem:s16], $0x320  }
0x8d: {  	[hbm:s20], [sflag:s14] =	dma.local [spmem:s17], $0x320  }
0x8e: {  	[hbm:s21], [sflag:s14] =	dma.local [spmem:s18], $0x100  }
0x8f: {  	_ =	swait.ge [sflag:s26], $0x320  }
0x90: {  	[sflag:s26] =	ssyncset.done $0x0  }
0x91: {  	[sflag:s26] =	ssyncadd.s32 $0xFFFFFCE0  }
0x92: {  	_ =	swait.ge [sflag:s26], $0x320  }
0x93: {  	[sflag:s26] =	ssyncset.done $0x0  }
0x94: {  	[sflag:s26] =	ssyncadd.s32 $0xFFFFFCE0  }
0x95: {  	_ =	swait.ge [sflag:s26], $0x320  }
0x96: {  	[sflag:s26] =	ssyncset.done $0x0  }
0x97: {  	[sflag:s26] =	ssyncadd.s32 $0xFFFFFCE0  }
0x98: {  	_ =	swait.ge [sflag:s26], $0x320  }
0x99: {  	[sflag:s26] =	ssyncset.done $0x0  }
0x9a: {  	[sflag:s26] =	ssyncadd.s32 $0xFFFFFCE0  }
0x9b: {  	_ =	swait.ge [sflag:s26], $0x320  }
0x9c: {  	[sflag:s26] =	ssyncset.done $0x0  }
0x9d: {  	s3 =	sadd.s32 $0x1, s3;
	[sflag:s26] =	ssyncadd.s32 $0xFFFFFCE0  }
0x9e: {  	p0 =	sne.s32 s3, s22;
	_ =	swait.ge [sflag:s26], $0x320  }
.Ltmp2:
0x9f: {  	[sflag:s26] =	ssyncset.done $0x0;
	(pc) =	sbr.rel @p0 .LBB2_1-.Ltmp2, $4  }
0xa0: {  	[sflag:s26] =	ssyncadd.s32 $0xFFFFFCE0  }
0xa1: {  	_ =	swait.ge [sflag:s26], $0x100  }
0xa2: {  	[sflag:s26] =	ssyncset.done $0x0  }
0xa3: {  	[sflag:s26] =	ssyncadd.s32 $0xFFFFFF00  }
0xa4: {  	_ =	sfence.sel $0x180000  }
0xa5: {  	[bflag:$0x0] =	sbarrier.arrive $0xFFFF  }
0xa6: {  	_ =	strace $0x90000047  }
0xa7: {  	s0 =	stileid.u32;
	[bflag:$0x2] =	sbarrier.arrive $0xFFFF  }
0xa8: {  	p0 =	sne.s32 s0, $0x0;
	s0 =	rddreg [dreg:$0x2]  }
0xa9: {  	s0 =	sadd.s32 @!p0 $0x100000, s0  }
0xaa: {  	[sflag:s0] =	ssyncadd.tile.s32 @!p0 $0x1;
	_ =	shalt  }
.Lfunc_end2:
_tile_overlayer_lowered:
.L_overlay_start_2:
0xab: {  	(tag) =	ssettag $0x2  }
0xac: {  	s0 =	rddreg [dreg:$0x0];
	s2 =	stileid.u32  }
0xad: {  	s1 =	rddreg [dreg:$0x1];
	p0 =	sne.s32 s2, $0x0  }
0xae: {  	s3 =	rddreg [dreg:$0x2];
	[bflag:$0x3] =	sbarrier.arrive $0xFFFF;
	s2 =	simm.s32 @!p0 $0x1C05  }
0xaf: {  	[timem:s3], [sflag:s2] =	dma.local @!p0 [hbm:s0], s1  }
0xb0: {  	s0 =	simm.s32 @!p0 $0x5  }
0xb1: {  	_ =	swait.ge @!p0 [sflag:s0], s1  }
0xb2: {  	s1 =	ssub.s32 @!p0 $0x0, s1;
	[sflag:s0] =	ssyncset.done @!p0 $0x0  }
0xb3: {  	[sflag:s0] =	ssyncadd.s32 @!p0 s1  }
0xb4: {  	[bflag:$0x3] =	sbarrier.arrive $0xFFFF  }
0xb5: {  	_ =	shalt  }

// kernel: kernel.14.cloned.1.call-start
scs
__scs_entry_jumppad:
0x0: {  	(pc) =	sbr.rel $0x88, $3  }
0x1: {  	(tag) =	ssettag $0x0;
	lr =	simm.s32 $0x1  }
0x2: {  	[smem:$0x3F93] =	sst lr;
	_ =	strace $0xD0000000  }
0x3: {  	_ = 	snop  }
0x4: {  	_ = 	snop  }
0x5: {  	_ = 	snop  }
0x6: {  	_ = 	snop  }
0x7: {  	_ = 	snop  }
__scs_overlays_trampoline_lowered:
0x8: {  	[smem:$0x3FA2] =	sst s0  }
0x9: {  	[smem:$0x3FA3] =	sst s1  }
0xa: {  	[smem:$0x3FA4] =	sst s2  }
0xb: {  	[smem:$0x3FA5] =	sst s3  }
0xc: {  	[smem:$0x3FA6] =	sst s4  }
0xd: {  	[smem:$0x3FA7] =	sst s5  }
0xe: {  	[smem:$0x3FA8] =	sst s6  }
0xf: {  	[smem:$0x3FA9] =	sst s7  }
0x10: {  	[smem:$0x3FAA] =	sst s8  }
0x11: {  	[smem:$0x3FAB] =	sst s9;
	s0 =	simm.s32 @!p0 $0x0  }
0x12: {  	s1 =	sld [smem:$0x3F91];
	s0 =	simm.s32 @p0 $0x1  }
0x13: {  	[smem:$0x3FAC] =	sst s0;
	s0 =	simm.s32 @!p1 $0x0  }
0x14: {  	s2 =	sld [smem:$0x3F90];
	s0 =	simm.s32 @p1 $0x1  }
0x15: {  	[smem:$0x3FAD] =	sst s0;
	s0 =	simm.s32 @!p2 $0x0  }
0x16: {  	s3 =	sld [smem:$0x3FDB];
	s0 =	simm.s32 @p2 $0x1  }
0x17: {  	s4 =	simm.s32 $0x1BF5;
	[smem:$0x3FAF] =	sst s0  }
0x18: {  	s0 =	sld [smem:$0x3F92];
	_ =	swait.ge [sflag:s4], $0x0  }
0x19: {  	s7 =	sld [smem:$0x3F93]  }
0x1a: {  	s8 =	sadd.s32 $0xFFFFE003, lr  }
0x1b: {  	s9 =	sadd.s32 $0xFFFFFEF7, lr;
	s5 =	simm.s32 $0xFFFFFFFF;
	p2 =	slt.u32 s8, $0xFFFFF086  }
0x1c: {  	p1 =	slt.u32 s9, $0xF7A;
	s5 =	simm.s32 @!p2 $0x0  }
0x1d: {  	s5 =	simm.s32 @p1 $0x1;
	p0 =	seq.s32 s7, s2  }
0x1e: {  	s7 =	smul.u32 @!p0 $0xF7A, s2;
	p2 =	seq.s32 @!p0 s5, $0x0  }
0x1f: {  	s9 =	smul.u32 $0xF7A, s1;
	s8 =	simm.s32 @!p0 $0x1BF5;
	p2 =	por !p2, p0  }
0x20: {  	[sflag:s8] =	ssyncset.s32 @!p0 $0xFFFFF086;
	s6 =	sadd.s32 @!p0 s3, s7;
	s7 =	simm.s32 @!p0 $0x108  }
0x21: {  	s3 =	sadd.s32 s3, s9;
	s6 =	sadd.s32 @!p0 $0x88, s6;
	s7 =	simm.s32 @p2 $0x1082  }
0x22: {  	[simem:s7], [sflag:s8] =	dma.local @!p0 [hbm:s6], $0xF7A  }
0x23: {  	s9 =	sor.u32 $0xD0000000, s2;
	s6 =	simm.s32 $0x108;
	_ =	swait.ge @!p0 [sflag:s8], $0x0  }
0x24: {  	s3 =	sadd.s32 $0x88, s3;
	s6 =	simm.s32 @!p1 $0x1082;
	[sflag:s4] =	ssyncset.s32 $0xFFFFF086  }
0x25: {  	[simem:s6], [sflag:s4] =	dma.local [hbm:s3], $0xF7A  }
0x26: {  	[smem:$0x3F93] =	sst s1;
	(tag) =	ssettag s2;
	_ =	strace s9  }
0x27: {  	s1 =	sld [smem:$0x3FA3]  }
0x28: {  	s2 =	sld [smem:$0x3FA4]  }
0x29: {  	s4 =	sld [smem:$0x3FA6]  }
0x2a: {  	p0 =	seq.s32 s5, $0x0;
	s5 =	sld [smem:$0x3FA7]  }
0x2b: {  	s6 =	sld [smem:$0x3FA8]  }
0x2c: {  	s7 =	sld [smem:$0x3FA9]  }
0x2d: {  	s3 =	simm.s32 $0x108;
	s8 =	sld [smem:$0x3FAA]  }
0x2e: {  	s3 =	simm.s32 @!p0 $0x1082;
	s9 =	sld [smem:$0x3FAB]  }
0x2f: {  	lr =	sadd.s32 s0, s3;
	s0 =	sld [smem:$0x3FA2]  }
0x30: {  	s3 =	sld [smem:$0x3FA5]  }
0x31: {  	[smem:$0x3FAE] =	sst s10  }
0x32: {  	s10 =	sld [smem:$0x3FAC];
	_ =	sdelay $0x3  }
0x33: {  	p0 =	seq.s32 s10, $0x1;
	s10 =	sld [smem:$0x3FAE];
	_ =	sdelay $0x3  }
0x34: {  	[smem:$0x3FAE] =	sst s10  }
0x35: {  	s10 =	sld [smem:$0x3FAD];
	_ =	sdelay $0x3  }
0x36: {  	p1 =	seq.s32 s10, $0x1;
	s10 =	sld [smem:$0x3FAE];
	_ =	sdelay $0x3  }
0x37: {  	[smem:$0x3FAE] =	sst s10  }
0x38: {  	s10 =	sld [smem:$0x3FAF]  }
0x39: {  	_ = 	snop;
	(pc) =	sbr.ind lr, $3  }
0x3a: {  	_ = 	snop  }
0x3b: {  	_ = 	snop  }
0x3c: {  	p2 =	seq.s32 s10, $0x1;
	s10 =	sld [smem:$0x3FAE]  }
0x3d: {  	_ =	shalt  }
0x3e: {  	_ =	shalt  }
0x3f: {  	_ =	shalt  }
0x40: {  	_ =	shalt  }
0x41: {  	_ =	shalt  }
0x42: {  	_ =	shalt  }
0x43: {  	_ =	shalt  }
0x44: {  	_ =	shalt  }
0x45: {  	_ =	shalt  }
0x46: {  	_ =	shalt  }
0x47: {  	_ =	shalt  }
0x48: {  	_ =	shalt  }
0x49: {  	_ =	shalt  }
0x4a: {  	_ =	shalt  }
0x4b: {  	_ =	shalt  }
0x4c: {  	_ =	shalt  }
0x4d: {  	_ =	shalt  }
0x4e: {  	_ =	shalt  }
0x4f: {  	_ =	shalt  }
0x50: {  	_ =	shalt  }
0x51: {  	_ =	shalt  }
0x52: {  	_ =	shalt  }
0x53: {  	_ =	shalt  }
0x54: {  	_ =	shalt  }
0x55: {  	_ =	shalt  }
0x56: {  	_ =	shalt  }
0x57: {  	_ =	shalt  }
0x58: {  	_ =	shalt  }
0x59: {  	_ =	shalt  }
0x5a: {  	_ =	shalt  }
0x5b: {  	_ =	shalt  }
0x5c: {  	_ =	shalt  }
0x5d: {  	_ =	shalt  }
0x5e: {  	_ =	shalt  }
0x5f: {  	_ =	shalt  }
0x60: {  	_ =	shalt  }
0x61: {  	_ =	shalt  }
0x62: {  	_ =	shalt  }
0x63: {  	_ =	shalt  }
0x64: {  	_ =	shalt  }
0x65: {  	_ =	shalt  }
0x66: {  	_ =	shalt  }
0x67: {  	_ =	shalt  }
0x68: {  	_ =	shalt  }
0x69: {  	_ =	shalt  }
0x6a: {  	_ =	shalt  }
0x6b: {  	_ =	shalt  }
0x6c: {  	_ =	shalt  }
0x6d: {  	_ =	shalt  }
0x6e: {  	_ =	shalt  }
0x6f: {  	_ =	shalt  }
0x70: {  	_ =	shalt  }
0x71: {  	_ =	shalt  }
0x72: {  	_ =	shalt  }
0x73: {  	_ =	shalt  }
0x74: {  	_ =	shalt  }
0x75: {  	_ =	shalt  }
0x76: {  	_ =	shalt  }
0x77: {  	_ =	shalt  }
0x78: {  	_ =	shalt  }
0x79: {  	_ =	shalt  }
0x7a: {  	_ =	shalt  }
0x7b: {  	_ =	shalt  }
0x7c: {  	_ =	shalt  }
0x7d: {  	_ =	shalt  }
0x7e: {  	_ =	shalt  }
0x7f: {  	_ =	shalt  }
0x80: {  	_ =	shalt  }
0x81: {  	_ =	shalt  }
0x82: {  	_ =	shalt  }
0x83: {  	_ =	shalt  }
0x84: {  	_ =	shalt  }
0x85: {  	_ =	shalt  }
0x86: {  	_ =	shalt  }
0x87: {  	_ =	shalt  }
.Lfunc_end0:
.L_simem_size_0:
called_computation.1_lowered:
.L_overlay_start_0:
0x88: {  	s2 =	sld [smem:$0x3FD9]  }
0x89: {  	s3 =	sld [smem:$0x3FFE];
	_ =	sdelay $0x1  }
0x8a: {  	s1 =	srdreg.scid  }
0x8b: {  	s0 =	sand.u32 $0x1, s1  }
0x8c: {  	s16 =	sshll.u32 s0, $0xA;
	s2 =	sadd.s32 s3, s2  }
0x8d: {  	s2 =	sadd.s32 s2, s16  }
0x8e: {  	[smem:$0x3FBA] =	sst s2  }
0x8f: {  	_ = 	snop  }
0x90: {  	(tm) =	ssettm $0x1  }
0x91: {  	s17 =	sld [smem:$0x3FFB];
	_ =	sdelay $0x3  }
0x92: {  	_ =	strace s17  }
0x93: {  	s2 =	sld [smem:$0x3FFC];
	_ =	sdelay $0x3  }
0x94: {  	_ =	strace s2  }
0x95: {  	s2 =	sld [smem:$0x3FFD];
	_ =	sdelay $0x3  }
0x96: {  	_ =	strace s2  }
0x97: {  	_ =	strace $0x8FFFFFFF  }
0x98: {  	s18 =	sld [smem:$0x3FDB];
	_ =	sdelay $0x1  }
0x99: {  	s19 =	simm.s32 $_scs_section_size  }
0x9a: {  	s4 =	simm.s32 $_size__tile_overlayer_lowered;
	s5 =	simm.s32 $_tile_overlayer_lowered  }
0x9b: {  	s22 =	simm.s32 $0x1BFF;
	s21 =	sshll.u32 s5, $0x1;
	s2 =	sadd.s32 s19, s18  }
0x9c: {  	s6 =	simm.s32 $0x0;
	s20 =	sshll.u32 s4, $0x1;
	s4 =	sadd.s32 s21, s2  }
0x9d: {  	[timem:s6], [sflag:s22] =	dma.local [hbm:s4], s20  }
0x9e: {  	_ =	swait.ge [sflag:s22], s20  }
0x9f: {  	s3 =	ssub.s32 $0x0, s20;
	[sflag:s22] =	ssyncset.done $0x0  }
0xa0: {  	[sflag:s22] =	ssyncadd.s32 s3;
	_ =	sdelay $0x1  }
0xa1: {  	s23 =	simm.s32 $0x1B8B  }
0xa2: {  	_ =	swait.ge [sflag:s23], $0x1  }
0xa3: {  	[sflag:s23] =	ssyncset.done $0x0  }
0xa4: {  	s25 =	simm.s32 $0x1B8E;
	s24 =	sld [smem:$0x3FFE];
	[sflag:s23] =	ssyncadd.s32 $0xFFFFFFFF  }
0xa5: {  	s26 =	simm.s32 $execute0_lowered;
	[smem:$0x3FD2] =	sst s25  }
0xa6: {  	s4 =	sshll.u32 s26, $0x1;
	_ =	strace $0x80000049;
	[dreg:$0x1] =	wrdreg $0xFFFFFFFF  }
0xa7: {  	s28 =	simm.s32 $_size_execute0_lowered;
	s2 =	sadd.s32 s2, s4;
	[dreg:$0x0] =	wrdreg $0x0  }
0xa8: {  	s4 =	sshll.u32 s28, $0x1;
	[dreg:$0x2] =	wrdreg s2  }
0xa9: {  	[dreg:$0x3] =	wrdreg s4  }
0xaa: {  	[dreg:$0x4] =	wrdreg $0xC0  }
0xab: {  	_ =	task [dreg:s6], $0x5FFFF  }
0xac: {  	[dreg:$0x1] =	wrdreg $0xFFFFFFFF  }
0xad: {  	[dreg:$0x0] =	wrdreg $0x60  }
0xae: {  	[dreg:$0x2] =	wrdreg s24  }
0xaf: {  	[dreg:$0x3] =	wrdreg $0x106800  }
0xb0: {  	[dreg:$0x4] =	wrdreg $0x9  }
0xb1: {  	_ =	task.clear_ibuf [dreg:s6], $0x5FFFF;
	_ =	strace $0x90000049  }
0xb2: {  	s29 =	simm.s32 $0x9;
	_ =	strace $0x8000004B  }
0xb3: {  	_ =	swait.ge [sflag:s29], $0x1  }
0xb4: {  	[sflag:s29] =	ssyncadd.s32 $0xFFFFFFFF  }
0xb5: {  	_ =	strace $0x9000004B  }
0xb6: {  	_ =	sfence  }
0xb7: {  	s30 =	sld [smem:$0x0];
	_ =	sdelay $0x2  }
0xb8: {  	s31 =	sshll.u32 s1, $0xD;
	s1 =	sshrl.u32 s1, $0x2  }
0xb9: {  	s3 =	sand.u32 $0x4000, s31;
	s1 =	sadd.s32 s1, s30  }
0xba: {  	s0 =	sor.u32 s3, s0;
	s1 =	sshll.u32 s1, $0x11  }
0xbb: {  	s0 =	sor.u32 s1, s0  }
0xbc: {  	s0 =	sadd.s32 $0x8F2B, s0  }
0xbd: {  	[sflag:s0] =	ssyncadd.remote.s32 $0x1  }
0xbe: {  	_ =	sfence.sel $0xFFFF  }
0xbf: {  	[dreg:$0x0] =	wrdreg $0xFFFFFFFF;
	(pc) =	sbr.abs _section_cstart, $3  }
0xc0: {  	[dreg:$0x1] =	wrdreg $0xFFFFFFFF  }
0xc1: {  	_ =	task.clear_ibuf [dreg:s6], $0x2FFFF;
	_ =	strace $0x9FFFFFFF  }
0xc2: {  	(tm) =	ssettm $0x7FFFFFFF  }
0xc3: {  	_ =	shalt  }
tec
execute0_lowered:
.L_overlay_start_1:
0x0: {  	(tag) =	ssettag $0x1  }
0x1: {  	s0 =	rddreg [dreg:$0x0];
	s2 =	srdreg.scid  }
0x2: {  	s1 =	rddreg [dreg:$0x1];
	s23 =	stileid.u32  }
0x3: {  	s3 =	simm.s32 $0x0;
	s28 =	simm.s32 $0xA280;
	s5 =	smul.u32 $0xA28, s23  }
0x4: {  	s29 =	simm.s32 $0x1;
	s30 =	simm.s32 $0x5;
	s13 =	smul.u32 $0x9E00, s23  }
0x5: {  	s2 =	sand.u32 $0x1, s2;
	[smem:$0x7FF] =	sst s3;
	s26 =	smul.u32 $0x271000, s23  }
0x6: {  	s31 =	simm.s32 $0xBB80;
	s4 =	smul.u32 $0x13880, s2;
	_ =	strace $0x8000004A  }
0x7: {  	s6 =	ssub.s32 $0x2, s2;
	s22 =	smul.u32 $0x9E000, s2;
	s14 =	sadd.s32 s5, s0  }
0x8: {  	s25 =	sshrl.u32 s6, $0x1;
	s5 =	sadd.s32 s13, s1;
	s16 =	sadd.s32 $0x1900, s13  }
0x9: {  	s17 =	sadd.s32 $0x3200, s13;
	s18 =	sadd.s32 $0x4B00, s13;
	s19 =	sadd.s32 $0x6400, s13  }
0xa: {  	s20 =	sadd.s32 $0x7D00, s13;
	s21 =	sadd.s32 $0x9600, s13;
	s12 =	sadd.s32 s4, s0  }
0xb: {  	s4 =	sadd.s32 $0xA12200, s0;
	s0 =	sadd.s32 $0x51B400, s0;
	s15 =	ssub.s32 s6, s25  }
0xc: {  	s6 =	sadd.s32 s16, s1;
	s7 =	sadd.s32 s17, s1;
	s8 =	sadd.s32 s18, s1  }
0xd: {  	s9 =	sadd.s32 s19, s1;
	s10 =	sadd.s32 s20, s1;
	s11 =	sadd.s32 s21, s1  }
0xe: {  	s24 =	sadd.s32 $0xA07E00, s14;
	s13 =	sadd.s32 s13, s22;
	s16 =	sadd.s32 s22, s16  }
0xf: {  	s17 =	sadd.s32 s22, s17;
	s18 =	sadd.s32 s22, s18;
	s19 =	sadd.s32 s22, s19  }
0x10: {  	s20 =	sadd.s32 s22, s20;
	s14 =	sadd.s32 $0x9FDA00, s14;
	[dreg:$0x3] =	wrdreg s24  }
0x11: {  	s21 =	sadd.s32 s22, s21;
	[dreg:$0x4] =	wrdreg s14;
	s14 =	sshll.u32 s2, $0x6  }
0x12: {  	s24 =	sshrl.u32 s13, $0x3;
	s19 =	sshrl.u32 s19, $0x3;
	s20 =	sshrl.u32 s20, $0x3  }
0x13: {  	s22 =	sshrl.u32 s21, $0x3;
	s13 =	simm.s32 $0xED80;
	s25 =	sor.u32 s14, s26  }
0x14: {  	s2 =	sadd.s32 s0, s24;
	s26 =	sshrl.u32 s16, $0x3;
	s16 =	sshrl.u32 s17, $0x3  }
0x15: {  	s17 =	sshrl.u32 s18, $0x3;
	[dreg:$0x5] =	wrdreg s2;
	s2 =	sadd.s32 s0, s26  }
0x16: {  	s18 =	sadd.s32 s0, s17;
	s24 =	sadd.s32 $0x3200, s25;
	s25 =	sshrl.u32 s25, $0x3  }
0x17: {  	s26 =	smax.u32 s15, $0x1;
	s15 =	simm.s32 $0xD480;
	[dreg:$0x6] =	wrdreg s2  }
0x18: {  	s17 =	simm.s32 $0x3;
	s2 =	sadd.s32 s0, s16;
	[dreg:$0x8] =	wrdreg s18  }
0x19: {  	[dreg:$0xe] =	wrdreg s26;
	s26 =	smul.u32 $0x4E20, s23;
	s16 =	simm.s32 $0x2  }
0x1a: {  	s18 =	simm.s32 $0x4;
	[dreg:$0x7] =	wrdreg s2;
	s2 =	sadd.s32 s0, s19  }
.Ltmp0:
0x1b: {  	[dreg:$0x9] =	wrdreg s2;
	s2 =	sadd.s32 s0, s20;
	(pc) =	sbr.rel .LBB2_1-.Ltmp0, $4  }
0x1c: {  	s0 =	sadd.s32 s0, s22;
	s22 =	sadd.s32 $0x4F4200, s12;
	[dreg:$0xa] =	wrdreg s2  }
0x1d: {  	[dreg:$0xb] =	wrdreg s0;
	s0 =	sshrl.u32 s24, $0x3;
	s2 =	sadd.s32 s4, s25  }
0x1e: {  	s12 =	simm.s32 $0x80;
	[dreg:$0xc] =	wrdreg s2;
	s0 =	sadd.s32 s4, s0  }
0x1f: {  	v0 =	vimm.f32 $0.0e+00;
	s2 =	simm.s32 $0x40;
	[dreg:$0xd] =	wrdreg s0;
	s0 =	simm.s32 $0x64  }
.LBB2_10:
0x20: {  	[spmem:s1] =	stream.indirect.scatter.add.f32 [tilespmem:s15], [sflag:$0x4], $0x40, s21, s0, $0xb8;
	[tilespmem:$0x1A480] =	vst v63  }
0x21: {  	_ =	swait.ge [sflag:s18], $0x1900  }
0x22: {  	[sflag:s18] =	ssyncset.done $0x0  }
0x23: {  	s19 =	stileid.u32;
	[sflag:s18] =	ssyncadd.s32 $0xFFFFE700  }
0x24: {  	s19 =	sshll.u32 s19, $0x6;
	[bflag:$0x0] =	sbarrier.arrive $0xFFFF  }
0x25: {  	s20 =	sshrl.u32 s5, $0x3;
	s19 =	sor.u32 $0x1C01, s19;
	s24 =	rddreg [dreg:$0x5]  }
0x26: {  	[hbm:s24], [sflag:s19] =	dma.local [spmem:s20], $0x320  }
0x27: {  	s25 =	sshrl.u32 s6, $0x3;
	s21 =	rddreg [dreg:$0x6]  }
0x28: {  	[hbm:s21], [sflag:s19] =	dma.local [spmem:s25], $0x320  }
0x29: {  	s23 =	sshrl.u32 s7, $0x3;
	s21 =	rddreg [dreg:$0x7]  }
0x2a: {  	[hbm:s21], [sflag:s19] =	dma.local [spmem:s23], $0x320  }
0x2b: {  	s24 =	sshrl.u32 s8, $0x3;
	s21 =	rddreg [dreg:$0x8]  }
0x2c: {  	[hbm:s21], [sflag:s19] =	dma.local [spmem:s24], $0x320  }
0x2d: {  	s25 =	sshrl.u32 s9, $0x3;
	s21 =	rddreg [dreg:$0x9]  }
0x2e: {  	[hbm:s21], [sflag:s19] =	dma.local [spmem:s25], $0x320  }
0x2f: {  	s23 =	sshrl.u32 s10, $0x3;
	s21 =	rddreg [dreg:$0xa]  }
0x30: {  	[hbm:s21], [sflag:s19] =	dma.local [spmem:s23], $0x320  }
0x31: {  	s24 =	sshrl.u32 s11, $0x3;
	s21 =	rddreg [dreg:$0xb]  }
0x32: {  	[hbm:s21], [sflag:s19] =	dma.local [spmem:s24], $0x100  }
0x33: {  	_ =	swait.ge [sflag:s29], $0x320  }
0x34: {  	[sflag:s29] =	ssyncset.done $0x0  }
0x35: {  	[sflag:s29] =	ssyncadd.s32 $0xFFFFFCE0  }
0x36: {  	_ =	swait.ge [sflag:s29], $0x320  }
0x37: {  	[sflag:s29] =	ssyncset.done $0x0  }
0x38: {  	[sflag:s29] =	ssyncadd.s32 $0xFFFFFCE0  }
0x39: {  	_ =	swait.ge [sflag:s29], $0x320  }
0x3a: {  	[sflag:s29] =	ssyncset.done $0x0  }
0x3b: {  	[sflag:s29] =	ssyncadd.s32 $0xFFFFFCE0  }
0x3c: {  	_ =	swait.ge [sflag:s29], $0x320  }
0x3d: {  	[sflag:s29] =	ssyncset.done $0x0  }
0x3e: {  	[sflag:s29] =	ssyncadd.s32 $0xFFFFFCE0  }
0x3f: {  	_ =	swait.ge [sflag:s29], $0x320  }
0x40: {  	[sflag:s29] =	ssyncset.done $0x0  }
0x41: {  	[sflag:s29] =	ssyncadd.s32 $0xFFFFFCE0  }
0x42: {  	_ =	swait.ge [sflag:s29], $0x320  }
0x43: {  	[sflag:s29] =	ssyncset.done $0x0  }
0x44: {  	[sflag:s29] =	ssyncadd.s32 $0xFFFFFCE0  }
0x45: {  	_ =	swait.ge [sflag:s29], $0x100  }
0x46: {  	s3 =	sadd.s32 $0x1, s3;
	s25 =	rddreg [dreg:$0xe]  }
0x47: {  	p0 =	sne.s32 s3, s25  }
.Ltmp1:
0x48: {  	_ = 	snop;
	(pc) =	sbr.rel @!p0 .LBB2_11-.Ltmp1, $3  }
0x49: {  	_ =	sdelay $0x1  }
0x4a: {  	[sflag:s29] =	ssyncset.done $0x0  }
0x4b: {  	[sflag:s29] =	ssyncadd.s32 $0xFFFFFF00  }
.LBB2_1:
0x4c: {  	s20 =	simm.s32 $0x100;
	s19 =	simm.s32 $0x0  }
.LBB2_2:
0x4d: {  	p0 =	sne.s32 s20, $0x6300;
	[tilespmem:s19+$0xA2B0] =	vst v0;
	s21 =	smov.u32 s20;
	s20 =	sadd.s32 $0x100, s20  }
.Ltmp2:
0x4e: {  	[tilespmem:s19+$0xA2A0] =	vst v0;
	(pc) =	sbr.rel @p0 .LBB2_2-.Ltmp2, $3  }
0x4f: {  	[tilespmem:s19+$0xA280] =	vst v0  }
0x50: {  	[tilespmem:s19+$0xA290] =	vst v0;
	_ =	sdelay $0x1  }
0x51: {  	s19 =	sshra.s32 s21, $0x2  }
0x52: {  	[tilespmem:s19+$0xA2B0] =	vst v0  }
0x53: {  	[tilespmem:s19+$0xA2A0] =	vst v0  }
0x54: {  	[tilespmem:s19+$0xA280] =	vst v0  }
0x55: {  	[tilespmem:s19+$0xA290] =	vst v0  }
0x56: {  	[spmem:s5] =	stream.linear.scatter [tilespmem:s28], [sflag:$0x1], $0x1900, $0x38;
	[tilespmem:$0x1A480] =	vst v63  }
0x57: {  	_ = 	snop  }
0x58: {  	[spmem:s6] =	stream.linear.scatter [tilespmem:s28], [sflag:$0x1], $0x1900, $0x38;
	[tilespmem:$0x1A480] =	vst v63  }
0x59: {  	_ = 	snop  }
0x5a: {  	[spmem:s7] =	stream.linear.scatter [tilespmem:s28], [sflag:$0x1], $0x1900, $0x38;
	[tilespmem:$0x1A480] =	vst v63  }
0x5b: {  	_ = 	snop  }
0x5c: {  	[spmem:s8] =	stream.linear.scatter [tilespmem:s28], [sflag:$0x1], $0x1900, $0x38;
	[tilespmem:$0x1A480] =	vst v63  }
0x5d: {  	_ = 	snop  }
0x5e: {  	[spmem:s9] =	stream.linear.scatter [tilespmem:s28], [sflag:$0x1], $0x1900, $0x38;
	[tilespmem:$0x1A480] =	vst v63  }
0x5f: {  	_ = 	snop  }
0x60: {  	[spmem:s10] =	stream.linear.scatter [tilespmem:s28], [sflag:$0x1], $0x1900, $0x38;
	[tilespmem:$0x1A480] =	vst v63  }
0x61: {  	_ = 	snop  }
0x62: {  	[spmem:s11] =	stream.linear.scatter [tilespmem:s28], [sflag:$0x1], $0x800, $0x38;
	[tilespmem:$0x1A480] =	vst v63  }
0x63: {  	_ =	swait.ge [sflag:s29], $0x1900  }
0x64: {  	[sflag:s29] =	ssyncset.done $0x0  }
0x65: {  	[sflag:s29] =	ssyncadd.s32 $0xFFFFE700  }
0x66: {  	_ =	swait.ge [sflag:s29], $0x1900  }
0x67: {  	[sflag:s29] =	ssyncset.done $0x0  }
0x68: {  	[sflag:s29] =	ssyncadd.s32 $0xFFFFE700  }
0x69: {  	_ =	swait.ge [sflag:s29], $0x1900  }
0x6a: {  	[sflag:s29] =	ssyncset.done $0x0  }
0x6b: {  	[sflag:s29] =	ssyncadd.s32 $0xFFFFE700  }
0x6c: {  	_ =	swait.ge [sflag:s29], $0x1900  }
0x6d: {  	[sflag:s29] =	ssyncset.done $0x0  }
0x6e: {  	[sflag:s29] =	ssyncadd.s32 $0xFFFFE700  }
0x6f: {  	_ =	swait.ge [sflag:s29], $0x1900  }
0x70: {  	[sflag:s29] =	ssyncset.done $0x0  }
0x71: {  	[sflag:s29] =	ssyncadd.s32 $0xFFFFE700  }
0x72: {  	_ =	swait.ge [sflag:s29], $0x1900  }
0x73: {  	[sflag:s29] =	ssyncset.done $0x0  }
0x74: {  	[sflag:s29] =	ssyncadd.s32 $0xFFFFE700  }
0x75: {  	_ =	swait.ge [sflag:s29], $0x800  }
0x76: {  	[sflag:s29] =	ssyncset.done $0x0  }
0x77: {  	s19 =	simm.s32 $0x0;
	s20 =	rddreg [dreg:$0x3];
	[sflag:s29] =	ssyncadd.s32 $0xFFFFF800  }
0x78: {  	[tilespmem:s19], [sflag:$0x5] =	stream.linear.gather [hbm4b:s20+s19], $0x5140, $0x38;
	[tilespmem:$0x1A480] =	vst v63  }
0x79: {  	_ =	swait.ge [sflag:s30], $0x5140  }
0x7a: {  	[sflag:s30] =	ssyncset.done $0x0  }
0x7b: {  	s21 =	simm.s32 $0x5140;
	s25 =	rddreg [dreg:$0x4];
	[sflag:s30] =	ssyncadd.s32 $0xFFFFAEC0  }
0x7c: {  	[tilespmem:s21], [sflag:$0x5] =	stream.linear.gather [hbm4b:s25+s19], $0x5140, $0x38;
	[tilespmem:$0x1A480] =	vst v63  }
0x7d: {  	_ =	swait.ge [sflag:s30], $0x5140  }
0x7e: {  	[sflag:s30] =	ssyncset.done $0x0  }
0x7f: {  	[sflag:s30] =	ssyncadd.s32 $0xFFFFAEC0  }
0x80: {  	[bflag:$0x0] =	sbarrier.arrive $0xFFFF  }
0x81: {  	[tilespmem:s31], [sflag:$0x1] =	stream.indirect.gather [hbm4b:s22+s0], $0x40, s19, s0, $0xb8;
	[tilespmem:$0x1A480] =	vst v63  }
0x82: {  	s23 =	rddreg [dreg:$0xc]  }
0x83: {  	[tilespmem:s28], [sflag:$0x1] =	stream.strided.gather [hbm4b:s23+s2], $0x1900, s12, s2, $0x38;
	[tilespmem:$0x1A480] =	vst v63  }
0x84: {  	s24 =	simm.s32 $0x68  }
0x85: {  	[tilespmem:s13], [sflag:$0x2] =	stream.indirect.gather [hbm4b:s22+s0], $0x40, s24, s0, $0xb8;
	[tilespmem:$0x1A480] =	vst v63  }
0x86: {  	s25 =	rddreg [dreg:$0xd]  }
0x87: {  	[tilespmem:s15], [sflag:$0x2] =	stream.strided.gather [hbm4b:s25+s2], $0x1900, s12, s2, $0x38;
	[tilespmem:$0x1A480] =	vst v63  }
.LBB2_4:
0x88: {  	_ =	swait.ge [sflag:s29], $0x1900  }
0x89: {  	[sflag:s29] =	ssyncset.done $0x0  }
0x8a: {  	[sflag:s29] =	ssyncadd.s32 $0xFFFFE700  }
0x8b: {  	_ =	swait.ge [sflag:s29], $0x1900  }
0x8c: {  	[sflag:s29] =	ssyncset.done $0x0  }
0x8d: {  	s23 =	simm.s32 $0x130;
	[sflag:s29] =	ssyncadd.s32 $0xFFFFE700  }
0x8e: {  	v7 =	vld [tilespmem:s23+$0xBA50]  }
0x8f: {  	v8 =	vld [tilespmem:s23+$0xBA60]  }
0x90: {  	v9 =	vld [tilespmem:s23+$0xBA70]  }
0x91: {  	v10 =	vld [tilespmem:s23+$0xBA80]  }
0x92: {  	v11 =	vld [tilespmem:s23+$0xBA90]  }
0x93: {  	v12 =	vld [tilespmem:s23+$0xBAA0]  }
0x94: {  	v13 =	vld [tilespmem:s23+$0xBAB0]  }
0x95: {  	v14 =	vld [tilespmem:s23+$0xBAC0]  }
0x96: {  	v15 =	vld [tilespmem:s23+$0xBAD0]  }
0x97: {  	v16 =	vld [tilespmem:s23+$0xBAE0]  }
0x98: {  	v17 =	vld [tilespmem:s23+$0xBAF0]  }
0x99: {  	v18 =	vld [tilespmem:s23+$0xBB00]  }
0x9a: {  	v19 =	vld [tilespmem:s23+$0xBB10]  }
0x9b: {  	v20 =	vld [tilespmem:s23+$0xBB20]  }
0x9c: {  	v6 =	vld [tilespmem:s23+$0xBB30]  }
0x9d: {  	v21 =	vld [tilespmem:s23+$0xA150]  }
0x9e: {  	v22 =	vld [tilespmem:s23+$0xA160]  }
0x9f: {  	v5 =	vld [tilespmem:s23+$0xBB40]  }
0xa0: {  	v23 =	vld [tilespmem:s23+$0xA170]  }
0xa1: {  	v24 =	vld [tilespmem:s23+$0xA180]  }
0xa2: {  	v4 =	vld [tilespmem:s23+$0xBB50];
	v7 =	vadd.f32 v7, v21  }
0xa3: {  	v25 =	vld [tilespmem:s23+$0xA190];
	v8 =	vadd.f32 v8, v22  }
0xa4: {  	v61 =	vld [tilespmem:s23+$0xA1A0];
	v7 =	vmax.f32 v7, $0.0e+00  }
0xa5: {  	v3 =	vld [tilespmem:s23+$0xBB60];
	v8 =	vmax.f32 v8, $0.0e+00;
	[tilespmem:s23+$0xA150] =	vst v7;
	v7 =	vadd.f32 v9, v23  }
0xa6: {  	v26 =	vld [tilespmem:s23+$0xA1B0];
	[tilespmem:s23+$0xA160] =	vst v8;
	v8 =	vadd.f32 v10, v24  }
0xa7: {  	v62 =	vld [tilespmem:s23+$0xA1C0];
	v7 =	vmax.f32 v7, $0.0e+00  }
0xa8: {  	v2 =	vld [tilespmem:s23+$0xBB70];
	v8 =	vmax.f32 v8, $0.0e+00;
	[tilespmem:s23+$0xA170] =	vst v7;
	v7 =	vadd.f32 v11, v25  }
0xa9: {  	v9 =	vld [tilespmem:s23+$0xA1D0];
	[tilespmem:s23+$0xA180] =	vst v8;
	v8 =	vadd.f32 v12, v61  }
0xaa: {  	v10 =	vld [tilespmem:s23+$0xA1E0];
	v7 =	vmax.f32 v7, $0.0e+00  }
0xab: {  	v1 =	vld [tilespmem:s23+$0xBB80];
	v8 =	vmax.f32 v8, $0.0e+00;
	[tilespmem:s23+$0xA190] =	vst v7;
	v7 =	vadd.f32 v13, v26  }
0xac: {  	v11 =	vld [tilespmem:s23+$0xA1F0];
	[tilespmem:s23+$0xA1A0] =	vst v8;
	v8 =	vadd.f32 v14, v62  }
0xad: {  	v12 =	vld [tilespmem:s23+$0xA200];
	v7 =	vmax.f32 v7, $0.0e+00  }
0xae: {  	v13 =	vld [tilespmem:s23+$0xA210];
	[tilespmem:s23+$0xA1B0] =	vst v7;
	v7 =	vadd.f32 v15, v9;
	v9 =	vmax.f32 v8, $0.0e+00  }
0xaf: {  	v63 =	vld [tilespmem:s23+$0xA220];
	[tilespmem:s23+$0xA1C0] =	vst v9;
	v9 =	vadd.f32 v16, v10  }
0xb0: {  	v8 =	vld [tilespmem:s23+$0xA230];
	v10 =	vmax.f32 v7, $0.0e+00  }
0xb1: {  	v7 =	vld [tilespmem:s23+$0xA240];
	[tilespmem:s23+$0xA1D0] =	vst v10;
	v10 =	vadd.f32 v17, v11;
	v11 =	vmax.f32 v9, $0.0e+00  }
0xb2: {  	v9 =	vld [tilespmem:s23+$0xA250];
	[tilespmem:s23+$0xA1E0] =	vst v11;
	v11 =	vadd.f32 v18, v12  }
0xb3: {  	v13 =	vadd.f32 v19, v13;
	v12 =	vmax.f32 v10, $0.0e+00;
	v10 =	vld [tilespmem:s23+$0xA260]  }
0xb4: {  	s20 =	simm.s32 $0x9C0;
	[tilespmem:s23+$0xA1F0] =	vst v12;
	v14 =	vmax.f32 v11, $0.0e+00;
	v12 =	vadd.f32 v20, v63;
	v11 =	vld [tilespmem:s23+$0xA270]  }
.LBB2_5:
0xb5: {  	s21 =	sshra.s32 s20, $0x2;
	p0 =	sne.s32 s20, $0x63C0;
	[tilespmem:s23+$0xA200] =	vst v14;
	v13 =	vmax.f32 v13, $0.0e+00;
	v6 =	vadd.f32 v6, v8;
	v8 =	vld [tilespmem:s23+$0xA280]  }
0xb6: {  	v14 =	vld [tilespmem:s21+$0xBA50];
	[tilespmem:s23+$0xA210] =	vst v13;
	v12 =	vmax.f32 v12, $0.0e+00;
	v5 =	vadd.f32 v5, v7  }
0xb7: {  	v7 =	vld [tilespmem:s21+$0xBA60];
	[tilespmem:s23+$0xA220] =	vst v12;
	v6 =	vmax.f32 v6, $0.0e+00;
	v4 =	vadd.f32 v4, v9  }
0xb8: {  	v9 =	vld [tilespmem:s21+$0xBA70];
	[tilespmem:s23+$0xA230] =	vst v6;
	v5 =	vmax.f32 v5, $0.0e+00;
	v3 =	vadd.f32 v3, v10  }
0xb9: {  	v10 =	vld [tilespmem:s21+$0xBA80];
	[tilespmem:s23+$0xA240] =	vst v5;
	v4 =	vmax.f32 v4, $0.0e+00;
	v2 =	vadd.f32 v2, v11  }
0xba: {  	v11 =	vld [tilespmem:s21+$0xBA90];
	[tilespmem:s23+$0xA250] =	vst v4;
	v3 =	vmax.f32 v3, $0.0e+00;
	v1 =	vadd.f32 v1, v8  }
0xbb: {  	v8 =	vld [tilespmem:s21+$0xBAA0];
	[tilespmem:s23+$0xA260] =	vst v3;
	v2 =	vmax.f32 v2, $0.0e+00  }
0xbc: {  	v12 =	vld [tilespmem:s21+$0xBAB0];
	[tilespmem:s23+$0xA270] =	vst v2;
	v1 =	vmax.f32 v1, $0.0e+00  }
0xbd: {  	v13 =	vld [tilespmem:s21+$0xBAC0];
	[tilespmem:s23+$0xA280] =	vst v1;
	s23 =	smov.u32 s21  }
0xbe: {  	v15 =	vld [tilespmem:s23+$0xBAD0]  }
0xbf: {  	v16 =	vld [tilespmem:s23+$0xBAE0]  }
0xc0: {  	v17 =	vld [tilespmem:s23+$0xBAF0]  }
0xc1: {  	v18 =	vld [tilespmem:s23+$0xBB00]  }
0xc2: {  	v19 =	vld [tilespmem:s23+$0xBB10]  }
0xc3: {  	v20 =	vld [tilespmem:s23+$0xBB20]  }
0xc4: {  	v6 =	vld [tilespmem:s23+$0xBB30]  }
0xc5: {  	v5 =	vld [tilespmem:s23+$0xBB40]  }
0xc6: {  	v4 =	vld [tilespmem:s23+$0xBB50]  }
0xc7: {  	v3 =	vld [tilespmem:s23+$0xBB60]  }
0xc8: {  	v2 =	vld [tilespmem:s23+$0xBB70]  }
0xc9: {  	v1 =	vld [tilespmem:s23+$0xBB80]  }
0xca: {  	v21 =	vld [tilespmem:s23+$0xA150]  }
0xcb: {  	v22 =	vld [tilespmem:s23+$0xA160]  }
0xcc: {  	v23 =	vld [tilespmem:s23+$0xA170]  }
0xcd: {  	v24 =	vld [tilespmem:s23+$0xA180]  }
0xce: {  	v25 =	vld [tilespmem:s23+$0xA190]  }
0xcf: {  	v14 =	vadd.f32 v14, v21;
	v21 =	vld [tilespmem:s23+$0xA1A0]  }
0xd0: {  	v7 =	vadd.f32 v7, v22;
	v22 =	vld [tilespmem:s23+$0xA1B0]  }
0xd1: {  	v14 =	vmax.f32 v14, $0.0e+00;
	v9 =	vadd.f32 v9, v23;
	v23 =	vld [tilespmem:s23+$0xA1C0]  }
0xd2: {  	[tilespmem:s23+$0xA150] =	vst v14;
	v7 =	vmax.f32 v7, $0.0e+00;
	v10 =	vadd.f32 v10, v24;
	v14 =	vld [tilespmem:s23+$0xA1D0]  }
0xd3: {  	[tilespmem:s23+$0xA160] =	vst v7;
	v7 =	vmax.f32 v9, $0.0e+00;
	v9 =	vadd.f32 v11, v25;
	v11 =	vld [tilespmem:s23+$0xA1E0]  }
0xd4: {  	[tilespmem:s23+$0xA170] =	vst v7;
	v7 =	vmax.f32 v10, $0.0e+00;
	v8 =	vadd.f32 v8, v21;
	v10 =	vld [tilespmem:s23+$0xA1F0]  }
0xd5: {  	[tilespmem:s23+$0xA180] =	vst v7;
	v7 =	vmax.f32 v9, $0.0e+00;
	v9 =	vadd.f32 v12, v22;
	v12 =	vld [tilespmem:s23+$0xA200]  }
0xd6: {  	[tilespmem:s23+$0xA190] =	vst v7;
	v7 =	vmax.f32 v8, $0.0e+00;
	v8 =	vadd.f32 v13, v23;
	v13 =	vld [tilespmem:s23+$0xA210]  }
0xd7: {  	[tilespmem:s23+$0xA1A0] =	vst v7;
	v7 =	vmax.f32 v9, $0.0e+00;
	v9 =	vadd.f32 v15, v14;
	v15 =	vld [tilespmem:s23+$0xA220]  }
.Ltmp3:
0xd8: {  	[tilespmem:s23+$0xA1B0] =	vst v7;
	v7 =	vmax.f32 v8, $0.0e+00;
	v11 =	vadd.f32 v16, v11;
	v8 =	vld [tilespmem:s23+$0xA230];
	(pc) =	sbr.rel @p0 .LBB2_5-.Ltmp3, $4  }
0xd9: {  	[tilespmem:s23+$0xA1C0] =	vst v7;
	v9 =	vmax.f32 v9, $0.0e+00;
	v10 =	vadd.f32 v17, v10;
	v7 =	vld [tilespmem:s23+$0xA240]  }
0xda: {  	[tilespmem:s23+$0xA1D0] =	vst v9;
	v11 =	vmax.f32 v11, $0.0e+00;
	v12 =	vadd.f32 v18, v12;
	v9 =	vld [tilespmem:s23+$0xA250]  }
0xdb: {  	[tilespmem:s23+$0xA1E0] =	vst v11;
	v11 =	vmax.f32 v10, $0.0e+00;
	v13 =	vadd.f32 v19, v13;
	v10 =	vld [tilespmem:s23+$0xA260]  }
0xdc: {  	s20 =	sadd.s32 $0x500, s20;
	[tilespmem:s23+$0xA1F0] =	vst v11;
	v14 =	vmax.f32 v12, $0.0e+00;
	v12 =	vadd.f32 v20, v15;
	v11 =	vld [tilespmem:s23+$0xA270]  }
0xdd: {  	[tilespmem:s23+$0xA200] =	vst v14;
	v13 =	vmax.f32 v13, $0.0e+00;
	v6 =	vadd.f32 v6, v8;
	v8 =	vld [tilespmem:s23+$0xA280]  }
0xde: {  	[tilespmem:s23+$0xA210] =	vst v13;
	v12 =	vmax.f32 v12, $0.0e+00;
	v5 =	vadd.f32 v5, v7  }
0xdf: {  	[tilespmem:s23+$0xA220] =	vst v12;
	v6 =	vmax.f32 v6, $0.0e+00;
	v4 =	vadd.f32 v4, v9  }
0xe0: {  	[tilespmem:s23+$0xA230] =	vst v6;
	v5 =	vmax.f32 v5, $0.0e+00;
	v3 =	vadd.f32 v3, v10  }
0xe1: {  	[tilespmem:s23+$0xA240] =	vst v5;
	v4 =	vmax.f32 v4, $0.0e+00;
	v2 =	vadd.f32 v2, v11  }
0xe2: {  	s20 =	smul.u32 $0x340, s19;
	[tilespmem:s23+$0xA250] =	vst v4;
	v3 =	vmax.f32 v3, $0.0e+00;
	v1 =	vadd.f32 v1, v8  }
0xe3: {  	[tilespmem:s23+$0xA260] =	vst v3;
	v2 =	vmax.f32 v2, $0.0e+00  }
0xe4: {  	s21 =	sshra.s32 s20, $0x2;
	[tilespmem:s23+$0xA270] =	vst v2;
	v1 =	vmax.f32 v1, $0.0e+00  }
0xe5: {  	s25 =	sadd.s32 $0x5140, s21;
	[tilespmem:s23+$0xA280] =	vst v1  }
0xe6: {  	[spmem:s1] =	stream.indirect.scatter.add.f32 [tilespmem:s28], [sflag:$0x3], $0x40, s25, s0, $0xb8;
	[tilespmem:$0x1A480] =	vst v63  }
0xe7: {  	_ =	swait.ge [sflag:s16], $0x1900  }
0xe8: {  	[sflag:s16] =	ssyncset.done $0x0  }
0xe9: {  	[sflag:s16] =	ssyncadd.s32 $0xFFFFE700  }
0xea: {  	_ =	swait.ge [sflag:s16], $0x1900  }
0xeb: {  	[sflag:s16] =	ssyncset.done $0x0  }
0xec: {  	s23 =	simm.s32 $0x130;
	[sflag:s16] =	ssyncadd.s32 $0xFFFFE700  }
0xed: {  	v7 =	vld [tilespmem:s23+$0xEC50]  }
0xee: {  	v8 =	vld [tilespmem:s23+$0xEC60]  }
0xef: {  	v9 =	vld [tilespmem:s23+$0xEC70]  }
0xf0: {  	v10 =	vld [tilespmem:s23+$0xEC80]  }
0xf1: {  	v11 =	vld [tilespmem:s23+$0xEC90]  }
0xf2: {  	v12 =	vld [tilespmem:s23+$0xECA0]  }
0xf3: {  	v13 =	vld [tilespmem:s23+$0xECB0]  }
0xf4: {  	v14 =	vld [tilespmem:s23+$0xECC0]  }
0xf5: {  	v15 =	vld [tilespmem:s23+$0xECD0]  }
0xf6: {  	v16 =	vld [tilespmem:s23+$0xECE0]  }
0xf7: {  	v17 =	vld [tilespmem:s23+$0xECF0]  }
0xf8: {  	v18 =	vld [tilespmem:s23+$0xED00]  }
0xf9: {  	v19 =	vld [tilespmem:s23+$0xED10]  }
0xfa: {  	v20 =	vld [tilespmem:s23+$0xED20]  }
0xfb: {  	v6 =	vld [tilespmem:s23+$0xED30]  }
0xfc: {  	v21 =	vld [tilespmem:s23+$0xD350]  }
0xfd: {  	v22 =	vld [tilespmem:s23+$0xD360]  }
0xfe: {  	v5 =	vld [tilespmem:s23+$0xED40]  }
0xff: {  	v23 =	vld [tilespmem:s23+$0xD370]  }
0x100: {  	v24 =	vld [tilespmem:s23+$0xD380]  }
0x101: {  	v4 =	vld [tilespmem:s23+$0xED50];
	v7 =	vadd.f32 v7, v21  }
0x102: {  	v25 =	vld [tilespmem:s23+$0xD390];
	v8 =	vadd.f32 v8, v22  }
0x103: {  	v61 =	vld [tilespmem:s23+$0xD3A0];
	v7 =	vmax.f32 v7, $0.0e+00  }
0x104: {  	v3 =	vld [tilespmem:s23+$0xED60];
	v8 =	vmax.f32 v8, $0.0e+00;
	[tilespmem:s23+$0xD350] =	vst v7;
	v7 =	vadd.f32 v9, v23  }
0x105: {  	v26 =	vld [tilespmem:s23+$0xD3B0];
	[tilespmem:s23+$0xD360] =	vst v8;
	v8 =	vadd.f32 v10, v24  }
0x106: {  	v62 =	vld [tilespmem:s23+$0xD3C0];
	v7 =	vmax.f32 v7, $0.0e+00  }
0x107: {  	v2 =	vld [tilespmem:s23+$0xED70];
	v8 =	vmax.f32 v8, $0.0e+00;
	[tilespmem:s23+$0xD370] =	vst v7;
	v7 =	vadd.f32 v11, v25  }
0x108: {  	v9 =	vld [tilespmem:s23+$0xD3D0];
	[tilespmem:s23+$0xD380] =	vst v8;
	v8 =	vadd.f32 v12, v61  }
0x109: {  	v10 =	vld [tilespmem:s23+$0xD3E0];
	v7 =	vmax.f32 v7, $0.0e+00  }
0x10a: {  	v1 =	vld [tilespmem:s23+$0xED80];
	v8 =	vmax.f32 v8, $0.0e+00;
	[tilespmem:s23+$0xD390] =	vst v7;
	v7 =	vadd.f32 v13, v26  }
0x10b: {  	v11 =	vld [tilespmem:s23+$0xD3F0];
	[tilespmem:s23+$0xD3A0] =	vst v8;
	v8 =	vadd.f32 v14, v62  }
0x10c: {  	v12 =	vld [tilespmem:s23+$0xD400];
	v7 =	vmax.f32 v7, $0.0e+00  }
0x10d: {  	v13 =	vld [tilespmem:s23+$0xD410];
	[tilespmem:s23+$0xD3B0] =	vst v7;
	v7 =	vadd.f32 v15, v9;
	v9 =	vmax.f32 v8, $0.0e+00  }
0x10e: {  	v63 =	vld [tilespmem:s23+$0xD420];
	[tilespmem:s23+$0xD3C0] =	vst v9;
	v9 =	vadd.f32 v16, v10  }
0x10f: {  	v8 =	vld [tilespmem:s23+$0xD430];
	v10 =	vmax.f32 v7, $0.0e+00  }
0x110: {  	v7 =	vld [tilespmem:s23+$0xD440];
	[tilespmem:s23+$0xD3D0] =	vst v10;
	v10 =	vadd.f32 v17, v11;
	v11 =	vmax.f32 v9, $0.0e+00  }
0x111: {  	v9 =	vld [tilespmem:s23+$0xD450];
	[tilespmem:s23+$0xD3E0] =	vst v11;
	v11 =	vadd.f32 v18, v12  }
0x112: {  	v13 =	vadd.f32 v19, v13;
	v12 =	vmax.f32 v10, $0.0e+00;
	v10 =	vld [tilespmem:s23+$0xD460]  }
0x113: {  	s24 =	simm.s32 $0x9C0;
	[tilespmem:s23+$0xD3F0] =	vst v12;
	v14 =	vmax.f32 v11, $0.0e+00;
	v12 =	vadd.f32 v20, v63;
	v11 =	vld [tilespmem:s23+$0xD470]  }
.LBB2_7:
0x114: {  	s25 =	sshra.s32 s24, $0x2;
	p0 =	sne.s32 s24, $0x63C0;
	[tilespmem:s23+$0xD400] =	vst v14;
	v13 =	vmax.f32 v13, $0.0e+00;
	v6 =	vadd.f32 v6, v8;
	v8 =	vld [tilespmem:s23+$0xD480]  }
0x115: {  	v14 =	vld [tilespmem:s25+$0xEC50];
	[tilespmem:s23+$0xD410] =	vst v13;
	v12 =	vmax.f32 v12, $0.0e+00;
	v5 =	vadd.f32 v5, v7  }
0x116: {  	v7 =	vld [tilespmem:s25+$0xEC60];
	[tilespmem:s23+$0xD420] =	vst v12;
	v6 =	vmax.f32 v6, $0.0e+00;
	v4 =	vadd.f32 v4, v9  }
0x117: {  	v9 =	vld [tilespmem:s25+$0xEC70];
	[tilespmem:s23+$0xD430] =	vst v6;
	v5 =	vmax.f32 v5, $0.0e+00;
	v3 =	vadd.f32 v3, v10  }
0x118: {  	v10 =	vld [tilespmem:s25+$0xEC80];
	[tilespmem:s23+$0xD440] =	vst v5;
	v4 =	vmax.f32 v4, $0.0e+00;
	v2 =	vadd.f32 v2, v11  }
0x119: {  	v11 =	vld [tilespmem:s25+$0xEC90];
	[tilespmem:s23+$0xD450] =	vst v4;
	v3 =	vmax.f32 v3, $0.0e+00;
	v1 =	vadd.f32 v1, v8  }
0x11a: {  	v8 =	vld [tilespmem:s25+$0xECA0];
	[tilespmem:s23+$0xD460] =	vst v3;
	v2 =	vmax.f32 v2, $0.0e+00  }
0x11b: {  	v12 =	vld [tilespmem:s25+$0xECB0];
	[tilespmem:s23+$0xD470] =	vst v2;
	v1 =	vmax.f32 v1, $0.0e+00  }
0x11c: {  	v13 =	vld [tilespmem:s25+$0xECC0];
	[tilespmem:s23+$0xD480] =	vst v1;
	s23 =	smov.u32 s25  }
0x11d: {  	v15 =	vld [tilespmem:s23+$0xECD0]  }
0x11e: {  	v16 =	vld [tilespmem:s23+$0xECE0]  }
0x11f: {  	v17 =	vld [tilespmem:s23+$0xECF0]  }
0x120: {  	v18 =	vld [tilespmem:s23+$0xED00]  }
0x121: {  	v19 =	vld [tilespmem:s23+$0xED10]  }
0x122: {  	v20 =	vld [tilespmem:s23+$0xED20]  }
0x123: {  	v6 =	vld [tilespmem:s23+$0xED30]  }
0x124: {  	v5 =	vld [tilespmem:s23+$0xED40]  }
0x125: {  	v4 =	vld [tilespmem:s23+$0xED50]  }
0x126: {  	v3 =	vld [tilespmem:s23+$0xED60]  }
0x127: {  	v2 =	vld [tilespmem:s23+$0xED70]  }
0x128: {  	v1 =	vld [tilespmem:s23+$0xED80]  }
0x129: {  	v21 =	vld [tilespmem:s23+$0xD350]  }
0x12a: {  	v22 =	vld [tilespmem:s23+$0xD360]  }
0x12b: {  	v23 =	vld [tilespmem:s23+$0xD370]  }
0x12c: {  	v24 =	vld [tilespmem:s23+$0xD380]  }
0x12d: {  	v25 =	vld [tilespmem:s23+$0xD390]  }
0x12e: {  	v14 =	vadd.f32 v14, v21;
	v21 =	vld [tilespmem:s23+$0xD3A0]  }
0x12f: {  	v7 =	vadd.f32 v7, v22;
	v22 =	vld [tilespmem:s23+$0xD3B0]  }
0x130: {  	v14 =	vmax.f32 v14, $0.0e+00;
	v9 =	vadd.f32 v9, v23;
	v23 =	vld [tilespmem:s23+$0xD3C0]  }
0x131: {  	[tilespmem:s23+$0xD350] =	vst v14;
	v7 =	vmax.f32 v7, $0.0e+00;
	v10 =	vadd.f32 v10, v24;
	v14 =	vld [tilespmem:s23+$0xD3D0]  }
0x132: {  	[tilespmem:s23+$0xD360] =	vst v7;
	v7 =	vmax.f32 v9, $0.0e+00;
	v9 =	vadd.f32 v11, v25;
	v11 =	vld [tilespmem:s23+$0xD3E0]  }
0x133: {  	[tilespmem:s23+$0xD370] =	vst v7;
	v7 =	vmax.f32 v10, $0.0e+00;
	v8 =	vadd.f32 v8, v21;
	v10 =	vld [tilespmem:s23+$0xD3F0]  }
0x134: {  	[tilespmem:s23+$0xD380] =	vst v7;
	v7 =	vmax.f32 v9, $0.0e+00;
	v9 =	vadd.f32 v12, v22;
	v12 =	vld [tilespmem:s23+$0xD400]  }
0x135: {  	[tilespmem:s23+$0xD390] =	vst v7;
	v7 =	vmax.f32 v8, $0.0e+00;
	v8 =	vadd.f32 v13, v23;
	v13 =	vld [tilespmem:s23+$0xD410]  }
0x136: {  	[tilespmem:s23+$0xD3A0] =	vst v7;
	v7 =	vmax.f32 v9, $0.0e+00;
	v9 =	vadd.f32 v15, v14;
	v15 =	vld [tilespmem:s23+$0xD420]  }
.Ltmp4:
0x137: {  	[tilespmem:s23+$0xD3B0] =	vst v7;
	v7 =	vmax.f32 v8, $0.0e+00;
	v11 =	vadd.f32 v16, v11;
	v8 =	vld [tilespmem:s23+$0xD430];
	(pc) =	sbr.rel @p0 .LBB2_7-.Ltmp4, $4  }
0x138: {  	[tilespmem:s23+$0xD3C0] =	vst v7;
	v9 =	vmax.f32 v9, $0.0e+00;
	v10 =	vadd.f32 v17, v10;
	v7 =	vld [tilespmem:s23+$0xD440]  }
0x139: {  	[tilespmem:s23+$0xD3D0] =	vst v9;
	v11 =	vmax.f32 v11, $0.0e+00;
	v12 =	vadd.f32 v18, v12;
	v9 =	vld [tilespmem:s23+$0xD450]  }
0x13a: {  	[tilespmem:s23+$0xD3E0] =	vst v11;
	v11 =	vmax.f32 v10, $0.0e+00;
	v13 =	vadd.f32 v19, v13;
	v10 =	vld [tilespmem:s23+$0xD460]  }
0x13b: {  	s24 =	sadd.s32 $0x500, s24;
	[tilespmem:s23+$0xD3F0] =	vst v11;
	v14 =	vmax.f32 v12, $0.0e+00;
	v12 =	vadd.f32 v20, v15;
	v11 =	vld [tilespmem:s23+$0xD470]  }
0x13c: {  	[tilespmem:s23+$0xD400] =	vst v14;
	v13 =	vmax.f32 v13, $0.0e+00;
	v6 =	vadd.f32 v6, v8;
	v63 =	vld [tilespmem:s23+$0xD480]  }
0x13d: {  	[tilespmem:s23+$0xD410] =	vst v13;
	v12 =	vmax.f32 v12, $0.0e+00;
	v5 =	vadd.f32 v5, v7  }
0x13e: {  	[tilespmem:s23+$0xD420] =	vst v12;
	v6 =	vmax.f32 v6, $0.0e+00;
	v4 =	vadd.f32 v4, v9  }
0x13f: {  	[tilespmem:s23+$0xD430] =	vst v6;
	v5 =	vmax.f32 v5, $0.0e+00;
	v3 =	vadd.f32 v3, v10  }
0x140: {  	[tilespmem:s23+$0xD440] =	vst v5;
	v4 =	vmax.f32 v4, $0.0e+00;
	v2 =	vadd.f32 v2, v11  }
0x141: {  	[tilespmem:s23+$0xD450] =	vst v4;
	v3 =	vmax.f32 v3, $0.0e+00;
	v1 =	vadd.f32 v1, v63  }
0x142: {  	p0 =	seq.s32 s19, $0x63;
	[tilespmem:s23+$0xD460] =	vst v3;
	v2 =	vmax.f32 v2, $0.0e+00  }
.Ltmp5:
0x143: {  	[tilespmem:s23+$0xD470] =	vst v2;
	v1 =	vmax.f32 v1, $0.0e+00;
	(pc) =	sbr.rel @p0 .LBB2_10-.Ltmp5, $4  }
0x144: {  	[tilespmem:s23+$0xD480] =	vst v1  }
0x145: {  	_ =	swait.ge [sflag:s17], $0x1900  }
0x146: {  	[sflag:s17] =	ssyncset.done $0x0  }
0x147: {  	s21 =	sadd.s32 $0x51A8, s21;
	[sflag:s17] =	ssyncadd.s32 $0xFFFFE700  }
0x148: {  	s23 =	sshll.u32 s19, $0x1  }
0x149: {  	s23 =	sadd.s32 $0x2, s23  }
0x14a: {  	s24 =	smul.u32 $0x1A0, s23  }
0x14b: {  	s23 =	smul.u32 $0x64, s23;
	_ =	sdelay $0x1  }
0x14c: {  	s24 =	sshra.s32 s24, $0x2;
	s23 =	sadd.s32 s26, s23  }
0x14d: {  	[tilespmem:s31], [sflag:$0x1] =	stream.indirect.gather [hbm4b:s22+s0], $0x40, s24, s0, $0xb8;
	[tilespmem:$0x1A480] =	vst v63  }
0x14e: {  	s23 =	sshll.u32 s23, $0x7  }
0x14f: {  	s23 =	sor.u32 s14, s23  }
0x150: {  	s23 =	sshrl.u32 s23, $0x3  }
0x151: {  	s23 =	sadd.s32 s4, s23  }
0x152: {  	[tilespmem:s28], [sflag:$0x1] =	stream.strided.gather [hbm4b:s23+s2], $0x1900, s12, s2, $0x38;
	[tilespmem:$0x1A480] =	vst v63  }
0x153: {  	_ = 	snop  }
0x154: {  	[spmem:s1] =	stream.indirect.scatter.add.f32 [tilespmem:s15], [sflag:$0x4], $0x40, s21, s0, $0xb8;
	[tilespmem:$0x1A480] =	vst v63  }
0x155: {  	s24 =	smul.u32 $0xC8, s19;
	_ =	swait.ge [sflag:s18], $0x1900  }
0x156: {  	s20 =	sadd.s32 $0x4E0, s20;
	[sflag:s18] =	ssyncset.done $0x0  }
0x157: {  	s20 =	sshra.s32 s20, $0x2;
	s25 =	sadd.s32 s26, s24;
	[sflag:s18] =	ssyncadd.s32 $0xFFFFE700  }
0x158: {  	[tilespmem:s13], [sflag:$0x2] =	stream.indirect.gather [hbm4b:s22+s0], $0x40, s20, s0, $0xb8;
	[tilespmem:$0x1A480] =	vst v63  }
0x159: {  	s20 =	sshll.u32 s25, $0x7  }
.Ltmp6:
0x15a: {  	s20 =	sor.u32 s14, s20;
	(pc) =	sbr.rel .LBB2_4-.Ltmp6, $4  }
0x15b: {  	s20 =	sadd.s32 $0x9600, s20  }
0x15c: {  	s20 =	sshrl.u32 s20, $0x3  }
0x15d: {  	s19 =	sadd.s32 $0x1, s19;
	s20 =	sadd.s32 s4, s20  }
0x15e: {  	[tilespmem:s15], [sflag:$0x2] =	stream.strided.gather [hbm4b:s20+s2], $0x1900, s12, s2, $0x38;
	[tilespmem:$0x1A480] =	vst v63  }
.LBB2_11:
0x15f: {  	_ =	sfence.sel $0x180000  }
0x160: {  	[bflag:$0x0] =	sbarrier.arrive $0xFFFF  }
0x161: {  	_ =	strace $0x9000004A  }
0x162: {  	s0 =	stileid.u32;
	[bflag:$0x2] =	sbarrier.arrive $0xFFFF  }
0x163: {  	p0 =	sne.s32 s0, $0x0;
	s0 =	rddreg [dreg:$0x2]  }
0x164: {  	s0 =	sadd.s32 @!p0 $0x100000, s0  }
0x165: {  	[sflag:s0] =	ssyncadd.tile.s32 @!p0 $0x1;
	_ =	shalt  }
.Lfunc_end2:
_tile_overlayer_lowered:
.L_overlay_start_2:
0x166: {  	(tag) =	ssettag $0x2  }
0x167: {  	s0 =	rddreg [dreg:$0x0];
	s2 =	stileid.u32  }
0x168: {  	s1 =	rddreg [dreg:$0x1];
	p0 =	sne.s32 s2, $0x0  }
0x169: {  	s3 =	rddreg [dreg:$0x2];
	[bflag:$0x3] =	sbarrier.arrive $0xFFFF;
	s2 =	simm.s32 @!p0 $0x1C05  }
0x16a: {  	[timem:s3], [sflag:s2] =	dma.local @!p0 [hbm:s0], s1  }
0x16b: {  	s0 =	simm.s32 @!p0 $0x5  }
0x16c: {  	_ =	swait.ge @!p0 [sflag:s0], s1  }
0x16d: {  	s1 =	ssub.s32 @!p0 $0x0, s1;
	[sflag:s0] =	ssyncset.done @!p0 $0x0  }
0x16e: {  	[sflag:s0] =	ssyncadd.s32 @!p0 s1  }
0x16f: {  	[bflag:$0x3] =	sbarrier.arrive $0xFFFF  }
0x170: {  	_ =	shalt  }

// kernel: kernel.17.cloned.1.call-start
scs
__scs_entry_jumppad:
0x0: {  	(pc) =	sbr.rel $0x88, $3  }
0x1: {  	(tag) =	ssettag $0x0;
	lr =	simm.s32 $0x1  }
0x2: {  	[smem:$0x3F93] =	sst lr;
	_ =	strace $0xD0000000  }
0x3: {  	_ = 	snop  }
0x4: {  	_ = 	snop  }
0x5: {  	_ = 	snop  }
0x6: {  	_ = 	snop  }
0x7: {  	_ = 	snop  }
__scs_overlays_trampoline_lowered:
0x8: {  	[smem:$0x3FA2] =	sst s0  }
0x9: {  	[smem:$0x3FA3] =	sst s1  }
0xa: {  	[smem:$0x3FA4] =	sst s2  }
0xb: {  	[smem:$0x3FA5] =	sst s3  }
0xc: {  	[smem:$0x3FA6] =	sst s4  }
0xd: {  	[smem:$0x3FA7] =	sst s5  }
0xe: {  	[smem:$0x3FA8] =	sst s6  }
0xf: {  	[smem:$0x3FA9] =	sst s7  }
0x10: {  	[smem:$0x3FAA] =	sst s8  }
0x11: {  	[smem:$0x3FAB] =	sst s9;
	s0 =	simm.s32 @!p0 $0x0  }
0x12: {  	s1 =	sld [smem:$0x3F91];
	s0 =	simm.s32 @p0 $0x1  }
0x13: {  	[smem:$0x3FAC] =	sst s0;
	s0 =	simm.s32 @!p1 $0x0  }
0x14: {  	s2 =	sld [smem:$0x3F90];
	s0 =	simm.s32 @p1 $0x1  }
0x15: {  	[smem:$0x3FAD] =	sst s0;
	s0 =	simm.s32 @!p2 $0x0  }
0x16: {  	s3 =	sld [smem:$0x3FDB];
	s0 =	simm.s32 @p2 $0x1  }
0x17: {  	s4 =	simm.s32 $0x1BF5;
	[smem:$0x3FAF] =	sst s0  }
0x18: {  	s0 =	sld [smem:$0x3F92];
	_ =	swait.ge [sflag:s4], $0x0  }
0x19: {  	s7 =	sld [smem:$0x3F93]  }
0x1a: {  	s8 =	sadd.s32 $0xFFFFE003, lr  }
0x1b: {  	s9 =	sadd.s32 $0xFFFFFEF7, lr;
	s5 =	simm.s32 $0xFFFFFFFF;
	p2 =	slt.u32 s8, $0xFFFFF086  }
0x1c: {  	p1 =	slt.u32 s9, $0xF7A;
	s5 =	simm.s32 @!p2 $0x0  }
0x1d: {  	s5 =	simm.s32 @p1 $0x1;
	p0 =	seq.s32 s7, s2  }
0x1e: {  	s7 =	smul.u32 @!p0 $0xF7A, s2;
	p2 =	seq.s32 @!p0 s5, $0x0  }
0x1f: {  	s9 =	smul.u32 $0xF7A, s1;
	s8 =	simm.s32 @!p0 $0x1BF5;
	p2 =	por !p2, p0  }
0x20: {  	[sflag:s8] =	ssyncset.s32 @!p0 $0xFFFFF086;
	s6 =	sadd.s32 @!p0 s3, s7;
	s7 =	simm.s32 @!p0 $0x108  }
0x21: {  	s3 =	sadd.s32 s3, s9;
	s6 =	sadd.s32 @!p0 $0x88, s6;
	s7 =	simm.s32 @p2 $0x1082  }
0x22: {  	[simem:s7], [sflag:s8] =	dma.local @!p0 [hbm:s6], $0xF7A  }
0x23: {  	s9 =	sor.u32 $0xD0000000, s2;
	s6 =	simm.s32 $0x108;
	_ =	swait.ge @!p0 [sflag:s8], $0x0  }
0x24: {  	s3 =	sadd.s32 $0x88, s3;
	s6 =	simm.s32 @!p1 $0x1082;
	[sflag:s4] =	ssyncset.s32 $0xFFFFF086  }
0x25: {  	[simem:s6], [sflag:s4] =	dma.local [hbm:s3], $0xF7A  }
0x26: {  	[smem:$0x3F93] =	sst s1;
	(tag) =	ssettag s2;
	_ =	strace s9  }
0x27: {  	s1 =	sld [smem:$0x3FA3]  }
0x28: {  	s2 =	sld [smem:$0x3FA4]  }
0x29: {  	s4 =	sld [smem:$0x3FA6]  }
0x2a: {  	p0 =	seq.s32 s5, $0x0;
	s5 =	sld [smem:$0x3FA7]  }
0x2b: {  	s6 =	sld [smem:$0x3FA8]  }
0x2c: {  	s7 =	sld [smem:$0x3FA9]  }
0x2d: {  	s3 =	simm.s32 $0x108;
	s8 =	sld [smem:$0x3FAA]  }
0x2e: {  	s3 =	simm.s32 @!p0 $0x1082;
	s9 =	sld [smem:$0x3FAB]  }
0x2f: {  	lr =	sadd.s32 s0, s3;
	s0 =	sld [smem:$0x3FA2]  }
0x30: {  	s3 =	sld [smem:$0x3FA5]  }
0x31: {  	[smem:$0x3FAE] =	sst s10  }
0x32: {  	s10 =	sld [smem:$0x3FAC];
	_ =	sdelay $0x3  }
0x33: {  	p0 =	seq.s32 s10, $0x1;
	s10 =	sld [smem:$0x3FAE];
	_ =	sdelay $0x3  }
0x34: {  	[smem:$0x3FAE] =	sst s10  }
0x35: {  	s10 =	sld [smem:$0x3FAD];
	_ =	sdelay $0x3  }
0x36: {  	p1 =	seq.s32 s10, $0x1;
	s10 =	sld [smem:$0x3FAE];
	_ =	sdelay $0x3  }
0x37: {  	[smem:$0x3FAE] =	sst s10  }
0x38: {  	s10 =	sld [smem:$0x3FAF]  }
0x39: {  	_ = 	snop;
	(pc) =	sbr.ind lr, $3  }
0x3a: {  	_ = 	snop  }
0x3b: {  	_ = 	snop  }
0x3c: {  	p2 =	seq.s32 s10, $0x1;
	s10 =	sld [smem:$0x3FAE]  }
0x3d: {  	_ =	shalt  }
0x3e: {  	_ =	shalt  }
0x3f: {  	_ =	shalt  }
0x40: {  	_ =	shalt  }
0x41: {  	_ =	shalt  }
0x42: {  	_ =	shalt  }
0x43: {  	_ =	shalt  }
0x44: {  	_ =	shalt  }
0x45: {  	_ =	shalt  }
0x46: {  	_ =	shalt  }
0x47: {  	_ =	shalt  }
0x48: {  	_ =	shalt  }
0x49: {  	_ =	shalt  }
0x4a: {  	_ =	shalt  }
0x4b: {  	_ =	shalt  }
0x4c: {  	_ =	shalt  }
0x4d: {  	_ =	shalt  }
0x4e: {  	_ =	shalt  }
0x4f: {  	_ =	shalt  }
0x50: {  	_ =	shalt  }
0x51: {  	_ =	shalt  }
0x52: {  	_ =	shalt  }
0x53: {  	_ =	shalt  }
0x54: {  	_ =	shalt  }
0x55: {  	_ =	shalt  }
0x56: {  	_ =	shalt  }
0x57: {  	_ =	shalt  }
0x58: {  	_ =	shalt  }
0x59: {  	_ =	shalt  }
0x5a: {  	_ =	shalt  }
0x5b: {  	_ =	shalt  }
0x5c: {  	_ =	shalt  }
0x5d: {  	_ =	shalt  }
0x5e: {  	_ =	shalt  }
0x5f: {  	_ =	shalt  }
0x60: {  	_ =	shalt  }
0x61: {  	_ =	shalt  }
0x62: {  	_ =	shalt  }
0x63: {  	_ =	shalt  }
0x64: {  	_ =	shalt  }
0x65: {  	_ =	shalt  }
0x66: {  	_ =	shalt  }
0x67: {  	_ =	shalt  }
0x68: {  	_ =	shalt  }
0x69: {  	_ =	shalt  }
0x6a: {  	_ =	shalt  }
0x6b: {  	_ =	shalt  }
0x6c: {  	_ =	shalt  }
0x6d: {  	_ =	shalt  }
0x6e: {  	_ =	shalt  }
0x6f: {  	_ =	shalt  }
0x70: {  	_ =	shalt  }
0x71: {  	_ =	shalt  }
0x72: {  	_ =	shalt  }
0x73: {  	_ =	shalt  }
0x74: {  	_ =	shalt  }
0x75: {  	_ =	shalt  }
0x76: {  	_ =	shalt  }
0x77: {  	_ =	shalt  }
0x78: {  	_ =	shalt  }
0x79: {  	_ =	shalt  }
0x7a: {  	_ =	shalt  }
0x7b: {  	_ =	shalt  }
0x7c: {  	_ =	shalt  }
0x7d: {  	_ =	shalt  }
0x7e: {  	_ =	shalt  }
0x7f: {  	_ =	shalt  }
0x80: {  	_ =	shalt  }
0x81: {  	_ =	shalt  }
0x82: {  	_ =	shalt  }
0x83: {  	_ =	shalt  }
0x84: {  	_ =	shalt  }
0x85: {  	_ =	shalt  }
0x86: {  	_ =	shalt  }
0x87: {  	_ =	shalt  }
.Lfunc_end0:
.L_simem_size_0:
called_computation.2_lowered:
.L_overlay_start_0:
0x88: {  	s2 =	sld [smem:$0x3FD9]  }
0x89: {  	s3 =	sld [smem:$0x3FFE];
	_ =	sdelay $0x1  }
0x8a: {  	s1 =	srdreg.scid  }
0x8b: {  	s0 =	sand.u32 $0x1, s1  }
0x8c: {  	s16 =	sshll.u32 s0, $0xA;
	s2 =	sadd.s32 s3, s2  }
0x8d: {  	s2 =	sadd.s32 s2, s16  }
0x8e: {  	[smem:$0x3FBA] =	sst s2  }
0x8f: {  	_ = 	snop  }
0x90: {  	(tm) =	ssettm $0x1  }
0x91: {  	s17 =	sld [smem:$0x3FFB];
	_ =	sdelay $0x3  }
0x92: {  	_ =	strace s17  }
0x93: {  	s2 =	sld [smem:$0x3FFC];
	_ =	sdelay $0x3  }
0x94: {  	_ =	strace s2  }
0x95: {  	s2 =	sld [smem:$0x3FFD];
	_ =	sdelay $0x3  }
0x96: {  	_ =	strace s2  }
0x97: {  	_ =	strace $0x8FFFFFFF  }
0x98: {  	s18 =	sld [smem:$0x3FDB];
	_ =	sdelay $0x1  }
0x99: {  	s19 =	simm.s32 $_scs_section_size  }
0x9a: {  	s4 =	simm.s32 $_size__tile_overlayer_lowered;
	s5 =	simm.s32 $_tile_overlayer_lowered  }
0x9b: {  	s22 =	simm.s32 $0x1BFF;
	s21 =	sshll.u32 s5, $0x1;
	s2 =	sadd.s32 s19, s18  }
0x9c: {  	s6 =	simm.s32 $0x0;
	s20 =	sshll.u32 s4, $0x1;
	s4 =	sadd.s32 s21, s2  }
0x9d: {  	[timem:s6], [sflag:s22] =	dma.local [hbm:s4], s20  }
0x9e: {  	_ =	swait.ge [sflag:s22], s20  }
0x9f: {  	s3 =	ssub.s32 $0x0, s20;
	[sflag:s22] =	ssyncset.done $0x0  }
0xa0: {  	[sflag:s22] =	ssyncadd.s32 s3;
	_ =	sdelay $0x1  }
0xa1: {  	s23 =	simm.s32 $0x1B8B  }
0xa2: {  	_ =	swait.ge [sflag:s23], $0x1  }
0xa3: {  	[sflag:s23] =	ssyncset.done $0x0  }
0xa4: {  	s25 =	simm.s32 $0x1B8E;
	s24 =	sld [smem:$0x3FFE];
	[sflag:s23] =	ssyncadd.s32 $0xFFFFFFFF  }
0xa5: {  	s26 =	simm.s32 $execute0_lowered;
	[smem:$0x3FD2] =	sst s25  }
0xa6: {  	s4 =	sshll.u32 s26, $0x1;
	_ =	strace $0x8000004C;
	[dreg:$0x1] =	wrdreg $0xFFFFFFFF  }
0xa7: {  	s28 =	simm.s32 $_size_execute0_lowered;
	s2 =	sadd.s32 s2, s4;
	[dreg:$0x0] =	wrdreg $0x0  }
0xa8: {  	s4 =	sshll.u32 s28, $0x1;
	[dreg:$0x2] =	wrdreg s2  }
0xa9: {  	[dreg:$0x3] =	wrdreg s4  }
0xaa: {  	[dreg:$0x4] =	wrdreg $0xC0  }
0xab: {  	_ =	task [dreg:s6], $0x5FFFF  }
0xac: {  	[dreg:$0x1] =	wrdreg $0xFFFFFFFF  }
0xad: {  	[dreg:$0x0] =	wrdreg $0x60  }
0xae: {  	[dreg:$0x2] =	wrdreg s24  }
0xaf: {  	[dreg:$0x3] =	wrdreg $0x106800  }
0xb0: {  	[dreg:$0x4] =	wrdreg $0x9  }
0xb1: {  	_ =	task.clear_ibuf [dreg:s6], $0x5FFFF;
	_ =	strace $0x9000004C  }
0xb2: {  	s29 =	simm.s32 $0x9;
	_ =	strace $0x8000004E  }
0xb3: {  	_ =	swait.ge [sflag:s29], $0x1  }
0xb4: {  	[sflag:s29] =	ssyncadd.s32 $0xFFFFFFFF  }
0xb5: {  	_ =	strace $0x9000004E  }
0xb6: {  	_ =	sfence  }
0xb7: {  	s30 =	sld [smem:$0x0];
	_ =	sdelay $0x2  }
0xb8: {  	s31 =	sshll.u32 s1, $0xD;
	s1 =	sshrl.u32 s1, $0x2  }
0xb9: {  	s3 =	sand.u32 $0x4000, s31;
	s1 =	sadd.s32 s1, s30  }
0xba: {  	s0 =	sor.u32 s3, s0;
	s1 =	sshll.u32 s1, $0x11  }
0xbb: {  	s0 =	sor.u32 s1, s0  }
0xbc: {  	s0 =	sadd.s32 $0x8F2B, s0  }
0xbd: {  	[sflag:s0] =	ssyncadd.remote.s32 $0x1  }
0xbe: {  	_ =	sfence.sel $0xFFFF  }
0xbf: {  	[dreg:$0x0] =	wrdreg $0xFFFFFFFF;
	(pc) =	sbr.abs _section_cstart, $3  }
0xc0: {  	[dreg:$0x1] =	wrdreg $0xFFFFFFFF  }
0xc1: {  	_ =	task.clear_ibuf [dreg:s6], $0x2FFFF;
	_ =	strace $0x9FFFFFFF  }
0xc2: {  	(tm) =	ssettm $0x7FFFFFFF  }
0xc3: {  	_ =	shalt  }
tec
execute0_lowered:
.L_overlay_start_1:
0x0: {  	(tag) =	ssettag $0x1  }
0x1: {  	s0 =	rddreg [dreg:$0x0];
	s2 =	srdreg.scid  }
0x2: {  	s1 =	rddreg [dreg:$0x1];
	s23 =	stileid.u32  }
0x3: {  	s3 =	simm.s32 $0x0;
	s28 =	simm.s32 $0xA280;
	s5 =	smul.u32 $0xA28, s23  }
0x4: {  	s29 =	simm.s32 $0x1;
	s30 =	simm.s32 $0x5;
	s13 =	smul.u32 $0x9E00, s23  }
0x5: {  	s2 =	sand.u32 $0x1, s2;
	[smem:$0x7FF] =	sst s3;
	s26 =	smul.u32 $0x271000, s23  }
0x6: {  	s31 =	simm.s32 $0xBB80;
	s4 =	smul.u32 $0x13880, s2;
	_ =	strace $0x8000004D  }
0x7: {  	s6 =	ssub.s32 $0x2, s2;
	s22 =	smul.u32 $0x9E000, s2;
	s14 =	sadd.s32 s5, s0  }
0x8: {  	s25 =	sshrl.u32 s6, $0x1;
	s5 =	sadd.s32 s13, s1;
	s16 =	sadd.s32 $0x1900, s13  }
0x9: {  	s17 =	sadd.s32 $0x3200, s13;
	s18 =	sadd.s32 $0x4B00, s13;
	s19 =	sadd.s32 $0x6400, s13  }
0xa: {  	s20 =	sadd.s32 $0x7D00, s13;
	s21 =	sadd.s32 $0x9600, s13;
	s12 =	sadd.s32 s4, s0  }
0xb: {  	s4 =	sadd.s32 $0xEF9A00, s0;
	s0 =	sadd.s32 $0x2EE00, s0;
	s15 =	ssub.s32 s6, s25  }
0xc: {  	s6 =	sadd.s32 s16, s1;
	s7 =	sadd.s32 s17, s1;
	s8 =	sadd.s32 s18, s1  }
0xd: {  	s9 =	sadd.s32 s19, s1;
	s10 =	sadd.s32 s20, s1;
	s11 =	sadd.s32 s21, s1  }
0xe: {  	s24 =	sadd.s32 $0xA07E00, s14;
	s13 =	sadd.s32 s13, s22;
	s16 =	sadd.s32 s22, s16  }
0xf: {  	s17 =	sadd.s32 s22, s17;
	s18 =	sadd.s32 s22, s18;
	s19 =	sadd.s32 s22, s19  }
0x10: {  	s20 =	sadd.s32 s22, s20;
	s14 =	sadd.s32 $0x9FDA00, s14;
	[dreg:$0x3] =	wrdreg s24  }
0x11: {  	s21 =	sadd.s32 s22, s21;
	[dreg:$0x4] =	wrdreg s14;
	s14 =	sshll.u32 s2, $0x6  }
0x12: {  	s24 =	sshrl.u32 s13, $0x3;
	s19 =	sshrl.u32 s19, $0x3;
	s20 =	sshrl.u32 s20, $0x3  }
0x13: {  	s22 =	sshrl.u32 s21, $0x3;
	s13 =	simm.s32 $0xED80;
	s25 =	sor.u32 s14, s26  }
0x14: {  	s2 =	sadd.s32 s0, s24;
	s26 =	sshrl.u32 s16, $0x3;
	s16 =	sshrl.u32 s17, $0x3  }
0x15: {  	s17 =	sshrl.u32 s18, $0x3;
	[dreg:$0x5] =	wrdreg s2;
	s2 =	sadd.s32 s0, s26  }
0x16: {  	s18 =	sadd.s32 s0, s17;
	s24 =	sadd.s32 $0x3200, s25;
	s25 =	sshrl.u32 s25, $0x3  }
0x17: {  	s26 =	smax.u32 s15, $0x1;
	s15 =	simm.s32 $0xD480;
	[dreg:$0x6] =	wrdreg s2  }
0x18: {  	s17 =	simm.s32 $0x3;
	s2 =	sadd.s32 s0, s16;
	[dreg:$0x8] =	wrdreg s18  }
0x19: {  	[dreg:$0xe] =	wrdreg s26;
	s26 =	smul.u32 $0x4E20, s23;
	s16 =	simm.s32 $0x2  }
0x1a: {  	s18 =	simm.s32 $0x4;
	[dreg:$0x7] =	wrdreg s2;
	s2 =	sadd.s32 s0, s19  }
.Ltmp0:
0x1b: {  	[dreg:$0x9] =	wrdreg s2;
	s2 =	sadd.s32 s0, s20;
	(pc) =	sbr.rel .LBB2_1-.Ltmp0, $4  }
0x1c: {  	s0 =	sadd.s32 s0, s22;
	s22 =	sadd.s32 $0x7C00, s12;
	[dreg:$0xa] =	wrdreg s2  }
0x1d: {  	[dreg:$0xb] =	wrdreg s0;
	s0 =	sshrl.u32 s24, $0x3;
	s2 =	sadd.s32 s4, s25  }
0x1e: {  	s12 =	simm.s32 $0x80;
	[dreg:$0xc] =	wrdreg s2;
	s0 =	sadd.s32 s4, s0  }
0x1f: {  	v0 =	vimm.f32 $0.0e+00;
	s2 =	simm.s32 $0x40;
	[dreg:$0xd] =	wrdreg s0;
	s0 =	simm.s32 $0x64  }
.LBB2_10:
0x20: {  	[spmem:s1] =	stream.indirect.scatter.add.f32 [tilespmem:s15], [sflag:$0x4], $0x40, s21, s0, $0xb8;
	[tilespmem:$0x1A480] =	vst v63  }
0x21: {  	_ =	swait.ge [sflag:s18], $0x1900  }
0x22: {  	[sflag:s18] =	ssyncset.done $0x0  }
0x23: {  	s19 =	stileid.u32;
	[sflag:s18] =	ssyncadd.s32 $0xFFFFE700  }
0x24: {  	s19 =	sshll.u32 s19, $0x6;
	[bflag:$0x0] =	sbarrier.arrive $0xFFFF  }
0x25: {  	s20 =	sshrl.u32 s5, $0x3;
	s19 =	sor.u32 $0x1C01, s19;
	s24 =	rddreg [dreg:$0x5]  }
0x26: {  	[hbm:s24], [sflag:s19] =	dma.local [spmem:s20], $0x320  }
0x27: {  	s25 =	sshrl.u32 s6, $0x3;
	s21 =	rddreg [dreg:$0x6]  }
0x28: {  	[hbm:s21], [sflag:s19] =	dma.local [spmem:s25], $0x320  }
0x29: {  	s23 =	sshrl.u32 s7, $0x3;
	s21 =	rddreg [dreg:$0x7]  }
0x2a: {  	[hbm:s21], [sflag:s19] =	dma.local [spmem:s23], $0x320  }
0x2b: {  	s24 =	sshrl.u32 s8, $0x3;
	s21 =	rddreg [dreg:$0x8]  }
0x2c: {  	[hbm:s21], [sflag:s19] =	dma.local [spmem:s24], $0x320  }
0x2d: {  	s25 =	sshrl.u32 s9, $0x3;
	s21 =	rddreg [dreg:$0x9]  }
0x2e: {  	[hbm:s21], [sflag:s19] =	dma.local [spmem:s25], $0x320  }
0x2f: {  	s23 =	sshrl.u32 s10, $0x3;
	s21 =	rddreg [dreg:$0xa]  }
0x30: {  	[hbm:s21], [sflag:s19] =	dma.local [spmem:s23], $0x320  }
0x31: {  	s24 =	sshrl.u32 s11, $0x3;
	s21 =	rddreg [dreg:$0xb]  }
0x32: {  	[hbm:s21], [sflag:s19] =	dma.local [spmem:s24], $0x100  }
0x33: {  	_ =	swait.ge [sflag:s29], $0x320  }
0x34: {  	[sflag:s29] =	ssyncset.done $0x0  }
0x35: {  	[sflag:s29] =	ssyncadd.s32 $0xFFFFFCE0  }
0x36: {  	_ =	swait.ge [sflag:s29], $0x320  }
0x37: {  	[sflag:s29] =	ssyncset.done $0x0  }
0x38: {  	[sflag:s29] =	ssyncadd.s32 $0xFFFFFCE0  }
0x39: {  	_ =	swait.ge [sflag:s29], $0x320  }
0x3a: {  	[sflag:s29] =	ssyncset.done $0x0  }
0x3b: {  	[sflag:s29] =	ssyncadd.s32 $0xFFFFFCE0  }
0x3c: {  	_ =	swait.ge [sflag:s29], $0x320  }
0x3d: {  	[sflag:s29] =	ssyncset.done $0x0  }
0x3e: {  	[sflag:s29] =	ssyncadd.s32 $0xFFFFFCE0  }
0x3f: {  	_ =	swait.ge [sflag:s29], $0x320  }
0x40: {  	[sflag:s29] =	ssyncset.done $0x0  }
0x41: {  	[sflag:s29] =	ssyncadd.s32 $0xFFFFFCE0  }
0x42: {  	_ =	swait.ge [sflag:s29], $0x320  }
0x43: {  	[sflag:s29] =	ssyncset.done $0x0  }
0x44: {  	[sflag:s29] =	ssyncadd.s32 $0xFFFFFCE0  }
0x45: {  	_ =	swait.ge [sflag:s29], $0x100  }
0x46: {  	s3 =	sadd.s32 $0x1, s3;
	s25 =	rddreg [dreg:$0xe]  }
0x47: {  	p0 =	sne.s32 s3, s25  }
.Ltmp1:
0x48: {  	_ = 	snop;
	(pc) =	sbr.rel @!p0 .LBB2_11-.Ltmp1, $3  }
0x49: {  	_ =	sdelay $0x1  }
0x4a: {  	[sflag:s29] =	ssyncset.done $0x0  }
0x4b: {  	[sflag:s29] =	ssyncadd.s32 $0xFFFFFF00  }
.LBB2_1:
0x4c: {  	s20 =	simm.s32 $0x100;
	s19 =	simm.s32 $0x0  }
.LBB2_2:
0x4d: {  	p0 =	sne.s32 s20, $0x6300;
	[tilespmem:s19+$0xA2B0] =	vst v0;
	s21 =	smov.u32 s20;
	s20 =	sadd.s32 $0x100, s20  }
.Ltmp2:
0x4e: {  	[tilespmem:s19+$0xA2A0] =	vst v0;
	(pc) =	sbr.rel @p0 .LBB2_2-.Ltmp2, $3  }
0x4f: {  	[tilespmem:s19+$0xA280] =	vst v0  }
0x50: {  	[tilespmem:s19+$0xA290] =	vst v0;
	_ =	sdelay $0x1  }
0x51: {  	s19 =	sshra.s32 s21, $0x2  }
0x52: {  	[tilespmem:s19+$0xA2B0] =	vst v0  }
0x53: {  	[tilespmem:s19+$0xA2A0] =	vst v0  }
0x54: {  	[tilespmem:s19+$0xA280] =	vst v0  }
0x55: {  	[tilespmem:s19+$0xA290] =	vst v0  }
0x56: {  	[spmem:s5] =	stream.linear.scatter [tilespmem:s28], [sflag:$0x1], $0x1900, $0x38;
	[tilespmem:$0x1A480] =	vst v63  }
0x57: {  	_ = 	snop  }
0x58: {  	[spmem:s6] =	stream.linear.scatter [tilespmem:s28], [sflag:$0x1], $0x1900, $0x38;
	[tilespmem:$0x1A480] =	vst v63  }
0x59: {  	_ = 	snop  }
0x5a: {  	[spmem:s7] =	stream.linear.scatter [tilespmem:s28], [sflag:$0x1], $0x1900, $0x38;
	[tilespmem:$0x1A480] =	vst v63  }
0x5b: {  	_ = 	snop  }
0x5c: {  	[spmem:s8] =	stream.linear.scatter [tilespmem:s28], [sflag:$0x1], $0x1900, $0x38;
	[tilespmem:$0x1A480] =	vst v63  }
0x5d: {  	_ = 	snop  }
0x5e: {  	[spmem:s9] =	stream.linear.scatter [tilespmem:s28], [sflag:$0x1], $0x1900, $0x38;
	[tilespmem:$0x1A480] =	vst v63  }
0x5f: {  	_ = 	snop  }
0x60: {  	[spmem:s10] =	stream.linear.scatter [tilespmem:s28], [sflag:$0x1], $0x1900, $0x38;
	[tilespmem:$0x1A480] =	vst v63  }
0x61: {  	_ = 	snop  }
0x62: {  	[spmem:s11] =	stream.linear.scatter [tilespmem:s28], [sflag:$0x1], $0x800, $0x38;
	[tilespmem:$0x1A480] =	vst v63  }
0x63: {  	_ =	swait.ge [sflag:s29], $0x1900  }
0x64: {  	[sflag:s29] =	ssyncset.done $0x0  }
0x65: {  	[sflag:s29] =	ssyncadd.s32 $0xFFFFE700  }
0x66: {  	_ =	swait.ge [sflag:s29], $0x1900  }
0x67: {  	[sflag:s29] =	ssyncset.done $0x0  }
0x68: {  	[sflag:s29] =	ssyncadd.s32 $0xFFFFE700  }
0x69: {  	_ =	swait.ge [sflag:s29], $0x1900  }
0x6a: {  	[sflag:s29] =	ssyncset.done $0x0  }
0x6b: {  	[sflag:s29] =	ssyncadd.s32 $0xFFFFE700  }
0x6c: {  	_ =	swait.ge [sflag:s29], $0x1900  }
0x6d: {  	[sflag:s29] =	ssyncset.done $0x0  }
0x6e: {  	[sflag:s29] =	ssyncadd.s32 $0xFFFFE700  }
0x6f: {  	_ =	swait.ge [sflag:s29], $0x1900  }
0x70: {  	[sflag:s29] =	ssyncset.done $0x0  }
0x71: {  	[sflag:s29] =	ssyncadd.s32 $0xFFFFE700  }
0x72: {  	_ =	swait.ge [sflag:s29], $0x1900  }
0x73: {  	[sflag:s29] =	ssyncset.done $0x0  }
0x74: {  	[sflag:s29] =	ssyncadd.s32 $0xFFFFE700  }
0x75: {  	_ =	swait.ge [sflag:s29], $0x800  }
0x76: {  	[sflag:s29] =	ssyncset.done $0x0  }
0x77: {  	s19 =	simm.s32 $0x0;
	s20 =	rddreg [dreg:$0x3];
	[sflag:s29] =	ssyncadd.s32 $0xFFFFF800  }
0x78: {  	[tilespmem:s19], [sflag:$0x5] =	stream.linear.gather [hbm4b:s20+s19], $0x5140, $0x38;
	[tilespmem:$0x1A480] =	vst v63  }
0x79: {  	_ =	swait.ge [sflag:s30], $0x5140  }
0x7a: {  	[sflag:s30] =	ssyncset.done $0x0  }
0x7b: {  	s21 =	simm.s32 $0x5140;
	s25 =	rddreg [dreg:$0x4];
	[sflag:s30] =	ssyncadd.s32 $0xFFFFAEC0  }
0x7c: {  	[tilespmem:s21], [sflag:$0x5] =	stream.linear.gather [hbm4b:s25+s19], $0x5140, $0x38;
	[tilespmem:$0x1A480] =	vst v63  }
0x7d: {  	_ =	swait.ge [sflag:s30], $0x5140  }
0x7e: {  	[sflag:s30] =	ssyncset.done $0x0  }
0x7f: {  	[sflag:s30] =	ssyncadd.s32 $0xFFFFAEC0  }
0x80: {  	[bflag:$0x0] =	sbarrier.arrive $0xFFFF  }
0x81: {  	[tilespmem:s31], [sflag:$0x1] =	stream.indirect.gather [hbm4b:s22+s0], $0x40, s19, s0, $0xb8;
	[tilespmem:$0x1A480] =	vst v63  }
0x82: {  	s23 =	rddreg [dreg:$0xc]  }
0x83: {  	[tilespmem:s28], [sflag:$0x1] =	stream.strided.gather [hbm4b:s23+s2], $0x1900, s12, s2, $0x38;
	[tilespmem:$0x1A480] =	vst v63  }
0x84: {  	s24 =	simm.s32 $0x68  }
0x85: {  	[tilespmem:s13], [sflag:$0x2] =	stream.indirect.gather [hbm4b:s22+s0], $0x40, s24, s0, $0xb8;
	[tilespmem:$0x1A480] =	vst v63  }
0x86: {  	s25 =	rddreg [dreg:$0xd]  }
0x87: {  	[tilespmem:s15], [sflag:$0x2] =	stream.strided.gather [hbm4b:s25+s2], $0x1900, s12, s2, $0x38;
	[tilespmem:$0x1A480] =	vst v63  }
.LBB2_4:
0x88: {  	_ =	swait.ge [sflag:s29], $0x1900  }
0x89: {  	[sflag:s29] =	ssyncset.done $0x0  }
0x8a: {  	[sflag:s29] =	ssyncadd.s32 $0xFFFFE700  }
0x8b: {  	_ =	swait.ge [sflag:s29], $0x1900  }
0x8c: {  	[sflag:s29] =	ssyncset.done $0x0  }
0x8d: {  	s23 =	simm.s32 $0x130;
	[sflag:s29] =	ssyncadd.s32 $0xFFFFE700  }
0x8e: {  	v7 =	vld [tilespmem:s23+$0xBA50]  }
0x8f: {  	v8 =	vld [tilespmem:s23+$0xBA60]  }
0x90: {  	v9 =	vld [tilespmem:s23+$0xBA70]  }
0x91: {  	v10 =	vld [tilespmem:s23+$0xBA80]  }
0x92: {  	v11 =	vld [tilespmem:s23+$0xBA90]  }
0x93: {  	v12 =	vld [tilespmem:s23+$0xBAA0]  }
0x94: {  	v13 =	vld [tilespmem:s23+$0xBAB0]  }
0x95: {  	v14 =	vld [tilespmem:s23+$0xBAC0]  }
0x96: {  	v15 =	vld [tilespmem:s23+$0xBAD0]  }
0x97: {  	v16 =	vld [tilespmem:s23+$0xBAE0]  }
0x98: {  	v17 =	vld [tilespmem:s23+$0xBAF0]  }
0x99: {  	v18 =	vld [tilespmem:s23+$0xBB00]  }
0x9a: {  	v19 =	vld [tilespmem:s23+$0xBB10]  }
0x9b: {  	v20 =	vld [tilespmem:s23+$0xBB20]  }
0x9c: {  	v6 =	vld [tilespmem:s23+$0xBB30]  }
0x9d: {  	v21 =	vld [tilespmem:s23+$0xA150]  }
0x9e: {  	v22 =	vld [tilespmem:s23+$0xA160]  }
0x9f: {  	v5 =	vld [tilespmem:s23+$0xBB40]  }
0xa0: {  	v23 =	vld [tilespmem:s23+$0xA170]  }
0xa1: {  	v24 =	vld [tilespmem:s23+$0xA180]  }
0xa2: {  	v4 =	vld [tilespmem:s23+$0xBB50];
	v7 =	vadd.f32 v7, v21  }
0xa3: {  	v25 =	vld [tilespmem:s23+$0xA190];
	v8 =	vadd.f32 v8, v22  }
0xa4: {  	v61 =	vld [tilespmem:s23+$0xA1A0];
	v7 =	vmax.f32 v7, $0.0e+00  }
0xa5: {  	v3 =	vld [tilespmem:s23+$0xBB60];
	v8 =	vmax.f32 v8, $0.0e+00;
	[tilespmem:s23+$0xA150] =	vst v7;
	v7 =	vadd.f32 v9, v23  }
0xa6: {  	v26 =	vld [tilespmem:s23+$0xA1B0];
	[tilespmem:s23+$0xA160] =	vst v8;
	v8 =	vadd.f32 v10, v24  }
0xa7: {  	v62 =	vld [tilespmem:s23+$0xA1C0];
	v7 =	vmax.f32 v7, $0.0e+00  }
0xa8: {  	v2 =	vld [tilespmem:s23+$0xBB70];
	v8 =	vmax.f32 v8, $0.0e+00;
	[tilespmem:s23+$0xA170] =	vst v7;
	v7 =	vadd.f32 v11, v25  }
0xa9: {  	v9 =	vld [tilespmem:s23+$0xA1D0];
	[tilespmem:s23+$0xA180] =	vst v8;
	v8 =	vadd.f32 v12, v61  }
0xaa: {  	v10 =	vld [tilespmem:s23+$0xA1E0];
	v7 =	vmax.f32 v7, $0.0e+00  }
0xab: {  	v1 =	vld [tilespmem:s23+$0xBB80];
	v8 =	vmax.f32 v8, $0.0e+00;
	[tilespmem:s23+$0xA190] =	vst v7;
	v7 =	vadd.f32 v13, v26  }
0xac: {  	v11 =	vld [tilespmem:s23+$0xA1F0];
	[tilespmem:s23+$0xA1A0] =	vst v8;
	v8 =	vadd.f32 v14, v62  }
0xad: {  	v12 =	vld [tilespmem:s23+$0xA200];
	v7 =	vmax.f32 v7, $0.0e+00  }
0xae: {  	v13 =	vld [tilespmem:s23+$0xA210];
	[tilespmem:s23+$0xA1B0] =	vst v7;
	v7 =	vadd.f32 v15, v9;
	v9 =	vmax.f32 v8, $0.0e+00  }
0xaf: {  	v63 =	vld [tilespmem:s23+$0xA220];
	[tilespmem:s23+$0xA1C0] =	vst v9;
	v9 =	vadd.f32 v16, v10  }
0xb0: {  	v8 =	vld [tilespmem:s23+$0xA230];
	v10 =	vmax.f32 v7, $0.0e+00  }
0xb1: {  	v7 =	vld [tilespmem:s23+$0xA240];
	[tilespmem:s23+$0xA1D0] =	vst v10;
	v10 =	vadd.f32 v17, v11;
	v11 =	vmax.f32 v9, $0.0e+00  }
0xb2: {  	v9 =	vld [tilespmem:s23+$0xA250];
	[tilespmem:s23+$0xA1E0] =	vst v11;
	v11 =	vadd.f32 v18, v12  }
0xb3: {  	v13 =	vadd.f32 v19, v13;
	v12 =	vmax.f32 v10, $0.0e+00;
	v10 =	vld [tilespmem:s23+$0xA260]  }
0xb4: {  	s20 =	simm.s32 $0x9C0;
	[tilespmem:s23+$0xA1F0] =	vst v12;
	v14 =	vmax.f32 v11, $0.0e+00;
	v12 =	vadd.f32 v20, v63;
	v11 =	vld [tilespmem:s23+$0xA270]  }
.LBB2_5:
0xb5: {  	s21 =	sshra.s32 s20, $0x2;
	p0 =	sne.s32 s20, $0x63C0;
	[tilespmem:s23+$0xA200] =	vst v14;
	v13 =	vmax.f32 v13, $0.0e+00;
	v6 =	vadd.f32 v6, v8;
	v8 =	vld [tilespmem:s23+$0xA280]  }
0xb6: {  	v14 =	vld [tilespmem:s21+$0xBA50];
	[tilespmem:s23+$0xA210] =	vst v13;
	v12 =	vmax.f32 v12, $0.0e+00;
	v5 =	vadd.f32 v5, v7  }
0xb7: {  	v7 =	vld [tilespmem:s21+$0xBA60];
	[tilespmem:s23+$0xA220] =	vst v12;
	v6 =	vmax.f32 v6, $0.0e+00;
	v4 =	vadd.f32 v4, v9  }
0xb8: {  	v9 =	vld [tilespmem:s21+$0xBA70];
	[tilespmem:s23+$0xA230] =	vst v6;
	v5 =	vmax.f32 v5, $0.0e+00;
	v3 =	vadd.f32 v3, v10  }
0xb9: {  	v10 =	vld [tilespmem:s21+$0xBA80];
	[tilespmem:s23+$0xA240] =	vst v5;
	v4 =	vmax.f32 v4, $0.0e+00;
	v2 =	vadd.f32 v2, v11  }
0xba: {  	v11 =	vld [tilespmem:s21+$0xBA90];
	[tilespmem:s23+$0xA250] =	vst v4;
	v3 =	vmax.f32 v3, $0.0e+00;
	v1 =	vadd.f32 v1, v8  }
0xbb: {  	v8 =	vld [tilespmem:s21+$0xBAA0];
	[tilespmem:s23+$0xA260] =	vst v3;
	v2 =	vmax.f32 v2, $0.0e+00  }
0xbc: {  	v12 =	vld [tilespmem:s21+$0xBAB0];
	[tilespmem:s23+$0xA270] =	vst v2;
	v1 =	vmax.f32 v1, $0.0e+00  }
0xbd: {  	v13 =	vld [tilespmem:s21+$0xBAC0];
	[tilespmem:s23+$0xA280] =	vst v1;
	s23 =	smov.u32 s21  }
0xbe: {  	v15 =	vld [tilespmem:s23+$0xBAD0]  }
0xbf: {  	v16 =	vld [tilespmem:s23+$0xBAE0]  }
0xc0: {  	v17 =	vld [tilespmem:s23+$0xBAF0]  }
0xc1: {  	v18 =	vld [tilespmem:s23+$0xBB00]  }
0xc2: {  	v19 =	vld [tilespmem:s23+$0xBB10]  }
0xc3: {  	v20 =	vld [tilespmem:s23+$0xBB20]  }
0xc4: {  	v6 =	vld [tilespmem:s23+$0xBB30]  }
0xc5: {  	v5 =	vld [tilespmem:s23+$0xBB40]  }
0xc6: {  	v4 =	vld [tilespmem:s23+$0xBB50]  }
0xc7: {  	v3 =	vld [tilespmem:s23+$0xBB60]  }
0xc8: {  	v2 =	vld [tilespmem:s23+$0xBB70]  }
0xc9: {  	v1 =	vld [tilespmem:s23+$0xBB80]  }
0xca: {  	v21 =	vld [tilespmem:s23+$0xA150]  }
0xcb: {  	v22 =	vld [tilespmem:s23+$0xA160]  }
0xcc: {  	v23 =	vld [tilespmem:s23+$0xA170]  }
0xcd: {  	v24 =	vld [tilespmem:s23+$0xA180]  }
0xce: {  	v25 =	vld [tilespmem:s23+$0xA190]  }
0xcf: {  	v14 =	vadd.f32 v14, v21;
	v21 =	vld [tilespmem:s23+$0xA1A0]  }
0xd0: {  	v7 =	vadd.f32 v7, v22;
	v22 =	vld [tilespmem:s23+$0xA1B0]  }
0xd1: {  	v14 =	vmax.f32 v14, $0.0e+00;
	v9 =	vadd.f32 v9, v23;
	v23 =	vld [tilespmem:s23+$0xA1C0]  }
0xd2: {  	[tilespmem:s23+$0xA150] =	vst v14;
	v7 =	vmax.f32 v7, $0.0e+00;
	v10 =	vadd.f32 v10, v24;
	v14 =	vld [tilespmem:s23+$0xA1D0]  }
0xd3: {  	[tilespmem:s23+$0xA160] =	vst v7;
	v7 =	vmax.f32 v9, $0.0e+00;
	v9 =	vadd.f32 v11, v25;
	v11 =	vld [tilespmem:s23+$0xA1E0]  }
0xd4: {  	[tilespmem:s23+$0xA170] =	vst v7;
	v7 =	vmax.f32 v10, $0.0e+00;
	v8 =	vadd.f32 v8, v21;
	v10 =	vld [tilespmem:s23+$0xA1F0]  }
0xd5: {  	[tilespmem:s23+$0xA180] =	vst v7;
	v7 =	vmax.f32 v9, $0.0e+00;
	v9 =	vadd.f32 v12, v22;
	v12 =	vld [tilespmem:s23+$0xA200]  }
0xd6: {  	[tilespmem:s23+$0xA190] =	vst v7;
	v7 =	vmax.f32 v8, $0.0e+00;
	v8 =	vadd.f32 v13, v23;
	v13 =	vld [tilespmem:s23+$0xA210]  }
0xd7: {  	[tilespmem:s23+$0xA1A0] =	vst v7;
	v7 =	vmax.f32 v9, $0.0e+00;
	v9 =	vadd.f32 v15, v14;
	v15 =	vld [tilespmem:s23+$0xA220]  }
.Ltmp3:
0xd8: {  	[tilespmem:s23+$0xA1B0] =	vst v7;
	v7 =	vmax.f32 v8, $0.0e+00;
	v11 =	vadd.f32 v16, v11;
	v8 =	vld [tilespmem:s23+$0xA230];
	(pc) =	sbr.rel @p0 .LBB2_5-.Ltmp3, $4  }
0xd9: {  	[tilespmem:s23+$0xA1C0] =	vst v7;
	v9 =	vmax.f32 v9, $0.0e+00;
	v10 =	vadd.f32 v17, v10;
	v7 =	vld [tilespmem:s23+$0xA240]  }
0xda: {  	[tilespmem:s23+$0xA1D0] =	vst v9;
	v11 =	vmax.f32 v11, $0.0e+00;
	v12 =	vadd.f32 v18, v12;
	v9 =	vld [tilespmem:s23+$0xA250]  }
0xdb: {  	[tilespmem:s23+$0xA1E0] =	vst v11;
	v11 =	vmax.f32 v10, $0.0e+00;
	v13 =	vadd.f32 v19, v13;
	v10 =	vld [tilespmem:s23+$0xA260]  }
0xdc: {  	s20 =	sadd.s32 $0x500, s20;
	[tilespmem:s23+$0xA1F0] =	vst v11;
	v14 =	vmax.f32 v12, $0.0e+00;
	v12 =	vadd.f32 v20, v15;
	v11 =	vld [tilespmem:s23+$0xA270]  }
0xdd: {  	[tilespmem:s23+$0xA200] =	vst v14;
	v13 =	vmax.f32 v13, $0.0e+00;
	v6 =	vadd.f32 v6, v8;
	v8 =	vld [tilespmem:s23+$0xA280]  }
0xde: {  	[tilespmem:s23+$0xA210] =	vst v13;
	v12 =	vmax.f32 v12, $0.0e+00;
	v5 =	vadd.f32 v5, v7  }
0xdf: {  	[tilespmem:s23+$0xA220] =	vst v12;
	v6 =	vmax.f32 v6, $0.0e+00;
	v4 =	vadd.f32 v4, v9  }
0xe0: {  	[tilespmem:s23+$0xA230] =	vst v6;
	v5 =	vmax.f32 v5, $0.0e+00;
	v3 =	vadd.f32 v3, v10  }
0xe1: {  	[tilespmem:s23+$0xA240] =	vst v5;
	v4 =	vmax.f32 v4, $0.0e+00;
	v2 =	vadd.f32 v2, v11  }
0xe2: {  	s20 =	smul.u32 $0x340, s19;
	[tilespmem:s23+$0xA250] =	vst v4;
	v3 =	vmax.f32 v3, $0.0e+00;
	v1 =	vadd.f32 v1, v8  }
0xe3: {  	[tilespmem:s23+$0xA260] =	vst v3;
	v2 =	vmax.f32 v2, $0.0e+00  }
0xe4: {  	s21 =	sshra.s32 s20, $0x2;
	[tilespmem:s23+$0xA270] =	vst v2;
	v1 =	vmax.f32 v1, $0.0e+00  }
0xe5: {  	s25 =	sadd.s32 $0x5140, s21;
	[tilespmem:s23+$0xA280] =	vst v1  }
0xe6: {  	[spmem:s1] =	stream.indirect.scatter.add.f32 [tilespmem:s28], [sflag:$0x3], $0x40, s25, s0, $0xb8;
	[tilespmem:$0x1A480] =	vst v63  }
0xe7: {  	_ =	swait.ge [sflag:s16], $0x1900  }
0xe8: {  	[sflag:s16] =	ssyncset.done $0x0  }
0xe9: {  	[sflag:s16] =	ssyncadd.s32 $0xFFFFE700  }
0xea: {  	_ =	swait.ge [sflag:s16], $0x1900  }
0xeb: {  	[sflag:s16] =	ssyncset.done $0x0  }
0xec: {  	s23 =	simm.s32 $0x130;
	[sflag:s16] =	ssyncadd.s32 $0xFFFFE700  }
0xed: {  	v7 =	vld [tilespmem:s23+$0xEC50]  }
0xee: {  	v8 =	vld [tilespmem:s23+$0xEC60]  }
0xef: {  	v9 =	vld [tilespmem:s23+$0xEC70]  }
0xf0: {  	v10 =	vld [tilespmem:s23+$0xEC80]  }
0xf1: {  	v11 =	vld [tilespmem:s23+$0xEC90]  }
0xf2: {  	v12 =	vld [tilespmem:s23+$0xECA0]  }
0xf3: {  	v13 =	vld [tilespmem:s23+$0xECB0]  }
0xf4: {  	v14 =	vld [tilespmem:s23+$0xECC0]  }
0xf5: {  	v15 =	vld [tilespmem:s23+$0xECD0]  }
0xf6: {  	v16 =	vld [tilespmem:s23+$0xECE0]  }
0xf7: {  	v17 =	vld [tilespmem:s23+$0xECF0]  }
0xf8: {  	v18 =	vld [tilespmem:s23+$0xED00]  }
0xf9: {  	v19 =	vld [tilespmem:s23+$0xED10]  }
0xfa: {  	v20 =	vld [tilespmem:s23+$0xED20]  }
0xfb: {  	v6 =	vld [tilespmem:s23+$0xED30]  }
0xfc: {  	v21 =	vld [tilespmem:s23+$0xD350]  }
0xfd: {  	v22 =	vld [tilespmem:s23+$0xD360]  }
0xfe: {  	v5 =	vld [tilespmem:s23+$0xED40]  }
0xff: {  	v23 =	vld [tilespmem:s23+$0xD370]  }
0x100: {  	v24 =	vld [tilespmem:s23+$0xD380]  }
0x101: {  	v4 =	vld [tilespmem:s23+$0xED50];
	v7 =	vadd.f32 v7, v21  }
0x102: {  	v25 =	vld [tilespmem:s23+$0xD390];
	v8 =	vadd.f32 v8, v22  }
0x103: {  	v61 =	vld [tilespmem:s23+$0xD3A0];
	v7 =	vmax.f32 v7, $0.0e+00  }
0x104: {  	v3 =	vld [tilespmem:s23+$0xED60];
	v8 =	vmax.f32 v8, $0.0e+00;
	[tilespmem:s23+$0xD350] =	vst v7;
	v7 =	vadd.f32 v9, v23  }
0x105: {  	v26 =	vld [tilespmem:s23+$0xD3B0];
	[tilespmem:s23+$0xD360] =	vst v8;
	v8 =	vadd.f32 v10, v24  }
0x106: {  	v62 =	vld [tilespmem:s23+$0xD3C0];
	v7 =	vmax.f32 v7, $0.0e+00  }
0x107: {  	v2 =	vld [tilespmem:s23+$0xED70];
	v8 =	vmax.f32 v8, $0.0e+00;
	[tilespmem:s23+$0xD370] =	vst v7;
	v7 =	vadd.f32 v11, v25  }
0x108: {  	v9 =	vld [tilespmem:s23+$0xD3D0];
	[tilespmem:s23+$0xD380] =	vst v8;
	v8 =	vadd.f32 v12, v61  }
0x109: {  	v10 =	vld [tilespmem:s23+$0xD3E0];
	v7 =	vmax.f32 v7, $0.0e+00  }
0x10a: {  	v1 =	vld [tilespmem:s23+$0xED80];
	v8 =	vmax.f32 v8, $0.0e+00;
	[tilespmem:s23+$0xD390] =	vst v7;
	v7 =	vadd.f32 v13, v26  }
0x10b: {  	v11 =	vld [tilespmem:s23+$0xD3F0];
	[tilespmem:s23+$0xD3A0] =	vst v8;
	v8 =	vadd.f32 v14, v62  }
0x10c: {  	v12 =	vld [tilespmem:s23+$0xD400];
	v7 =	vmax.f32 v7, $0.0e+00  }
0x10d: {  	v13 =	vld [tilespmem:s23+$0xD410];
	[tilespmem:s23+$0xD3B0] =	vst v7;
	v7 =	vadd.f32 v15, v9;
	v9 =	vmax.f32 v8, $0.0e+00  }
0x10e: {  	v63 =	vld [tilespmem:s23+$0xD420];
	[tilespmem:s23+$0xD3C0] =	vst v9;
	v9 =	vadd.f32 v16, v10  }
0x10f: {  	v8 =	vld [tilespmem:s23+$0xD430];
	v10 =	vmax.f32 v7, $0.0e+00  }
0x110: {  	v7 =	vld [tilespmem:s23+$0xD440];
	[tilespmem:s23+$0xD3D0] =	vst v10;
	v10 =	vadd.f32 v17, v11;
	v11 =	vmax.f32 v9, $0.0e+00  }
0x111: {  	v9 =	vld [tilespmem:s23+$0xD450];
	[tilespmem:s23+$0xD3E0] =	vst v11;
	v11 =	vadd.f32 v18, v12  }
0x112: {  	v13 =	vadd.f32 v19, v13;
	v12 =	vmax.f32 v10, $0.0e+00;
	v10 =	vld [tilespmem:s23+$0xD460]  }
0x113: {  	s24 =	simm.s32 $0x9C0;
	[tilespmem:s23+$0xD3F0] =	vst v12;
	v14 =	vmax.f32 v11, $0.0e+00;
	v12 =	vadd.f32 v20, v63;
	v11 =	vld [tilespmem:s23+$0xD470]  }
.LBB2_7:
0x114: {  	s25 =	sshra.s32 s24, $0x2;
	p0 =	sne.s32 s24, $0x63C0;
	[tilespmem:s23+$0xD400] =	vst v14;
	v13 =	vmax.f32 v13, $0.0e+00;
	v6 =	vadd.f32 v6, v8;
	v8 =	vld [tilespmem:s23+$0xD480]  }
0x115: {  	v14 =	vld [tilespmem:s25+$0xEC50];
	[tilespmem:s23+$0xD410] =	vst v13;
	v12 =	vmax.f32 v12, $0.0e+00;
	v5 =	vadd.f32 v5, v7  }
0x116: {  	v7 =	vld [tilespmem:s25+$0xEC60];
	[tilespmem:s23+$0xD420] =	vst v12;
	v6 =	vmax.f32 v6, $0.0e+00;
	v4 =	vadd.f32 v4, v9  }
0x117: {  	v9 =	vld [tilespmem:s25+$0xEC70];
	[tilespmem:s23+$0xD430] =	vst v6;
	v5 =	vmax.f32 v5, $0.0e+00;
	v3 =	vadd.f32 v3, v10  }
0x118: {  	v10 =	vld [tilespmem:s25+$0xEC80];
	[tilespmem:s23+$0xD440] =	vst v5;
	v4 =	vmax.f32 v4, $0.0e+00;
	v2 =	vadd.f32 v2, v11  }
0x119: {  	v11 =	vld [tilespmem:s25+$0xEC90];
	[tilespmem:s23+$0xD450] =	vst v4;
	v3 =	vmax.f32 v3, $0.0e+00;
	v1 =	vadd.f32 v1, v8  }
0x11a: {  	v8 =	vld [tilespmem:s25+$0xECA0];
	[tilespmem:s23+$0xD460] =	vst v3;
	v2 =	vmax.f32 v2, $0.0e+00  }
0x11b: {  	v12 =	vld [tilespmem:s25+$0xECB0];
	[tilespmem:s23+$0xD470] =	vst v2;
	v1 =	vmax.f32 v1, $0.0e+00  }
0x11c: {  	v13 =	vld [tilespmem:s25+$0xECC0];
	[tilespmem:s23+$0xD480] =	vst v1;
	s23 =	smov.u32 s25  }
0x11d: {  	v15 =	vld [tilespmem:s23+$0xECD0]  }
0x11e: {  	v16 =	vld [tilespmem:s23+$0xECE0]  }
0x11f: {  	v17 =	vld [tilespmem:s23+$0xECF0]  }
0x120: {  	v18 =	vld [tilespmem:s23+$0xED00]  }
0x121: {  	v19 =	vld [tilespmem:s23+$0xED10]  }
0x122: {  	v20 =	vld [tilespmem:s23+$0xED20]  }
0x123: {  	v6 =	vld [tilespmem:s23+$0xED30]  }
0x124: {  	v5 =	vld [tilespmem:s23+$0xED40]  }
0x125: {  	v4 =	vld [tilespmem:s23+$0xED50]  }
0x126: {  	v3 =	vld [tilespmem:s23+$0xED60]  }
0x127: {  	v2 =	vld [tilespmem:s23+$0xED70]  }
0x128: {  	v1 =	vld [tilespmem:s23+$0xED80]  }
0x129: {  	v21 =	vld [tilespmem:s23+$0xD350]  }
0x12a: {  	v22 =	vld [tilespmem:s23+$0xD360]  }
0x12b: {  	v23 =	vld [tilespmem:s23+$0xD370]  }
0x12c: {  	v24 =	vld [tilespmem:s23+$0xD380]  }
0x12d: {  	v25 =	vld [tilespmem:s23+$0xD390]  }
0x12e: {  	v14 =	vadd.f32 v14, v21;
	v21 =	vld [tilespmem:s23+$0xD3A0]  }
0x12f: {  	v7 =	vadd.f32 v7, v22;
	v22 =	vld [tilespmem:s23+$0xD3B0]  }
0x130: {  	v14 =	vmax.f32 v14, $0.0e+00;
	v9 =	vadd.f32 v9, v23;
	v23 =	vld [tilespmem:s23+$0xD3C0]  }
0x131: {  	[tilespmem:s23+$0xD350] =	vst v14;
	v7 =	vmax.f32 v7, $0.0e+00;
	v10 =	vadd.f32 v10, v24;
	v14 =	vld [tilespmem:s23+$0xD3D0]  }
0x132: {  	[tilespmem:s23+$0xD360] =	vst v7;
	v7 =	vmax.f32 v9, $0.0e+00;
	v9 =	vadd.f32 v11, v25;
	v11 =	vld [tilespmem:s23+$0xD3E0]  }
0x133: {  	[tilespmem:s23+$0xD370] =	vst v7;
	v7 =	vmax.f32 v10, $0.0e+00;
	v8 =	vadd.f32 v8, v21;
	v10 =	vld [tilespmem:s23+$0xD3F0]  }
0x134: {  	[tilespmem:s23+$0xD380] =	vst v7;
	v7 =	vmax.f32 v9, $0.0e+00;
	v9 =	vadd.f32 v12, v22;
	v12 =	vld [tilespmem:s23+$0xD400]  }
0x135: {  	[tilespmem:s23+$0xD390] =	vst v7;
	v7 =	vmax.f32 v8, $0.0e+00;
	v8 =	vadd.f32 v13, v23;
	v13 =	vld [tilespmem:s23+$0xD410]  }
0x136: {  	[tilespmem:s23+$0xD3A0] =	vst v7;
	v7 =	vmax.f32 v9, $0.0e+00;
	v9 =	vadd.f32 v15, v14;
	v15 =	vld [tilespmem:s23+$0xD420]  }
.Ltmp4:
0x137: {  	[tilespmem:s23+$0xD3B0] =	vst v7;
	v7 =	vmax.f32 v8, $0.0e+00;
	v11 =	vadd.f32 v16, v11;
	v8 =	vld [tilespmem:s23+$0xD430];
	(pc) =	sbr.rel @p0 .LBB2_7-.Ltmp4, $4  }
0x138: {  	[tilespmem:s23+$0xD3C0] =	vst v7;
	v9 =	vmax.f32 v9, $0.0e+00;
	v10 =	vadd.f32 v17, v10;
	v7 =	vld [tilespmem:s23+$0xD440]  }
0x139: {  	[tilespmem:s23+$0xD3D0] =	vst v9;
	v11 =	vmax.f32 v11, $0.0e+00;
	v12 =	vadd.f32 v18, v12;
	v9 =	vld [tilespmem:s23+$0xD450]  }
0x13a: {  	[tilespmem:s23+$0xD3E0] =	vst v11;
	v11 =	vmax.f32 v10, $0.0e+00;
	v13 =	vadd.f32 v19, v13;
	v10 =	vld [tilespmem:s23+$0xD460]  }
0x13b: {  	s24 =	sadd.s32 $0x500, s24;
	[tilespmem:s23+$0xD3F0] =	vst v11;
	v14 =	vmax.f32 v12, $0.0e+00;
	v12 =	vadd.f32 v20, v15;
	v11 =	vld [tilespmem:s23+$0xD470]  }
0x13c: {  	[tilespmem:s23+$0xD400] =	vst v14;
	v13 =	vmax.f32 v13, $0.0e+00;
	v6 =	vadd.f32 v6, v8;
	v63 =	vld [tilespmem:s23+$0xD480]  }
0x13d: {  	[tilespmem:s23+$0xD410] =	vst v13;
	v12 =	vmax.f32 v12, $0.0e+00;
	v5 =	vadd.f32 v5, v7  }
0x13e: {  	[tilespmem:s23+$0xD420] =	vst v12;
	v6 =	vmax.f32 v6, $0.0e+00;
	v4 =	vadd.f32 v4, v9  }
0x13f: {  	[tilespmem:s23+$0xD430] =	vst v6;
	v5 =	vmax.f32 v5, $0.0e+00;
	v3 =	vadd.f32 v3, v10  }
0x140: {  	[tilespmem:s23+$0xD440] =	vst v5;
	v4 =	vmax.f32 v4, $0.0e+00;
	v2 =	vadd.f32 v2, v11  }
0x141: {  	[tilespmem:s23+$0xD450] =	vst v4;
	v3 =	vmax.f32 v3, $0.0e+00;
	v1 =	vadd.f32 v1, v63  }
0x142: {  	p0 =	seq.s32 s19, $0x63;
	[tilespmem:s23+$0xD460] =	vst v3;
	v2 =	vmax.f32 v2, $0.0e+00  }
.Ltmp5:
0x143: {  	[tilespmem:s23+$0xD470] =	vst v2;
	v1 =	vmax.f32 v1, $0.0e+00;
	(pc) =	sbr.rel @p0 .LBB2_10-.Ltmp5, $4  }
0x144: {  	[tilespmem:s23+$0xD480] =	vst v1  }
0x145: {  	_ =	swait.ge [sflag:s17], $0x1900  }
0x146: {  	[sflag:s17] =	ssyncset.done $0x0  }
0x147: {  	s21 =	sadd.s32 $0x51A8, s21;
	[sflag:s17] =	ssyncadd.s32 $0xFFFFE700  }
0x148: {  	s23 =	sshll.u32 s19, $0x1  }
0x149: {  	s23 =	sadd.s32 $0x2, s23  }
0x14a: {  	s24 =	smul.u32 $0x1A0, s23  }
0x14b: {  	s23 =	smul.u32 $0x64, s23;
	_ =	sdelay $0x1  }
0x14c: {  	s24 =	sshra.s32 s24, $0x2;
	s23 =	sadd.s32 s26, s23  }
0x14d: {  	[tilespmem:s31], [sflag:$0x1] =	stream.indirect.gather [hbm4b:s22+s0], $0x40, s24, s0, $0xb8;
	[tilespmem:$0x1A480] =	vst v63  }
0x14e: {  	s23 =	sshll.u32 s23, $0x7  }
0x14f: {  	s23 =	sor.u32 s14, s23  }
0x150: {  	s23 =	sshrl.u32 s23, $0x3  }
0x151: {  	s23 =	sadd.s32 s4, s23  }
0x152: {  	[tilespmem:s28], [sflag:$0x1] =	stream.strided.gather [hbm4b:s23+s2], $0x1900, s12, s2, $0x38;
	[tilespmem:$0x1A480] =	vst v63  }
0x153: {  	_ = 	snop  }
0x154: {  	[spmem:s1] =	stream.indirect.scatter.add.f32 [tilespmem:s15], [sflag:$0x4], $0x40, s21, s0, $0xb8;
	[tilespmem:$0x1A480] =	vst v63  }
0x155: {  	s24 =	smul.u32 $0xC8, s19;
	_ =	swait.ge [sflag:s18], $0x1900  }
0x156: {  	s20 =	sadd.s32 $0x4E0, s20;
	[sflag:s18] =	ssyncset.done $0x0  }
0x157: {  	s20 =	sshra.s32 s20, $0x2;
	s25 =	sadd.s32 s26, s24;
	[sflag:s18] =	ssyncadd.s32 $0xFFFFE700  }
0x158: {  	[tilespmem:s13], [sflag:$0x2] =	stream.indirect.gather [hbm4b:s22+s0], $0x40, s20, s0, $0xb8;
	[tilespmem:$0x1A480] =	vst v63  }
0x159: {  	s20 =	sshll.u32 s25, $0x7  }
.Ltmp6:
0x15a: {  	s20 =	sor.u32 s14, s20;
	(pc) =	sbr.rel .LBB2_4-.Ltmp6, $4  }
0x15b: {  	s20 =	sadd.s32 $0x9600, s20  }
0x15c: {  	s20 =	sshrl.u32 s20, $0x3  }
0x15d: {  	s19 =	sadd.s32 $0x1, s19;
	s20 =	sadd.s32 s4, s20  }
0x15e: {  	[tilespmem:s15], [sflag:$0x2] =	stream.strided.gather [hbm4b:s20+s2], $0x1900, s12, s2, $0x38;
	[tilespmem:$0x1A480] =	vst v63  }
.LBB2_11:
0x15f: {  	_ =	sfence.sel $0x180000  }
0x160: {  	[bflag:$0x0] =	sbarrier.arrive $0xFFFF  }
0x161: {  	_ =	strace $0x9000004D  }
0x162: {  	s0 =	stileid.u32;
	[bflag:$0x2] =	sbarrier.arrive $0xFFFF  }
0x163: {  	p0 =	sne.s32 s0, $0x0;
	s0 =	rddreg [dreg:$0x2]  }
0x164: {  	s0 =	sadd.s32 @!p0 $0x100000, s0  }
0x165: {  	[sflag:s0] =	ssyncadd.tile.s32 @!p0 $0x1;
	_ =	shalt  }
.Lfunc_end2:
_tile_overlayer_lowered:
.L_overlay_start_2:
0x166: {  	(tag) =	ssettag $0x2  }
0x167: {  	s0 =	rddreg [dreg:$0x0];
	s2 =	stileid.u32  }
0x168: {  	s1 =	rddreg [dreg:$0x1];
	p0 =	sne.s32 s2, $0x0  }
0x169: {  	s3 =	rddreg [dreg:$0x2];
	[bflag:$0x3] =	sbarrier.arrive $0xFFFF;
	s2 =	simm.s32 @!p0 $0x1C05  }
0x16a: {  	[timem:s3], [sflag:s2] =	dma.local @!p0 [hbm:s0], s1  }
0x16b: {  	s0 =	simm.s32 @!p0 $0x5  }
0x16c: {  	_ =	swait.ge @!p0 [sflag:s0], s1  }
0x16d: {  	s1 =	ssub.s32 @!p0 $0x0, s1;
	[sflag:s0] =	ssyncset.done @!p0 $0x0  }
0x16e: {  	[sflag:s0] =	ssyncadd.s32 @!p0 s1  }
0x16f: {  	[bflag:$0x3] =	sbarrier.arrive $0xFFFF  }
0x170: {  	_ =	shalt  }

</sc_bundles>
